<compile_context>
chip_gen: v7x
topology: tpu7x:2x2x1
jax: 0.10.2.dev20260603
libtpu: 0.0.44.dev20260713+nightly
codegen_flags: <defaults>
</compile_context>

<pallas_src>
import functools

import jax
import jax.numpy as jnp
from jax import lax
from jax.experimental import pallas as pl
from jax.experimental.pallas import tpu as pltpu
from jax.experimental.pallas import tpu_sc as plsc

DIM = 64
RANK = 8
LANES = 16
FIRE = 16


def _sc_gather_lora(pid, lat, n_workers, num_cores):
    batch = pid.shape[0]
    b_per_w = batch // n_workers
    n_grp = b_per_w // LANES
    mesh = plsc.VectorSubcoreMesh(core_axis_name="c", subcore_axis_name="s")

    @functools.partial(
        pl.kernel,
        mesh=mesh,
        out_type=jax.ShapeDtypeStruct((batch * RANK,), jnp.float32),
        scratch_types=[
            pltpu.VMEM((b_per_w,), jnp.int32),
            pltpu.VMEM((LANES * RANK, 128), jnp.float32),
            pltpu.VMEM((b_per_w * RANK,), jnp.float32),
            pltpu.SemaphoreType.DMA,
        ],
        compiler_params=pltpu.CompilerParams(needs_layout_passes=False),
    )
    def lora_kernel(pid_hbm, lat_hbm, out_a, idx_flat, block_v, a_flat, sem):
        wid = lax.axis_index("s") * num_cores + lax.axis_index("c")
        base_off = wid * b_per_w
        pltpu.sync_copy(pid_hbm.at[pl.ds(base_off, b_per_w)], idx_flat)
        iota = lax.iota(jnp.int32, LANES)
        lane8 = iota < 8

        def group(g, _):
            vec = idx_flat[pl.ds(g * LANES, LANES)]
            copies = []
            for t in range(FIRE):
                off = pl.multiple_of((vec[t] >> 7) * 128, 128)
                copies.append(pltpu.async_copy(
                    lat_hbm.at[:, pl.ds(off, 128)],
                    block_v.at[pl.ds(RANK * t, RANK), :], sem))
            for cp in copies:
                cp.wait()
            lvec = vec & 127
            for t in range(FIRE):
                col = jnp.zeros((LANES,), jnp.int32) + lvec[t]
                row = RANK * t + iota
                x = plsc.load_gather(block_v, [row, col], mask=lane8)
                dst = (g * LANES + t) * RANK + iota
                plsc.store_scatter(a_flat, [dst], x, mask=lane8)
            return 0
        lax.fori_loop(0, n_grp, group, 0)
        pltpu.sync_copy(a_flat, out_a.at[pl.ds(base_off * RANK,
                                               b_per_w * RANK)])

    return lora_kernel(pid, lat)


def _tc_transpose(base_t):
    n = base_t.shape[1]
    block = 2048
    grid = (n + 2 * block - 1) // (2 * block)
    last_full = n // block - 1

    def body(x0_ref, x1_ref, o_ref):
        o_ref[:, 0:DIM] = x0_ref[...].T
        o_ref[:, DIM:2 * DIM] = x1_ref[...].T

    return pl.pallas_call(
        body,
        grid=(grid,),
        in_specs=[
            pl.BlockSpec((DIM, block), lambda i: (0, 2 * i)),
            pl.BlockSpec(
                (DIM, block),
                lambda i: (0, jnp.minimum(2 * i + 1, last_full))),
        ],
        out_specs=pl.BlockSpec((block, 2 * DIM), lambda i: (i, 0)),
        out_shape=jax.ShapeDtypeStruct((grid * block, 2 * DIM), jnp.float32),
    )(base_t, base_t)


def _sc_gather_base(pid, base_pairs, n_workers, num_cores):
    batch = pid.shape[0]
    b_per_w = batch // n_workers
    n_pass = 2
    b_chunk = b_per_w // n_pass
    n_chunk = b_chunk // 128
    n_grp = b_chunk // LANES
    mesh = plsc.VectorSubcoreMesh(core_axis_name="c", subcore_axis_name="s")

    @functools.partial(
        pl.kernel,
        mesh=mesh,
        out_type=jax.ShapeDtypeStruct((batch, DIM), jnp.float32),
        scratch_types=[
            pltpu.VMEM((b_per_w,), jnp.int32),
            pltpu.VMEM((n_chunk, 128), jnp.int32),
            pltpu.VMEM((b_chunk, 2 * DIM), jnp.float32),
            pltpu.VMEM((b_chunk, DIM), jnp.float32),
            pltpu.SemaphoreType.DMA,
        ],
        compiler_params=pltpu.CompilerParams(needs_layout_passes=False),
    )
    def base_kernel(pid_hbm, base_hbm, out_rows, idx_v, pair_v, stage_v,
                    rows_v, sem):
        wid = lax.axis_index("s") * num_cores + lax.axis_index("c")
        base_off = wid * b_per_w
        pltpu.sync_copy(pid_hbm.at[pl.ds(base_off, b_per_w)], idx_v)
        iota = lax.iota(jnp.int32, LANES)

        for p in range(n_pass):
            for g in range(n_grp):
                vec = idx_v[pl.ds(p * b_chunk + g * LANES, LANES)]
                row, col = divmod(g * LANES, 128)
                pair_v[row, pl.ds(col, LANES)] = (
                    ((vec >> 12) << 11) + (vec & 2047))

            copies = []
            for j in range(n_chunk):
                copies.append(pltpu.async_copy(
                    base_hbm.at[pair_v.at[j]],
                    stage_v.at[pl.ds(j * 128, 128)], sem))
            for cp in copies:
                cp.wait()

            def extract(g, _):
                vec = idx_v[pl.ds(p * b_chunk + g * LANES, LANES)]
                for t in range(LANES):
                    j = g * LANES + t
                    off = ((vec[t] >> 11) & 1) * DIM
                    row = jnp.zeros((LANES,), jnp.int32) + j
                    for q in range(DIM // LANES):
                        col = off + q * LANES + iota
                        x = plsc.load_gather(stage_v, [row, col])
                        plsc.store_scatter(rows_v, [row, q * LANES + iota], x)
                return 0
            lax.fori_loop(0, n_grp, extract, 0)
            pltpu.sync_copy(
                rows_v,
                out_rows.at[pl.ds(base_off + p * b_chunk, b_chunk)])

    return base_kernel(pid, base_pairs)


def _tc_fuse(rows, a, lora_B_w):
    batch = rows.shape[0]
    block = 2048
    grid = batch // block

    def body(rows_ref, a_ref, bw_ref, o_ref):
        delta = lax.dot_general(
            a_ref[...], bw_ref[...],
            dimension_numbers=(((1,), (1,)), ((), ())),
            preferred_element_type=jnp.float32)
        o_ref[...] = rows_ref[...] + delta

    return pl.pallas_call(
        body,
        grid=(grid,),
        in_specs=[
            pl.BlockSpec((block, DIM), lambda i: (i, 0)),
            pl.BlockSpec((block, RANK), lambda i: (i, 0)),
            pl.BlockSpec((DIM, RANK), lambda i: (0, 0)),
        ],
        out_specs=pl.BlockSpec((block, DIM), lambda i: (i, 0)),
        out_shape=jax.ShapeDtypeStruct((batch, DIM), jnp.float32),
    )(rows, a, lora_B_w)


def kernel(pid, base, lora_A, lora_B_w):
    info = plsc.get_sparse_core_info()
    n_workers = info.num_cores * info.num_subcores
    pid = pid.astype(jnp.int32)
    batch = pid.shape[0]
    a_flat = _sc_gather_lora(pid, lora_A.T, n_workers, info.num_cores)
    base_rm = _tc_transpose(base.T)
    rows = _sc_gather_base(pid, base_rm, n_workers, info.num_cores)
    a = a_flat.reshape(batch, RANK)
    return _tc_fuse(rows, a, lora_B_w)

# --- scband reference (transcript-rebuilt; emitter-appended) ---
"""Pipeline reference for scband-perturb-embedding-26276609917517 (READ-ONLY COPY).

The authoritative reference and input builder live on the scoring server;
editing this copy changes nothing except your own understanding.
"""

import jax, jax.numpy as jnp
import numpy as np

N_PERTURB = 1000000
DIM = 64
LORA_RANK = 8
BATCH = 16384

def setup_inputs(seed: int = 0) -> dict:
    key = jax.random.key(seed)
    k_pid, k_base, k_la, k_lb = jax.random.split(key, 4)
    pid = jax.random.randint(k_pid, (BATCH,), 0, N_PERTURB, dtype=jnp.int64 if jax.config.jax_enable_x64 else jnp.int32)
    base = jax.random.normal(k_base, (N_PERTURB, DIM), dtype=jnp.float32)
    lora_A = jax.random.normal(k_la, (N_PERTURB, LORA_RANK), dtype=jnp.float32) * 0.02
    # torch nn.Linear(lora_rank, dim, bias=False): weight shape [dim, lora_rank]
    lora_B_w = jax.random.normal(k_lb, (DIM, LORA_RANK), dtype=jnp.float32) * (1.0 / np.sqrt(LORA_RANK))
    return {"pid": pid, "base": base, "lora_A": lora_A, "lora_B_w": lora_B_w}

def reference(pid, base, lora_A, lora_B_w):
    out = jnp.take(base, pid, axis=0)
    a = jnp.take(lora_A, pid, axis=0)  # [B, r]
    out = out + a @ lora_B_w.T         # [B, dim]
    return out

if __name__ == "__main__":
    import jax
    _d = setup_inputs()
    print(jax.jit(kernel)(*tuple(_d.values())))

</pallas_src>

<mosaic_0001>
#map = affine_map<(d0, d1) -> (0)>
#map1 = affine_map<(d0, d1) -> (0, 0)>
module attributes {stable_mosaic.version = 14 : i64} {
  func.func @lora_kernel(%arg0: i32, %arg1: i32, %arg2: memref<16384xi32, #tpu.memory_space<hbm>>, %arg3: memref<8x1000000xf32, #tpu.memory_space<hbm>>, %arg4: memref<131072xf32, #tpu.memory_space<hbm>>, %arg5: memref<512xi32, #tpu.memory_space<vmem>>, %arg6: memref<128x128xf32, #tpu.memory_space<vmem>>, %arg7: memref<4096xf32, #tpu.memory_space<vmem>>, %arg8: memref<!tpu.dma_semaphore, #tpu.memory_space<semaphore_mem>>) attributes {dimension_semantics = [#tpu.dimension_semantics<core_parallel>, #tpu.dimension_semantics<subcore_parallel>], iteration_bounds = array<i64: 2, 16>, scalar_prefetch = 0 : i64, scratch_operands = 4 : i64, tpu.core_type = #tpu.core_type<sc_vector_subcore>, window_params = [{transform_indices = #map}, {transform_indices = #map1}, {transform_indices = #map}]} {
    %mul3A = arith.constant 2 : i32
    %mul3A_0 = arith.muli %arg1, %mul3A : i32
    %add3A = arith.addi %mul3A_0, %arg0 : i32
    %mul3A_1 = arith.constant 512 : i32
    %mul3A_2 = arith.muli %add3A, %mul3A_1 : i32
    "tpu.region"() ({
      %run_scoped3A = tpu.sem_alloc : memref<!tpu.dma_semaphore, #tpu.memory_space<semaphore_mem>>
      %dma_start3A = tpu.memref_slice %arg2[%mul3A_2] : memref<16384xi32, #tpu.memory_space<hbm>> -> memref<512xi32, #tpu.memory_space<hbm>>
      %dma_start3A_13 = tpu.memref_slice %arg2[%mul3A_2] : memref<16384xi32, #tpu.memory_space<hbm>> -> memref<512xi32, #tpu.memory_space<hbm>>
      tpu.enqueue_dma source(%dma_start3A_13 : memref<512xi32, #tpu.memory_space<hbm>>) target(%arg5 : memref<512xi32, #tpu.memory_space<vmem>>) target_semaphore(%run_scoped3A : memref<!tpu.dma_semaphore, #tpu.memory_space<semaphore_mem>>)
      %dma_wait3A = tpu.memref_slice %arg2[%mul3A_2] : memref<16384xi32, #tpu.memory_space<hbm>> -> memref<512xi32, #tpu.memory_space<hbm>>
      %dma_wait3A_14 = tpu.memref_slice %arg2[%mul3A_2] : memref<16384xi32, #tpu.memory_space<hbm>> -> memref<512xi32, #tpu.memory_space<hbm>>
      tpu.wait_dma2 semaphore(%run_scoped3A : memref<!tpu.dma_semaphore, #tpu.memory_space<semaphore_mem>>) src(%dma_wait3A_14 : memref<512xi32, #tpu.memory_space<hbm>>) dst(%arg5 : memref<512xi32, #tpu.memory_space<vmem>>)
      tpu.yield
    }) : () -> ()
    %iota3A = tpu.iota {dimensions = array<i32: 0>} : vector<16xi32>
    %lt3A = arith.constant 8 : i32
    %lt3A_3 = vector.broadcast %lt3A : i32 to vector<16xi32>
    %lt3A_4 = arith.cmpi slt, %iota3A, %lt3A_3 : vector<16xi32>
    %scan3A = arith.constant 0 : i32
    %scan3A_5 = arith.constant 0 : i32
    %scan3A_6 = arith.constant 32 : i32
    %scan3A_7 = arith.addi %scan3A_5, %scan3A_6 : i32
    %scan3A_8 = arith.constant 1 : i32
    %scan3A_9 = scf.for %scan3A_13 = %scan3A_5 to %scan3A_7 step %scan3A_8 iter_args(%scan3A_14 = %scan3A) -> (i32)  : i32 {
      %mul3A_15 = arith.constant 16 : i32
      %mul3A_16 = arith.muli %scan3A_13, %mul3A_15 : i32
      %get3A = arith.index_cast %mul3A_16 : i32 to index
      %get3A_17 = tpu.vector_load %arg5[%get3A] {strides = array<i32>} : memref<512xi32, #tpu.memory_space<vmem>>, vector<16xi32>,
      %slice3A = vector.extract_strided_slice %get3A_17 {offsets = [0], sizes = [1], strides = [1]} : vector<16xi32> to vector<1xi32>
      %squeeze3A = vector.extract %slice3A[0] : i32 from vector<1xi32>
      %shift_right_arithmetic3A = arith.constant 7 : i32
      %shift_right_arithmetic3A_18 = arith.shrsi %squeeze3A, %shift_right_arithmetic3A : i32
      %mul3A_19 = arith.constant 128 : i32
      %mul3A_20 = arith.muli %shift_right_arithmetic3A_18, %mul3A_19 : i32
      %multiple_of3A = tpu.assume_multiple %mul3A_20, 128 : i32
      %dma_start3A = arith.constant 0 : i32
      %dma_start3A_21 = arith.constant 0 : i32
      %dma_start3A_22 = tpu.memref_slice %arg6[%dma_start3A, %dma_start3A_21] : memref<128x128xf32, #tpu.memory_space<vmem>> -> memref<8x128xf32, #tpu.memory_space<vmem>>
      %dma_start3A_23 = arith.constant 0 : i32
      %dma_start3A_24 = tpu.memref_slice %arg3[%dma_start3A_23, %multiple_of3A] : memref<8x1000000xf32, #tpu.memory_space<hbm>> -> memref<8x128xf32, #tpu.memory_space<hbm>>
      %dma_start3A_25 = arith.constant 0 : i32
      %dma_start3A_26 = arith.constant 0 : i32
      %dma_start3A_27 = tpu.memref_slice %arg6[%dma_start3A_25, %dma_start3A_26] : memref<128x128xf32, #tpu.memory_space<vmem>> -> memref<8x128xf32, #tpu.memory_space<vmem>>
      %dma_start3A_28 = arith.constant 0 : i32
      %dma_start3A_29 = tpu.memref_slice %arg3[%dma_start3A_28, %multiple_of3A] : memref<8x1000000xf32, #tpu.memory_space<hbm>> -> memref<8x128xf32, #tpu.memory_space<hbm>>
      tpu.enqueue_dma source(%dma_start3A_29 : memref<8x128xf32, #tpu.memory_space<hbm>>) target(%dma_start3A_27 : memref<8x128xf32, #tpu.memory_space<vmem>>) target_semaphore(%arg8 : memref<!tpu.dma_semaphore, #tpu.memory_space<semaphore_mem>>)
      %slice3A_30 = vector.extract_strided_slice %get3A_17 {offsets = [1], sizes = [1], strides = [1]} : vector<16xi32> to vector<1xi32>
      %squeeze3A_31 = vector.extract %slice3A_30[0] : i32 from vector<1xi32>
      %shift_right_arithmetic3A_32 = arith.constant 7 : i32
      %shift_right_arithmetic3A_33 = arith.shrsi %squeeze3A_31, %shift_right_arithmetic3A_32 : i32
      %mul3A_34 = arith.constant 128 : i32
      %mul3A_35 = arith.muli %shift_right_arithmetic3A_33, %mul3A_34 : i32
      %multiple_of3A_36 = tpu.assume_multiple %mul3A_35, 128 : i32
      %dma_start3A_37 = arith.constant 8 : i32
      %dma_start3A_38 = arith.constant 0 : i32
      %dma_start3A_39 = tpu.memref_slice %arg6[%dma_start3A_37, %dma_start3A_38] : memref<128x128xf32, #tpu.memory_space<vmem>> -> memref<8x128xf32, #tpu.memory_space<vmem>>
      %dma_start3A_40 = arith.constant 0 : i32
      %dma_start3A_41 = tpu.memref_slice %arg3[%dma_start3A_40, %multiple_of3A_36] : memref<8x1000000xf32, #tpu.memory_space<hbm>> -> memref<8x128xf32, #tpu.memory_space<hbm>>
      %dma_start3A_42 = arith.constant 8 : i32
      %dma_start3A_43 = arith.constant 0 : i32
      %dma_start3A_44 = tpu.memref_slice %arg6[%dma_start3A_42, %dma_start3A_43] : memref<128x128xf32, #tpu.memory_space<vmem>> -> memref<8x128xf32, #tpu.memory_space<vmem>>
      %dma_start3A_45 = arith.constant 0 : i32
      %dma_start3A_46 = tpu.memref_slice %arg3[%dma_start3A_45, %multiple_of3A_36] : memref<8x1000000xf32, #tpu.memory_space<hbm>> -> memref<8x128xf32, #tpu.memory_space<hbm>>
      tpu.enqueue_dma source(%dma_start3A_46 : memref<8x128xf32, #tpu.memory_space<hbm>>) target(%dma_start3A_44 : memref<8x128xf32, #tpu.memory_space<vmem>>) target_semaphore(%arg8 : memref<!tpu.dma_semaphore, #tpu.memory_space<semaphore_mem>>)
      %slice3A_47 = vector.extract_strided_slice %get3A_17 {offsets = [2], sizes = [1], strides = [1]} : vector<16xi32> to vector<1xi32>
      %squeeze3A_48 = vector.extract %slice3A_47[0] : i32 from vector<1xi32>
      %shift_right_arithmetic3A_49 = arith.constant 7 : i32
      %shift_right_arithmetic3A_50 = arith.shrsi %squeeze3A_48, %shift_right_arithmetic3A_49 : i32
      %mul3A_51 = arith.constant 128 : i32
      %mul3A_52 = arith.muli %shift_right_arithmetic3A_50, %mul3A_51 : i32
      %multiple_of3A_53 = tpu.assume_multiple %mul3A_52, 128 : i32
      %dma_start3A_54 = arith.constant 16 : i32
      %dma_start3A_55 = arith.constant 0 : i32
      %dma_start3A_56 = tpu.memref_slice %arg6[%dma_start3A_54, %dma_start3A_55] : memref<128x128xf32, #tpu.memory_space<vmem>> -> memref<8x128xf32, #tpu.memory_space<vmem>>
      %dma_start3A_57 = arith.constant 0 : i32
      %dma_start3A_58 = tpu.memref_slice %arg3[%dma_start3A_57, %multiple_of3A_53] : memref<8x1000000xf32, #tpu.memory_space<hbm>> -> memref<8x128xf32, #tpu.memory_space<hbm>>
      %dma_start3A_59 = arith.constant 16 : i32
      %dma_start3A_60 = arith.constant 0 : i32
      %dma_start3A_61 = tpu.memref_slice %arg6[%dma_start3A_59, %dma_start3A_60] : memref<128x128xf32, #tpu.memory_space<vmem>> -> memref<8x128xf32, #tpu.memory_space<vmem>>
      %dma_start3A_62 = arith.constant 0 : i32
      %dma_start3A_63 = tpu.memref_slice %arg3[%dma_start3A_62, %multiple_of3A_53] : memref<8x1000000xf32, #tpu.memory_space<hbm>> -> memref<8x128xf32, #tpu.memory_space<hbm>>
      tpu.enqueue_dma source(%dma_start3A_63 : memref<8x128xf32, #tpu.memory_space<hbm>>) target(%dma_start3A_61 : memref<8x128xf32, #tpu.memory_space<vmem>>) target_semaphore(%arg8 : memref<!tpu.dma_semaphore, #tpu.memory_space<semaphore_mem>>)
      %slice3A_64 = vector.extract_strided_slice %get3A_17 {offsets = [3], sizes = [1], strides = [1]} : vector<16xi32> to vector<1xi32>
      %squeeze3A_65 = vector.extract %slice3A_64[0] : i32 from vector<1xi32>
      %shift_right_arithmetic3A_66 = arith.constant 7 : i32
      %shift_right_arithmetic3A_67 = arith.shrsi %squeeze3A_65, %shift_right_arithmetic3A_66 : i32
      %mul3A_68 = arith.constant 128 : i32
      %mul3A_69 = arith.muli %shift_right_arithmetic3A_67, %mul3A_68 : i32
      %multiple_of3A_70 = tpu.assume_multiple %mul3A_69, 128 : i32
      %dma_start3A_71 = arith.constant 24 : i32
      %dma_start3A_72 = arith.constant 0 : i32
      %dma_start3A_73 = tpu.memref_slice %arg6[%dma_start3A_71, %dma_start3A_72] : memref<128x128xf32, #tpu.memory_space<vmem>> -> memref<8x128xf32, #tpu.memory_space<vmem>>
      %dma_start3A_74 = arith.constant 0 : i32
      %dma_start3A_75 = tpu.memref_slice %arg3[%dma_start3A_74, %multiple_of3A_70] : memref<8x1000000xf32, #tpu.memory_space<hbm>> -> memref<8x128xf32, #tpu.memory_space<hbm>>
      %dma_start3A_76 = arith.constant 24 : i32
      %dma_start3A_77 = arith.constant 0 : i32
      %dma_start3A_78 = tpu.memref_slice %arg6[%dma_start3A_76, %dma_start3A_77] : memref<128x128xf32, #tpu.memory_space<vmem>> -> memref<8x128xf32, #tpu.memory_space<vmem>>
      %dma_start3A_79 = arith.constant 0 : i32
      %dma_start3A_80 = tpu.memref_slice %arg3[%dma_start3A_79, %multiple_of3A_70] : memref<8x1000000xf32, #tpu.memory_space<hbm>> -> memref<8x128xf32, #tpu.memory_space<hbm>>
      tpu.enqueue_dma source(%dma_start3A_80 : memref<8x128xf32, #tpu.memory_space<hbm>>) target(%dma_start3A_78 : memref<8x128xf32, #tpu.memory_space<vmem>>) target_semaphore(%arg8 : memref<!tpu.dma_semaphore, #tpu.memory_space<semaphore_mem>>)
      %slice3A_81 = vector.extract_strided_slice %get3A_17 {offsets = [4], sizes = [1], strides = [1]} : vector<16xi32> to vector<1xi32>
      %squeeze3A_82 = vector.extract %slice3A_81[0] : i32 from vector<1xi32>
      %shift_right_arithmetic3A_83 = arith.constant 7 : i32
      %shift_right_arithmetic3A_84 = arith.shrsi %squeeze3A_82, %shift_right_arithmetic3A_83 : i32
      %mul3A_85 = arith.constant 128 : i32
      %mul3A_86 = arith.muli %shift_right_arithmetic3A_84, %mul3A_85 : i32
      %multiple_of3A_87 = tpu.assume_multiple %mul3A_86, 128 : i32
      %dma_start3A_88 = arith.constant 32 : i32
      %dma_start3A_89 = arith.constant 0 : i32
      %dma_start3A_90 = tpu.memref_slice %arg6[%dma_start3A_88, %dma_start3A_89] : memref<128x128xf32, #tpu.memory_space<vmem>> -> memref<8x128xf32, #tpu.memory_space<vmem>>
      %dma_start3A_91 = arith.constant 0 : i32
      %dma_start3A_92 = tpu.memref_slice %arg3[%dma_start3A_91, %multiple_of3A_87] : memref<8x1000000xf32, #tpu.memory_space<hbm>> -> memref<8x128xf32, #tpu.memory_space<hbm>>
      %dma_start3A_93 = arith.constant 32 : i32
      %dma_start3A_94 = arith.constant 0 : i32
      %dma_start3A_95 = tpu.memref_slice %arg6[%dma_start3A_93, %dma_start3A_94] : memref<128x128xf32, #tpu.memory_space<vmem>> -> memref<8x128xf32, #tpu.memory_space<vmem>>
      %dma_start3A_96 = arith.constant 0 : i32
      %dma_start3A_97 = tpu.memref_slice %arg3[%dma_start3A_96, %multiple_of3A_87] : memref<8x1000000xf32, #tpu.memory_space<hbm>> -> memref<8x128xf32, #tpu.memory_space<hbm>>
      tpu.enqueue_dma source(%dma_start3A_97 : memref<8x128xf32, #tpu.memory_space<hbm>>) target(%dma_start3A_95 : memref<8x128xf32, #tpu.memory_space<vmem>>) target_semaphore(%arg8 : memref<!tpu.dma_semaphore, #tpu.memory_space<semaphore_mem>>)
      %slice3A_98 = vector.extract_strided_slice %get3A_17 {offsets = [5], sizes = [1], strides = [1]} : vector<16xi32> to vector<1xi32>
      %squeeze3A_99 = vector.extract %slice3A_98[0] : i32 from vector<1xi32>
      %shift_right_arithmetic3A_100 = arith.constant 7 : i32
      %shift_right_arithmetic3A_101 = arith.shrsi %squeeze3A_99, %shift_right_arithmetic3A_100 : i32
      %mul3A_102 = arith.constant 128 : i32
      %mul3A_103 = arith.muli %shift_right_arithmetic3A_101, %mul3A_102 : i32
      %multiple_of3A_104 = tpu.assume_multiple %mul3A_103, 128 : i32
      %dma_start3A_105 = arith.constant 40 : i32
      %dma_start3A_106 = arith.constant 0 : i32
      %dma_start3A_107 = tpu.memref_slice %arg6[%dma_start3A_105, %dma_start3A_106] : memref<128x128xf32, #tpu.memory_space<vmem>> -> memref<8x128xf32, #tpu.memory_space<vmem>>
      %dma_start3A_108 = arith.constant 0 : i32
      %dma_start3A_109 = tpu.memref_slice %arg3[%dma_start3A_108, %multiple_of3A_104] : memref<8x1000000xf32, #tpu.memory_space<hbm>> -> memref<8x128xf32, #tpu.memory_space<hbm>>
      %dma_start3A_110 = arith.constant 40 : i32
      %dma_start3A_111 = arith.constant 0 : i32
      %dma_start3A_112 = tpu.memref_slice %arg6[%dma_start3A_110, %dma_start3A_111] : memref<128x128xf32, #tpu.memory_space<vmem>> -> memref<8x128xf32, #tpu.memory_space<vmem>>
      %dma_start3A_113 = arith.constant 0 : i32
      %dma_start3A_114 = tpu.memref_slice %arg3[%dma_start3A_113, %multiple_of3A_104] : memref<8x1000000xf32, #tpu.memory_space<hbm>> -> memref<8x128xf32, #tpu.memory_space<hbm>>
      tpu.enqueue_dma source(%dma_start3A_114 : memref<8x128xf32, #tpu.memory_space<hbm>>) target(%dma_start3A_112 : memref<8x128xf32, #tpu.memory_space<vmem>>) target_semaphore(%arg8 : memref<!tpu.dma_semaphore, #tpu.memory_space<semaphore_mem>>)
      %slice3A_115 = vector.extract_strided_slice %get3A_17 {offsets = [6], sizes = [1], strides = [1]} : vector<16xi32> to vector<1xi32>
      %squeeze3A_116 = vector.extract %slice3A_115[0] : i32 from vector<1xi32>
      %shift_right_arithmetic3A_117 = arith.constant 7 : i32
      %shift_right_arithmetic3A_118 = arith.shrsi %squeeze3A_116, %shift_right_arithmetic3A_117 : i32
      %mul3A_119 = arith.constant 128 : i32
      %mul3A_120 = arith.muli %shift_right_arithmetic3A_118, %mul3A_119 : i32
      %multiple_of3A_121 = tpu.assume_multiple %mul3A_120, 128 : i32
      %dma_start3A_122 = arith.constant 48 : i32
      %dma_start3A_123 = arith.constant 0 : i32
      %dma_start3A_124 = tpu.memref_slice %arg6[%dma_start3A_122, %dma_start3A_123] : memref<128x128xf32, #tpu.memory_space<vmem>> -> memref<8x128xf32, #tpu.memory_space<vmem>>
      %dma_start3A_125 = arith.constant 0 : i32
      %dma_start3A_126 = tpu.memref_slice %arg3[%dma_start3A_125, %multiple_of3A_121] : memref<8x1000000xf32, #tpu.memory_space<hbm>> -> memref<8x128xf32, #tpu.memory_space<hbm>>
      %dma_start3A_127 = arith.constant 48 : i32
      %dma_start3A_128 = arith.constant 0 : i32
      %dma_start3A_129 = tpu.memref_slice %arg6[%dma_start3A_127, %dma_start3A_128] : memref<128x128xf32, #tpu.memory_space<vmem>> -> memref<8x128xf32, #tpu.memory_space<vmem>>
      %dma_start3A_130 = arith.constant 0 : i32
      %dma_start3A_131 = tpu.memref_slice %arg3[%dma_start3A_130, %multiple_of3A_121] : memref<8x1000000xf32, #tpu.memory_space<hbm>> -> memref<8x128xf32, #tpu.memory_space<hbm>>
      tpu.enqueue_dma source(%dma_start3A_131 : memref<8x128xf32, #tpu.memory_space<hbm>>) target(%dma_start3A_129 : memref<8x128xf32, #tpu.memory_space<vmem>>) target_semaphore(%arg8 : memref<!tpu.dma_semaphore, #tpu.memory_space<semaphore_mem>>)
      %slice3A_132 = vector.extract_strided_slice %get3A_17 {offsets = [7], sizes = [1], strides = [1]} : vector<16xi32> to vector<1xi32>
      %squeeze3A_133 = vector.extract %slice3A_132[0] : i32 from vector<1xi32>
      %shift_right_arithmetic3A_134 = arith.constant 7 : i32
      %shift_right_arithmetic3A_135 = arith.shrsi %squeeze3A_133, %shift_right_arithmetic3A_134 : i32
      %mul3A_136 = arith.constant 128 : i32
      %mul3A_137 = arith.muli %shift_right_arithmetic3A_135, %mul3A_136 : i32
      %multiple_of3A_138 = tpu.assume_multiple %mul3A_137, 128 : i32
      %dma_start3A_139 = arith.constant 56 : i32
      %dma_start3A_140 = arith.constant 0 : i32
      %dma_start3A_141 = tpu.memref_slice %arg6[%dma_start3A_139, %dma_start3A_140] : memref<128x128xf32, #tpu.memory_space<vmem>> -> memref<8x128xf32, #tpu.memory_space<vmem>>
      %dma_start3A_142 = arith.constant 0 : i32
      %dma_start3A_143 = tpu.memref_slice %arg3[%dma_start3A_142, %multiple_of3A_138] : memref<8x1000000xf32, #tpu.memory_space<hbm>> -> memref<8x128xf32, #tpu.memory_space<hbm>>
      %dma_start3A_144 = arith.constant 56 : i32
      %dma_start3A_145 = arith.constant 0 : i32
      %dma_start3A_146 = tpu.memref_slice %arg6[%dma_start3A_144, %dma_start3A_145] : memref<128x128xf32, #tpu.memory_space<vmem>> -> memref<8x128xf32, #tpu.memory_space<vmem>>
      %dma_start3A_147 = arith.constant 0 : i32
      %dma_start3A_148 = tpu.memref_slice %arg3[%dma_start3A_147, %multiple_of3A_138] : memref<8x1000000xf32, #tpu.memory_space<hbm>> -> memref<8x128xf32, #tpu.memory_space<hbm>>
      tpu.enqueue_dma source(%dma_start3A_148 : memref<8x128xf32, #tpu.memory_space<hbm>>) target(%dma_start3A_146 : memref<8x128xf32, #tpu.memory_space<vmem>>) target_semaphore(%arg8 : memref<!tpu.dma_semaphore, #tpu.memory_space<semaphore_mem>>)
      %slice3A_149 = vector.extract_strided_slice %get3A_17 {offsets = [8], sizes = [1], strides = [1]} : vector<16xi32> to vector<1xi32>
      %squeeze3A_150 = vector.extract %slice3A_149[0] : i32 from vector<1xi32>
      %shift_right_arithmetic3A_151 = arith.constant 7 : i32
      %shift_right_arithmetic3A_152 = arith.shrsi %squeeze3A_150, %shift_right_arithmetic3A_151 : i32
      %mul3A_153 = arith.constant 128 : i32
      %mul3A_154 = arith.muli %shift_right_arithmetic3A_152, %mul3A_153 : i32
      %multiple_of3A_155 = tpu.assume_multiple %mul3A_154, 128 : i32
      %dma_start3A_156 = arith.constant 64 : i32
      %dma_start3A_157 = arith.constant 0 : i32
      %dma_start3A_158 = tpu.memref_slice %arg6[%dma_start3A_156, %dma_start3A_157] : memref<128x128xf32, #tpu.memory_space<vmem>> -> memref<8x128xf32, #tpu.memory_space<vmem>>
      %dma_start3A_159 = arith.constant 0 : i32
      %dma_start3A_160 = tpu.memref_slice %arg3[%dma_start3A_159, %multiple_of3A_155] : memref<8x1000000xf32, #tpu.memory_space<hbm>> -> memref<8x128xf32, #tpu.memory_space<hbm>>
      %dma_start3A_161 = arith.constant 64 : i32
      %dma_start3A_162 = arith.constant 0 : i32
      %dma_start3A_163 = tpu.memref_slice %arg6[%dma_start3A_161, %dma_start3A_162] : memref<128x128xf32, #tpu.memory_space<vmem>> -> memref<8x128xf32, #tpu.memory_space<vmem>>
      %dma_start3A_164 = arith.constant 0 : i32
      %dma_start3A_165 = tpu.memref_slice %arg3[%dma_start3A_164, %multiple_of3A_155] : memref<8x1000000xf32, #tpu.memory_space<hbm>> -> memref<8x128xf32, #tpu.memory_space<hbm>>
      tpu.enqueue_dma source(%dma_start3A_165 : memref<8x128xf32, #tpu.memory_space<hbm>>) target(%dma_start3A_163 : memref<8x128xf32, #tpu.memory_space<vmem>>) target_semaphore(%arg8 : memref<!tpu.dma_semaphore, #tpu.memory_space<semaphore_mem>>)
      %slice3A_166 = vector.extract_strided_slice %get3A_17 {offsets = [9], sizes = [1], strides = [1]} : vector<16xi32> to vector<1xi32>
      %squeeze3A_167 = vector.extract %slice3A_166[0] : i32 from vector<1xi32>
      %shift_right_arithmetic3A_168 = arith.constant 7 : i32
      %shift_right_arithmetic3A_169 = arith.shrsi %squeeze3A_167, %shift_right_arithmetic3A_168 : i32
      %mul3A_170 = arith.constant 128 : i32
      %mul3A_171 = arith.muli %shift_right_arithmetic3A_169, %mul3A_170 : i32
      %multiple_of3A_172 = tpu.assume_multiple %mul3A_171, 128 : i32
      %dma_start3A_173 = arith.constant 72 : i32
      %dma_start3A_174 = arith.constant 0 : i32
      %dma_start3A_175 = tpu.memref_slice %arg6[%dma_start3A_173, %dma_start3A_174] : memref<128x128xf32, #tpu.memory_space<vmem>> -> memref<8x128xf32, #tpu.memory_space<vmem>>
      %dma_start3A_176 = arith.constant 0 : i32
      %dma_start3A_177 = tpu.memref_slice %arg3[%dma_start3A_176, %multiple_of3A_172] : memref<8x1000000xf32, #tpu.memory_space<hbm>> -> memref<8x128xf32, #tpu.memory_space<hbm>>
      %dma_start3A_178 = arith.constant 72 : i32
      %dma_start3A_179 = arith.constant 0 : i32
      %dma_start3A_180 = tpu.memref_slice %arg6[%dma_start3A_178, %dma_start3A_179] : memref<128x128xf32, #tpu.memory_space<vmem>> -> memref<8x128xf32, #tpu.memory_space<vmem>>
      %dma_start3A_181 = arith.constant 0 : i32
      %dma_start3A_182 = tpu.memref_slice %arg3[%dma_start3A_181, %multiple_of3A_172] : memref<8x1000000xf32, #tpu.memory_space<hbm>> -> memref<8x128xf32, #tpu.memory_space<hbm>>
      tpu.enqueue_dma source(%dma_start3A_182 : memref<8x128xf32, #tpu.memory_space<hbm>>) target(%dma_start3A_180 : memref<8x128xf32, #tpu.memory_space<vmem>>) target_semaphore(%arg8 : memref<!tpu.dma_semaphore, #tpu.memory_space<semaphore_mem>>)
      %slice3A_183 = vector.extract_strided_slice %get3A_17 {offsets = [10], sizes = [1], strides = [1]} : vector<16xi32> to vector<1xi32>
      %squeeze3A_184 = vector.extract %slice3A_183[0] : i32 from vector<1xi32>
      %shift_right_arithmetic3A_185 = arith.constant 7 : i32
      %shift_right_arithmetic3A_186 = arith.shrsi %squeeze3A_184, %shift_right_arithmetic3A_185 : i32
      %mul3A_187 = arith.constant 128 : i32
      %mul3A_188 = arith.muli %shift_right_arithmetic3A_186, %mul3A_187 : i32
      %multiple_of3A_189 = tpu.assume_multiple %mul3A_188, 128 : i32
      %dma_start3A_190 = arith.constant 80 : i32
      %dma_start3A_191 = arith.constant 0 : i32
      %dma_start3A_192 = tpu.memref_slice %arg6[%dma_start3A_190, %dma_start3A_191] : memref<128x128xf32, #tpu.memory_space<vmem>> -> memref<8x128xf32, #tpu.memory_space<vmem>>
      %dma_start3A_193 = arith.constant 0 : i32
      %dma_start3A_194 = tpu.memref_slice %arg3[%dma_start3A_193, %multiple_of3A_189] : memref<8x1000000xf32, #tpu.memory_space<hbm>> -> memref<8x128xf32, #tpu.memory_space<hbm>>
      %dma_start3A_195 = arith.constant 80 : i32
      %dma_start3A_196 = arith.constant 0 : i32
      %dma_start3A_197 = tpu.memref_slice %arg6[%dma_start3A_195, %dma_start3A_196] : memref<128x128xf32, #tpu.memory_space<vmem>> -> memref<8x128xf32, #tpu.memory_space<vmem>>
      %dma_start3A_198 = arith.constant 0 : i32
      %dma_start3A_199 = tpu.memref_slice %arg3[%dma_start3A_198, %multiple_of3A_189] : memref<8x1000000xf32, #tpu.memory_space<hbm>> -> memref<8x128xf32, #tpu.memory_space<hbm>>
      tpu.enqueue_dma source(%dma_start3A_199 : memref<8x128xf32, #tpu.memory_space<hbm>>) target(%dma_start3A_197 : memref<8x128xf32, #tpu.memory_space<vmem>>) target_semaphore(%arg8 : memref<!tpu.dma_semaphore, #tpu.memory_space<semaphore_mem>>)
      %slice3A_200 = vector.extract_strided_slice %get3A_17 {offsets = [11], sizes = [1], strides = [1]} : vector<16xi32> to vector<1xi32>
      %squeeze3A_201 = vector.extract %slice3A_200[0] : i32 from vector<1xi32>
      %shift_right_arithmetic3A_202 = arith.constant 7 : i32
      %shift_right_arithmetic3A_203 = arith.shrsi %squeeze3A_201, %shift_right_arithmetic3A_202 : i32
      %mul3A_204 = arith.constant 128 : i32
      %mul3A_205 = arith.muli %shift_right_arithmetic3A_203, %mul3A_204 : i32
      %multiple_of3A_206 = tpu.assume_multiple %mul3A_205, 128 : i32
      %dma_start3A_207 = arith.constant 88 : i32
      %dma_start3A_208 = arith.constant 0 : i32
      %dma_start3A_209 = tpu.memref_slice %arg6[%dma_start3A_207, %dma_start3A_208] : memref<128x128xf32, #tpu.memory_space<vmem>> -> memref<8x128xf32, #tpu.memory_space<vmem>>
      %dma_start3A_210 = arith.constant 0 : i32
      %dma_start3A_211 = tpu.memref_slice %arg3[%dma_start3A_210, %multiple_of3A_206] : memref<8x1000000xf32, #tpu.memory_space<hbm>> -> memref<8x128xf32, #tpu.memory_space<hbm>>
      %dma_start3A_212 = arith.constant 88 : i32
      %dma_start3A_213 = arith.constant 0 : i32
      %dma_start3A_214 = tpu.memref_slice %arg6[%dma_start3A_212, %dma_start3A_213] : memref<128x128xf32, #tpu.memory_space<vmem>> -> memref<8x128xf32, #tpu.memory_space<vmem>>
      %dma_start3A_215 = arith.constant 0 : i32
      %dma_start3A_216 = tpu.memref_slice %arg3[%dma_start3A_215, %multiple_of3A_206] : memref<8x1000000xf32, #tpu.memory_space<hbm>> -> memref<8x128xf32, #tpu.memory_space<hbm>>
      tpu.enqueue_dma source(%dma_start3A_216 : memref<8x128xf32, #tpu.memory_space<hbm>>) target(%dma_start3A_214 : memref<8x128xf32, #tpu.memory_space<vmem>>) target_semaphore(%arg8 : memref<!tpu.dma_semaphore, #tpu.memory_space<semaphore_mem>>)
      %slice3A_217 = vector.extract_strided_slice %get3A_17 {offsets = [12], sizes = [1], strides = [1]} : vector<16xi32> to vector<1xi32>
      %squeeze3A_218 = vector.extract %slice3A_217[0] : i32 from vector<1xi32>
      %shift_right_arithmetic3A_219 = arith.constant 7 : i32
      %shift_right_arithmetic3A_220 = arith.shrsi %squeeze3A_218, %shift_right_arithmetic3A_219 : i32
      %mul3A_221 = arith.constant 128 : i32
      %mul3A_222 = arith.muli %shift_right_arithmetic3A_220, %mul3A_221 : i32
      %multiple_of3A_223 = tpu.assume_multiple %mul3A_222, 128 : i32
      %dma_start3A_224 = arith.constant 96 : i32
      %dma_start3A_225 = arith.constant 0 : i32
      %dma_start3A_226 = tpu.memref_slice %arg6[%dma_start3A_224, %dma_start3A_225] : memref<128x128xf32, #tpu.memory_space<vmem>> -> memref<8x128xf32, #tpu.memory_space<vmem>>
      %dma_start3A_227 = arith.constant 0 : i32
      %dma_start3A_228 = tpu.memref_slice %arg3[%dma_start3A_227, %multiple_of3A_223] : memref<8x1000000xf32, #tpu.memory_space<hbm>> -> memref<8x128xf32, #tpu.memory_space<hbm>>
      %dma_start3A_229 = arith.constant 96 : i32
      %dma_start3A_230 = arith.constant 0 : i32
      %dma_start3A_231 = tpu.memref_slice %arg6[%dma_start3A_229, %dma_start3A_230] : memref<128x128xf32, #tpu.memory_space<vmem>> -> memref<8x128xf32, #tpu.memory_space<vmem>>
      %dma_start3A_232 = arith.constant 0 : i32
      %dma_start3A_233 = tpu.memref_slice %arg3[%dma_start3A_232, %multiple_of3A_223] : memref<8x1000000xf32, #tpu.memory_space<hbm>> -> memref<8x128xf32, #tpu.memory_space<hbm>>
      tpu.enqueue_dma source(%dma_start3A_233 : memref<8x128xf32, #tpu.memory_space<hbm>>) target(%dma_start3A_231 : memref<8x128xf32, #tpu.memory_space<vmem>>) target_semaphore(%arg8 : memref<!tpu.dma_semaphore, #tpu.memory_space<semaphore_mem>>)
      %slice3A_234 = vector.extract_strided_slice %get3A_17 {offsets = [13], sizes = [1], strides = [1]} : vector<16xi32> to vector<1xi32>
      %squeeze3A_235 = vector.extract %slice3A_234[0] : i32 from vector<1xi32>
      %shift_right_arithmetic3A_236 = arith.constant 7 : i32
      %shift_right_arithmetic3A_237 = arith.shrsi %squeeze3A_235, %shift_right_arithmetic3A_236 : i32
      %mul3A_238 = arith.constant 128 : i32
      %mul3A_239 = arith.muli %shift_right_arithmetic3A_237, %mul3A_238 : i32
      %multiple_of3A_240 = tpu.assume_multiple %mul3A_239, 128 : i32
      %dma_start3A_241 = arith.constant 104 : i32
      %dma_start3A_242 = arith.constant 0 : i32
      %dma_start3A_243 = tpu.memref_slice %arg6[%dma_start3A_241, %dma_start3A_242] : memref<128x128xf32, #tpu.memory_space<vmem>> -> memref<8x128xf32, #tpu.memory_space<vmem>>
      %dma_start3A_244 = arith.constant 0 : i32
      %dma_start3A_245 = tpu.memref_slice %arg3[%dma_start3A_244, %multiple_of3A_240] : memref<8x1000000xf32, #tpu.memory_space<hbm>> -> memref<8x128xf32, #tpu.memory_space<hbm>>
      %dma_start3A_246 = arith.constant 104 : i32
      %dma_start3A_247 = arith.constant 0 : i32
      %dma_start3A_248 = tpu.memref_slice %arg6[%dma_start3A_246, %dma_start3A_247] : memref<128x128xf32, #tpu.memory_space<vmem>> -> memref<8x128xf32, #tpu.memory_space<vmem>>
      %dma_start3A_249 = arith.constant 0 : i32
      %dma_start3A_250 = tpu.memref_slice %arg3[%dma_start3A_249, %multiple_of3A_240] : memref<8x1000000xf32, #tpu.memory_space<hbm>> -> memref<8x128xf32, #tpu.memory_space<hbm>>
      tpu.enqueue_dma source(%dma_start3A_250 : memref<8x128xf32, #tpu.memory_space<hbm>>) target(%dma_start3A_248 : memref<8x128xf32, #tpu.memory_space<vmem>>) target_semaphore(%arg8 : memref<!tpu.dma_semaphore, #tpu.memory_space<semaphore_mem>>)
      %slice3A_251 = vector.extract_strided_slice %get3A_17 {offsets = [14], sizes = [1], strides = [1]} : vector<16xi32> to vector<1xi32>
      %squeeze3A_252 = vector.extract %slice3A_251[0] : i32 from vector<1xi32>
      %shift_right_arithmetic3A_253 = arith.constant 7 : i32
      %shift_right_arithmetic3A_254 = arith.shrsi %squeeze3A_252, %shift_right_arithmetic3A_253 : i32
      %mul3A_255 = arith.constant 128 : i32
      %mul3A_256 = arith.muli %shift_right_arithmetic3A_254, %mul3A_255 : i32
      %multiple_of3A_257 = tpu.assume_multiple %mul3A_256, 128 : i32
      %dma_start3A_258 = arith.constant 112 : i32
      %dma_start3A_259 = arith.constant 0 : i32
      %dma_start3A_260 = tpu.memref_slice %arg6[%dma_start3A_258, %dma_start3A_259] : memref<128x128xf32, #tpu.memory_space<vmem>> -> memref<8x128xf32, #tpu.memory_space<vmem>>
      %dma_start3A_261 = arith.constant 0 : i32
      %dma_start3A_262 = tpu.memref_slice %arg3[%dma_start3A_261, %multiple_of3A_257] : memref<8x1000000xf32, #tpu.memory_space<hbm>> -> memref<8x128xf32, #tpu.memory_space<hbm>>
      %dma_start3A_263 = arith.constant 112 : i32
      %dma_start3A_264 = arith.constant 0 : i32
      %dma_start3A_265 = tpu.memref_slice %arg6[%dma_start3A_263, %dma_start3A_264] : memref<128x128xf32, #tpu.memory_space<vmem>> -> memref<8x128xf32, #tpu.memory_space<vmem>>
      %dma_start3A_266 = arith.constant 0 : i32
      %dma_start3A_267 = tpu.memref_slice %arg3[%dma_start3A_266, %multiple_of3A_257] : memref<8x1000000xf32, #tpu.memory_space<hbm>> -> memref<8x128xf32, #tpu.memory_space<hbm>>
      tpu.enqueue_dma source(%dma_start3A_267 : memref<8x128xf32, #tpu.memory_space<hbm>>) target(%dma_start3A_265 : memref<8x128xf32, #tpu.memory_space<vmem>>) target_semaphore(%arg8 : memref<!tpu.dma_semaphore, #tpu.memory_space<semaphore_mem>>)
      %slice3A_268 = vector.extract_strided_slice %get3A_17 {offsets = [15], sizes = [1], strides = [1]} : vector<16xi32> to vector<1xi32>
      %squeeze3A_269 = vector.extract %slice3A_268[0] : i32 from vector<1xi32>
      %shift_right_arithmetic3A_270 = arith.constant 7 : i32
      %shift_right_arithmetic3A_271 = arith.shrsi %squeeze3A_269, %shift_right_arithmetic3A_270 : i32
      %mul3A_272 = arith.constant 128 : i32
      %mul3A_273 = arith.muli %shift_right_arithmetic3A_271, %mul3A_272 : i32
      %multiple_of3A_274 = tpu.assume_multiple %mul3A_273, 128 : i32
      %dma_start3A_275 = arith.constant 120 : i32
      %dma_start3A_276 = arith.constant 0 : i32
      %dma_start3A_277 = tpu.memref_slice %arg6[%dma_start3A_275, %dma_start3A_276] : memref<128x128xf32, #tpu.memory_space<vmem>> -> memref<8x128xf32, #tpu.memory_space<vmem>>
      %dma_start3A_278 = arith.constant 0 : i32
      %dma_start3A_279 = tpu.memref_slice %arg3[%dma_start3A_278, %multiple_of3A_274] : memref<8x1000000xf32, #tpu.memory_space<hbm>> -> memref<8x128xf32, #tpu.memory_space<hbm>>
      %dma_start3A_280 = arith.constant 120 : i32
      %dma_start3A_281 = arith.constant 0 : i32
      %dma_start3A_282 = tpu.memref_slice %arg6[%dma_start3A_280, %dma_start3A_281] : memref<128x128xf32, #tpu.memory_space<vmem>> -> memref<8x128xf32, #tpu.memory_space<vmem>>
      %dma_start3A_283 = arith.constant 0 : i32
      %dma_start3A_284 = tpu.memref_slice %arg3[%dma_start3A_283, %multiple_of3A_274] : memref<8x1000000xf32, #tpu.memory_space<hbm>> -> memref<8x128xf32, #tpu.memory_space<hbm>>
      tpu.enqueue_dma source(%dma_start3A_284 : memref<8x128xf32, #tpu.memory_space<hbm>>) target(%dma_start3A_282 : memref<8x128xf32, #tpu.memory_space<vmem>>) target_semaphore(%arg8 : memref<!tpu.dma_semaphore, #tpu.memory_space<semaphore_mem>>)
      %dma_wait3A = arith.constant 0 : i32
      %dma_wait3A_285 = arith.constant 0 : i32
      %dma_wait3A_286 = tpu.memref_slice %arg6[%dma_wait3A, %dma_wait3A_285] : memref<128x128xf32, #tpu.memory_space<vmem>> -> memref<8x128xf32, #tpu.memory_space<vmem>>
      %dma_wait3A_287 = arith.constant 0 : i32
      %dma_wait3A_288 = tpu.memref_slice %arg3[%dma_wait3A_287, %multiple_of3A] : memref<8x1000000xf32, #tpu.memory_space<hbm>> -> memref<8x128xf32, #tpu.memory_space<hbm>>
      %dma_wait3A_289 = arith.constant 0 : i32
      %dma_wait3A_290 = arith.constant 0 : i32
      %dma_wait3A_291 = tpu.memref_slice %arg6[%dma_wait3A_289, %dma_wait3A_290] : memref<128x128xf32, #tpu.memory_space<vmem>> -> memref<8x128xf32, #tpu.memory_space<vmem>>
      %dma_wait3A_292 = arith.constant 0 : i32
      %dma_wait3A_293 = tpu.memref_slice %arg3[%dma_wait3A_292, %multiple_of3A] : memref<8x1000000xf32, #tpu.memory_space<hbm>> -> memref<8x128xf32, #tpu.memory_space<hbm>>
      tpu.wait_dma2 semaphore(%arg8 : memref<!tpu.dma_semaphore, #tpu.memory_space<semaphore_mem>>) src(%dma_wait3A_293 : memref<8x128xf32, #tpu.memory_space<hbm>>) dst(%dma_wait3A_291 : memref<8x128xf32, #tpu.memory_space<vmem>>)
      %dma_wait3A_294 = arith.constant 8 : i32
      %dma_wait3A_295 = arith.constant 0 : i32
      %dma_wait3A_296 = tpu.memref_slice %arg6[%dma_wait3A_294, %dma_wait3A_295] : memref<128x128xf32, #tpu.memory_space<vmem>> -> memref<8x128xf32, #tpu.memory_space<vmem>>
      %dma_wait3A_297 = arith.constant 0 : i32
      %dma_wait3A_298 = tpu.memref_slice %arg3[%dma_wait3A_297, %multiple_of3A_36] : memref<8x1000000xf32, #tpu.memory_space<hbm>> -> memref<8x128xf32, #tpu.memory_space<hbm>>
      %dma_wait3A_299 = arith.constant 8 : i32
      %dma_wait3A_300 = arith.constant 0 : i32
      %dma_wait3A_301 = tpu.memref_slice %arg6[%dma_wait3A_299, %dma_wait3A_300] : memref<128x128xf32, #tpu.memory_space<vmem>> -> memref<8x128xf32, #tpu.memory_space<vmem>>
      %dma_wait3A_302 = arith.constant 0 : i32
      %dma_wait3A_303 = tpu.memref_slice %arg3[%dma_wait3A_302, %multiple_of3A_36] : memref<8x1000000xf32, #tpu.memory_space<hbm>> -> memref<8x128xf32, #tpu.memory_space<hbm>>
      tpu.wait_dma2 semaphore(%arg8 : memref<!tpu.dma_semaphore, #tpu.memory_space<semaphore_mem>>) src(%dma_wait3A_303 : memref<8x128xf32, #tpu.memory_space<hbm>>) dst(%dma_wait3A_301 : memref<8x128xf32, #tpu.memory_space<vmem>>)
      %dma_wait3A_304 = arith.constant 16 : i32
      %dma_wait3A_305 = arith.constant 0 : i32
      %dma_wait3A_306 = tpu.memref_slice %arg6[%dma_wait3A_304, %dma_wait3A_305] : memref<128x128xf32, #tpu.memory_space<vmem>> -> memref<8x128xf32, #tpu.memory_space<vmem>>
      %dma_wait3A_307 = arith.constant 0 : i32
      %dma_wait3A_308 = tpu.memref_slice %arg3[%dma_wait3A_307, %multiple_of3A_53] : memref<8x1000000xf32, #tpu.memory_space<hbm>> -> memref<8x128xf32, #tpu.memory_space<hbm>>
      %dma_wait3A_309 = arith.constant 16 : i32
      %dma_wait3A_310 = arith.constant 0 : i32
      %dma_wait3A_311 = tpu.memref_slice %arg6[%dma_wait3A_309, %dma_wait3A_310] : memref<128x128xf32, #tpu.memory_space<vmem>> -> memref<8x128xf32, #tpu.memory_space<vmem>>
      %dma_wait3A_312 = arith.constant 0 : i32
      %dma_wait3A_313 = tpu.memref_slice %arg3[%dma_wait3A_312, %multiple_of3A_53] : memref<8x1000000xf32, #tpu.memory_space<hbm>> -> memref<8x128xf32, #tpu.memory_space<hbm>>
      tpu.wait_dma2 semaphore(%arg8 : memref<!tpu.dma_semaphore, #tpu.memory_space<semaphore_mem>>) src(%dma_wait3A_313 : memref<8x128xf32, #tpu.memory_space<hbm>>) dst(%dma_wait3A_311 : memref<8x128xf32, #tpu.memory_space<vmem>>)
      %dma_wait3A_314 = arith.constant 24 : i32
      %dma_wait3A_315 = arith.constant 0 : i32
      %dma_wait3A_316 = tpu.memref_slice %arg6[%dma_wait3A_314, %dma_wait3A_315] : memref<128x128xf32, #tpu.memory_space<vmem>> -> memref<8x128xf32, #tpu.memory_space<vmem>>
      %dma_wait3A_317 = arith.constant 0 : i32
      %dma_wait3A_318 = tpu.memref_slice %arg3[%dma_wait3A_317, %multiple_of3A_70] : memref<8x1000000xf32, #tpu.memory_space<hbm>> -> memref<8x128xf32, #tpu.memory_space<hbm>>
      %dma_wait3A_319 = arith.constant 24 : i32
      %dma_wait3A_320 = arith.constant 0 : i32
      %dma_wait3A_321 = tpu.memref_slice %arg6[%dma_wait3A_319, %dma_wait3A_320] : memref<128x128xf32, #tpu.memory_space<vmem>> -> memref<8x128xf32, #tpu.memory_space<vmem>>
      %dma_wait3A_322 = arith.constant 0 : i32
      %dma_wait3A_323 = tpu.memref_slice %arg3[%dma_wait3A_322, %multiple_of3A_70] : memref<8x1000000xf32, #tpu.memory_space<hbm>> -> memref<8x128xf32, #tpu.memory_space<hbm>>
      tpu.wait_dma2 semaphore(%arg8 : memref<!tpu.dma_semaphore, #tpu.memory_space<semaphore_mem>>) src(%dma_wait3A_323 : memref<8x128xf32, #tpu.memory_space<hbm>>) dst(%dma_wait3A_321 : memref<8x128xf32, #tpu.memory_space<vmem>>)
      %dma_wait3A_324 = arith.constant 32 : i32
      %dma_wait3A_325 = arith.constant 0 : i32
      %dma_wait3A_326 = tpu.memref_slice %arg6[%dma_wait3A_324, %dma_wait3A_325] : memref<128x128xf32, #tpu.memory_space<vmem>> -> memref<8x128xf32, #tpu.memory_space<vmem>>
      %dma_wait3A_327 = arith.constant 0 : i32
      %dma_wait3A_328 = tpu.memref_slice %arg3[%dma_wait3A_327, %multiple_of3A_87] : memref<8x1000000xf32, #tpu.memory_space<hbm>> -> memref<8x128xf32, #tpu.memory_space<hbm>>
      %dma_wait3A_329 = arith.constant 32 : i32
      %dma_wait3A_330 = arith.constant 0 : i32
      %dma_wait3A_331 = tpu.memref_slice %arg6[%dma_wait3A_329, %dma_wait3A_330] : memref<128x128xf32, #tpu.memory_space<vmem>> -> memref<8x128xf32, #tpu.memory_space<vmem>>
      %dma_wait3A_332 = arith.constant 0 : i32
      %dma_wait3A_333 = tpu.memref_slice %arg3[%dma_wait3A_332, %multiple_of3A_87] : memref<8x1000000xf32, #tpu.memory_space<hbm>> -> memref<8x128xf32, #tpu.memory_space<hbm>>
      tpu.wait_dma2 semaphore(%arg8 : memref<!tpu.dma_semaphore, #tpu.memory_space<semaphore_mem>>) src(%dma_wait3A_333 : memref<8x128xf32, #tpu.memory_space<hbm>>) dst(%dma_wait3A_331 : memref<8x128xf32, #tpu.memory_space<vmem>>)
      %dma_wait3A_334 = arith.constant 40 : i32
      %dma_wait3A_335 = arith.constant 0 : i32
      %dma_wait3A_336 = tpu.memref_slice %arg6[%dma_wait3A_334, %dma_wait3A_335] : memref<128x128xf32, #tpu.memory_space<vmem>> -> memref<8x128xf32, #tpu.memory_space<vmem>>
      %dma_wait3A_337 = arith.constant 0 : i32
      %dma_wait3A_338 = tpu.memref_slice %arg3[%dma_wait3A_337, %multiple_of3A_104] : memref<8x1000000xf32, #tpu.memory_space<hbm>> -> memref<8x128xf32, #tpu.memory_space<hbm>>
      %dma_wait3A_339 = arith.constant 40 : i32
      %dma_wait3A_340 = arith.constant 0 : i32
      %dma_wait3A_341 = tpu.memref_slice %arg6[%dma_wait3A_339, %dma_wait3A_340] : memref<128x128xf32, #tpu.memory_space<vmem>> -> memref<8x128xf32, #tpu.memory_space<vmem>>
      %dma_wait3A_342 = arith.constant 0 : i32
      %dma_wait3A_343 = tpu.memref_slice %arg3[%dma_wait3A_342, %multiple_of3A_104] : memref<8x1000000xf32, #tpu.memory_space<hbm>> -> memref<8x128xf32, #tpu.memory_space<hbm>>
      tpu.wait_dma2 semaphore(%arg8 : memref<!tpu.dma_semaphore, #tpu.memory_space<semaphore_mem>>) src(%dma_wait3A_343 : memref<8x128xf32, #tpu.memory_space<hbm>>) dst(%dma_wait3A_341 : memref<8x128xf32, #tpu.memory_space<vmem>>)
      %dma_wait3A_344 = arith.constant 48 : i32
      %dma_wait3A_345 = arith.constant 0 : i32
      %dma_wait3A_346 = tpu.memref_slice %arg6[%dma_wait3A_344, %dma_wait3A_345] : memref<128x128xf32, #tpu.memory_space<vmem>> -> memref<8x128xf32, #tpu.memory_space<vmem>>
      %dma_wait3A_347 = arith.constant 0 : i32
      %dma_wait3A_348 = tpu.memref_slice %arg3[%dma_wait3A_347, %multiple_of3A_121] : memref<8x1000000xf32, #tpu.memory_space<hbm>> -> memref<8x128xf32, #tpu.memory_space<hbm>>
      %dma_wait3A_349 = arith.constant 48 : i32
      %dma_wait3A_350 = arith.constant 0 : i32
      %dma_wait3A_351 = tpu.memref_slice %arg6[%dma_wait3A_349, %dma_wait3A_350] : memref<128x128xf32, #tpu.memory_space<vmem>> -> memref<8x128xf32, #tpu.memory_space<vmem>>
      %dma_wait3A_352 = arith.constant 0 : i32
      %dma_wait3A_353 = tpu.memref_slice %arg3[%dma_wait3A_352, %multiple_of3A_121] : memref<8x1000000xf32, #tpu.memory_space<hbm>> -> memref<8x128xf32, #tpu.memory_space<hbm>>
      tpu.wait_dma2 semaphore(%arg8 : memref<!tpu.dma_semaphore, #tpu.memory_space<semaphore_mem>>) src(%dma_wait3A_353 : memref<8x128xf32, #tpu.memory_space<hbm>>) dst(%dma_wait3A_351 : memref<8x128xf32, #tpu.memory_space<vmem>>)
      %dma_wait3A_354 = arith.constant 56 : i32
      %dma_wait3A_355 = arith.constant 0 : i32
      %dma_wait3A_356 = tpu.memref_slice %arg6[%dma_wait3A_354, %dma_wait3A_355] : memref<128x128xf32, #tpu.memory_space<vmem>> -> memref<8x128xf32, #tpu.memory_space<vmem>>
      %dma_wait3A_357 = arith.constant 0 : i32
      %dma_wait3A_358 = tpu.memref_slice %arg3[%dma_wait3A_357, %multiple_of3A_138] : memref<8x1000000xf32, #tpu.memory_space<hbm>> -> memref<8x128xf32, #tpu.memory_space<hbm>>
      %dma_wait3A_359 = arith.constant 56 : i32
      %dma_wait3A_360 = arith.constant 0 : i32
      %dma_wait3A_361 = tpu.memref_slice %arg6[%dma_wait3A_359, %dma_wait3A_360] : memref<128x128xf32, #tpu.memory_space<vmem>> -> memref<8x128xf32, #tpu.memory_space<vmem>>
      %dma_wait3A_362 = arith.constant 0 : i32
      %dma_wait3A_363 = tpu.memref_slice %arg3[%dma_wait3A_362, %multiple_of3A_138] : memref<8x1000000xf32, #tpu.memory_space<hbm>> -> memref<8x128xf32, #tpu.memory_space<hbm>>
      tpu.wait_dma2 semaphore(%arg8 : memref<!tpu.dma_semaphore, #tpu.memory_space<semaphore_mem>>) src(%dma_wait3A_363 : memref<8x128xf32, #tpu.memory_space<hbm>>) dst(%dma_wait3A_361 : memref<8x128xf32, #tpu.memory_space<vmem>>)
      %dma_wait3A_364 = arith.constant 64 : i32
      %dma_wait3A_365 = arith.constant 0 : i32
      %dma_wait3A_366 = tpu.memref_slice %arg6[%dma_wait3A_364, %dma_wait3A_365] : memref<128x128xf32, #tpu.memory_space<vmem>> -> memref<8x128xf32, #tpu.memory_space<vmem>>
      %dma_wait3A_367 = arith.constant 0 : i32
      %dma_wait3A_368 = tpu.memref_slice %arg3[%dma_wait3A_367, %multiple_of3A_155] : memref<8x1000000xf32, #tpu.memory_space<hbm>> -> memref<8x128xf32, #tpu.memory_space<hbm>>
      %dma_wait3A_369 = arith.constant 64 : i32
      %dma_wait3A_370 = arith.constant 0 : i32
      %dma_wait3A_371 = tpu.memref_slice %arg6[%dma_wait3A_369, %dma_wait3A_370] : memref<128x128xf32, #tpu.memory_space<vmem>> -> memref<8x128xf32, #tpu.memory_space<vmem>>
      %dma_wait3A_372 = arith.constant 0 : i32
      %dma_wait3A_373 = tpu.memref_slice %arg3[%dma_wait3A_372, %multiple_of3A_155] : memref<8x1000000xf32, #tpu.memory_space<hbm>> -> memref<8x128xf32, #tpu.memory_space<hbm>>
      tpu.wait_dma2 semaphore(%arg8 : memref<!tpu.dma_semaphore, #tpu.memory_space<semaphore_mem>>) src(%dma_wait3A_373 : memref<8x128xf32, #tpu.memory_space<hbm>>) dst(%dma_wait3A_371 : memref<8x128xf32, #tpu.memory_space<vmem>>)
      %dma_wait3A_374 = arith.constant 72 : i32
      %dma_wait3A_375 = arith.constant 0 : i32
      %dma_wait3A_376 = tpu.memref_slice %arg6[%dma_wait3A_374, %dma_wait3A_375] : memref<128x128xf32, #tpu.memory_space<vmem>> -> memref<8x128xf32, #tpu.memory_space<vmem>>
      %dma_wait3A_377 = arith.constant 0 : i32
      %dma_wait3A_378 = tpu.memref_slice %arg3[%dma_wait3A_377, %multiple_of3A_172] : memref<8x1000000xf32, #tpu.memory_space<hbm>> -> memref<8x128xf32, #tpu.memory_space<hbm>>
      %dma_wait3A_379 = arith.constant 72 : i32
      %dma_wait3A_380 = arith.constant 0 : i32
      %dma_wait3A_381 = tpu.memref_slice %arg6[%dma_wait3A_379, %dma_wait3A_380] : memref<128x128xf32, #tpu.memory_space<vmem>> -> memref<8x128xf32, #tpu.memory_space<vmem>>
      %dma_wait3A_382 = arith.constant 0 : i32
      %dma_wait3A_383 = tpu.memref_slice %arg3[%dma_wait3A_382, %multiple_of3A_172] : memref<8x1000000xf32, #tpu.memory_space<hbm>> -> memref<8x128xf32, #tpu.memory_space<hbm>>
      tpu.wait_dma2 semaphore(%arg8 : memref<!tpu.dma_semaphore, #tpu.memory_space<semaphore_mem>>) src(%dma_wait3A_383 : memref<8x128xf32, #tpu.memory_space<hbm>>) dst(%dma_wait3A_381 : memref<8x128xf32, #tpu.memory_space<vmem>>)
      %dma_wait3A_384 = arith.constant 80 : i32
      %dma_wait3A_385 = arith.constant 0 : i32
      %dma_wait3A_386 = tpu.memref_slice %arg6[%dma_wait3A_384, %dma_wait3A_385] : memref<128x128xf32, #tpu.memory_space<vmem>> -> memref<8x128xf32, #tpu.memory_space<vmem>>
      %dma_wait3A_387 = arith.constant 0 : i32
      %dma_wait3A_388 = tpu.memref_slice %arg3[%dma_wait3A_387, %multiple_of3A_189] : memref<8x1000000xf32, #tpu.memory_space<hbm>> -> memref<8x128xf32, #tpu.memory_space<hbm>>
      %dma_wait3A_389 = arith.constant 80 : i32
      %dma_wait3A_390 = arith.constant 0 : i32
      %dma_wait3A_391 = tpu.memref_slice %arg6[%dma_wait3A_389, %dma_wait3A_390] : memref<128x128xf32, #tpu.memory_space<vmem>> -> memref<8x128xf32, #tpu.memory_space<vmem>>
      %dma_wait3A_392 = arith.constant 0 : i32
      %dma_wait3A_393 = tpu.memref_slice %arg3[%dma_wait3A_392, %multiple_of3A_189] : memref<8x1000000xf32, #tpu.memory_space<hbm>> -> memref<8x128xf32, #tpu.memory_space<hbm>>
      tpu.wait_dma2 semaphore(%arg8 : memref<!tpu.dma_semaphore, #tpu.memory_space<semaphore_mem>>) src(%dma_wait3A_393 : memref<8x128xf32, #tpu.memory_space<hbm>>) dst(%dma_wait3A_391 : memref<8x128xf32, #tpu.memory_space<vmem>>)
      %dma_wait3A_394 = arith.constant 88 : i32
      %dma_wait3A_395 = arith.constant 0 : i32
      %dma_wait3A_396 = tpu.memref_slice %arg6[%dma_wait3A_394, %dma_wait3A_395] : memref<128x128xf32, #tpu.memory_space<vmem>> -> memref<8x128xf32, #tpu.memory_space<vmem>>
      %dma_wait3A_397 = arith.constant 0 : i32
      %dma_wait3A_398 = tpu.memref_slice %arg3[%dma_wait3A_397, %multiple_of3A_206] : memref<8x1000000xf32, #tpu.memory_space<hbm>> -> memref<8x128xf32, #tpu.memory_space<hbm>>
      %dma_wait3A_399 = arith.constant 88 : i32
      %dma_wait3A_400 = arith.constant 0 : i32
      %dma_wait3A_401 = tpu.memref_slice %arg6[%dma_wait3A_399, %dma_wait3A_400] : memref<128x128xf32, #tpu.memory_space<vmem>> -> memref<8x128xf32, #tpu.memory_space<vmem>>
      %dma_wait3A_402 = arith.constant 0 : i32
      %dma_wait3A_403 = tpu.memref_slice %arg3[%dma_wait3A_402, %multiple_of3A_206] : memref<8x1000000xf32, #tpu.memory_space<hbm>> -> memref<8x128xf32, #tpu.memory_space<hbm>>
      tpu.wait_dma2 semaphore(%arg8 : memref<!tpu.dma_semaphore, #tpu.memory_space<semaphore_mem>>) src(%dma_wait3A_403 : memref<8x128xf32, #tpu.memory_space<hbm>>) dst(%dma_wait3A_401 : memref<8x128xf32, #tpu.memory_space<vmem>>)
      %dma_wait3A_404 = arith.constant 96 : i32
      %dma_wait3A_405 = arith.constant 0 : i32
      %dma_wait3A_406 = tpu.memref_slice %arg6[%dma_wait3A_404, %dma_wait3A_405] : memref<128x128xf32, #tpu.memory_space<vmem>> -> memref<8x128xf32, #tpu.memory_space<vmem>>
      %dma_wait3A_407 = arith.constant 0 : i32
      %dma_wait3A_408 = tpu.memref_slice %arg3[%dma_wait3A_407, %multiple_of3A_223] : memref<8x1000000xf32, #tpu.memory_space<hbm>> -> memref<8x128xf32, #tpu.memory_space<hbm>>
      %dma_wait3A_409 = arith.constant 96 : i32
      %dma_wait3A_410 = arith.constant 0 : i32
      %dma_wait3A_411 = tpu.memref_slice %arg6[%dma_wait3A_409, %dma_wait3A_410] : memref<128x128xf32, #tpu.memory_space<vmem>> -> memref<8x128xf32, #tpu.memory_space<vmem>>
      %dma_wait3A_412 = arith.constant 0 : i32
      %dma_wait3A_413 = tpu.memref_slice %arg3[%dma_wait3A_412, %multiple_of3A_223] : memref<8x1000000xf32, #tpu.memory_space<hbm>> -> memref<8x128xf32, #tpu.memory_space<hbm>>
      tpu.wait_dma2 semaphore(%arg8 : memref<!tpu.dma_semaphore, #tpu.memory_space<semaphore_mem>>) src(%dma_wait3A_413 : memref<8x128xf32, #tpu.memory_space<hbm>>) dst(%dma_wait3A_411 : memref<8x128xf32, #tpu.memory_space<vmem>>)
      %dma_wait3A_414 = arith.constant 104 : i32
      %dma_wait3A_415 = arith.constant 0 : i32
      %dma_wait3A_416 = tpu.memref_slice %arg6[%dma_wait3A_414, %dma_wait3A_415] : memref<128x128xf32, #tpu.memory_space<vmem>> -> memref<8x128xf32, #tpu.memory_space<vmem>>
      %dma_wait3A_417 = arith.constant 0 : i32
      %dma_wait3A_418 = tpu.memref_slice %arg3[%dma_wait3A_417, %multiple_of3A_240] : memref<8x1000000xf32, #tpu.memory_space<hbm>> -> memref<8x128xf32, #tpu.memory_space<hbm>>
      %dma_wait3A_419 = arith.constant 104 : i32
      %dma_wait3A_420 = arith.constant 0 : i32
      %dma_wait3A_421 = tpu.memref_slice %arg6[%dma_wait3A_419, %dma_wait3A_420] : memref<128x128xf32, #tpu.memory_space<vmem>> -> memref<8x128xf32, #tpu.memory_space<vmem>>
      %dma_wait3A_422 = arith.constant 0 : i32
      %dma_wait3A_423 = tpu.memref_slice %arg3[%dma_wait3A_422, %multiple_of3A_240] : memref<8x1000000xf32, #tpu.memory_space<hbm>> -> memref<8x128xf32, #tpu.memory_space<hbm>>
      tpu.wait_dma2 semaphore(%arg8 : memref<!tpu.dma_semaphore, #tpu.memory_space<semaphore_mem>>) src(%dma_wait3A_423 : memref<8x128xf32, #tpu.memory_space<hbm>>) dst(%dma_wait3A_421 : memref<8x128xf32, #tpu.memory_space<vmem>>)
      %dma_wait3A_424 = arith.constant 112 : i32
      %dma_wait3A_425 = arith.constant 0 : i32
      %dma_wait3A_426 = tpu.memref_slice %arg6[%dma_wait3A_424, %dma_wait3A_425] : memref<128x128xf32, #tpu.memory_space<vmem>> -> memref<8x128xf32, #tpu.memory_space<vmem>>
      %dma_wait3A_427 = arith.constant 0 : i32
      %dma_wait3A_428 = tpu.memref_slice %arg3[%dma_wait3A_427, %multiple_of3A_257] : memref<8x1000000xf32, #tpu.memory_space<hbm>> -> memref<8x128xf32, #tpu.memory_space<hbm>>
      %dma_wait3A_429 = arith.constant 112 : i32
      %dma_wait3A_430 = arith.constant 0 : i32
      %dma_wait3A_431 = tpu.memref_slice %arg6[%dma_wait3A_429, %dma_wait3A_430] : memref<128x128xf32, #tpu.memory_space<vmem>> -> memref<8x128xf32, #tpu.memory_space<vmem>>
      %dma_wait3A_432 = arith.constant 0 : i32
      %dma_wait3A_433 = tpu.memref_slice %arg3[%dma_wait3A_432, %multiple_of3A_257] : memref<8x1000000xf32, #tpu.memory_space<hbm>> -> memref<8x128xf32, #tpu.memory_space<hbm>>
      tpu.wait_dma2 semaphore(%arg8 : memref<!tpu.dma_semaphore, #tpu.memory_space<semaphore_mem>>) src(%dma_wait3A_433 : memref<8x128xf32, #tpu.memory_space<hbm>>) dst(%dma_wait3A_431 : memref<8x128xf32, #tpu.memory_space<vmem>>)
      %dma_wait3A_434 = arith.constant 120 : i32
      %dma_wait3A_435 = arith.constant 0 : i32
      %dma_wait3A_436 = tpu.memref_slice %arg6[%dma_wait3A_434, %dma_wait3A_435] : memref<128x128xf32, #tpu.memory_space<vmem>> -> memref<8x128xf32, #tpu.memory_space<vmem>>
      %dma_wait3A_437 = arith.constant 0 : i32
      %dma_wait3A_438 = tpu.memref_slice %arg3[%dma_wait3A_437, %multiple_of3A_274] : memref<8x1000000xf32, #tpu.memory_space<hbm>> -> memref<8x128xf32, #tpu.memory_space<hbm>>
      %dma_wait3A_439 = arith.constant 120 : i32
      %dma_wait3A_440 = arith.constant 0 : i32
      %dma_wait3A_441 = tpu.memref_slice %arg6[%dma_wait3A_439, %dma_wait3A_440] : memref<128x128xf32, #tpu.memory_space<vmem>> -> memref<8x128xf32, #tpu.memory_space<vmem>>
      %dma_wait3A_442 = arith.constant 0 : i32
      %dma_wait3A_443 = tpu.memref_slice %arg3[%dma_wait3A_442, %multiple_of3A_274] : memref<8x1000000xf32, #tpu.memory_space<hbm>> -> memref<8x128xf32, #tpu.memory_space<hbm>>
      tpu.wait_dma2 semaphore(%arg8 : memref<!tpu.dma_semaphore, #tpu.memory_space<semaphore_mem>>) src(%dma_wait3A_443 : memref<8x128xf32, #tpu.memory_space<hbm>>) dst(%dma_wait3A_441 : memref<8x128xf32, #tpu.memory_space<vmem>>)
      %and3A = arith.constant 127 : i32
      %and3A_444 = vector.broadcast %and3A : i32 to vector<16xi32>
      %and3A_445 = arith.andi %get3A_17, %and3A_444 : vector<16xi32>
      %broadcast_in_dim3A = arith.constant 0 : i32
      %broadcast_in_dim3A_446 = vector.broadcast %broadcast_in_dim3A : i32 to vector<16xi32>
      %slice3A_447 = vector.extract_strided_slice %and3A_445 {offsets = [0], sizes = [1], strides = [1]} : vector<16xi32> to vector<1xi32>
      %squeeze3A_448 = vector.extract %slice3A_447[0] : i32 from vector<1xi32>
      %add3A_449 = vector.broadcast %squeeze3A_448 : i32 to vector<16xi32>
      %add3A_450 = arith.addi %broadcast_in_dim3A_446, %add3A_449 : vector<16xi32>
      %add3A_451 = arith.constant 0 : i32
      %add3A_452 = vector.broadcast %add3A_451 : i32 to vector<16xi32>
      %add3A_453 = arith.addi %add3A_452, %iota3A : vector<16xi32>
      %gather3A = tpu.vector_load_idx %arg6[%add3A_453, %add3A_450] masked %lt3A_4 : memref<128x128xf32, #tpu.memory_space<vmem>>[vector<16xi32>, vector<16xi32>], vector<16xf32>, vector<16xi1>
      %mul3A_454 = arith.constant 16 : i32
      %mul3A_455 = arith.muli %scan3A_13, %mul3A_454 : i32
      %add3A_456 = arith.constant 0 : i32
      %add3A_457 = arith.addi %mul3A_455, %add3A_456 : i32
      %mul3A_458 = arith.constant 8 : i32
      %mul3A_459 = arith.muli %add3A_457, %mul3A_458 : i32
      %add3A_460 = vector.broadcast %mul3A_459 : i32 to vector<16xi32>
      %add3A_461 = arith.addi %add3A_460, %iota3A : vector<16xi32>
      tpu.vector_store_idx %arg7[%add3A_461], %gather3A masked %lt3A_4 : memref<4096xf32, #tpu.memory_space<vmem>>[vector<16xi32>], vector<16xf32>, vector<16xi1>
      %broadcast_in_dim3A_462 = arith.constant 0 : i32
      %broadcast_in_dim3A_463 = vector.broadcast %broadcast_in_dim3A_462 : i32 to vector<16xi32>
      %slice3A_464 = vector.extract_strided_slice %and3A_445 {offsets = [1], sizes = [1], strides = [1]} : vector<16xi32> to vector<1xi32>
      %squeeze3A_465 = vector.extract %slice3A_464[0] : i32 from vector<1xi32>
      %add3A_466 = vector.broadcast %squeeze3A_465 : i32 to vector<16xi32>
      %add3A_467 = arith.addi %broadcast_in_dim3A_463, %add3A_466 : vector<16xi32>
      %add3A_468 = arith.constant 8 : i32
      %add3A_469 = vector.broadcast %add3A_468 : i32 to vector<16xi32>
      %add3A_470 = arith.addi %add3A_469, %iota3A : vector<16xi32>
      %gather3A_471 = tpu.vector_load_idx %arg6[%add3A_470, %add3A_467] masked %lt3A_4 : memref<128x128xf32, #tpu.memory_space<vmem>>[vector<16xi32>, vector<16xi32>], vector<16xf32>, vector<16xi1>
      %mul3A_472 = arith.constant 16 : i32
      %mul3A_473 = arith.muli %scan3A_13, %mul3A_472 : i32
      %add3A_474 = arith.constant 1 : i32
      %add3A_475 = arith.addi %mul3A_473, %add3A_474 : i32
      %mul3A_476 = arith.constant 8 : i32
      %mul3A_477 = arith.muli %add3A_475, %mul3A_476 : i32
      %add3A_478 = vector.broadcast %mul3A_477 : i32 to vector<16xi32>
      %add3A_479 = arith.addi %add3A_478, %iota3A : vector<16xi32>
      tpu.vector_store_idx %arg7[%add3A_479], %gather3A_471 masked %lt3A_4 : memref<4096xf32, #tpu.memory_space<vmem>>[vector<16xi32>], vector<16xf32>, vector<16xi1>
      %broadcast_in_dim3A_480 = arith.constant 0 : i32
      %broadcast_in_dim3A_481 = vector.broadcast %broadcast_in_dim3A_480 : i32 to vector<16xi32>
      %slice3A_482 = vector.extract_strided_slice %and3A_445 {offsets = [2], sizes = [1], strides = [1]} : vector<16xi32> to vector<1xi32>
      %squeeze3A_483 = vector.extract %slice3A_482[0] : i32 from vector<1xi32>
      %add3A_484 = vector.broadcast %squeeze3A_483 : i32 to vector<16xi32>
      %add3A_485 = arith.addi %broadcast_in_dim3A_481, %add3A_484 : vector<16xi32>
      %add3A_486 = arith.constant 16 : i32
      %add3A_487 = vector.broadcast %add3A_486 : i32 to vector<16xi32>
      %add3A_488 = arith.addi %add3A_487, %iota3A : vector<16xi32>
      %gather3A_489 = tpu.vector_load_idx %arg6[%add3A_488, %add3A_485] masked %lt3A_4 : memref<128x128xf32, #tpu.memory_space<vmem>>[vector<16xi32>, vector<16xi32>], vector<16xf32>, vector<16xi1>
      %mul3A_490 = arith.constant 16 : i32
      %mul3A_491 = arith.muli %scan3A_13, %mul3A_490 : i32
      %add3A_492 = arith.constant 2 : i32
      %add3A_493 = arith.addi %mul3A_491, %add3A_492 : i32
      %mul3A_494 = arith.constant 8 : i32
      %mul3A_495 = arith.muli %add3A_493, %mul3A_494 : i32
      %add3A_496 = vector.broadcast %mul3A_495 : i32 to vector<16xi32>
      %add3A_497 = arith.addi %add3A_496, %iota3A : vector<16xi32>
      tpu.vector_store_idx %arg7[%add3A_497], %gather3A_489 masked %lt3A_4 : memref<4096xf32, #tpu.memory_space<vmem>>[vector<16xi32>], vector<16xf32>, vector<16xi1>
      %broadcast_in_dim3A_498 = arith.constant 0 : i32
      %broadcast_in_dim3A_499 = vector.broadcast %broadcast_in_dim3A_498 : i32 to vector<16xi32>
      %slice3A_500 = vector.extract_strided_slice %and3A_445 {offsets = [3], sizes = [1], strides = [1]} : vector<16xi32> to vector<1xi32>
      %squeeze3A_501 = vector.extract %slice3A_500[0] : i32 from vector<1xi32>
      %add3A_502 = vector.broadcast %squeeze3A_501 : i32 to vector<16xi32>
      %add3A_503 = arith.addi %broadcast_in_dim3A_499, %add3A_502 : vector<16xi32>
      %add3A_504 = arith.constant 24 : i32
      %add3A_505 = vector.broadcast %add3A_504 : i32 to vector<16xi32>
      %add3A_506 = arith.addi %add3A_505, %iota3A : vector<16xi32>
      %gather3A_507 = tpu.vector_load_idx %arg6[%add3A_506, %add3A_503] masked %lt3A_4 : memref<128x128xf32, #tpu.memory_space<vmem>>[vector<16xi32>, vector<16xi32>], vector<16xf32>, vector<16xi1>
      %mul3A_508 = arith.constant 16 : i32
      %mul3A_509 = arith.muli %scan3A_13, %mul3A_508 : i32
      %add3A_510 = arith.constant 3 : i32
      %add3A_511 = arith.addi %mul3A_509, %add3A_510 : i32
      %mul3A_512 = arith.constant 8 : i32
      %mul3A_513 = arith.muli %add3A_511, %mul3A_512 : i32
      %add3A_514 = vector.broadcast %mul3A_513 : i32 to vector<16xi32>
      %add3A_515 = arith.addi %add3A_514, %iota3A : vector<16xi32>
      tpu.vector_store_idx %arg7[%add3A_515], %gather3A_507 masked %lt3A_4 : memref<4096xf32, #tpu.memory_space<vmem>>[vector<16xi32>], vector<16xf32>, vector<16xi1>
      %broadcast_in_dim3A_516 = arith.constant 0 : i32
      %broadcast_in_dim3A_517 = vector.broadcast %broadcast_in_dim3A_516 : i32 to vector<16xi32>
      %slice3A_518 = vector.extract_strided_slice %and3A_445 {offsets = [4], sizes = [1], strides = [1]} : vector<16xi32> to vector<1xi32>
      %squeeze3A_519 = vector.extract %slice3A_518[0] : i32 from vector<1xi32>
      %add3A_520 = vector.broadcast %squeeze3A_519 : i32 to vector<16xi32>
      %add3A_521 = arith.addi %broadcast_in_dim3A_517, %add3A_520 : vector<16xi32>
      %add3A_522 = arith.constant 32 : i32
      %add3A_523 = vector.broadcast %add3A_522 : i32 to vector<16xi32>
      %add3A_524 = arith.addi %add3A_523, %iota3A : vector<16xi32>
      %gather3A_525 = tpu.vector_load_idx %arg6[%add3A_524, %add3A_521] masked %lt3A_4 : memref<128x128xf32, #tpu.memory_space<vmem>>[vector<16xi32>, vector<16xi32>], vector<16xf32>, vector<16xi1>
      %mul3A_526 = arith.constant 16 : i32
      %mul3A_527 = arith.muli %scan3A_13, %mul3A_526 : i32
      %add3A_528 = arith.constant 4 : i32
      %add3A_529 = arith.addi %mul3A_527, %add3A_528 : i32
      %mul3A_530 = arith.constant 8 : i32
      %mul3A_531 = arith.muli %add3A_529, %mul3A_530 : i32
      %add3A_532 = vector.broadcast %mul3A_531 : i32 to vector<16xi32>
      %add3A_533 = arith.addi %add3A_532, %iota3A : vector<16xi32>
      tpu.vector_store_idx %arg7[%add3A_533], %gather3A_525 masked %lt3A_4 : memref<4096xf32, #tpu.memory_space<vmem>>[vector<16xi32>], vector<16xf32>, vector<16xi1>
      %broadcast_in_dim3A_534 = arith.constant 0 : i32
      %broadcast_in_dim3A_535 = vector.broadcast %broadcast_in_dim3A_534 : i32 to vector<16xi32>
      %slice3A_536 = vector.extract_strided_slice %and3A_445 {offsets = [5], sizes = [1], strides = [1]} : vector<16xi32> to vector<1xi32>
      %squeeze3A_537 = vector.extract %slice3A_536[0] : i32 from vector<1xi32>
      %add3A_538 = vector.broadcast %squeeze3A_537 : i32 to vector<16xi32>
      %add3A_539 = arith.addi %broadcast_in_dim3A_535, %add3A_538 : vector<16xi32>
      %add3A_540 = arith.constant 40 : i32
      %add3A_541 = vector.broadcast %add3A_540 : i32 to vector<16xi32>
      %add3A_542 = arith.addi %add3A_541, %iota3A : vector<16xi32>
      %gather3A_543 = tpu.vector_load_idx %arg6[%add3A_542, %add3A_539] masked %lt3A_4 : memref<128x128xf32, #tpu.memory_space<vmem>>[vector<16xi32>, vector<16xi32>], vector<16xf32>, vector<16xi1>
      %mul3A_544 = arith.constant 16 : i32
      %mul3A_545 = arith.muli %scan3A_13, %mul3A_544 : i32
      %add3A_546 = arith.constant 5 : i32
      %add3A_547 = arith.addi %mul3A_545, %add3A_546 : i32
      %mul3A_548 = arith.constant 8 : i32
      %mul3A_549 = arith.muli %add3A_547, %mul3A_548 : i32
      %add3A_550 = vector.broadcast %mul3A_549 : i32 to vector<16xi32>
      %add3A_551 = arith.addi %add3A_550, %iota3A : vector<16xi32>
      tpu.vector_store_idx %arg7[%add3A_551], %gather3A_543 masked %lt3A_4 : memref<4096xf32, #tpu.memory_space<vmem>>[vector<16xi32>], vector<16xf32>, vector<16xi1>
      %broadcast_in_dim3A_552 = arith.constant 0 : i32
      %broadcast_in_dim3A_553 = vector.broadcast %broadcast_in_dim3A_552 : i32 to vector<16xi32>
      %slice3A_554 = vector.extract_strided_slice %and3A_445 {offsets = [6], sizes = [1], strides = [1]} : vector<16xi32> to vector<1xi32>
      %squeeze3A_555 = vector.extract %slice3A_554[0] : i32 from vector<1xi32>
      %add3A_556 = vector.broadcast %squeeze3A_555 : i32 to vector<16xi32>
      %add3A_557 = arith.addi %broadcast_in_dim3A_553, %add3A_556 : vector<16xi32>
      %add3A_558 = arith.constant 48 : i32
      %add3A_559 = vector.broadcast %add3A_558 : i32 to vector<16xi32>
      %add3A_560 = arith.addi %add3A_559, %iota3A : vector<16xi32>
      %gather3A_561 = tpu.vector_load_idx %arg6[%add3A_560, %add3A_557] masked %lt3A_4 : memref<128x128xf32, #tpu.memory_space<vmem>>[vector<16xi32>, vector<16xi32>], vector<16xf32>, vector<16xi1>
      %mul3A_562 = arith.constant 16 : i32
      %mul3A_563 = arith.muli %scan3A_13, %mul3A_562 : i32
      %add3A_564 = arith.constant 6 : i32
      %add3A_565 = arith.addi %mul3A_563, %add3A_564 : i32
      %mul3A_566 = arith.constant 8 : i32
      %mul3A_567 = arith.muli %add3A_565, %mul3A_566 : i32
      %add3A_568 = vector.broadcast %mul3A_567 : i32 to vector<16xi32>
      %add3A_569 = arith.addi %add3A_568, %iota3A : vector<16xi32>
      tpu.vector_store_idx %arg7[%add3A_569], %gather3A_561 masked %lt3A_4 : memref<4096xf32, #tpu.memory_space<vmem>>[vector<16xi32>], vector<16xf32>, vector<16xi1>
      %broadcast_in_dim3A_570 = arith.constant 0 : i32
      %broadcast_in_dim3A_571 = vector.broadcast %broadcast_in_dim3A_570 : i32 to vector<16xi32>
      %slice3A_572 = vector.extract_strided_slice %and3A_445 {offsets = [7], sizes = [1], strides = [1]} : vector<16xi32> to vector<1xi32>
      %squeeze3A_573 = vector.extract %slice3A_572[0] : i32 from vector<1xi32>
      %add3A_574 = vector.broadcast %squeeze3A_573 : i32 to vector<16xi32>
      %add3A_575 = arith.addi %broadcast_in_dim3A_571, %add3A_574 : vector<16xi32>
      %add3A_576 = arith.constant 56 : i32
      %add3A_577 = vector.broadcast %add3A_576 : i32 to vector<16xi32>
      %add3A_578 = arith.addi %add3A_577, %iota3A : vector<16xi32>
      %gather3A_579 = tpu.vector_load_idx %arg6[%add3A_578, %add3A_575] masked %lt3A_4 : memref<128x128xf32, #tpu.memory_space<vmem>>[vector<16xi32>, vector<16xi32>], vector<16xf32>, vector<16xi1>
      %mul3A_580 = arith.constant 16 : i32
      %mul3A_581 = arith.muli %scan3A_13, %mul3A_580 : i32
      %add3A_582 = arith.constant 7 : i32
      %add3A_583 = arith.addi %mul3A_581, %add3A_582 : i32
      %mul3A_584 = arith.constant 8 : i32
      %mul3A_585 = arith.muli %add3A_583, %mul3A_584 : i32
      %add3A_586 = vector.broadcast %mul3A_585 : i32 to vector<16xi32>
      %add3A_587 = arith.addi %add3A_586, %iota3A : vector<16xi32>
      tpu.vector_store_idx %arg7[%add3A_587], %gather3A_579 masked %lt3A_4 : memref<4096xf32, #tpu.memory_space<vmem>>[vector<16xi32>], vector<16xf32>, vector<16xi1>
      %broadcast_in_dim3A_588 = arith.constant 0 : i32
      %broadcast_in_dim3A_589 = vector.broadcast %broadcast_in_dim3A_588 : i32 to vector<16xi32>
      %slice3A_590 = vector.extract_strided_slice %and3A_445 {offsets = [8], sizes = [1], strides = [1]} : vector<16xi32> to vector<1xi32>
      %squeeze3A_591 = vector.extract %slice3A_590[0] : i32 from vector<1xi32>
      %add3A_592 = vector.broadcast %squeeze3A_591 : i32 to vector<16xi32>
      %add3A_593 = arith.addi %broadcast_in_dim3A_589, %add3A_592 : vector<16xi32>
      %add3A_594 = arith.constant 64 : i32
      %add3A_595 = vector.broadcast %add3A_594 : i32 to vector<16xi32>
      %add3A_596 = arith.addi %add3A_595, %iota3A : vector<16xi32>
      %gather3A_597 = tpu.vector_load_idx %arg6[%add3A_596, %add3A_593] masked %lt3A_4 : memref<128x128xf32, #tpu.memory_space<vmem>>[vector<16xi32>, vector<16xi32>], vector<16xf32>, vector<16xi1>
      %mul3A_598 = arith.constant 16 : i32
      %mul3A_599 = arith.muli %scan3A_13, %mul3A_598 : i32
      %add3A_600 = arith.constant 8 : i32
      %add3A_601 = arith.addi %mul3A_599, %add3A_600 : i32
      %mul3A_602 = arith.constant 8 : i32
      %mul3A_603 = arith.muli %add3A_601, %mul3A_602 : i32
      %add3A_604 = vector.broadcast %mul3A_603 : i32 to vector<16xi32>
      %add3A_605 = arith.addi %add3A_604, %iota3A : vector<16xi32>
      tpu.vector_store_idx %arg7[%add3A_605], %gather3A_597 masked %lt3A_4 : memref<4096xf32, #tpu.memory_space<vmem>>[vector<16xi32>], vector<16xf32>, vector<16xi1>
      %broadcast_in_dim3A_606 = arith.constant 0 : i32
      %broadcast_in_dim3A_607 = vector.broadcast %broadcast_in_dim3A_606 : i32 to vector<16xi32>
      %slice3A_608 = vector.extract_strided_slice %and3A_445 {offsets = [9], sizes = [1], strides = [1]} : vector<16xi32> to vector<1xi32>
      %squeeze3A_609 = vector.extract %slice3A_608[0] : i32 from vector<1xi32>
      %add3A_610 = vector.broadcast %squeeze3A_609 : i32 to vector<16xi32>
      %add3A_611 = arith.addi %broadcast_in_dim3A_607, %add3A_610 : vector<16xi32>
      %add3A_612 = arith.constant 72 : i32
      %add3A_613 = vector.broadcast %add3A_612 : i32 to vector<16xi32>
      %add3A_614 = arith.addi %add3A_613, %iota3A : vector<16xi32>
      %gather3A_615 = tpu.vector_load_idx %arg6[%add3A_614, %add3A_611] masked %lt3A_4 : memref<128x128xf32, #tpu.memory_space<vmem>>[vector<16xi32>, vector<16xi32>], vector<16xf32>, vector<16xi1>
      %mul3A_616 = arith.constant 16 : i32
      %mul3A_617 = arith.muli %scan3A_13, %mul3A_616 : i32
      %add3A_618 = arith.constant 9 : i32
      %add3A_619 = arith.addi %mul3A_617, %add3A_618 : i32
      %mul3A_620 = arith.constant 8 : i32
      %mul3A_621 = arith.muli %add3A_619, %mul3A_620 : i32
      %add3A_622 = vector.broadcast %mul3A_621 : i32 to vector<16xi32>
      %add3A_623 = arith.addi %add3A_622, %iota3A : vector<16xi32>
      tpu.vector_store_idx %arg7[%add3A_623], %gather3A_615 masked %lt3A_4 : memref<4096xf32, #tpu.memory_space<vmem>>[vector<16xi32>], vector<16xf32>, vector<16xi1>
      %broadcast_in_dim3A_624 = arith.constant 0 : i32
      %broadcast_in_dim3A_625 = vector.broadcast %broadcast_in_dim3A_624 : i32 to vector<16xi32>
      %slice3A_626 = vector.extract_strided_slice %and3A_445 {offsets = [10], sizes = [1], strides = [1]} : vector<16xi32> to vector<1xi32>
      %squeeze3A_627 = vector.extract %slice3A_626[0] : i32 from vector<1xi32>
      %add3A_628 = vector.broadcast %squeeze3A_627 : i32 to vector<16xi32>
      %add3A_629 = arith.addi %broadcast_in_dim3A_625, %add3A_628 : vector<16xi32>
      %add3A_630 = arith.constant 80 : i32
      %add3A_631 = vector.broadcast %add3A_630 : i32 to vector<16xi32>
      %add3A_632 = arith.addi %add3A_631, %iota3A : vector<16xi32>
      %gather3A_633 = tpu.vector_load_idx %arg6[%add3A_632, %add3A_629] masked %lt3A_4 : memref<128x128xf32, #tpu.memory_space<vmem>>[vector<16xi32>, vector<16xi32>], vector<16xf32>, vector<16xi1>
      %mul3A_634 = arith.constant 16 : i32
      %mul3A_635 = arith.muli %scan3A_13, %mul3A_634 : i32
      %add3A_636 = arith.constant 10 : i32
      %add3A_637 = arith.addi %mul3A_635, %add3A_636 : i32
      %mul3A_638 = arith.constant 8 : i32
      %mul3A_639 = arith.muli %add3A_637, %mul3A_638 : i32
      %add3A_640 = vector.broadcast %mul3A_639 : i32 to vector<16xi32>
      %add3A_641 = arith.addi %add3A_640, %iota3A : vector<16xi32>
      tpu.vector_store_idx %arg7[%add3A_641], %gather3A_633 masked %lt3A_4 : memref<4096xf32, #tpu.memory_space<vmem>>[vector<16xi32>], vector<16xf32>, vector<16xi1>
      %broadcast_in_dim3A_642 = arith.constant 0 : i32
      %broadcast_in_dim3A_643 = vector.broadcast %broadcast_in_dim3A_642 : i32 to vector<16xi32>
      %slice3A_644 = vector.extract_strided_slice %and3A_445 {offsets = [11], sizes = [1], strides = [1]} : vector<16xi32> to vector<1xi32>
      %squeeze3A_645 = vector.extract %slice3A_644[0] : i32 from vector<1xi32>
      %add3A_646 = vector.broadcast %squeeze3A_645 : i32 to vector<16xi32>
      %add3A_647 = arith.addi %broadcast_in_dim3A_643, %add3A_646 : vector<16xi32>
      %add3A_648 = arith.constant 88 : i32
      %add3A_649 = vector.broadcast %add3A_648 : i32 to vector<16xi32>
      %add3A_650 = arith.addi %add3A_649, %iota3A : vector<16xi32>
      %gather3A_651 = tpu.vector_load_idx %arg6[%add3A_650, %add3A_647] masked %lt3A_4 : memref<128x128xf32, #tpu.memory_space<vmem>>[vector<16xi32>, vector<16xi32>], vector<16xf32>, vector<16xi1>
      %mul3A_652 = arith.constant 16 : i32
      %mul3A_653 = arith.muli %scan3A_13, %mul3A_652 : i32
      %add3A_654 = arith.constant 11 : i32
      %add3A_655 = arith.addi %mul3A_653, %add3A_654 : i32
      %mul3A_656 = arith.constant 8 : i32
      %mul3A_657 = arith.muli %add3A_655, %mul3A_656 : i32
      %add3A_658 = vector.broadcast %mul3A_657 : i32 to vector<16xi32>
      %add3A_659 = arith.addi %add3A_658, %iota3A : vector<16xi32>
      tpu.vector_store_idx %arg7[%add3A_659], %gather3A_651 masked %lt3A_4 : memref<4096xf32, #tpu.memory_space<vmem>>[vector<16xi32>], vector<16xf32>, vector<16xi1>
      %broadcast_in_dim3A_660 = arith.constant 0 : i32
      %broadcast_in_dim3A_661 = vector.broadcast %broadcast_in_dim3A_660 : i32 to vector<16xi32>
      %slice3A_662 = vector.extract_strided_slice %and3A_445 {offsets = [12], sizes = [1], strides = [1]} : vector<16xi32> to vector<1xi32>
      %squeeze3A_663 = vector.extract %slice3A_662[0] : i32 from vector<1xi32>
      %add3A_664 = vector.broadcast %squeeze3A_663 : i32 to vector<16xi32>
      %add3A_665 = arith.addi %broadcast_in_dim3A_661, %add3A_664 : vector<16xi32>
      %add3A_666 = arith.constant 96 : i32
      %add3A_667 = vector.broadcast %add3A_666 : i32 to vector<16xi32>
      %add3A_668 = arith.addi %add3A_667, %iota3A : vector<16xi32>
      %gather3A_669 = tpu.vector_load_idx %arg6[%add3A_668, %add3A_665] masked %lt3A_4 : memref<128x128xf32, #tpu.memory_space<vmem>>[vector<16xi32>, vector<16xi32>], vector<16xf32>, vector<16xi1>
      %mul3A_670 = arith.constant 16 : i32
      %mul3A_671 = arith.muli %scan3A_13, %mul3A_670 : i32
      %add3A_672 = arith.constant 12 : i32
      %add3A_673 = arith.addi %mul3A_671, %add3A_672 : i32
      %mul3A_674 = arith.constant 8 : i32
      %mul3A_675 = arith.muli %add3A_673, %mul3A_674 : i32
      %add3A_676 = vector.broadcast %mul3A_675 : i32 to vector<16xi32>
      %add3A_677 = arith.addi %add3A_676, %iota3A : vector<16xi32>
      tpu.vector_store_idx %arg7[%add3A_677], %gather3A_669 masked %lt3A_4 : memref<4096xf32, #tpu.memory_space<vmem>>[vector<16xi32>], vector<16xf32>, vector<16xi1>
      %broadcast_in_dim3A_678 = arith.constant 0 : i32
      %broadcast_in_dim3A_679 = vector.broadcast %broadcast_in_dim3A_678 : i32 to vector<16xi32>
      %slice3A_680 = vector.extract_strided_slice %and3A_445 {offsets = [13], sizes = [1], strides = [1]} : vector<16xi32> to vector<1xi32>
      %squeeze3A_681 = vector.extract %slice3A_680[0] : i32 from vector<1xi32>
      %add3A_682 = vector.broadcast %squeeze3A_681 : i32 to vector<16xi32>
      %add3A_683 = arith.addi %broadcast_in_dim3A_679, %add3A_682 : vector<16xi32>
      %add3A_684 = arith.constant 104 : i32
      %add3A_685 = vector.broadcast %add3A_684 : i32 to vector<16xi32>
      %add3A_686 = arith.addi %add3A_685, %iota3A : vector<16xi32>
      %gather3A_687 = tpu.vector_load_idx %arg6[%add3A_686, %add3A_683] masked %lt3A_4 : memref<128x128xf32, #tpu.memory_space<vmem>>[vector<16xi32>, vector<16xi32>], vector<16xf32>, vector<16xi1>
      %mul3A_688 = arith.constant 16 : i32
      %mul3A_689 = arith.muli %scan3A_13, %mul3A_688 : i32
      %add3A_690 = arith.constant 13 : i32
      %add3A_691 = arith.addi %mul3A_689, %add3A_690 : i32
      %mul3A_692 = arith.constant 8 : i32
      %mul3A_693 = arith.muli %add3A_691, %mul3A_692 : i32
      %add3A_694 = vector.broadcast %mul3A_693 : i32 to vector<16xi32>
      %add3A_695 = arith.addi %add3A_694, %iota3A : vector<16xi32>
      tpu.vector_store_idx %arg7[%add3A_695], %gather3A_687 masked %lt3A_4 : memref<4096xf32, #tpu.memory_space<vmem>>[vector<16xi32>], vector<16xf32>, vector<16xi1>
      %broadcast_in_dim3A_696 = arith.constant 0 : i32
      %broadcast_in_dim3A_697 = vector.broadcast %broadcast_in_dim3A_696 : i32 to vector<16xi32>
      %slice3A_698 = vector.extract_strided_slice %and3A_445 {offsets = [14], sizes = [1], strides = [1]} : vector<16xi32> to vector<1xi32>
      %squeeze3A_699 = vector.extract %slice3A_698[0] : i32 from vector<1xi32>
      %add3A_700 = vector.broadcast %squeeze3A_699 : i32 to vector<16xi32>
      %add3A_701 = arith.addi %broadcast_in_dim3A_697, %add3A_700 : vector<16xi32>
      %add3A_702 = arith.constant 112 : i32
      %add3A_703 = vector.broadcast %add3A_702 : i32 to vector<16xi32>
      %add3A_704 = arith.addi %add3A_703, %iota3A : vector<16xi32>
      %gather3A_705 = tpu.vector_load_idx %arg6[%add3A_704, %add3A_701] masked %lt3A_4 : memref<128x128xf32, #tpu.memory_space<vmem>>[vector<16xi32>, vector<16xi32>], vector<16xf32>, vector<16xi1>
      %mul3A_706 = arith.constant 16 : i32
      %mul3A_707 = arith.muli %scan3A_13, %mul3A_706 : i32
      %add3A_708 = arith.constant 14 : i32
      %add3A_709 = arith.addi %mul3A_707, %add3A_708 : i32
      %mul3A_710 = arith.constant 8 : i32
      %mul3A_711 = arith.muli %add3A_709, %mul3A_710 : i32
      %add3A_712 = vector.broadcast %mul3A_711 : i32 to vector<16xi32>
      %add3A_713 = arith.addi %add3A_712, %iota3A : vector<16xi32>
      tpu.vector_store_idx %arg7[%add3A_713], %gather3A_705 masked %lt3A_4 : memref<4096xf32, #tpu.memory_space<vmem>>[vector<16xi32>], vector<16xf32>, vector<16xi1>
      %broadcast_in_dim3A_714 = arith.constant 0 : i32
      %broadcast_in_dim3A_715 = vector.broadcast %broadcast_in_dim3A_714 : i32 to vector<16xi32>
      %slice3A_716 = vector.extract_strided_slice %and3A_445 {offsets = [15], sizes = [1], strides = [1]} : vector<16xi32> to vector<1xi32>
      %squeeze3A_717 = vector.extract %slice3A_716[0] : i32 from vector<1xi32>
      %add3A_718 = vector.broadcast %squeeze3A_717 : i32 to vector<16xi32>
      %add3A_719 = arith.addi %broadcast_in_dim3A_715, %add3A_718 : vector<16xi32>
      %add3A_720 = arith.constant 120 : i32
      %add3A_721 = vector.broadcast %add3A_720 : i32 to vector<16xi32>
      %add3A_722 = arith.addi %add3A_721, %iota3A : vector<16xi32>
      %gather3A_723 = tpu.vector_load_idx %arg6[%add3A_722, %add3A_719] masked %lt3A_4 : memref<128x128xf32, #tpu.memory_space<vmem>>[vector<16xi32>, vector<16xi32>], vector<16xf32>, vector<16xi1>
      %mul3A_724 = arith.constant 16 : i32
      %mul3A_725 = arith.muli %scan3A_13, %mul3A_724 : i32
      %add3A_726 = arith.constant 15 : i32
      %add3A_727 = arith.addi %mul3A_725, %add3A_726 : i32
      %mul3A_728 = arith.constant 8 : i32
      %mul3A_729 = arith.muli %add3A_727, %mul3A_728 : i32
      %add3A_730 = vector.broadcast %mul3A_729 : i32 to vector<16xi32>
      %add3A_731 = arith.addi %add3A_730, %iota3A : vector<16xi32>
      tpu.vector_store_idx %arg7[%add3A_731], %gather3A_723 masked %lt3A_4 : memref<4096xf32, #tpu.memory_space<vmem>>[vector<16xi32>], vector<16xf32>, vector<16xi1>
      %scan3A_732 = arith.constant 0 : i32
      scf.yield %scan3A_732 : i32
    }
    %scan3A_10 = arith.constant 32 : i32
    %mul3A_11 = arith.constant 8 : i32
    %mul3A_12 = arith.muli %mul3A_2, %mul3A_11 : i32
    "tpu.region"() ({
      %run_scoped3A = tpu.sem_alloc : memref<!tpu.dma_semaphore, #tpu.memory_space<semaphore_mem>>
      %dma_start3A = tpu.memref_slice %arg4[%mul3A_12] : memref<131072xf32, #tpu.memory_space<hbm>> -> memref<4096xf32, #tpu.memory_space<hbm>>
      %dma_start3A_13 = tpu.memref_slice %arg4[%mul3A_12] : memref<131072xf32, #tpu.memory_space<hbm>> -> memref<4096xf32, #tpu.memory_space<hbm>>
      tpu.enqueue_dma source(%arg7 : memref<4096xf32, #tpu.memory_space<vmem>>) target(%dma_start3A_13 : memref<4096xf32, #tpu.memory_space<hbm>>) target_semaphore(%run_scoped3A : memref<!tpu.dma_semaphore, #tpu.memory_space<semaphore_mem>>)
      %dma_wait3A = tpu.memref_slice %arg4[%mul3A_12] : memref<131072xf32, #tpu.memory_space<hbm>> -> memref<4096xf32, #tpu.memory_space<hbm>>
      %dma_wait3A_14 = tpu.memref_slice %arg4[%mul3A_12] : memref<131072xf32, #tpu.memory_space<hbm>> -> memref<4096xf32, #tpu.memory_space<hbm>>
      tpu.wait_dma2 semaphore(%run_scoped3A : memref<!tpu.dma_semaphore, #tpu.memory_space<semaphore_mem>>) src(%arg7 : memref<4096xf32, #tpu.memory_space<vmem>>) dst(%dma_wait3A_14 : memref<4096xf32, #tpu.memory_space<hbm>>)
      tpu.yield
    }) : () -> ()
    return
  }
}

#map = affine_map<(d0, d1) -> (0)>
#map1 = affine_map<(d0, d1) -> (0, 0)>
module attributes {stable_mosaic.version = 14 : i64} {
  func.func @base_kernel(%arg0: i32, %arg1: i32, %arg2: memref<16384xi32, #tpu.memory_space<hbm>>, %arg3: memref<501760x128xf32, #tpu.memory_space<hbm>>, %arg4: memref<16384x64xf32, #tpu.memory_space<hbm>>, %arg5: memref<512xi32, #tpu.memory_space<vmem>>, %arg6: memref<2x128xi32, #tpu.memory_space<vmem>>, %arg7: memref<256x128xf32, #tpu.memory_space<vmem>>, %arg8: memref<256x64xf32, #tpu.memory_space<vmem>>, %arg9: memref<!tpu.dma_semaphore, #tpu.memory_space<semaphore_mem>>) attributes {dimension_semantics = [#tpu.dimension_semantics<core_parallel>, #tpu.dimension_semantics<subcore_parallel>], iteration_bounds = array<i64: 2, 16>, scalar_prefetch = 0 : i64, scratch_operands = 5 : i64, tpu.core_type = #tpu.core_type<sc_vector_subcore>, window_params = [{transform_indices = #map}, {transform_indices = #map1}, {transform_indices = #map1}]} {
    %mul3A = arith.constant 2 : i32
    %mul3A_0 = arith.muli %arg1, %mul3A : i32
    %add3A = arith.addi %mul3A_0, %arg0 : i32
    %mul3A_1 = arith.constant 512 : i32
    %mul3A_2 = arith.muli %add3A, %mul3A_1 : i32
    "tpu.region"() ({
      %run_scoped3A = tpu.sem_alloc : memref<!tpu.dma_semaphore, #tpu.memory_space<semaphore_mem>>
      %dma_start3A_605 = tpu.memref_slice %arg2[%mul3A_2] : memref<16384xi32, #tpu.memory_space<hbm>> -> memref<512xi32, #tpu.memory_space<hbm>>
      %dma_start3A_606 = tpu.memref_slice %arg2[%mul3A_2] : memref<16384xi32, #tpu.memory_space<hbm>> -> memref<512xi32, #tpu.memory_space<hbm>>
      tpu.enqueue_dma source(%dma_start3A_606 : memref<512xi32, #tpu.memory_space<hbm>>) target(%arg5 : memref<512xi32, #tpu.memory_space<vmem>>) target_semaphore(%run_scoped3A : memref<!tpu.dma_semaphore, #tpu.memory_space<semaphore_mem>>)
      %dma_wait3A_607 = tpu.memref_slice %arg2[%mul3A_2] : memref<16384xi32, #tpu.memory_space<hbm>> -> memref<512xi32, #tpu.memory_space<hbm>>
      %dma_wait3A_608 = tpu.memref_slice %arg2[%mul3A_2] : memref<16384xi32, #tpu.memory_space<hbm>> -> memref<512xi32, #tpu.memory_space<hbm>>
      tpu.wait_dma2 semaphore(%run_scoped3A : memref<!tpu.dma_semaphore, #tpu.memory_space<semaphore_mem>>) src(%dma_wait3A_608 : memref<512xi32, #tpu.memory_space<hbm>>) dst(%arg5 : memref<512xi32, #tpu.memory_space<vmem>>)
      tpu.yield
    }) : () -> ()
    %iota3A = tpu.iota {dimensions = array<i32: 0>} : vector<16xi32>
    %get3A = arith.constant 0 : index
    %get3A_3 = tpu.vector_load %arg5[%get3A] {strides = array<i32>} : memref<512xi32, #tpu.memory_space<vmem>>, vector<16xi32>,
    %shift_right_arithmetic3A = arith.constant 12 : i32
    %shift_right_arithmetic3A_4 = vector.broadcast %shift_right_arithmetic3A : i32 to vector<16xi32>
    %shift_right_arithmetic3A_5 = arith.shrsi %get3A_3, %shift_right_arithmetic3A_4 : vector<16xi32>
    %shift_left3A = arith.constant 11 : i32
    %shift_left3A_6 = vector.broadcast %shift_left3A : i32 to vector<16xi32>
    %shift_left3A_7 = arith.shli %shift_right_arithmetic3A_5, %shift_left3A_6 : vector<16xi32>
    %and3A = arith.constant 2047 : i32
    %and3A_8 = vector.broadcast %and3A : i32 to vector<16xi32>
    %and3A_9 = arith.andi %get3A_3, %and3A_8 : vector<16xi32>
    %add3A_10 = arith.addi %shift_left3A_7, %and3A_9 : vector<16xi32>
    %swap3A = arith.constant 0 : i32
    %swap3A_11 = arith.index_cast %swap3A : i32 to index
    %swap3A_12 = arith.constant 0 : index
    %swap3A_13 = tpu.vector_load %arg6[%swap3A_11, %swap3A_12] {strides = array<i32>} : memref<2x128xi32, #tpu.memory_space<vmem>>, vector<16xi32>,
    tpu.vector_store %arg6[%swap3A_11, %swap3A_12], %add3A_10 {strides = array<i32>} : memref<2x128xi32, #tpu.memory_space<vmem>>, vector<16xi32>,
    %get3A_14 = arith.constant 16 : index
    %get3A_15 = tpu.vector_load %arg5[%get3A_14] {strides = array<i32>} : memref<512xi32, #tpu.memory_space<vmem>>, vector<16xi32>,
    %shift_right_arithmetic3A_16 = arith.constant 12 : i32
    %shift_right_arithmetic3A_17 = vector.broadcast %shift_right_arithmetic3A_16 : i32 to vector<16xi32>
    %shift_right_arithmetic3A_18 = arith.shrsi %get3A_15, %shift_right_arithmetic3A_17 : vector<16xi32>
    %shift_left3A_19 = arith.constant 11 : i32
    %shift_left3A_20 = vector.broadcast %shift_left3A_19 : i32 to vector<16xi32>
    %shift_left3A_21 = arith.shli %shift_right_arithmetic3A_18, %shift_left3A_20 : vector<16xi32>
    %and3A_22 = arith.constant 2047 : i32
    %and3A_23 = vector.broadcast %and3A_22 : i32 to vector<16xi32>
    %and3A_24 = arith.andi %get3A_15, %and3A_23 : vector<16xi32>
    %add3A_25 = arith.addi %shift_left3A_21, %and3A_24 : vector<16xi32>
    %swap3A_26 = arith.constant 0 : i32
    %swap3A_27 = arith.index_cast %swap3A_26 : i32 to index
    %swap3A_28 = arith.constant 16 : index
    %swap3A_29 = tpu.vector_load %arg6[%swap3A_27, %swap3A_28] {strides = array<i32>} : memref<2x128xi32, #tpu.memory_space<vmem>>, vector<16xi32>,
    tpu.vector_store %arg6[%swap3A_27, %swap3A_28], %add3A_25 {strides = array<i32>} : memref<2x128xi32, #tpu.memory_space<vmem>>, vector<16xi32>,
    %get3A_30 = arith.constant 32 : index
    %get3A_31 = tpu.vector_load %arg5[%get3A_30] {strides = array<i32>} : memref<512xi32, #tpu.memory_space<vmem>>, vector<16xi32>,
    %shift_right_arithmetic3A_32 = arith.constant 12 : i32
    %shift_right_arithmetic3A_33 = vector.broadcast %shift_right_arithmetic3A_32 : i32 to vector<16xi32>
    %shift_right_arithmetic3A_34 = arith.shrsi %get3A_31, %shift_right_arithmetic3A_33 : vector<16xi32>
    %shift_left3A_35 = arith.constant 11 : i32
    %shift_left3A_36 = vector.broadcast %shift_left3A_35 : i32 to vector<16xi32>
    %shift_left3A_37 = arith.shli %shift_right_arithmetic3A_34, %shift_left3A_36 : vector<16xi32>
    %and3A_38 = arith.constant 2047 : i32
    %and3A_39 = vector.broadcast %and3A_38 : i32 to vector<16xi32>
    %and3A_40 = arith.andi %get3A_31, %and3A_39 : vector<16xi32>
    %add3A_41 = arith.addi %shift_left3A_37, %and3A_40 : vector<16xi32>
    %swap3A_42 = arith.constant 0 : i32
    %swap3A_43 = arith.index_cast %swap3A_42 : i32 to index
    %swap3A_44 = arith.constant 32 : index
    %swap3A_45 = tpu.vector_load %arg6[%swap3A_43, %swap3A_44] {strides = array<i32>} : memref<2x128xi32, #tpu.memory_space<vmem>>, vector<16xi32>,
    tpu.vector_store %arg6[%swap3A_43, %swap3A_44], %add3A_41 {strides = array<i32>} : memref<2x128xi32, #tpu.memory_space<vmem>>, vector<16xi32>,
    %get3A_46 = arith.constant 48 : index
    %get3A_47 = tpu.vector_load %arg5[%get3A_46] {strides = array<i32>} : memref<512xi32, #tpu.memory_space<vmem>>, vector<16xi32>,
    %shift_right_arithmetic3A_48 = arith.constant 12 : i32
    %shift_right_arithmetic3A_49 = vector.broadcast %shift_right_arithmetic3A_48 : i32 to vector<16xi32>
    %shift_right_arithmetic3A_50 = arith.shrsi %get3A_47, %shift_right_arithmetic3A_49 : vector<16xi32>
    %shift_left3A_51 = arith.constant 11 : i32
    %shift_left3A_52 = vector.broadcast %shift_left3A_51 : i32 to vector<16xi32>
    %shift_left3A_53 = arith.shli %shift_right_arithmetic3A_50, %shift_left3A_52 : vector<16xi32>
    %and3A_54 = arith.constant 2047 : i32
    %and3A_55 = vector.broadcast %and3A_54 : i32 to vector<16xi32>
    %and3A_56 = arith.andi %get3A_47, %and3A_55 : vector<16xi32>
    %add3A_57 = arith.addi %shift_left3A_53, %and3A_56 : vector<16xi32>
    %swap3A_58 = arith.constant 0 : i32
    %swap3A_59 = arith.index_cast %swap3A_58 : i32 to index
    %swap3A_60 = arith.constant 48 : index
    %swap3A_61 = tpu.vector_load %arg6[%swap3A_59, %swap3A_60] {strides = array<i32>} : memref<2x128xi32, #tpu.memory_space<vmem>>, vector<16xi32>,
    tpu.vector_store %arg6[%swap3A_59, %swap3A_60], %add3A_57 {strides = array<i32>} : memref<2x128xi32, #tpu.memory_space<vmem>>, vector<16xi32>,
    %get3A_62 = arith.constant 64 : index
    %get3A_63 = tpu.vector_load %arg5[%get3A_62] {strides = array<i32>} : memref<512xi32, #tpu.memory_space<vmem>>, vector<16xi32>,
    %shift_right_arithmetic3A_64 = arith.constant 12 : i32
    %shift_right_arithmetic3A_65 = vector.broadcast %shift_right_arithmetic3A_64 : i32 to vector<16xi32>
    %shift_right_arithmetic3A_66 = arith.shrsi %get3A_63, %shift_right_arithmetic3A_65 : vector<16xi32>
    %shift_left3A_67 = arith.constant 11 : i32
    %shift_left3A_68 = vector.broadcast %shift_left3A_67 : i32 to vector<16xi32>
    %shift_left3A_69 = arith.shli %shift_right_arithmetic3A_66, %shift_left3A_68 : vector<16xi32>
    %and3A_70 = arith.constant 2047 : i32
    %and3A_71 = vector.broadcast %and3A_70 : i32 to vector<16xi32>
    %and3A_72 = arith.andi %get3A_63, %and3A_71 : vector<16xi32>
    %add3A_73 = arith.addi %shift_left3A_69, %and3A_72 : vector<16xi32>
    %swap3A_74 = arith.constant 0 : i32
    %swap3A_75 = arith.index_cast %swap3A_74 : i32 to index
    %swap3A_76 = arith.constant 64 : index
    %swap3A_77 = tpu.vector_load %arg6[%swap3A_75, %swap3A_76] {strides = array<i32>} : memref<2x128xi32, #tpu.memory_space<vmem>>, vector<16xi32>,
    tpu.vector_store %arg6[%swap3A_75, %swap3A_76], %add3A_73 {strides = array<i32>} : memref<2x128xi32, #tpu.memory_space<vmem>>, vector<16xi32>,
    %get3A_78 = arith.constant 80 : index
    %get3A_79 = tpu.vector_load %arg5[%get3A_78] {strides = array<i32>} : memref<512xi32, #tpu.memory_space<vmem>>, vector<16xi32>,
    %shift_right_arithmetic3A_80 = arith.constant 12 : i32
    %shift_right_arithmetic3A_81 = vector.broadcast %shift_right_arithmetic3A_80 : i32 to vector<16xi32>
    %shift_right_arithmetic3A_82 = arith.shrsi %get3A_79, %shift_right_arithmetic3A_81 : vector<16xi32>
    %shift_left3A_83 = arith.constant 11 : i32
    %shift_left3A_84 = vector.broadcast %shift_left3A_83 : i32 to vector<16xi32>
    %shift_left3A_85 = arith.shli %shift_right_arithmetic3A_82, %shift_left3A_84 : vector<16xi32>
    %and3A_86 = arith.constant 2047 : i32
    %and3A_87 = vector.broadcast %and3A_86 : i32 to vector<16xi32>
    %and3A_88 = arith.andi %get3A_79, %and3A_87 : vector<16xi32>
    %add3A_89 = arith.addi %shift_left3A_85, %and3A_88 : vector<16xi32>
    %swap3A_90 = arith.constant 0 : i32
    %swap3A_91 = arith.index_cast %swap3A_90 : i32 to index
    %swap3A_92 = arith.constant 80 : index
    %swap3A_93 = tpu.vector_load %arg6[%swap3A_91, %swap3A_92] {strides = array<i32>} : memref<2x128xi32, #tpu.memory_space<vmem>>, vector<16xi32>,
    tpu.vector_store %arg6[%swap3A_91, %swap3A_92], %add3A_89 {strides = array<i32>} : memref<2x128xi32, #tpu.memory_space<vmem>>, vector<16xi32>,
    %get3A_94 = arith.constant 96 : index
    %get3A_95 = tpu.vector_load %arg5[%get3A_94] {strides = array<i32>} : memref<512xi32, #tpu.memory_space<vmem>>, vector<16xi32>,
    %shift_right_arithmetic3A_96 = arith.constant 12 : i32
    %shift_right_arithmetic3A_97 = vector.broadcast %shift_right_arithmetic3A_96 : i32 to vector<16xi32>
    %shift_right_arithmetic3A_98 = arith.shrsi %get3A_95, %shift_right_arithmetic3A_97 : vector<16xi32>
    %shift_left3A_99 = arith.constant 11 : i32
    %shift_left3A_100 = vector.broadcast %shift_left3A_99 : i32 to vector<16xi32>
    %shift_left3A_101 = arith.shli %shift_right_arithmetic3A_98, %shift_left3A_100 : vector<16xi32>
    %and3A_102 = arith.constant 2047 : i32
    %and3A_103 = vector.broadcast %and3A_102 : i32 to vector<16xi32>
    %and3A_104 = arith.andi %get3A_95, %and3A_103 : vector<16xi32>
    %add3A_105 = arith.addi %shift_left3A_101, %and3A_104 : vector<16xi32>
    %swap3A_106 = arith.constant 0 : i32
    %swap3A_107 = arith.index_cast %swap3A_106 : i32 to index
    %swap3A_108 = arith.constant 96 : index
    %swap3A_109 = tpu.vector_load %arg6[%swap3A_107, %swap3A_108] {strides = array<i32>} : memref<2x128xi32, #tpu.memory_space<vmem>>, vector<16xi32>,
    tpu.vector_store %arg6[%swap3A_107, %swap3A_108], %add3A_105 {strides = array<i32>} : memref<2x128xi32, #tpu.memory_space<vmem>>, vector<16xi32>,
    %get3A_110 = arith.constant 112 : index
    %get3A_111 = tpu.vector_load %arg5[%get3A_110] {strides = array<i32>} : memref<512xi32, #tpu.memory_space<vmem>>, vector<16xi32>,
    %shift_right_arithmetic3A_112 = arith.constant 12 : i32
    %shift_right_arithmetic3A_113 = vector.broadcast %shift_right_arithmetic3A_112 : i32 to vector<16xi32>
    %shift_right_arithmetic3A_114 = arith.shrsi %get3A_111, %shift_right_arithmetic3A_113 : vector<16xi32>
    %shift_left3A_115 = arith.constant 11 : i32
    %shift_left3A_116 = vector.broadcast %shift_left3A_115 : i32 to vector<16xi32>
    %shift_left3A_117 = arith.shli %shift_right_arithmetic3A_114, %shift_left3A_116 : vector<16xi32>
    %and3A_118 = arith.constant 2047 : i32
    %and3A_119 = vector.broadcast %and3A_118 : i32 to vector<16xi32>
    %and3A_120 = arith.andi %get3A_111, %and3A_119 : vector<16xi32>
    %add3A_121 = arith.addi %shift_left3A_117, %and3A_120 : vector<16xi32>
    %swap3A_122 = arith.constant 0 : i32
    %swap3A_123 = arith.index_cast %swap3A_122 : i32 to index
    %swap3A_124 = arith.constant 112 : index
    %swap3A_125 = tpu.vector_load %arg6[%swap3A_123, %swap3A_124] {strides = array<i32>} : memref<2x128xi32, #tpu.memory_space<vmem>>, vector<16xi32>,
    tpu.vector_store %arg6[%swap3A_123, %swap3A_124], %add3A_121 {strides = array<i32>} : memref<2x128xi32, #tpu.memory_space<vmem>>, vector<16xi32>,
    %get3A_126 = arith.constant 128 : index
    %get3A_127 = tpu.vector_load %arg5[%get3A_126] {strides = array<i32>} : memref<512xi32, #tpu.memory_space<vmem>>, vector<16xi32>,
    %shift_right_arithmetic3A_128 = arith.constant 12 : i32
    %shift_right_arithmetic3A_129 = vector.broadcast %shift_right_arithmetic3A_128 : i32 to vector<16xi32>
    %shift_right_arithmetic3A_130 = arith.shrsi %get3A_127, %shift_right_arithmetic3A_129 : vector<16xi32>
    %shift_left3A_131 = arith.constant 11 : i32
    %shift_left3A_132 = vector.broadcast %shift_left3A_131 : i32 to vector<16xi32>
    %shift_left3A_133 = arith.shli %shift_right_arithmetic3A_130, %shift_left3A_132 : vector<16xi32>
    %and3A_134 = arith.constant 2047 : i32
    %and3A_135 = vector.broadcast %and3A_134 : i32 to vector<16xi32>
    %and3A_136 = arith.andi %get3A_127, %and3A_135 : vector<16xi32>
    %add3A_137 = arith.addi %shift_left3A_133, %and3A_136 : vector<16xi32>
    %swap3A_138 = arith.constant 1 : i32
    %swap3A_139 = arith.index_cast %swap3A_138 : i32 to index
    %swap3A_140 = arith.constant 0 : index
    %swap3A_141 = tpu.vector_load %arg6[%swap3A_139, %swap3A_140] {strides = array<i32>} : memref<2x128xi32, #tpu.memory_space<vmem>>, vector<16xi32>,
    tpu.vector_store %arg6[%swap3A_139, %swap3A_140], %add3A_137 {strides = array<i32>} : memref<2x128xi32, #tpu.memory_space<vmem>>, vector<16xi32>,
    %get3A_142 = arith.constant 144 : index
    %get3A_143 = tpu.vector_load %arg5[%get3A_142] {strides = array<i32>} : memref<512xi32, #tpu.memory_space<vmem>>, vector<16xi32>,
    %shift_right_arithmetic3A_144 = arith.constant 12 : i32
    %shift_right_arithmetic3A_145 = vector.broadcast %shift_right_arithmetic3A_144 : i32 to vector<16xi32>
    %shift_right_arithmetic3A_146 = arith.shrsi %get3A_143, %shift_right_arithmetic3A_145 : vector<16xi32>
    %shift_left3A_147 = arith.constant 11 : i32
    %shift_left3A_148 = vector.broadcast %shift_left3A_147 : i32 to vector<16xi32>
    %shift_left3A_149 = arith.shli %shift_right_arithmetic3A_146, %shift_left3A_148 : vector<16xi32>
    %and3A_150 = arith.constant 2047 : i32
    %and3A_151 = vector.broadcast %and3A_150 : i32 to vector<16xi32>
    %and3A_152 = arith.andi %get3A_143, %and3A_151 : vector<16xi32>
    %add3A_153 = arith.addi %shift_left3A_149, %and3A_152 : vector<16xi32>
    %swap3A_154 = arith.constant 1 : i32
    %swap3A_155 = arith.index_cast %swap3A_154 : i32 to index
    %swap3A_156 = arith.constant 16 : index
    %swap3A_157 = tpu.vector_load %arg6[%swap3A_155, %swap3A_156] {strides = array<i32>} : memref<2x128xi32, #tpu.memory_space<vmem>>, vector<16xi32>,
    tpu.vector_store %arg6[%swap3A_155, %swap3A_156], %add3A_153 {strides = array<i32>} : memref<2x128xi32, #tpu.memory_space<vmem>>, vector<16xi32>,
    %get3A_158 = arith.constant 160 : index
    %get3A_159 = tpu.vector_load %arg5[%get3A_158] {strides = array<i32>} : memref<512xi32, #tpu.memory_space<vmem>>, vector<16xi32>,
    %shift_right_arithmetic3A_160 = arith.constant 12 : i32
    %shift_right_arithmetic3A_161 = vector.broadcast %shift_right_arithmetic3A_160 : i32 to vector<16xi32>
    %shift_right_arithmetic3A_162 = arith.shrsi %get3A_159, %shift_right_arithmetic3A_161 : vector<16xi32>
    %shift_left3A_163 = arith.constant 11 : i32
    %shift_left3A_164 = vector.broadcast %shift_left3A_163 : i32 to vector<16xi32>
    %shift_left3A_165 = arith.shli %shift_right_arithmetic3A_162, %shift_left3A_164 : vector<16xi32>
    %and3A_166 = arith.constant 2047 : i32
    %and3A_167 = vector.broadcast %and3A_166 : i32 to vector<16xi32>
    %and3A_168 = arith.andi %get3A_159, %and3A_167 : vector<16xi32>
    %add3A_169 = arith.addi %shift_left3A_165, %and3A_168 : vector<16xi32>
    %swap3A_170 = arith.constant 1 : i32
    %swap3A_171 = arith.index_cast %swap3A_170 : i32 to index
    %swap3A_172 = arith.constant 32 : index
    %swap3A_173 = tpu.vector_load %arg6[%swap3A_171, %swap3A_172] {strides = array<i32>} : memref<2x128xi32, #tpu.memory_space<vmem>>, vector<16xi32>,
    tpu.vector_store %arg6[%swap3A_171, %swap3A_172], %add3A_169 {strides = array<i32>} : memref<2x128xi32, #tpu.memory_space<vmem>>, vector<16xi32>,
    %get3A_174 = arith.constant 176 : index
    %get3A_175 = tpu.vector_load %arg5[%get3A_174] {strides = array<i32>} : memref<512xi32, #tpu.memory_space<vmem>>, vector<16xi32>,
    %shift_right_arithmetic3A_176 = arith.constant 12 : i32
    %shift_right_arithmetic3A_177 = vector.broadcast %shift_right_arithmetic3A_176 : i32 to vector<16xi32>
    %shift_right_arithmetic3A_178 = arith.shrsi %get3A_175, %shift_right_arithmetic3A_177 : vector<16xi32>
    %shift_left3A_179 = arith.constant 11 : i32
    %shift_left3A_180 = vector.broadcast %shift_left3A_179 : i32 to vector<16xi32>
    %shift_left3A_181 = arith.shli %shift_right_arithmetic3A_178, %shift_left3A_180 : vector<16xi32>
    %and3A_182 = arith.constant 2047 : i32
    %and3A_183 = vector.broadcast %and3A_182 : i32 to vector<16xi32>
    %and3A_184 = arith.andi %get3A_175, %and3A_183 : vector<16xi32>
    %add3A_185 = arith.addi %shift_left3A_181, %and3A_184 : vector<16xi32>
    %swap3A_186 = arith.constant 1 : i32
    %swap3A_187 = arith.index_cast %swap3A_186 : i32 to index
    %swap3A_188 = arith.constant 48 : index
    %swap3A_189 = tpu.vector_load %arg6[%swap3A_187, %swap3A_188] {strides = array<i32>} : memref<2x128xi32, #tpu.memory_space<vmem>>, vector<16xi32>,
    tpu.vector_store %arg6[%swap3A_187, %swap3A_188], %add3A_185 {strides = array<i32>} : memref<2x128xi32, #tpu.memory_space<vmem>>, vector<16xi32>,
    %get3A_190 = arith.constant 192 : index
    %get3A_191 = tpu.vector_load %arg5[%get3A_190] {strides = array<i32>} : memref<512xi32, #tpu.memory_space<vmem>>, vector<16xi32>,
    %shift_right_arithmetic3A_192 = arith.constant 12 : i32
    %shift_right_arithmetic3A_193 = vector.broadcast %shift_right_arithmetic3A_192 : i32 to vector<16xi32>
    %shift_right_arithmetic3A_194 = arith.shrsi %get3A_191, %shift_right_arithmetic3A_193 : vector<16xi32>
    %shift_left3A_195 = arith.constant 11 : i32
    %shift_left3A_196 = vector.broadcast %shift_left3A_195 : i32 to vector<16xi32>
    %shift_left3A_197 = arith.shli %shift_right_arithmetic3A_194, %shift_left3A_196 : vector<16xi32>
    %and3A_198 = arith.constant 2047 : i32
    %and3A_199 = vector.broadcast %and3A_198 : i32 to vector<16xi32>
    %and3A_200 = arith.andi %get3A_191, %and3A_199 : vector<16xi32>
    %add3A_201 = arith.addi %shift_left3A_197, %and3A_200 : vector<16xi32>
    %swap3A_202 = arith.constant 1 : i32
    %swap3A_203 = arith.index_cast %swap3A_202 : i32 to index
    %swap3A_204 = arith.constant 64 : index
    %swap3A_205 = tpu.vector_load %arg6[%swap3A_203, %swap3A_204] {strides = array<i32>} : memref<2x128xi32, #tpu.memory_space<vmem>>, vector<16xi32>,
    tpu.vector_store %arg6[%swap3A_203, %swap3A_204], %add3A_201 {strides = array<i32>} : memref<2x128xi32, #tpu.memory_space<vmem>>, vector<16xi32>,
    %get3A_206 = arith.constant 208 : index
    %get3A_207 = tpu.vector_load %arg5[%get3A_206] {strides = array<i32>} : memref<512xi32, #tpu.memory_space<vmem>>, vector<16xi32>,
    %shift_right_arithmetic3A_208 = arith.constant 12 : i32
    %shift_right_arithmetic3A_209 = vector.broadcast %shift_right_arithmetic3A_208 : i32 to vector<16xi32>
    %shift_right_arithmetic3A_210 = arith.shrsi %get3A_207, %shift_right_arithmetic3A_209 : vector<16xi32>
    %shift_left3A_211 = arith.constant 11 : i32
    %shift_left3A_212 = vector.broadcast %shift_left3A_211 : i32 to vector<16xi32>
    %shift_left3A_213 = arith.shli %shift_right_arithmetic3A_210, %shift_left3A_212 : vector<16xi32>
    %and3A_214 = arith.constant 2047 : i32
    %and3A_215 = vector.broadcast %and3A_214 : i32 to vector<16xi32>
    %and3A_216 = arith.andi %get3A_207, %and3A_215 : vector<16xi32>
    %add3A_217 = arith.addi %shift_left3A_213, %and3A_216 : vector<16xi32>
    %swap3A_218 = arith.constant 1 : i32
    %swap3A_219 = arith.index_cast %swap3A_218 : i32 to index
    %swap3A_220 = arith.constant 80 : index
    %swap3A_221 = tpu.vector_load %arg6[%swap3A_219, %swap3A_220] {strides = array<i32>} : memref<2x128xi32, #tpu.memory_space<vmem>>, vector<16xi32>,
    tpu.vector_store %arg6[%swap3A_219, %swap3A_220], %add3A_217 {strides = array<i32>} : memref<2x128xi32, #tpu.memory_space<vmem>>, vector<16xi32>,
    %get3A_222 = arith.constant 224 : index
    %get3A_223 = tpu.vector_load %arg5[%get3A_222] {strides = array<i32>} : memref<512xi32, #tpu.memory_space<vmem>>, vector<16xi32>,
    %shift_right_arithmetic3A_224 = arith.constant 12 : i32
    %shift_right_arithmetic3A_225 = vector.broadcast %shift_right_arithmetic3A_224 : i32 to vector<16xi32>
    %shift_right_arithmetic3A_226 = arith.shrsi %get3A_223, %shift_right_arithmetic3A_225 : vector<16xi32>
    %shift_left3A_227 = arith.constant 11 : i32
    %shift_left3A_228 = vector.broadcast %shift_left3A_227 : i32 to vector<16xi32>
    %shift_left3A_229 = arith.shli %shift_right_arithmetic3A_226, %shift_left3A_228 : vector<16xi32>
    %and3A_230 = arith.constant 2047 : i32
    %and3A_231 = vector.broadcast %and3A_230 : i32 to vector<16xi32>
    %and3A_232 = arith.andi %get3A_223, %and3A_231 : vector<16xi32>
    %add3A_233 = arith.addi %shift_left3A_229, %and3A_232 : vector<16xi32>
    %swap3A_234 = arith.constant 1 : i32
    %swap3A_235 = arith.index_cast %swap3A_234 : i32 to index
    %swap3A_236 = arith.constant 96 : index
    %swap3A_237 = tpu.vector_load %arg6[%swap3A_235, %swap3A_236] {strides = array<i32>} : memref<2x128xi32, #tpu.memory_space<vmem>>, vector<16xi32>,
    tpu.vector_store %arg6[%swap3A_235, %swap3A_236], %add3A_233 {strides = array<i32>} : memref<2x128xi32, #tpu.memory_space<vmem>>, vector<16xi32>,
    %get3A_238 = arith.constant 240 : index
    %get3A_239 = tpu.vector_load %arg5[%get3A_238] {strides = array<i32>} : memref<512xi32, #tpu.memory_space<vmem>>, vector<16xi32>,
    %shift_right_arithmetic3A_240 = arith.constant 12 : i32
    %shift_right_arithmetic3A_241 = vector.broadcast %shift_right_arithmetic3A_240 : i32 to vector<16xi32>
    %shift_right_arithmetic3A_242 = arith.shrsi %get3A_239, %shift_right_arithmetic3A_241 : vector<16xi32>
    %shift_left3A_243 = arith.constant 11 : i32
    %shift_left3A_244 = vector.broadcast %shift_left3A_243 : i32 to vector<16xi32>
    %shift_left3A_245 = arith.shli %shift_right_arithmetic3A_242, %shift_left3A_244 : vector<16xi32>
    %and3A_246 = arith.constant 2047 : i32
    %and3A_247 = vector.broadcast %and3A_246 : i32 to vector<16xi32>
    %and3A_248 = arith.andi %get3A_239, %and3A_247 : vector<16xi32>
    %add3A_249 = arith.addi %shift_left3A_245, %and3A_248 : vector<16xi32>
    %swap3A_250 = arith.constant 1 : i32
    %swap3A_251 = arith.index_cast %swap3A_250 : i32 to index
    %swap3A_252 = arith.constant 112 : index
    %swap3A_253 = tpu.vector_load %arg6[%swap3A_251, %swap3A_252] {strides = array<i32>} : memref<2x128xi32, #tpu.memory_space<vmem>>, vector<16xi32>,
    tpu.vector_store %arg6[%swap3A_251, %swap3A_252], %add3A_249 {strides = array<i32>} : memref<2x128xi32, #tpu.memory_space<vmem>>, vector<16xi32>,
    %dma_start3A = arith.constant 0 : i32
    %dma_start3A_254 = arith.constant 0 : i32
    %dma_start3A_255 = arith.constant 0 : i32
    %dma_start3A_256 = tpu.memref_slice %arg7[%dma_start3A_254, %dma_start3A_255] : memref<256x128xf32, #tpu.memory_space<vmem>> -> memref<128x128xf32, #tpu.memory_space<vmem>>
    %dma_start3A_257 = arith.constant 0 : i32
    %dma_start3A_258 = tpu.memref_slice %arg6[%dma_start3A, %dma_start3A_257] : memref<2x128xi32, #tpu.memory_space<vmem>> -> memref<1x128xi32, #tpu.memory_space<vmem>>
    %dma_start3A_259 = tpu.memref_squeeze %dma_start3A_258 : memref<1x128xi32, #tpu.memory_space<vmem>> -> memref<128xi32, #tpu.memory_space<vmem>>
    %dma_start3A_260 = arith.constant 0 : i32
    %dma_start3A_261 = arith.constant 0 : i32
    %dma_start3A_262 = tpu.memref_slice %arg3[%dma_start3A_260, %dma_start3A_261] : memref<501760x128xf32, #tpu.memory_space<hbm>> -> memref<501760x128xf32, #tpu.memory_space<hbm>>
    tpu.enqueue_indirect_dma source(%dma_start3A_262 : memref<501760x128xf32, #tpu.memory_space<hbm>>) target(%dma_start3A_256 : memref<128x128xf32, #tpu.memory_space<vmem>>) offsets(%dma_start3A_259 : memref<128xi32, #tpu.memory_space<vmem>>) semaphore(%arg9 : memref<!tpu.dma_semaphore, #tpu.memory_space<semaphore_mem>>)
    %dma_start3A_263 = arith.constant 1 : i32
    %dma_start3A_264 = arith.constant 128 : i32
    %dma_start3A_265 = arith.constant 0 : i32
    %dma_start3A_266 = tpu.memref_slice %arg7[%dma_start3A_264, %dma_start3A_265] : memref<256x128xf32, #tpu.memory_space<vmem>> -> memref<128x128xf32, #tpu.memory_space<vmem>>
    %dma_start3A_267 = arith.constant 0 : i32
    %dma_start3A_268 = tpu.memref_slice %arg6[%dma_start3A_263, %dma_start3A_267] : memref<2x128xi32, #tpu.memory_space<vmem>> -> memref<1x128xi32, #tpu.memory_space<vmem>>
    %dma_start3A_269 = tpu.memref_squeeze %dma_start3A_268 : memref<1x128xi32, #tpu.memory_space<vmem>> -> memref<128xi32, #tpu.memory_space<vmem>>
    %dma_start3A_270 = arith.constant 0 : i32
    %dma_start3A_271 = arith.constant 0 : i32
    %dma_start3A_272 = tpu.memref_slice %arg3[%dma_start3A_270, %dma_start3A_271] : memref<501760x128xf32, #tpu.memory_space<hbm>> -> memref<501760x128xf32, #tpu.memory_space<hbm>>
    tpu.enqueue_indirect_dma source(%dma_start3A_272 : memref<501760x128xf32, #tpu.memory_space<hbm>>) target(%dma_start3A_266 : memref<128x128xf32, #tpu.memory_space<vmem>>) offsets(%dma_start3A_269 : memref<128xi32, #tpu.memory_space<vmem>>) semaphore(%arg9 : memref<!tpu.dma_semaphore, #tpu.memory_space<semaphore_mem>>)
    %dma_wait3A = arith.constant 0 : i32
    %dma_wait3A_273 = arith.constant 0 : i32
    %dma_wait3A_274 = arith.constant 0 : i32
    %dma_wait3A_275 = tpu.memref_slice %arg7[%dma_wait3A_273, %dma_wait3A_274] : memref<256x128xf32, #tpu.memory_space<vmem>> -> memref<128x128xf32, #tpu.memory_space<vmem>>
    %dma_wait3A_276 = arith.constant 0 : i32
    %dma_wait3A_277 = tpu.memref_slice %arg6[%dma_wait3A, %dma_wait3A_276] : memref<2x128xi32, #tpu.memory_space<vmem>> -> memref<1x128xi32, #tpu.memory_space<vmem>>
    %dma_wait3A_278 = tpu.memref_squeeze %dma_wait3A_277 : memref<1x128xi32, #tpu.memory_space<vmem>> -> memref<128xi32, #tpu.memory_space<vmem>>
    %dma_wait3A_279 = arith.constant 0 : i32
    %dma_wait3A_280 = arith.constant 0 : i32
    %dma_wait3A_281 = tpu.memref_slice %arg3[%dma_wait3A_279, %dma_wait3A_280] : memref<501760x128xf32, #tpu.memory_space<hbm>> -> memref<501760x128xf32, #tpu.memory_space<hbm>>
    tpu.wait_indirect_dma semaphore(%arg9 : memref<!tpu.dma_semaphore, #tpu.memory_space<semaphore_mem>>) src(%dma_wait3A_281 : memref<501760x128xf32, #tpu.memory_space<hbm>>) dst(%dma_wait3A_275 : memref<128x128xf32, #tpu.memory_space<vmem>>)
    %dma_wait3A_282 = arith.constant 1 : i32
    %dma_wait3A_283 = arith.constant 128 : i32
    %dma_wait3A_284 = arith.constant 0 : i32
    %dma_wait3A_285 = tpu.memref_slice %arg7[%dma_wait3A_283, %dma_wait3A_284] : memref<256x128xf32, #tpu.memory_space<vmem>> -> memref<128x128xf32, #tpu.memory_space<vmem>>
    %dma_wait3A_286 = arith.constant 0 : i32
    %dma_wait3A_287 = tpu.memref_slice %arg6[%dma_wait3A_282, %dma_wait3A_286] : memref<2x128xi32, #tpu.memory_space<vmem>> -> memref<1x128xi32, #tpu.memory_space<vmem>>
    %dma_wait3A_288 = tpu.memref_squeeze %dma_wait3A_287 : memref<1x128xi32, #tpu.memory_space<vmem>> -> memref<128xi32, #tpu.memory_space<vmem>>
    %dma_wait3A_289 = arith.constant 0 : i32
    %dma_wait3A_290 = arith.constant 0 : i32
    %dma_wait3A_291 = tpu.memref_slice %arg3[%dma_wait3A_289, %dma_wait3A_290] : memref<501760x128xf32, #tpu.memory_space<hbm>> -> memref<501760x128xf32, #tpu.memory_space<hbm>>
    tpu.wait_indirect_dma semaphore(%arg9 : memref<!tpu.dma_semaphore, #tpu.memory_space<semaphore_mem>>) src(%dma_wait3A_291 : memref<501760x128xf32, #tpu.memory_space<hbm>>) dst(%dma_wait3A_285 : memref<128x128xf32, #tpu.memory_space<vmem>>)
    %scan3A = arith.constant 0 : i32
    %scan3A_292 = arith.constant 0 : i32
    %scan3A_293 = arith.constant 16 : i32
    %scan3A_294 = arith.addi %scan3A_292, %scan3A_293 : i32
    %scan3A_295 = arith.constant 1 : i32
    %scan3A_296 = scf.for %scan3A_605 = %scan3A_292 to %scan3A_294 step %scan3A_295 iter_args(%scan3A_606 = %scan3A) -> (i32)  : i32 {
      %mul3A_607 = arith.constant 16 : i32
      %mul3A_608 = arith.muli %scan3A_605, %mul3A_607 : i32
      %add3A_609 = arith.constant 0 : i32
      %add3A_610 = arith.addi %add3A_609, %mul3A_608 : i32
      %get3A_611 = arith.index_cast %add3A_610 : i32 to index
      %get3A_612 = tpu.vector_load %arg5[%get3A_611] {strides = array<i32>} : memref<512xi32, #tpu.memory_space<vmem>>, vector<16xi32>,
      %mul3A_613 = arith.constant 16 : i32
      %mul3A_614 = arith.muli %scan3A_605, %mul3A_613 : i32
      %add3A_615 = arith.constant 0 : i32
      %add3A_616 = arith.addi %mul3A_614, %add3A_615 : i32
      %slice3A = vector.extract_strided_slice %get3A_612 {offsets = [0], sizes = [1], strides = [1]} : vector<16xi32> to vector<1xi32>
      %squeeze3A = vector.extract %slice3A[0] : i32 from vector<1xi32>
      %shift_right_arithmetic3A_617 = arith.constant 11 : i32
      %shift_right_arithmetic3A_618 = arith.shrsi %squeeze3A, %shift_right_arithmetic3A_617 : i32
      %and3A_619 = arith.constant 1 : i32
      %and3A_620 = arith.andi %shift_right_arithmetic3A_618, %and3A_619 : i32
      %mul3A_621 = arith.constant 64 : i32
      %mul3A_622 = arith.muli %and3A_620, %mul3A_621 : i32
      %broadcast_in_dim3A = arith.constant 0 : i32
      %broadcast_in_dim3A_623 = vector.broadcast %broadcast_in_dim3A : i32 to vector<16xi32>
      %add3A_624 = vector.broadcast %add3A_616 : i32 to vector<16xi32>
      %add3A_625 = arith.addi %broadcast_in_dim3A_623, %add3A_624 : vector<16xi32>
      %add3A_626 = arith.constant 0 : i32
      %add3A_627 = arith.addi %mul3A_622, %add3A_626 : i32
      %add3A_628 = vector.broadcast %add3A_627 : i32 to vector<16xi32>
      %add3A_629 = arith.addi %add3A_628, %iota3A : vector<16xi32>
      %gather3A = tpu.vector_load_idx %arg7[%add3A_625, %add3A_629] : memref<256x128xf32, #tpu.memory_space<vmem>>[vector<16xi32>, vector<16xi32>], vector<16xf32>,
      %add3A_630 = arith.constant 0 : i32
      %add3A_631 = vector.broadcast %add3A_630 : i32 to vector<16xi32>
      %add3A_632 = arith.addi %add3A_631, %iota3A : vector<16xi32>
      tpu.vector_store_idx %arg8[%add3A_625, %add3A_632], %gather3A : memref<256x64xf32, #tpu.memory_space<vmem>>[vector<16xi32>, vector<16xi32>], vector<16xf32>,
      %add3A_633 = arith.constant 16 : i32
      %add3A_634 = arith.addi %mul3A_622, %add3A_633 : i32
      %add3A_635 = vector.broadcast %add3A_634 : i32 to vector<16xi32>
      %add3A_636 = arith.addi %add3A_635, %iota3A : vector<16xi32>
      %gather3A_637 = tpu.vector_load_idx %arg7[%add3A_625, %add3A_636] : memref<256x128xf32, #tpu.memory_space<vmem>>[vector<16xi32>, vector<16xi32>], vector<16xf32>,
      %add3A_638 = arith.constant 16 : i32
      %add3A_639 = vector.broadcast %add3A_638 : i32 to vector<16xi32>
      %add3A_640 = arith.addi %add3A_639, %iota3A : vector<16xi32>
      tpu.vector_store_idx %arg8[%add3A_625, %add3A_640], %gather3A_637 : memref<256x64xf32, #tpu.memory_space<vmem>>[vector<16xi32>, vector<16xi32>], vector<16xf32>,
      %add3A_641 = arith.constant 32 : i32
      %add3A_642 = arith.addi %mul3A_622, %add3A_641 : i32
      %add3A_643 = vector.broadcast %add3A_642 : i32 to vector<16xi32>
      %add3A_644 = arith.addi %add3A_643, %iota3A : vector<16xi32>
      %gather3A_645 = tpu.vector_load_idx %arg7[%add3A_625, %add3A_644] : memref<256x128xf32, #tpu.memory_space<vmem>>[vector<16xi32>, vector<16xi32>], vector<16xf32>,
      %add3A_646 = arith.constant 32 : i32
      %add3A_647 = vector.broadcast %add3A_646 : i32 to vector<16xi32>
      %add3A_648 = arith.addi %add3A_647, %iota3A : vector<16xi32>
      tpu.vector_store_idx %arg8[%add3A_625, %add3A_648], %gather3A_645 : memref<256x64xf32, #tpu.memory_space<vmem>>[vector<16xi32>, vector<16xi32>], vector<16xf32>,
      %add3A_649 = arith.constant 48 : i32
      %add3A_650 = arith.addi %mul3A_622, %add3A_649 : i32
      %add3A_651 = vector.broadcast %add3A_650 : i32 to vector<16xi32>
      %add3A_652 = arith.addi %add3A_651, %iota3A : vector<16xi32>
      %gather3A_653 = tpu.vector_load_idx %arg7[%add3A_625, %add3A_652] : memref<256x128xf32, #tpu.memory_space<vmem>>[vector<16xi32>, vector<16xi32>], vector<16xf32>,
      %add3A_654 = arith.constant 48 : i32
      %add3A_655 = vector.broadcast %add3A_654 : i32 to vector<16xi32>
      %add3A_656 = arith.addi %add3A_655, %iota3A : vector<16xi32>
      tpu.vector_store_idx %arg8[%add3A_625, %add3A_656], %gather3A_653 : memref<256x64xf32, #tpu.memory_space<vmem>>[vector<16xi32>, vector<16xi32>], vector<16xf32>,
      %mul3A_657 = arith.constant 16 : i32
      %mul3A_658 = arith.muli %scan3A_605, %mul3A_657 : i32
      %add3A_659 = arith.constant 1 : i32
      %add3A_660 = arith.addi %mul3A_658, %add3A_659 : i32
      %slice3A_661 = vector.extract_strided_slice %get3A_612 {offsets = [1], sizes = [1], strides = [1]} : vector<16xi32> to vector<1xi32>
      %squeeze3A_662 = vector.extract %slice3A_661[0] : i32 from vector<1xi32>
      %shift_right_arithmetic3A_663 = arith.constant 11 : i32
      %shift_right_arithmetic3A_664 = arith.shrsi %squeeze3A_662, %shift_right_arithmetic3A_663 : i32
      %and3A_665 = arith.constant 1 : i32
      %and3A_666 = arith.andi %shift_right_arithmetic3A_664, %and3A_665 : i32
      %mul3A_667 = arith.constant 64 : i32
      %mul3A_668 = arith.muli %and3A_666, %mul3A_667 : i32
      %broadcast_in_dim3A_669 = arith.constant 0 : i32
      %broadcast_in_dim3A_670 = vector.broadcast %broadcast_in_dim3A_669 : i32 to vector<16xi32>
      %add3A_671 = vector.broadcast %add3A_660 : i32 to vector<16xi32>
      %add3A_672 = arith.addi %broadcast_in_dim3A_670, %add3A_671 : vector<16xi32>
      %add3A_673 = arith.constant 0 : i32
      %add3A_674 = arith.addi %mul3A_668, %add3A_673 : i32
      %add3A_675 = vector.broadcast %add3A_674 : i32 to vector<16xi32>
      %add3A_676 = arith.addi %add3A_675, %iota3A : vector<16xi32>
      %gather3A_677 = tpu.vector_load_idx %arg7[%add3A_672, %add3A_676] : memref<256x128xf32, #tpu.memory_space<vmem>>[vector<16xi32>, vector<16xi32>], vector<16xf32>,
      %add3A_678 = arith.constant 0 : i32
      %add3A_679 = vector.broadcast %add3A_678 : i32 to vector<16xi32>
      %add3A_680 = arith.addi %add3A_679, %iota3A : vector<16xi32>
      tpu.vector_store_idx %arg8[%add3A_672, %add3A_680], %gather3A_677 : memref<256x64xf32, #tpu.memory_space<vmem>>[vector<16xi32>, vector<16xi32>], vector<16xf32>,
      %add3A_681 = arith.constant 16 : i32
      %add3A_682 = arith.addi %mul3A_668, %add3A_681 : i32
      %add3A_683 = vector.broadcast %add3A_682 : i32 to vector<16xi32>
      %add3A_684 = arith.addi %add3A_683, %iota3A : vector<16xi32>
      %gather3A_685 = tpu.vector_load_idx %arg7[%add3A_672, %add3A_684] : memref<256x128xf32, #tpu.memory_space<vmem>>[vector<16xi32>, vector<16xi32>], vector<16xf32>,
      %add3A_686 = arith.constant 16 : i32
      %add3A_687 = vector.broadcast %add3A_686 : i32 to vector<16xi32>
      %add3A_688 = arith.addi %add3A_687, %iota3A : vector<16xi32>
      tpu.vector_store_idx %arg8[%add3A_672, %add3A_688], %gather3A_685 : memref<256x64xf32, #tpu.memory_space<vmem>>[vector<16xi32>, vector<16xi32>], vector<16xf32>,
      %add3A_689 = arith.constant 32 : i32
      %add3A_690 = arith.addi %mul3A_668, %add3A_689 : i32
      %add3A_691 = vector.broadcast %add3A_690 : i32 to vector<16xi32>
      %add3A_692 = arith.addi %add3A_691, %iota3A : vector<16xi32>
      %gather3A_693 = tpu.vector_load_idx %arg7[%add3A_672, %add3A_692] : memref<256x128xf32, #tpu.memory_space<vmem>>[vector<16xi32>, vector<16xi32>], vector<16xf32>,
      %add3A_694 = arith.constant 32 : i32
      %add3A_695 = vector.broadcast %add3A_694 : i32 to vector<16xi32>
      %add3A_696 = arith.addi %add3A_695, %iota3A : vector<16xi32>
      tpu.vector_store_idx %arg8[%add3A_672, %add3A_696], %gather3A_693 : memref<256x64xf32, #tpu.memory_space<vmem>>[vector<16xi32>, vector<16xi32>], vector<16xf32>,
      %add3A_697 = arith.constant 48 : i32
      %add3A_698 = arith.addi %mul3A_668, %add3A_697 : i32
      %add3A_699 = vector.broadcast %add3A_698 : i32 to vector<16xi32>
      %add3A_700 = arith.addi %add3A_699, %iota3A : vector<16xi32>
      %gather3A_701 = tpu.vector_load_idx %arg7[%add3A_672, %add3A_700] : memref<256x128xf32, #tpu.memory_space<vmem>>[vector<16xi32>, vector<16xi32>], vector<16xf32>,
      %add3A_702 = arith.constant 48 : i32
      %add3A_703 = vector.broadcast %add3A_702 : i32 to vector<16xi32>
      %add3A_704 = arith.addi %add3A_703, %iota3A : vector<16xi32>
      tpu.vector_store_idx %arg8[%add3A_672, %add3A_704], %gather3A_701 : memref<256x64xf32, #tpu.memory_space<vmem>>[vector<16xi32>, vector<16xi32>], vector<16xf32>,
      %mul3A_705 = arith.constant 16 : i32
      %mul3A_706 = arith.muli %scan3A_605, %mul3A_705 : i32
      %add3A_707 = arith.constant 2 : i32
      %add3A_708 = arith.addi %mul3A_706, %add3A_707 : i32
      %slice3A_709 = vector.extract_strided_slice %get3A_612 {offsets = [2], sizes = [1], strides = [1]} : vector<16xi32> to vector<1xi32>
      %squeeze3A_710 = vector.extract %slice3A_709[0] : i32 from vector<1xi32>
      %shift_right_arithmetic3A_711 = arith.constant 11 : i32
      %shift_right_arithmetic3A_712 = arith.shrsi %squeeze3A_710, %shift_right_arithmetic3A_711 : i32
      %and3A_713 = arith.constant 1 : i32
      %and3A_714 = arith.andi %shift_right_arithmetic3A_712, %and3A_713 : i32
      %mul3A_715 = arith.constant 64 : i32
      %mul3A_716 = arith.muli %and3A_714, %mul3A_715 : i32
      %broadcast_in_dim3A_717 = arith.constant 0 : i32
      %broadcast_in_dim3A_718 = vector.broadcast %broadcast_in_dim3A_717 : i32 to vector<16xi32>
      %add3A_719 = vector.broadcast %add3A_708 : i32 to vector<16xi32>
      %add3A_720 = arith.addi %broadcast_in_dim3A_718, %add3A_719 : vector<16xi32>
      %add3A_721 = arith.constant 0 : i32
      %add3A_722 = arith.addi %mul3A_716, %add3A_721 : i32
      %add3A_723 = vector.broadcast %add3A_722 : i32 to vector<16xi32>
      %add3A_724 = arith.addi %add3A_723, %iota3A : vector<16xi32>
      %gather3A_725 = tpu.vector_load_idx %arg7[%add3A_720, %add3A_724] : memref<256x128xf32, #tpu.memory_space<vmem>>[vector<16xi32>, vector<16xi32>], vector<16xf32>,
      %add3A_726 = arith.constant 0 : i32
      %add3A_727 = vector.broadcast %add3A_726 : i32 to vector<16xi32>
      %add3A_728 = arith.addi %add3A_727, %iota3A : vector<16xi32>
      tpu.vector_store_idx %arg8[%add3A_720, %add3A_728], %gather3A_725 : memref<256x64xf32, #tpu.memory_space<vmem>>[vector<16xi32>, vector<16xi32>], vector<16xf32>,
      %add3A_729 = arith.constant 16 : i32
      %add3A_730 = arith.addi %mul3A_716, %add3A_729 : i32
      %add3A_731 = vector.broadcast %add3A_730 : i32 to vector<16xi32>
      %add3A_732 = arith.addi %add3A_731, %iota3A : vector<16xi32>
      %gather3A_733 = tpu.vector_load_idx %arg7[%add3A_720, %add3A_732] : memref<256x128xf32, #tpu.memory_space<vmem>>[vector<16xi32>, vector<16xi32>], vector<16xf32>,
      %add3A_734 = arith.constant 16 : i32
      %add3A_735 = vector.broadcast %add3A_734 : i32 to vector<16xi32>
      %add3A_736 = arith.addi %add3A_735, %iota3A : vector<16xi32>
      tpu.vector_store_idx %arg8[%add3A_720, %add3A_736], %gather3A_733 : memref<256x64xf32, #tpu.memory_space<vmem>>[vector<16xi32>, vector<16xi32>], vector<16xf32>,
      %add3A_737 = arith.constant 32 : i32
      %add3A_738 = arith.addi %mul3A_716, %add3A_737 : i32
      %add3A_739 = vector.broadcast %add3A_738 : i32 to vector<16xi32>
      %add3A_740 = arith.addi %add3A_739, %iota3A : vector<16xi32>
      %gather3A_741 = tpu.vector_load_idx %arg7[%add3A_720, %add3A_740] : memref<256x128xf32, #tpu.memory_space<vmem>>[vector<16xi32>, vector<16xi32>], vector<16xf32>,
      %add3A_742 = arith.constant 32 : i32
      %add3A_743 = vector.broadcast %add3A_742 : i32 to vector<16xi32>
      %add3A_744 = arith.addi %add3A_743, %iota3A : vector<16xi32>
      tpu.vector_store_idx %arg8[%add3A_720, %add3A_744], %gather3A_741 : memref<256x64xf32, #tpu.memory_space<vmem>>[vector<16xi32>, vector<16xi32>], vector<16xf32>,
      %add3A_745 = arith.constant 48 : i32
      %add3A_746 = arith.addi %mul3A_716, %add3A_745 : i32
      %add3A_747 = vector.broadcast %add3A_746 : i32 to vector<16xi32>
      %add3A_748 = arith.addi %add3A_747, %iota3A : vector<16xi32>
      %gather3A_749 = tpu.vector_load_idx %arg7[%add3A_720, %add3A_748] : memref<256x128xf32, #tpu.memory_space<vmem>>[vector<16xi32>, vector<16xi32>], vector<16xf32>,
      %add3A_750 = arith.constant 48 : i32
      %add3A_751 = vector.broadcast %add3A_750 : i32 to vector<16xi32>
      %add3A_752 = arith.addi %add3A_751, %iota3A : vector<16xi32>
      tpu.vector_store_idx %arg8[%add3A_720, %add3A_752], %gather3A_749 : memref<256x64xf32, #tpu.memory_space<vmem>>[vector<16xi32>, vector<16xi32>], vector<16xf32>,
      %mul3A_753 = arith.constant 16 : i32
      %mul3A_754 = arith.muli %scan3A_605, %mul3A_753 : i32
      %add3A_755 = arith.constant 3 : i32
      %add3A_756 = arith.addi %mul3A_754, %add3A_755 : i32
      %slice3A_757 = vector.extract_strided_slice %get3A_612 {offsets = [3], sizes = [1], strides = [1]} : vector<16xi32> to vector<1xi32>
      %squeeze3A_758 = vector.extract %slice3A_757[0] : i32 from vector<1xi32>
      %shift_right_arithmetic3A_759 = arith.constant 11 : i32
      %shift_right_arithmetic3A_760 = arith.shrsi %squeeze3A_758, %shift_right_arithmetic3A_759 : i32
      %and3A_761 = arith.constant 1 : i32
      %and3A_762 = arith.andi %shift_right_arithmetic3A_760, %and3A_761 : i32
      %mul3A_763 = arith.constant 64 : i32
      %mul3A_764 = arith.muli %and3A_762, %mul3A_763 : i32
      %broadcast_in_dim3A_765 = arith.constant 0 : i32
      %broadcast_in_dim3A_766 = vector.broadcast %broadcast_in_dim3A_765 : i32 to vector<16xi32>
      %add3A_767 = vector.broadcast %add3A_756 : i32 to vector<16xi32>
      %add3A_768 = arith.addi %broadcast_in_dim3A_766, %add3A_767 : vector<16xi32>
      %add3A_769 = arith.constant 0 : i32
      %add3A_770 = arith.addi %mul3A_764, %add3A_769 : i32
      %add3A_771 = vector.broadcast %add3A_770 : i32 to vector<16xi32>
      %add3A_772 = arith.addi %add3A_771, %iota3A : vector<16xi32>
      %gather3A_773 = tpu.vector_load_idx %arg7[%add3A_768, %add3A_772] : memref<256x128xf32, #tpu.memory_space<vmem>>[vector<16xi32>, vector<16xi32>], vector<16xf32>,
      %add3A_774 = arith.constant 0 : i32
      %add3A_775 = vector.broadcast %add3A_774 : i32 to vector<16xi32>
      %add3A_776 = arith.addi %add3A_775, %iota3A : vector<16xi32>
      tpu.vector_store_idx %arg8[%add3A_768, %add3A_776], %gather3A_773 : memref<256x64xf32, #tpu.memory_space<vmem>>[vector<16xi32>, vector<16xi32>], vector<16xf32>,
      %add3A_777 = arith.constant 16 : i32
      %add3A_778 = arith.addi %mul3A_764, %add3A_777 : i32
      %add3A_779 = vector.broadcast %add3A_778 : i32 to vector<16xi32>
      %add3A_780 = arith.addi %add3A_779, %iota3A : vector<16xi32>
      %gather3A_781 = tpu.vector_load_idx %arg7[%add3A_768, %add3A_780] : memref<256x128xf32, #tpu.memory_space<vmem>>[vector<16xi32>, vector<16xi32>], vector<16xf32>,
      %add3A_782 = arith.constant 16 : i32
      %add3A_783 = vector.broadcast %add3A_782 : i32 to vector<16xi32>
      %add3A_784 = arith.addi %add3A_783, %iota3A : vector<16xi32>
      tpu.vector_store_idx %arg8[%add3A_768, %add3A_784], %gather3A_781 : memref<256x64xf32, #tpu.memory_space<vmem>>[vector<16xi32>, vector<16xi32>], vector<16xf32>,
      %add3A_785 = arith.constant 32 : i32
      %add3A_786 = arith.addi %mul3A_764, %add3A_785 : i32
      %add3A_787 = vector.broadcast %add3A_786 : i32 to vector<16xi32>
      %add3A_788 = arith.addi %add3A_787, %iota3A : vector<16xi32>
      %gather3A_789 = tpu.vector_load_idx %arg7[%add3A_768, %add3A_788] : memref<256x128xf32, #tpu.memory_space<vmem>>[vector<16xi32>, vector<16xi32>], vector<16xf32>,
      %add3A_790 = arith.constant 32 : i32
      %add3A_791 = vector.broadcast %add3A_790 : i32 to vector<16xi32>
      %add3A_792 = arith.addi %add3A_791, %iota3A : vector<16xi32>
      tpu.vector_store_idx %arg8[%add3A_768, %add3A_792], %gather3A_789 : memref<256x64xf32, #tpu.memory_space<vmem>>[vector<16xi32>, vector<16xi32>], vector<16xf32>,
      %add3A_793 = arith.constant 48 : i32
      %add3A_794 = arith.addi %mul3A_764, %add3A_793 : i32
      %add3A_795 = vector.broadcast %add3A_794 : i32 to vector<16xi32>
      %add3A_796 = arith.addi %add3A_795, %iota3A : vector<16xi32>
      %gather3A_797 = tpu.vector_load_idx %arg7[%add3A_768, %add3A_796] : memref<256x128xf32, #tpu.memory_space<vmem>>[vector<16xi32>, vector<16xi32>], vector<16xf32>,
      %add3A_798 = arith.constant 48 : i32
      %add3A_799 = vector.broadcast %add3A_798 : i32 to vector<16xi32>
      %add3A_800 = arith.addi %add3A_799, %iota3A : vector<16xi32>
      tpu.vector_store_idx %arg8[%add3A_768, %add3A_800], %gather3A_797 : memref<256x64xf32, #tpu.memory_space<vmem>>[vector<16xi32>, vector<16xi32>], vector<16xf32>,
      %mul3A_801 = arith.constant 16 : i32
      %mul3A_802 = arith.muli %scan3A_605, %mul3A_801 : i32
      %add3A_803 = arith.constant 4 : i32
      %add3A_804 = arith.addi %mul3A_802, %add3A_803 : i32
      %slice3A_805 = vector.extract_strided_slice %get3A_612 {offsets = [4], sizes = [1], strides = [1]} : vector<16xi32> to vector<1xi32>
      %squeeze3A_806 = vector.extract %slice3A_805[0] : i32 from vector<1xi32>
      %shift_right_arithmetic3A_807 = arith.constant 11 : i32
      %shift_right_arithmetic3A_808 = arith.shrsi %squeeze3A_806, %shift_right_arithmetic3A_807 : i32
      %and3A_809 = arith.constant 1 : i32
      %and3A_810 = arith.andi %shift_right_arithmetic3A_808, %and3A_809 : i32
      %mul3A_811 = arith.constant 64 : i32
      %mul3A_812 = arith.muli %and3A_810, %mul3A_811 : i32
      %broadcast_in_dim3A_813 = arith.constant 0 : i32
      %broadcast_in_dim3A_814 = vector.broadcast %broadcast_in_dim3A_813 : i32 to vector<16xi32>
      %add3A_815 = vector.broadcast %add3A_804 : i32 to vector<16xi32>
      %add3A_816 = arith.addi %broadcast_in_dim3A_814, %add3A_815 : vector<16xi32>
      %add3A_817 = arith.constant 0 : i32
      %add3A_818 = arith.addi %mul3A_812, %add3A_817 : i32
      %add3A_819 = vector.broadcast %add3A_818 : i32 to vector<16xi32>
      %add3A_820 = arith.addi %add3A_819, %iota3A : vector<16xi32>
      %gather3A_821 = tpu.vector_load_idx %arg7[%add3A_816, %add3A_820] : memref<256x128xf32, #tpu.memory_space<vmem>>[vector<16xi32>, vector<16xi32>], vector<16xf32>,
      %add3A_822 = arith.constant 0 : i32
      %add3A_823 = vector.broadcast %add3A_822 : i32 to vector<16xi32>
      %add3A_824 = arith.addi %add3A_823, %iota3A : vector<16xi32>
      tpu.vector_store_idx %arg8[%add3A_816, %add3A_824], %gather3A_821 : memref<256x64xf32, #tpu.memory_space<vmem>>[vector<16xi32>, vector<16xi32>], vector<16xf32>,
      %add3A_825 = arith.constant 16 : i32
      %add3A_826 = arith.addi %mul3A_812, %add3A_825 : i32
      %add3A_827 = vector.broadcast %add3A_826 : i32 to vector<16xi32>
      %add3A_828 = arith.addi %add3A_827, %iota3A : vector<16xi32>
      %gather3A_829 = tpu.vector_load_idx %arg7[%add3A_816, %add3A_828] : memref<256x128xf32, #tpu.memory_space<vmem>>[vector<16xi32>, vector<16xi32>], vector<16xf32>,
      %add3A_830 = arith.constant 16 : i32
      %add3A_831 = vector.broadcast %add3A_830 : i32 to vector<16xi32>
      %add3A_832 = arith.addi %add3A_831, %iota3A : vector<16xi32>
      tpu.vector_store_idx %arg8[%add3A_816, %add3A_832], %gather3A_829 : memref<256x64xf32, #tpu.memory_space<vmem>>[vector<16xi32>, vector<16xi32>], vector<16xf32>,
      %add3A_833 = arith.constant 32 : i32
      %add3A_834 = arith.addi %mul3A_812, %add3A_833 : i32
      %add3A_835 = vector.broadcast %add3A_834 : i32 to vector<16xi32>
      %add3A_836 = arith.addi %add3A_835, %iota3A : vector<16xi32>
      %gather3A_837 = tpu.vector_load_idx %arg7[%add3A_816, %add3A_836] : memref<256x128xf32, #tpu.memory_space<vmem>>[vector<16xi32>, vector<16xi32>], vector<16xf32>,
      %add3A_838 = arith.constant 32 : i32
      %add3A_839 = vector.broadcast %add3A_838 : i32 to vector<16xi32>
      %add3A_840 = arith.addi %add3A_839, %iota3A : vector<16xi32>
      tpu.vector_store_idx %arg8[%add3A_816, %add3A_840], %gather3A_837 : memref<256x64xf32, #tpu.memory_space<vmem>>[vector<16xi32>, vector<16xi32>], vector<16xf32>,
      %add3A_841 = arith.constant 48 : i32
      %add3A_842 = arith.addi %mul3A_812, %add3A_841 : i32
      %add3A_843 = vector.broadcast %add3A_842 : i32 to vector<16xi32>
      %add3A_844 = arith.addi %add3A_843, %iota3A : vector<16xi32>
      %gather3A_845 = tpu.vector_load_idx %arg7[%add3A_816, %add3A_844] : memref<256x128xf32, #tpu.memory_space<vmem>>[vector<16xi32>, vector<16xi32>], vector<16xf32>,
      %add3A_846 = arith.constant 48 : i32
      %add3A_847 = vector.broadcast %add3A_846 : i32 to vector<16xi32>
      %add3A_848 = arith.addi %add3A_847, %iota3A : vector<16xi32>
      tpu.vector_store_idx %arg8[%add3A_816, %add3A_848], %gather3A_845 : memref<256x64xf32, #tpu.memory_space<vmem>>[vector<16xi32>, vector<16xi32>], vector<16xf32>,
      %mul3A_849 = arith.constant 16 : i32
      %mul3A_850 = arith.muli %scan3A_605, %mul3A_849 : i32
      %add3A_851 = arith.constant 5 : i32
      %add3A_852 = arith.addi %mul3A_850, %add3A_851 : i32
      %slice3A_853 = vector.extract_strided_slice %get3A_612 {offsets = [5], sizes = [1], strides = [1]} : vector<16xi32> to vector<1xi32>
      %squeeze3A_854 = vector.extract %slice3A_853[0] : i32 from vector<1xi32>
      %shift_right_arithmetic3A_855 = arith.constant 11 : i32
      %shift_right_arithmetic3A_856 = arith.shrsi %squeeze3A_854, %shift_right_arithmetic3A_855 : i32
      %and3A_857 = arith.constant 1 : i32
      %and3A_858 = arith.andi %shift_right_arithmetic3A_856, %and3A_857 : i32
      %mul3A_859 = arith.constant 64 : i32
      %mul3A_860 = arith.muli %and3A_858, %mul3A_859 : i32
      %broadcast_in_dim3A_861 = arith.constant 0 : i32
      %broadcast_in_dim3A_862 = vector.broadcast %broadcast_in_dim3A_861 : i32 to vector<16xi32>
      %add3A_863 = vector.broadcast %add3A_852 : i32 to vector<16xi32>
      %add3A_864 = arith.addi %broadcast_in_dim3A_862, %add3A_863 : vector<16xi32>
      %add3A_865 = arith.constant 0 : i32
      %add3A_866 = arith.addi %mul3A_860, %add3A_865 : i32
      %add3A_867 = vector.broadcast %add3A_866 : i32 to vector<16xi32>
      %add3A_868 = arith.addi %add3A_867, %iota3A : vector<16xi32>
      %gather3A_869 = tpu.vector_load_idx %arg7[%add3A_864, %add3A_868] : memref<256x128xf32, #tpu.memory_space<vmem>>[vector<16xi32>, vector<16xi32>], vector<16xf32>,
      %add3A_870 = arith.constant 0 : i32
      %add3A_871 = vector.broadcast %add3A_870 : i32 to vector<16xi32>
      %add3A_872 = arith.addi %add3A_871, %iota3A : vector<16xi32>
      tpu.vector_store_idx %arg8[%add3A_864, %add3A_872], %gather3A_869 : memref<256x64xf32, #tpu.memory_space<vmem>>[vector<16xi32>, vector<16xi32>], vector<16xf32>,
      %add3A_873 = arith.constant 16 : i32
      %add3A_874 = arith.addi %mul3A_860, %add3A_873 : i32
      %add3A_875 = vector.broadcast %add3A_874 : i32 to vector<16xi32>
      %add3A_876 = arith.addi %add3A_875, %iota3A : vector<16xi32>
      %gather3A_877 = tpu.vector_load_idx %arg7[%add3A_864, %add3A_876] : memref<256x128xf32, #tpu.memory_space<vmem>>[vector<16xi32>, vector<16xi32>], vector<16xf32>,
      %add3A_878 = arith.constant 16 : i32
      %add3A_879 = vector.broadcast %add3A_878 : i32 to vector<16xi32>
      %add3A_880 = arith.addi %add3A_879, %iota3A : vector<16xi32>
      tpu.vector_store_idx %arg8[%add3A_864, %add3A_880], %gather3A_877 : memref<256x64xf32, #tpu.memory_space<vmem>>[vector<16xi32>, vector<16xi32>], vector<16xf32>,
      %add3A_881 = arith.constant 32 : i32
      %add3A_882 = arith.addi %mul3A_860, %add3A_881 : i32
      %add3A_883 = vector.broadcast %add3A_882 : i32 to vector<16xi32>
      %add3A_884 = arith.addi %add3A_883, %iota3A : vector<16xi32>
      %gather3A_885 = tpu.vector_load_idx %arg7[%add3A_864, %add3A_884] : memref<256x128xf32, #tpu.memory_space<vmem>>[vector<16xi32>, vector<16xi32>], vector<16xf32>,
      %add3A_886 = arith.constant 32 : i32
      %add3A_887 = vector.broadcast %add3A_886 : i32 to vector<16xi32>
      %add3A_888 = arith.addi %add3A_887, %iota3A : vector<16xi32>
      tpu.vector_store_idx %arg8[%add3A_864, %add3A_888], %gather3A_885 : memref<256x64xf32, #tpu.memory_space<vmem>>[vector<16xi32>, vector<16xi32>], vector<16xf32>,
      %add3A_889 = arith.constant 48 : i32
      %add3A_890 = arith.addi %mul3A_860, %add3A_889 : i32
      %add3A_891 = vector.broadcast %add3A_890 : i32 to vector<16xi32>
      %add3A_892 = arith.addi %add3A_891, %iota3A : vector<16xi32>
      %gather3A_893 = tpu.vector_load_idx %arg7[%add3A_864, %add3A_892] : memref<256x128xf32, #tpu.memory_space<vmem>>[vector<16xi32>, vector<16xi32>], vector<16xf32>,
      %add3A_894 = arith.constant 48 : i32
      %add3A_895 = vector.broadcast %add3A_894 : i32 to vector<16xi32>
      %add3A_896 = arith.addi %add3A_895, %iota3A : vector<16xi32>
      tpu.vector_store_idx %arg8[%add3A_864, %add3A_896], %gather3A_893 : memref<256x64xf32, #tpu.memory_space<vmem>>[vector<16xi32>, vector<16xi32>], vector<16xf32>,
      %mul3A_897 = arith.constant 16 : i32
      %mul3A_898 = arith.muli %scan3A_605, %mul3A_897 : i32
      %add3A_899 = arith.constant 6 : i32
      %add3A_900 = arith.addi %mul3A_898, %add3A_899 : i32
      %slice3A_901 = vector.extract_strided_slice %get3A_612 {offsets = [6], sizes = [1], strides = [1]} : vector<16xi32> to vector<1xi32>
      %squeeze3A_902 = vector.extract %slice3A_901[0] : i32 from vector<1xi32>
      %shift_right_arithmetic3A_903 = arith.constant 11 : i32
      %shift_right_arithmetic3A_904 = arith.shrsi %squeeze3A_902, %shift_right_arithmetic3A_903 : i32
      %and3A_905 = arith.constant 1 : i32
      %and3A_906 = arith.andi %shift_right_arithmetic3A_904, %and3A_905 : i32
      %mul3A_907 = arith.constant 64 : i32
      %mul3A_908 = arith.muli %and3A_906, %mul3A_907 : i32
      %broadcast_in_dim3A_909 = arith.constant 0 : i32
      %broadcast_in_dim3A_910 = vector.broadcast %broadcast_in_dim3A_909 : i32 to vector<16xi32>
      %add3A_911 = vector.broadcast %add3A_900 : i32 to vector<16xi32>
      %add3A_912 = arith.addi %broadcast_in_dim3A_910, %add3A_911 : vector<16xi32>
      %add3A_913 = arith.constant 0 : i32
      %add3A_914 = arith.addi %mul3A_908, %add3A_913 : i32
      %add3A_915 = vector.broadcast %add3A_914 : i32 to vector<16xi32>
      %add3A_916 = arith.addi %add3A_915, %iota3A : vector<16xi32>
      %gather3A_917 = tpu.vector_load_idx %arg7[%add3A_912, %add3A_916] : memref<256x128xf32, #tpu.memory_space<vmem>>[vector<16xi32>, vector<16xi32>], vector<16xf32>,
      %add3A_918 = arith.constant 0 : i32
      %add3A_919 = vector.broadcast %add3A_918 : i32 to vector<16xi32>
      %add3A_920 = arith.addi %add3A_919, %iota3A : vector<16xi32>
      tpu.vector_store_idx %arg8[%add3A_912, %add3A_920], %gather3A_917 : memref<256x64xf32, #tpu.memory_space<vmem>>[vector<16xi32>, vector<16xi32>], vector<16xf32>,
      %add3A_921 = arith.constant 16 : i32
      %add3A_922 = arith.addi %mul3A_908, %add3A_921 : i32
      %add3A_923 = vector.broadcast %add3A_922 : i32 to vector<16xi32>
      %add3A_924 = arith.addi %add3A_923, %iota3A : vector<16xi32>
      %gather3A_925 = tpu.vector_load_idx %arg7[%add3A_912, %add3A_924] : memref<256x128xf32, #tpu.memory_space<vmem>>[vector<16xi32>, vector<16xi32>], vector<16xf32>,
      %add3A_926 = arith.constant 16 : i32
      %add3A_927 = vector.broadcast %add3A_926 : i32 to vector<16xi32>
      %add3A_928 = arith.addi %add3A_927, %iota3A : vector<16xi32>
      tpu.vector_store_idx %arg8[%add3A_912, %add3A_928], %gather3A_925 : memref<256x64xf32, #tpu.memory_space<vmem>>[vector<16xi32>, vector<16xi32>], vector<16xf32>,
      %add3A_929 = arith.constant 32 : i32
      %add3A_930 = arith.addi %mul3A_908, %add3A_929 : i32
      %add3A_931 = vector.broadcast %add3A_930 : i32 to vector<16xi32>
      %add3A_932 = arith.addi %add3A_931, %iota3A : vector<16xi32>
      %gather3A_933 = tpu.vector_load_idx %arg7[%add3A_912, %add3A_932] : memref<256x128xf32, #tpu.memory_space<vmem>>[vector<16xi32>, vector<16xi32>], vector<16xf32>,
      %add3A_934 = arith.constant 32 : i32
      %add3A_935 = vector.broadcast %add3A_934 : i32 to vector<16xi32>
      %add3A_936 = arith.addi %add3A_935, %iota3A : vector<16xi32>
      tpu.vector_store_idx %arg8[%add3A_912, %add3A_936], %gather3A_933 : memref<256x64xf32, #tpu.memory_space<vmem>>[vector<16xi32>, vector<16xi32>], vector<16xf32>,
      %add3A_937 = arith.constant 48 : i32
      %add3A_938 = arith.addi %mul3A_908, %add3A_937 : i32
      %add3A_939 = vector.broadcast %add3A_938 : i32 to vector<16xi32>
      %add3A_940 = arith.addi %add3A_939, %iota3A : vector<16xi32>
      %gather3A_941 = tpu.vector_load_idx %arg7[%add3A_912, %add3A_940] : memref<256x128xf32, #tpu.memory_space<vmem>>[vector<16xi32>, vector<16xi32>], vector<16xf32>,
      %add3A_942 = arith.constant 48 : i32
      %add3A_943 = vector.broadcast %add3A_942 : i32 to vector<16xi32>
      %add3A_944 = arith.addi %add3A_943, %iota3A : vector<16xi32>
      tpu.vector_store_idx %arg8[%add3A_912, %add3A_944], %gather3A_941 : memref<256x64xf32, #tpu.memory_space<vmem>>[vector<16xi32>, vector<16xi32>], vector<16xf32>,
      %mul3A_945 = arith.constant 16 : i32
      %mul3A_946 = arith.muli %scan3A_605, %mul3A_945 : i32
      %add3A_947 = arith.constant 7 : i32
      %add3A_948 = arith.addi %mul3A_946, %add3A_947 : i32
      %slice3A_949 = vector.extract_strided_slice %get3A_612 {offsets = [7], sizes = [1], strides = [1]} : vector<16xi32> to vector<1xi32>
      %squeeze3A_950 = vector.extract %slice3A_949[0] : i32 from vector<1xi32>
      %shift_right_arithmetic3A_951 = arith.constant 11 : i32
      %shift_right_arithmetic3A_952 = arith.shrsi %squeeze3A_950, %shift_right_arithmetic3A_951 : i32
      %and3A_953 = arith.constant 1 : i32
      %and3A_954 = arith.andi %shift_right_arithmetic3A_952, %and3A_953 : i32
      %mul3A_955 = arith.constant 64 : i32
      %mul3A_956 = arith.muli %and3A_954, %mul3A_955 : i32
      %broadcast_in_dim3A_957 = arith.constant 0 : i32
      %broadcast_in_dim3A_958 = vector.broadcast %broadcast_in_dim3A_957 : i32 to vector<16xi32>
      %add3A_959 = vector.broadcast %add3A_948 : i32 to vector<16xi32>
      %add3A_960 = arith.addi %broadcast_in_dim3A_958, %add3A_959 : vector<16xi32>
      %add3A_961 = arith.constant 0 : i32
      %add3A_962 = arith.addi %mul3A_956, %add3A_961 : i32
      %add3A_963 = vector.broadcast %add3A_962 : i32 to vector<16xi32>
      %add3A_964 = arith.addi %add3A_963, %iota3A : vector<16xi32>
      %gather3A_965 = tpu.vector_load_idx %arg7[%add3A_960, %add3A_964] : memref<256x128xf32, #tpu.memory_space<vmem>>[vector<16xi32>, vector<16xi32>], vector<16xf32>,
      %add3A_966 = arith.constant 0 : i32
      %add3A_967 = vector.broadcast %add3A_966 : i32 to vector<16xi32>
      %add3A_968 = arith.addi %add3A_967, %iota3A : vector<16xi32>
      tpu.vector_store_idx %arg8[%add3A_960, %add3A_968], %gather3A_965 : memref<256x64xf32, #tpu.memory_space<vmem>>[vector<16xi32>, vector<16xi32>], vector<16xf32>,
      %add3A_969 = arith.constant 16 : i32
      %add3A_970 = arith.addi %mul3A_956, %add3A_969 : i32
      %add3A_971 = vector.broadcast %add3A_970 : i32 to vector<16xi32>
      %add3A_972 = arith.addi %add3A_971, %iota3A : vector<16xi32>
      %gather3A_973 = tpu.vector_load_idx %arg7[%add3A_960, %add3A_972] : memref<256x128xf32, #tpu.memory_space<vmem>>[vector<16xi32>, vector<16xi32>], vector<16xf32>,
      %add3A_974 = arith.constant 16 : i32
      %add3A_975 = vector.broadcast %add3A_974 : i32 to vector<16xi32>
      %add3A_976 = arith.addi %add3A_975, %iota3A : vector<16xi32>
      tpu.vector_store_idx %arg8[%add3A_960, %add3A_976], %gather3A_973 : memref<256x64xf32, #tpu.memory_space<vmem>>[vector<16xi32>, vector<16xi32>], vector<16xf32>,
      %add3A_977 = arith.constant 32 : i32
      %add3A_978 = arith.addi %mul3A_956, %add3A_977 : i32
      %add3A_979 = vector.broadcast %add3A_978 : i32 to vector<16xi32>
      %add3A_980 = arith.addi %add3A_979, %iota3A : vector<16xi32>
      %gather3A_981 = tpu.vector_load_idx %arg7[%add3A_960, %add3A_980] : memref<256x128xf32, #tpu.memory_space<vmem>>[vector<16xi32>, vector<16xi32>], vector<16xf32>,
      %add3A_982 = arith.constant 32 : i32
      %add3A_983 = vector.broadcast %add3A_982 : i32 to vector<16xi32>
      %add3A_984 = arith.addi %add3A_983, %iota3A : vector<16xi32>
      tpu.vector_store_idx %arg8[%add3A_960, %add3A_984], %gather3A_981 : memref<256x64xf32, #tpu.memory_space<vmem>>[vector<16xi32>, vector<16xi32>], vector<16xf32>,
      %add3A_985 = arith.constant 48 : i32
      %add3A_986 = arith.addi %mul3A_956, %add3A_985 : i32
      %add3A_987 = vector.broadcast %add3A_986 : i32 to vector<16xi32>
      %add3A_988 = arith.addi %add3A_987, %iota3A : vector<16xi32>
      %gather3A_989 = tpu.vector_load_idx %arg7[%add3A_960, %add3A_988] : memref<256x128xf32, #tpu.memory_space<vmem>>[vector<16xi32>, vector<16xi32>], vector<16xf32>,
      %add3A_990 = arith.constant 48 : i32
      %add3A_991 = vector.broadcast %add3A_990 : i32 to vector<16xi32>
      %add3A_992 = arith.addi %add3A_991, %iota3A : vector<16xi32>
      tpu.vector_store_idx %arg8[%add3A_960, %add3A_992], %gather3A_989 : memref<256x64xf32, #tpu.memory_space<vmem>>[vector<16xi32>, vector<16xi32>], vector<16xf32>,
      %mul3A_993 = arith.constant 16 : i32
      %mul3A_994 = arith.muli %scan3A_605, %mul3A_993 : i32
      %add3A_995 = arith.constant 8 : i32
      %add3A_996 = arith.addi %mul3A_994, %add3A_995 : i32
      %slice3A_997 = vector.extract_strided_slice %get3A_612 {offsets = [8], sizes = [1], strides = [1]} : vector<16xi32> to vector<1xi32>
      %squeeze3A_998 = vector.extract %slice3A_997[0] : i32 from vector<1xi32>
      %shift_right_arithmetic3A_999 = arith.constant 11 : i32
      %shift_right_arithmetic3A_1000 = arith.shrsi %squeeze3A_998, %shift_right_arithmetic3A_999 : i32
      %and3A_1001 = arith.constant 1 : i32
      %and3A_1002 = arith.andi %shift_right_arithmetic3A_1000, %and3A_1001 : i32
      %mul3A_1003 = arith.constant 64 : i32
      %mul3A_1004 = arith.muli %and3A_1002, %mul3A_1003 : i32
      %broadcast_in_dim3A_1005 = arith.constant 0 : i32
      %broadcast_in_dim3A_1006 = vector.broadcast %broadcast_in_dim3A_1005 : i32 to vector<16xi32>
      %add3A_1007 = vector.broadcast %add3A_996 : i32 to vector<16xi32>
      %add3A_1008 = arith.addi %broadcast_in_dim3A_1006, %add3A_1007 : vector<16xi32>
      %add3A_1009 = arith.constant 0 : i32
      %add3A_1010 = arith.addi %mul3A_1004, %add3A_1009 : i32
      %add3A_1011 = vector.broadcast %add3A_1010 : i32 to vector<16xi32>
      %add3A_1012 = arith.addi %add3A_1011, %iota3A : vector<16xi32>
      %gather3A_1013 = tpu.vector_load_idx %arg7[%add3A_1008, %add3A_1012] : memref<256x128xf32, #tpu.memory_space<vmem>>[vector<16xi32>, vector<16xi32>], vector<16xf32>,
      %add3A_1014 = arith.constant 0 : i32
      %add3A_1015 = vector.broadcast %add3A_1014 : i32 to vector<16xi32>
      %add3A_1016 = arith.addi %add3A_1015, %iota3A : vector<16xi32>
      tpu.vector_store_idx %arg8[%add3A_1008, %add3A_1016], %gather3A_1013 : memref<256x64xf32, #tpu.memory_space<vmem>>[vector<16xi32>, vector<16xi32>], vector<16xf32>,
      %add3A_1017 = arith.constant 16 : i32
      %add3A_1018 = arith.addi %mul3A_1004, %add3A_1017 : i32
      %add3A_1019 = vector.broadcast %add3A_1018 : i32 to vector<16xi32>
      %add3A_1020 = arith.addi %add3A_1019, %iota3A : vector<16xi32>
      %gather3A_1021 = tpu.vector_load_idx %arg7[%add3A_1008, %add3A_1020] : memref<256x128xf32, #tpu.memory_space<vmem>>[vector<16xi32>, vector<16xi32>], vector<16xf32>,
      %add3A_1022 = arith.constant 16 : i32
      %add3A_1023 = vector.broadcast %add3A_1022 : i32 to vector<16xi32>
      %add3A_1024 = arith.addi %add3A_1023, %iota3A : vector<16xi32>
      tpu.vector_store_idx %arg8[%add3A_1008, %add3A_1024], %gather3A_1021 : memref<256x64xf32, #tpu.memory_space<vmem>>[vector<16xi32>, vector<16xi32>], vector<16xf32>,
      %add3A_1025 = arith.constant 32 : i32
      %add3A_1026 = arith.addi %mul3A_1004, %add3A_1025 : i32
      %add3A_1027 = vector.broadcast %add3A_1026 : i32 to vector<16xi32>
      %add3A_1028 = arith.addi %add3A_1027, %iota3A : vector<16xi32>
      %gather3A_1029 = tpu.vector_load_idx %arg7[%add3A_1008, %add3A_1028] : memref<256x128xf32, #tpu.memory_space<vmem>>[vector<16xi32>, vector<16xi32>], vector<16xf32>,
      %add3A_1030 = arith.constant 32 : i32
      %add3A_1031 = vector.broadcast %add3A_1030 : i32 to vector<16xi32>
      %add3A_1032 = arith.addi %add3A_1031, %iota3A : vector<16xi32>
      tpu.vector_store_idx %arg8[%add3A_1008, %add3A_1032], %gather3A_1029 : memref<256x64xf32, #tpu.memory_space<vmem>>[vector<16xi32>, vector<16xi32>], vector<16xf32>,
      %add3A_1033 = arith.constant 48 : i32
      %add3A_1034 = arith.addi %mul3A_1004, %add3A_1033 : i32
      %add3A_1035 = vector.broadcast %add3A_1034 : i32 to vector<16xi32>
      %add3A_1036 = arith.addi %add3A_1035, %iota3A : vector<16xi32>
      %gather3A_1037 = tpu.vector_load_idx %arg7[%add3A_1008, %add3A_1036] : memref<256x128xf32, #tpu.memory_space<vmem>>[vector<16xi32>, vector<16xi32>], vector<16xf32>,
      %add3A_1038 = arith.constant 48 : i32
      %add3A_1039 = vector.broadcast %add3A_1038 : i32 to vector<16xi32>
      %add3A_1040 = arith.addi %add3A_1039, %iota3A : vector<16xi32>
      tpu.vector_store_idx %arg8[%add3A_1008, %add3A_1040], %gather3A_1037 : memref<256x64xf32, #tpu.memory_space<vmem>>[vector<16xi32>, vector<16xi32>], vector<16xf32>,
      %mul3A_1041 = arith.constant 16 : i32
      %mul3A_1042 = arith.muli %scan3A_605, %mul3A_1041 : i32
      %add3A_1043 = arith.constant 9 : i32
      %add3A_1044 = arith.addi %mul3A_1042, %add3A_1043 : i32
      %slice3A_1045 = vector.extract_strided_slice %get3A_612 {offsets = [9], sizes = [1], strides = [1]} : vector<16xi32> to vector<1xi32>
      %squeeze3A_1046 = vector.extract %slice3A_1045[0] : i32 from vector<1xi32>
      %shift_right_arithmetic3A_1047 = arith.constant 11 : i32
      %shift_right_arithmetic3A_1048 = arith.shrsi %squeeze3A_1046, %shift_right_arithmetic3A_1047 : i32
      %and3A_1049 = arith.constant 1 : i32
      %and3A_1050 = arith.andi %shift_right_arithmetic3A_1048, %and3A_1049 : i32
      %mul3A_1051 = arith.constant 64 : i32
      %mul3A_1052 = arith.muli %and3A_1050, %mul3A_1051 : i32
      %broadcast_in_dim3A_1053 = arith.constant 0 : i32
      %broadcast_in_dim3A_1054 = vector.broadcast %broadcast_in_dim3A_1053 : i32 to vector<16xi32>
      %add3A_1055 = vector.broadcast %add3A_1044 : i32 to vector<16xi32>
      %add3A_1056 = arith.addi %broadcast_in_dim3A_1054, %add3A_1055 : vector<16xi32>
      %add3A_1057 = arith.constant 0 : i32
      %add3A_1058 = arith.addi %mul3A_1052, %add3A_1057 : i32
      %add3A_1059 = vector.broadcast %add3A_1058 : i32 to vector<16xi32>
      %add3A_1060 = arith.addi %add3A_1059, %iota3A : vector<16xi32>
      %gather3A_1061 = tpu.vector_load_idx %arg7[%add3A_1056, %add3A_1060] : memref<256x128xf32, #tpu.memory_space<vmem>>[vector<16xi32>, vector<16xi32>], vector<16xf32>,
      %add3A_1062 = arith.constant 0 : i32
      %add3A_1063 = vector.broadcast %add3A_1062 : i32 to vector<16xi32>
      %add3A_1064 = arith.addi %add3A_1063, %iota3A : vector<16xi32>
      tpu.vector_store_idx %arg8[%add3A_1056, %add3A_1064], %gather3A_1061 : memref<256x64xf32, #tpu.memory_space<vmem>>[vector<16xi32>, vector<16xi32>], vector<16xf32>,
      %add3A_1065 = arith.constant 16 : i32
      %add3A_1066 = arith.addi %mul3A_1052, %add3A_1065 : i32
      %add3A_1067 = vector.broadcast %add3A_1066 : i32 to vector<16xi32>
      %add3A_1068 = arith.addi %add3A_1067, %iota3A : vector<16xi32>
      %gather3A_1069 = tpu.vector_load_idx %arg7[%add3A_1056, %add3A_1068] : memref<256x128xf32, #tpu.memory_space<vmem>>[vector<16xi32>, vector<16xi32>], vector<16xf32>,
      %add3A_1070 = arith.constant 16 : i32
      %add3A_1071 = vector.broadcast %add3A_1070 : i32 to vector<16xi32>
      %add3A_1072 = arith.addi %add3A_1071, %iota3A : vector<16xi32>
      tpu.vector_store_idx %arg8[%add3A_1056, %add3A_1072], %gather3A_1069 : memref<256x64xf32, #tpu.memory_space<vmem>>[vector<16xi32>, vector<16xi32>], vector<16xf32>,
      %add3A_1073 = arith.constant 32 : i32
      %add3A_1074 = arith.addi %mul3A_1052, %add3A_1073 : i32
      %add3A_1075 = vector.broadcast %add3A_1074 : i32 to vector<16xi32>
      %add3A_1076 = arith.addi %add3A_1075, %iota3A : vector<16xi32>
      %gather3A_1077 = tpu.vector_load_idx %arg7[%add3A_1056, %add3A_1076] : memref<256x128xf32, #tpu.memory_space<vmem>>[vector<16xi32>, vector<16xi32>], vector<16xf32>,
      %add3A_1078 = arith.constant 32 : i32
      %add3A_1079 = vector.broadcast %add3A_1078 : i32 to vector<16xi32>
      %add3A_1080 = arith.addi %add3A_1079, %iota3A : vector<16xi32>
      tpu.vector_store_idx %arg8[%add3A_1056, %add3A_1080], %gather3A_1077 : memref<256x64xf32, #tpu.memory_space<vmem>>[vector<16xi32>, vector<16xi32>], vector<16xf32>,
      %add3A_1081 = arith.constant 48 : i32
      %add3A_1082 = arith.addi %mul3A_1052, %add3A_1081 : i32
      %add3A_1083 = vector.broadcast %add3A_1082 : i32 to vector<16xi32>
      %add3A_1084 = arith.addi %add3A_1083, %iota3A : vector<16xi32>
      %gather3A_1085 = tpu.vector_load_idx %arg7[%add3A_1056, %add3A_1084] : memref<256x128xf32, #tpu.memory_space<vmem>>[vector<16xi32>, vector<16xi32>], vector<16xf32>,
      %add3A_1086 = arith.constant 48 : i32
      %add3A_1087 = vector.broadcast %add3A_1086 : i32 to vector<16xi32>
      %add3A_1088 = arith.addi %add3A_1087, %iota3A : vector<16xi32>
      tpu.vector_store_idx %arg8[%add3A_1056, %add3A_1088], %gather3A_1085 : memref<256x64xf32, #tpu.memory_space<vmem>>[vector<16xi32>, vector<16xi32>], vector<16xf32>,
      %mul3A_1089 = arith.constant 16 : i32
      %mul3A_1090 = arith.muli %scan3A_605, %mul3A_1089 : i32
      %add3A_1091 = arith.constant 10 : i32
      %add3A_1092 = arith.addi %mul3A_1090, %add3A_1091 : i32
      %slice3A_1093 = vector.extract_strided_slice %get3A_612 {offsets = [10], sizes = [1], strides = [1]} : vector<16xi32> to vector<1xi32>
      %squeeze3A_1094 = vector.extract %slice3A_1093[0] : i32 from vector<1xi32>
      %shift_right_arithmetic3A_1095 = arith.constant 11 : i32
      %shift_right_arithmetic3A_1096 = arith.shrsi %squeeze3A_1094, %shift_right_arithmetic3A_1095 : i32
      %and3A_1097 = arith.constant 1 : i32
      %and3A_1098 = arith.andi %shift_right_arithmetic3A_1096, %and3A_1097 : i32
      %mul3A_1099 = arith.constant 64 : i32
      %mul3A_1100 = arith.muli %and3A_1098, %mul3A_1099 : i32
      %broadcast_in_dim3A_1101 = arith.constant 0 : i32
      %broadcast_in_dim3A_1102 = vector.broadcast %broadcast_in_dim3A_1101 : i32 to vector<16xi32>
      %add3A_1103 = vector.broadcast %add3A_1092 : i32 to vector<16xi32>
      %add3A_1104 = arith.addi %broadcast_in_dim3A_1102, %add3A_1103 : vector<16xi32>
      %add3A_1105 = arith.constant 0 : i32
      %add3A_1106 = arith.addi %mul3A_1100, %add3A_1105 : i32
      %add3A_1107 = vector.broadcast %add3A_1106 : i32 to vector<16xi32>
      %add3A_1108 = arith.addi %add3A_1107, %iota3A : vector<16xi32>
      %gather3A_1109 = tpu.vector_load_idx %arg7[%add3A_1104, %add3A_1108] : memref<256x128xf32, #tpu.memory_space<vmem>>[vector<16xi32>, vector<16xi32>], vector<16xf32>,
      %add3A_1110 = arith.constant 0 : i32
      %add3A_1111 = vector.broadcast %add3A_1110 : i32 to vector<16xi32>
      %add3A_1112 = arith.addi %add3A_1111, %iota3A : vector<16xi32>
      tpu.vector_store_idx %arg8[%add3A_1104, %add3A_1112], %gather3A_1109 : memref<256x64xf32, #tpu.memory_space<vmem>>[vector<16xi32>, vector<16xi32>], vector<16xf32>,
      %add3A_1113 = arith.constant 16 : i32
      %add3A_1114 = arith.addi %mul3A_1100, %add3A_1113 : i32
      %add3A_1115 = vector.broadcast %add3A_1114 : i32 to vector<16xi32>
      %add3A_1116 = arith.addi %add3A_1115, %iota3A : vector<16xi32>
      %gather3A_1117 = tpu.vector_load_idx %arg7[%add3A_1104, %add3A_1116] : memref<256x128xf32, #tpu.memory_space<vmem>>[vector<16xi32>, vector<16xi32>], vector<16xf32>,
      %add3A_1118 = arith.constant 16 : i32
      %add3A_1119 = vector.broadcast %add3A_1118 : i32 to vector<16xi32>
      %add3A_1120 = arith.addi %add3A_1119, %iota3A : vector<16xi32>
      tpu.vector_store_idx %arg8[%add3A_1104, %add3A_1120], %gather3A_1117 : memref<256x64xf32, #tpu.memory_space<vmem>>[vector<16xi32>, vector<16xi32>], vector<16xf32>,
      %add3A_1121 = arith.constant 32 : i32
      %add3A_1122 = arith.addi %mul3A_1100, %add3A_1121 : i32
      %add3A_1123 = vector.broadcast %add3A_1122 : i32 to vector<16xi32>
      %add3A_1124 = arith.addi %add3A_1123, %iota3A : vector<16xi32>
      %gather3A_1125 = tpu.vector_load_idx %arg7[%add3A_1104, %add3A_1124] : memref<256x128xf32, #tpu.memory_space<vmem>>[vector<16xi32>, vector<16xi32>], vector<16xf32>,
      %add3A_1126 = arith.constant 32 : i32
      %add3A_1127 = vector.broadcast %add3A_1126 : i32 to vector<16xi32>
      %add3A_1128 = arith.addi %add3A_1127, %iota3A : vector<16xi32>
      tpu.vector_store_idx %arg8[%add3A_1104, %add3A_1128], %gather3A_1125 : memref<256x64xf32, #tpu.memory_space<vmem>>[vector<16xi32>, vector<16xi32>], vector<16xf32>,
      %add3A_1129 = arith.constant 48 : i32
      %add3A_1130 = arith.addi %mul3A_1100, %add3A_1129 : i32
      %add3A_1131 = vector.broadcast %add3A_1130 : i32 to vector<16xi32>
      %add3A_1132 = arith.addi %add3A_1131, %iota3A : vector<16xi32>
      %gather3A_1133 = tpu.vector_load_idx %arg7[%add3A_1104, %add3A_1132] : memref<256x128xf32, #tpu.memory_space<vmem>>[vector<16xi32>, vector<16xi32>], vector<16xf32>,
      %add3A_1134 = arith.constant 48 : i32
      %add3A_1135 = vector.broadcast %add3A_1134 : i32 to vector<16xi32>
      %add3A_1136 = arith.addi %add3A_1135, %iota3A : vector<16xi32>
      tpu.vector_store_idx %arg8[%add3A_1104, %add3A_1136], %gather3A_1133 : memref<256x64xf32, #tpu.memory_space<vmem>>[vector<16xi32>, vector<16xi32>], vector<16xf32>,
      %mul3A_1137 = arith.constant 16 : i32
      %mul3A_1138 = arith.muli %scan3A_605, %mul3A_1137 : i32
      %add3A_1139 = arith.constant 11 : i32
      %add3A_1140 = arith.addi %mul3A_1138, %add3A_1139 : i32
      %slice3A_1141 = vector.extract_strided_slice %get3A_612 {offsets = [11], sizes = [1], strides = [1]} : vector<16xi32> to vector<1xi32>
      %squeeze3A_1142 = vector.extract %slice3A_1141[0] : i32 from vector<1xi32>
      %shift_right_arithmetic3A_1143 = arith.constant 11 : i32
      %shift_right_arithmetic3A_1144 = arith.shrsi %squeeze3A_1142, %shift_right_arithmetic3A_1143 : i32
      %and3A_1145 = arith.constant 1 : i32
      %and3A_1146 = arith.andi %shift_right_arithmetic3A_1144, %and3A_1145 : i32
      %mul3A_1147 = arith.constant 64 : i32
      %mul3A_1148 = arith.muli %and3A_1146, %mul3A_1147 : i32
      %broadcast_in_dim3A_1149 = arith.constant 0 : i32
      %broadcast_in_dim3A_1150 = vector.broadcast %broadcast_in_dim3A_1149 : i32 to vector<16xi32>
      %add3A_1151 = vector.broadcast %add3A_1140 : i32 to vector<16xi32>
      %add3A_1152 = arith.addi %broadcast_in_dim3A_1150, %add3A_1151 : vector<16xi32>
      %add3A_1153 = arith.constant 0 : i32
      %add3A_1154 = arith.addi %mul3A_1148, %add3A_1153 : i32
      %add3A_1155 = vector.broadcast %add3A_1154 : i32 to vector<16xi32>
      %add3A_1156 = arith.addi %add3A_1155, %iota3A : vector<16xi32>
      %gather3A_1157 = tpu.vector_load_idx %arg7[%add3A_1152, %add3A_1156] : memref<256x128xf32, #tpu.memory_space<vmem>>[vector<16xi32>, vector<16xi32>], vector<16xf32>,
      %add3A_1158 = arith.constant 0 : i32
      %add3A_1159 = vector.broadcast %add3A_1158 : i32 to vector<16xi32>
      %add3A_1160 = arith.addi %add3A_1159, %iota3A : vector<16xi32>
      tpu.vector_store_idx %arg8[%add3A_1152, %add3A_1160], %gather3A_1157 : memref<256x64xf32, #tpu.memory_space<vmem>>[vector<16xi32>, vector<16xi32>], vector<16xf32>,
      %add3A_1161 = arith.constant 16 : i32
      %add3A_1162 = arith.addi %mul3A_1148, %add3A_1161 : i32
      %add3A_1163 = vector.broadcast %add3A_1162 : i32 to vector<16xi32>
      %add3A_1164 = arith.addi %add3A_1163, %iota3A : vector<16xi32>
      %gather3A_1165 = tpu.vector_load_idx %arg7[%add3A_1152, %add3A_1164] : memref<256x128xf32, #tpu.memory_space<vmem>>[vector<16xi32>, vector<16xi32>], vector<16xf32>,
      %add3A_1166 = arith.constant 16 : i32
      %add3A_1167 = vector.broadcast %add3A_1166 : i32 to vector<16xi32>
      %add3A_1168 = arith.addi %add3A_1167, %iota3A : vector<16xi32>
      tpu.vector_store_idx %arg8[%add3A_1152, %add3A_1168], %gather3A_1165 : memref<256x64xf32, #tpu.memory_space<vmem>>[vector<16xi32>, vector<16xi32>], vector<16xf32>,
      %add3A_1169 = arith.constant 32 : i32
      %add3A_1170 = arith.addi %mul3A_1148, %add3A_1169 : i32
      %add3A_1171 = vector.broadcast %add3A_1170 : i32 to vector<16xi32>
      %add3A_1172 = arith.addi %add3A_1171, %iota3A : vector<16xi32>
      %gather3A_1173 = tpu.vector_load_idx %arg7[%add3A_1152, %add3A_1172] : memref<256x128xf32, #tpu.memory_space<vmem>>[vector<16xi32>, vector<16xi32>], vector<16xf32>,
      %add3A_1174 = arith.constant 32 : i32
      %add3A_1175 = vector.broadcast %add3A_1174 : i32 to vector<16xi32>
      %add3A_1176 = arith.addi %add3A_1175, %iota3A : vector<16xi32>
      tpu.vector_store_idx %arg8[%add3A_1152, %add3A_1176], %gather3A_1173 : memref<256x64xf32, #tpu.memory_space<vmem>>[vector<16xi32>, vector<16xi32>], vector<16xf32>,
      %add3A_1177 = arith.constant 48 : i32
      %add3A_1178 = arith.addi %mul3A_1148, %add3A_1177 : i32
      %add3A_1179 = vector.broadcast %add3A_1178 : i32 to vector<16xi32>
      %add3A_1180 = arith.addi %add3A_1179, %iota3A : vector<16xi32>
      %gather3A_1181 = tpu.vector_load_idx %arg7[%add3A_1152, %add3A_1180] : memref<256x128xf32, #tpu.memory_space<vmem>>[vector<16xi32>, vector<16xi32>], vector<16xf32>,
      %add3A_1182 = arith.constant 48 : i32
      %add3A_1183 = vector.broadcast %add3A_1182 : i32 to vector<16xi32>
      %add3A_1184 = arith.addi %add3A_1183, %iota3A : vector<16xi32>
      tpu.vector_store_idx %arg8[%add3A_1152, %add3A_1184], %gather3A_1181 : memref<256x64xf32, #tpu.memory_space<vmem>>[vector<16xi32>, vector<16xi32>], vector<16xf32>,
      %mul3A_1185 = arith.constant 16 : i32
      %mul3A_1186 = arith.muli %scan3A_605, %mul3A_1185 : i32
      %add3A_1187 = arith.constant 12 : i32
      %add3A_1188 = arith.addi %mul3A_1186, %add3A_1187 : i32
      %slice3A_1189 = vector.extract_strided_slice %get3A_612 {offsets = [12], sizes = [1], strides = [1]} : vector<16xi32> to vector<1xi32>
      %squeeze3A_1190 = vector.extract %slice3A_1189[0] : i32 from vector<1xi32>
      %shift_right_arithmetic3A_1191 = arith.constant 11 : i32
      %shift_right_arithmetic3A_1192 = arith.shrsi %squeeze3A_1190, %shift_right_arithmetic3A_1191 : i32
      %and3A_1193 = arith.constant 1 : i32
      %and3A_1194 = arith.andi %shift_right_arithmetic3A_1192, %and3A_1193 : i32
      %mul3A_1195 = arith.constant 64 : i32
      %mul3A_1196 = arith.muli %and3A_1194, %mul3A_1195 : i32
      %broadcast_in_dim3A_1197 = arith.constant 0 : i32
      %broadcast_in_dim3A_1198 = vector.broadcast %broadcast_in_dim3A_1197 : i32 to vector<16xi32>
      %add3A_1199 = vector.broadcast %add3A_1188 : i32 to vector<16xi32>
      %add3A_1200 = arith.addi %broadcast_in_dim3A_1198, %add3A_1199 : vector<16xi32>
      %add3A_1201 = arith.constant 0 : i32
      %add3A_1202 = arith.addi %mul3A_1196, %add3A_1201 : i32
      %add3A_1203 = vector.broadcast %add3A_1202 : i32 to vector<16xi32>
      %add3A_1204 = arith.addi %add3A_1203, %iota3A : vector<16xi32>
      %gather3A_1205 = tpu.vector_load_idx %arg7[%add3A_1200, %add3A_1204] : memref<256x128xf32, #tpu.memory_space<vmem>>[vector<16xi32>, vector<16xi32>], vector<16xf32>,
      %add3A_1206 = arith.constant 0 : i32
      %add3A_1207 = vector.broadcast %add3A_1206 : i32 to vector<16xi32>
      %add3A_1208 = arith.addi %add3A_1207, %iota3A : vector<16xi32>
      tpu.vector_store_idx %arg8[%add3A_1200, %add3A_1208], %gather3A_1205 : memref<256x64xf32, #tpu.memory_space<vmem>>[vector<16xi32>, vector<16xi32>], vector<16xf32>,
      %add3A_1209 = arith.constant 16 : i32
      %add3A_1210 = arith.addi %mul3A_1196, %add3A_1209 : i32
      %add3A_1211 = vector.broadcast %add3A_1210 : i32 to vector<16xi32>
      %add3A_1212 = arith.addi %add3A_1211, %iota3A : vector<16xi32>
      %gather3A_1213 = tpu.vector_load_idx %arg7[%add3A_1200, %add3A_1212] : memref<256x128xf32, #tpu.memory_space<vmem>>[vector<16xi32>, vector<16xi32>], vector<16xf32>,
      %add3A_1214 = arith.constant 16 : i32
      %add3A_1215 = vector.broadcast %add3A_1214 : i32 to vector<16xi32>
      %add3A_1216 = arith.addi %add3A_1215, %iota3A : vector<16xi32>
      tpu.vector_store_idx %arg8[%add3A_1200, %add3A_1216], %gather3A_1213 : memref<256x64xf32, #tpu.memory_space<vmem>>[vector<16xi32>, vector<16xi32>], vector<16xf32>,
      %add3A_1217 = arith.constant 32 : i32
      %add3A_1218 = arith.addi %mul3A_1196, %add3A_1217 : i32
      %add3A_1219 = vector.broadcast %add3A_1218 : i32 to vector<16xi32>
      %add3A_1220 = arith.addi %add3A_1219, %iota3A : vector<16xi32>
      %gather3A_1221 = tpu.vector_load_idx %arg7[%add3A_1200, %add3A_1220] : memref<256x128xf32, #tpu.memory_space<vmem>>[vector<16xi32>, vector<16xi32>], vector<16xf32>,
      %add3A_1222 = arith.constant 32 : i32
      %add3A_1223 = vector.broadcast %add3A_1222 : i32 to vector<16xi32>
      %add3A_1224 = arith.addi %add3A_1223, %iota3A : vector<16xi32>
      tpu.vector_store_idx %arg8[%add3A_1200, %add3A_1224], %gather3A_1221 : memref<256x64xf32, #tpu.memory_space<vmem>>[vector<16xi32>, vector<16xi32>], vector<16xf32>,
      %add3A_1225 = arith.constant 48 : i32
      %add3A_1226 = arith.addi %mul3A_1196, %add3A_1225 : i32
      %add3A_1227 = vector.broadcast %add3A_1226 : i32 to vector<16xi32>
      %add3A_1228 = arith.addi %add3A_1227, %iota3A : vector<16xi32>
      %gather3A_1229 = tpu.vector_load_idx %arg7[%add3A_1200, %add3A_1228] : memref<256x128xf32, #tpu.memory_space<vmem>>[vector<16xi32>, vector<16xi32>], vector<16xf32>,
      %add3A_1230 = arith.constant 48 : i32
      %add3A_1231 = vector.broadcast %add3A_1230 : i32 to vector<16xi32>
      %add3A_1232 = arith.addi %add3A_1231, %iota3A : vector<16xi32>
      tpu.vector_store_idx %arg8[%add3A_1200, %add3A_1232], %gather3A_1229 : memref<256x64xf32, #tpu.memory_space<vmem>>[vector<16xi32>, vector<16xi32>], vector<16xf32>,
      %mul3A_1233 = arith.constant 16 : i32
      %mul3A_1234 = arith.muli %scan3A_605, %mul3A_1233 : i32
      %add3A_1235 = arith.constant 13 : i32
      %add3A_1236 = arith.addi %mul3A_1234, %add3A_1235 : i32
      %slice3A_1237 = vector.extract_strided_slice %get3A_612 {offsets = [13], sizes = [1], strides = [1]} : vector<16xi32> to vector<1xi32>
      %squeeze3A_1238 = vector.extract %slice3A_1237[0] : i32 from vector<1xi32>
      %shift_right_arithmetic3A_1239 = arith.constant 11 : i32
      %shift_right_arithmetic3A_1240 = arith.shrsi %squeeze3A_1238, %shift_right_arithmetic3A_1239 : i32
      %and3A_1241 = arith.constant 1 : i32
      %and3A_1242 = arith.andi %shift_right_arithmetic3A_1240, %and3A_1241 : i32
      %mul3A_1243 = arith.constant 64 : i32
      %mul3A_1244 = arith.muli %and3A_1242, %mul3A_1243 : i32
      %broadcast_in_dim3A_1245 = arith.constant 0 : i32
      %broadcast_in_dim3A_1246 = vector.broadcast %broadcast_in_dim3A_1245 : i32 to vector<16xi32>
      %add3A_1247 = vector.broadcast %add3A_1236 : i32 to vector<16xi32>
      %add3A_1248 = arith.addi %broadcast_in_dim3A_1246, %add3A_1247 : vector<16xi32>
      %add3A_1249 = arith.constant 0 : i32
      %add3A_1250 = arith.addi %mul3A_1244, %add3A_1249 : i32
      %add3A_1251 = vector.broadcast %add3A_1250 : i32 to vector<16xi32>
      %add3A_1252 = arith.addi %add3A_1251, %iota3A : vector<16xi32>
      %gather3A_1253 = tpu.vector_load_idx %arg7[%add3A_1248, %add3A_1252] : memref<256x128xf32, #tpu.memory_space<vmem>>[vector<16xi32>, vector<16xi32>], vector<16xf32>,
      %add3A_1254 = arith.constant 0 : i32
      %add3A_1255 = vector.broadcast %add3A_1254 : i32 to vector<16xi32>
      %add3A_1256 = arith.addi %add3A_1255, %iota3A : vector<16xi32>
      tpu.vector_store_idx %arg8[%add3A_1248, %add3A_1256], %gather3A_1253 : memref<256x64xf32, #tpu.memory_space<vmem>>[vector<16xi32>, vector<16xi32>], vector<16xf32>,
      %add3A_1257 = arith.constant 16 : i32
      %add3A_1258 = arith.addi %mul3A_1244, %add3A_1257 : i32
      %add3A_1259 = vector.broadcast %add3A_1258 : i32 to vector<16xi32>
      %add3A_1260 = arith.addi %add3A_1259, %iota3A : vector<16xi32>
      %gather3A_1261 = tpu.vector_load_idx %arg7[%add3A_1248, %add3A_1260] : memref<256x128xf32, #tpu.memory_space<vmem>>[vector<16xi32>, vector<16xi32>], vector<16xf32>,
      %add3A_1262 = arith.constant 16 : i32
      %add3A_1263 = vector.broadcast %add3A_1262 : i32 to vector<16xi32>
      %add3A_1264 = arith.addi %add3A_1263, %iota3A : vector<16xi32>
      tpu.vector_store_idx %arg8[%add3A_1248, %add3A_1264], %gather3A_1261 : memref<256x64xf32, #tpu.memory_space<vmem>>[vector<16xi32>, vector<16xi32>], vector<16xf32>,
      %add3A_1265 = arith.constant 32 : i32
      %add3A_1266 = arith.addi %mul3A_1244, %add3A_1265 : i32
      %add3A_1267 = vector.broadcast %add3A_1266 : i32 to vector<16xi32>
      %add3A_1268 = arith.addi %add3A_1267, %iota3A : vector<16xi32>
      %gather3A_1269 = tpu.vector_load_idx %arg7[%add3A_1248, %add3A_1268] : memref<256x128xf32, #tpu.memory_space<vmem>>[vector<16xi32>, vector<16xi32>], vector<16xf32>,
      %add3A_1270 = arith.constant 32 : i32
      %add3A_1271 = vector.broadcast %add3A_1270 : i32 to vector<16xi32>
      %add3A_1272 = arith.addi %add3A_1271, %iota3A : vector<16xi32>
      tpu.vector_store_idx %arg8[%add3A_1248, %add3A_1272], %gather3A_1269 : memref<256x64xf32, #tpu.memory_space<vmem>>[vector<16xi32>, vector<16xi32>], vector<16xf32>,
      %add3A_1273 = arith.constant 48 : i32
      %add3A_1274 = arith.addi %mul3A_1244, %add3A_1273 : i32
      %add3A_1275 = vector.broadcast %add3A_1274 : i32 to vector<16xi32>
      %add3A_1276 = arith.addi %add3A_1275, %iota3A : vector<16xi32>
      %gather3A_1277 = tpu.vector_load_idx %arg7[%add3A_1248, %add3A_1276] : memref<256x128xf32, #tpu.memory_space<vmem>>[vector<16xi32>, vector<16xi32>], vector<16xf32>,
      %add3A_1278 = arith.constant 48 : i32
      %add3A_1279 = vector.broadcast %add3A_1278 : i32 to vector<16xi32>
      %add3A_1280 = arith.addi %add3A_1279, %iota3A : vector<16xi32>
      tpu.vector_store_idx %arg8[%add3A_1248, %add3A_1280], %gather3A_1277 : memref<256x64xf32, #tpu.memory_space<vmem>>[vector<16xi32>, vector<16xi32>], vector<16xf32>,
      %mul3A_1281 = arith.constant 16 : i32
      %mul3A_1282 = arith.muli %scan3A_605, %mul3A_1281 : i32
      %add3A_1283 = arith.constant 14 : i32
      %add3A_1284 = arith.addi %mul3A_1282, %add3A_1283 : i32
      %slice3A_1285 = vector.extract_strided_slice %get3A_612 {offsets = [14], sizes = [1], strides = [1]} : vector<16xi32> to vector<1xi32>
      %squeeze3A_1286 = vector.extract %slice3A_1285[0] : i32 from vector<1xi32>
      %shift_right_arithmetic3A_1287 = arith.constant 11 : i32
      %shift_right_arithmetic3A_1288 = arith.shrsi %squeeze3A_1286, %shift_right_arithmetic3A_1287 : i32
      %and3A_1289 = arith.constant 1 : i32
      %and3A_1290 = arith.andi %shift_right_arithmetic3A_1288, %and3A_1289 : i32
      %mul3A_1291 = arith.constant 64 : i32
      %mul3A_1292 = arith.muli %and3A_1290, %mul3A_1291 : i32
      %broadcast_in_dim3A_1293 = arith.constant 0 : i32
      %broadcast_in_dim3A_1294 = vector.broadcast %broadcast_in_dim3A_1293 : i32 to vector<16xi32>
      %add3A_1295 = vector.broadcast %add3A_1284 : i32 to vector<16xi32>
      %add3A_1296 = arith.addi %broadcast_in_dim3A_1294, %add3A_1295 : vector<16xi32>
      %add3A_1297 = arith.constant 0 : i32
      %add3A_1298 = arith.addi %mul3A_1292, %add3A_1297 : i32
      %add3A_1299 = vector.broadcast %add3A_1298 : i32 to vector<16xi32>
      %add3A_1300 = arith.addi %add3A_1299, %iota3A : vector<16xi32>
      %gather3A_1301 = tpu.vector_load_idx %arg7[%add3A_1296, %add3A_1300] : memref<256x128xf32, #tpu.memory_space<vmem>>[vector<16xi32>, vector<16xi32>], vector<16xf32>,
      %add3A_1302 = arith.constant 0 : i32
      %add3A_1303 = vector.broadcast %add3A_1302 : i32 to vector<16xi32>
      %add3A_1304 = arith.addi %add3A_1303, %iota3A : vector<16xi32>
      tpu.vector_store_idx %arg8[%add3A_1296, %add3A_1304], %gather3A_1301 : memref<256x64xf32, #tpu.memory_space<vmem>>[vector<16xi32>, vector<16xi32>], vector<16xf32>,
      %add3A_1305 = arith.constant 16 : i32
      %add3A_1306 = arith.addi %mul3A_1292, %add3A_1305 : i32
      %add3A_1307 = vector.broadcast %add3A_1306 : i32 to vector<16xi32>
      %add3A_1308 = arith.addi %add3A_1307, %iota3A : vector<16xi32>
      %gather3A_1309 = tpu.vector_load_idx %arg7[%add3A_1296, %add3A_1308] : memref<256x128xf32, #tpu.memory_space<vmem>>[vector<16xi32>, vector<16xi32>], vector<16xf32>,
      %add3A_1310 = arith.constant 16 : i32
      %add3A_1311 = vector.broadcast %add3A_1310 : i32 to vector<16xi32>
      %add3A_1312 = arith.addi %add3A_1311, %iota3A : vector<16xi32>
      tpu.vector_store_idx %arg8[%add3A_1296, %add3A_1312], %gather3A_1309 : memref<256x64xf32, #tpu.memory_space<vmem>>[vector<16xi32>, vector<16xi32>], vector<16xf32>,
      %add3A_1313 = arith.constant 32 : i32
      %add3A_1314 = arith.addi %mul3A_1292, %add3A_1313 : i32
      %add3A_1315 = vector.broadcast %add3A_1314 : i32 to vector<16xi32>
      %add3A_1316 = arith.addi %add3A_1315, %iota3A : vector<16xi32>
      %gather3A_1317 = tpu.vector_load_idx %arg7[%add3A_1296, %add3A_1316] : memref<256x128xf32, #tpu.memory_space<vmem>>[vector<16xi32>, vector<16xi32>], vector<16xf32>,
      %add3A_1318 = arith.constant 32 : i32
      %add3A_1319 = vector.broadcast %add3A_1318 : i32 to vector<16xi32>
      %add3A_1320 = arith.addi %add3A_1319, %iota3A : vector<16xi32>
      tpu.vector_store_idx %arg8[%add3A_1296, %add3A_1320], %gather3A_1317 : memref<256x64xf32, #tpu.memory_space<vmem>>[vector<16xi32>, vector<16xi32>], vector<16xf32>,
      %add3A_1321 = arith.constant 48 : i32
      %add3A_1322 = arith.addi %mul3A_1292, %add3A_1321 : i32
      %add3A_1323 = vector.broadcast %add3A_1322 : i32 to vector<16xi32>
      %add3A_1324 = arith.addi %add3A_1323, %iota3A : vector<16xi32>
      %gather3A_1325 = tpu.vector_load_idx %arg7[%add3A_1296, %add3A_1324] : memref<256x128xf32, #tpu.memory_space<vmem>>[vector<16xi32>, vector<16xi32>], vector<16xf32>,
      %add3A_1326 = arith.constant 48 : i32
      %add3A_1327 = vector.broadcast %add3A_1326 : i32 to vector<16xi32>
      %add3A_1328 = arith.addi %add3A_1327, %iota3A : vector<16xi32>
      tpu.vector_store_idx %arg8[%add3A_1296, %add3A_1328], %gather3A_1325 : memref<256x64xf32, #tpu.memory_space<vmem>>[vector<16xi32>, vector<16xi32>], vector<16xf32>,
      %mul3A_1329 = arith.constant 16 : i32
      %mul3A_1330 = arith.muli %scan3A_605, %mul3A_1329 : i32
      %add3A_1331 = arith.constant 15 : i32
      %add3A_1332 = arith.addi %mul3A_1330, %add3A_1331 : i32
      %slice3A_1333 = vector.extract_strided_slice %get3A_612 {offsets = [15], sizes = [1], strides = [1]} : vector<16xi32> to vector<1xi32>
      %squeeze3A_1334 = vector.extract %slice3A_1333[0] : i32 from vector<1xi32>
      %shift_right_arithmetic3A_1335 = arith.constant 11 : i32
      %shift_right_arithmetic3A_1336 = arith.shrsi %squeeze3A_1334, %shift_right_arithmetic3A_1335 : i32
      %and3A_1337 = arith.constant 1 : i32
      %and3A_1338 = arith.andi %shift_right_arithmetic3A_1336, %and3A_1337 : i32
      %mul3A_1339 = arith.constant 64 : i32
      %mul3A_1340 = arith.muli %and3A_1338, %mul3A_1339 : i32
      %broadcast_in_dim3A_1341 = arith.constant 0 : i32
      %broadcast_in_dim3A_1342 = vector.broadcast %broadcast_in_dim3A_1341 : i32 to vector<16xi32>
      %add3A_1343 = vector.broadcast %add3A_1332 : i32 to vector<16xi32>
      %add3A_1344 = arith.addi %broadcast_in_dim3A_1342, %add3A_1343 : vector<16xi32>
      %add3A_1345 = arith.constant 0 : i32
      %add3A_1346 = arith.addi %mul3A_1340, %add3A_1345 : i32
      %add3A_1347 = vector.broadcast %add3A_1346 : i32 to vector<16xi32>
      %add3A_1348 = arith.addi %add3A_1347, %iota3A : vector<16xi32>
      %gather3A_1349 = tpu.vector_load_idx %arg7[%add3A_1344, %add3A_1348] : memref<256x128xf32, #tpu.memory_space<vmem>>[vector<16xi32>, vector<16xi32>], vector<16xf32>,
      %add3A_1350 = arith.constant 0 : i32
      %add3A_1351 = vector.broadcast %add3A_1350 : i32 to vector<16xi32>
      %add3A_1352 = arith.addi %add3A_1351, %iota3A : vector<16xi32>
      tpu.vector_store_idx %arg8[%add3A_1344, %add3A_1352], %gather3A_1349 : memref<256x64xf32, #tpu.memory_space<vmem>>[vector<16xi32>, vector<16xi32>], vector<16xf32>,
      %add3A_1353 = arith.constant 16 : i32
      %add3A_1354 = arith.addi %mul3A_1340, %add3A_1353 : i32
      %add3A_1355 = vector.broadcast %add3A_1354 : i32 to vector<16xi32>
      %add3A_1356 = arith.addi %add3A_1355, %iota3A : vector<16xi32>
      %gather3A_1357 = tpu.vector_load_idx %arg7[%add3A_1344, %add3A_1356] : memref<256x128xf32, #tpu.memory_space<vmem>>[vector<16xi32>, vector<16xi32>], vector<16xf32>,
      %add3A_1358 = arith.constant 16 : i32
      %add3A_1359 = vector.broadcast %add3A_1358 : i32 to vector<16xi32>
      %add3A_1360 = arith.addi %add3A_1359, %iota3A : vector<16xi32>
      tpu.vector_store_idx %arg8[%add3A_1344, %add3A_1360], %gather3A_1357 : memref<256x64xf32, #tpu.memory_space<vmem>>[vector<16xi32>, vector<16xi32>], vector<16xf32>,
      %add3A_1361 = arith.constant 32 : i32
      %add3A_1362 = arith.addi %mul3A_1340, %add3A_1361 : i32
      %add3A_1363 = vector.broadcast %add3A_1362 : i32 to vector<16xi32>
      %add3A_1364 = arith.addi %add3A_1363, %iota3A : vector<16xi32>
      %gather3A_1365 = tpu.vector_load_idx %arg7[%add3A_1344, %add3A_1364] : memref<256x128xf32, #tpu.memory_space<vmem>>[vector<16xi32>, vector<16xi32>], vector<16xf32>,
      %add3A_1366 = arith.constant 32 : i32
      %add3A_1367 = vector.broadcast %add3A_1366 : i32 to vector<16xi32>
      %add3A_1368 = arith.addi %add3A_1367, %iota3A : vector<16xi32>
      tpu.vector_store_idx %arg8[%add3A_1344, %add3A_1368], %gather3A_1365 : memref<256x64xf32, #tpu.memory_space<vmem>>[vector<16xi32>, vector<16xi32>], vector<16xf32>,
      %add3A_1369 = arith.constant 48 : i32
      %add3A_1370 = arith.addi %mul3A_1340, %add3A_1369 : i32
      %add3A_1371 = vector.broadcast %add3A_1370 : i32 to vector<16xi32>
      %add3A_1372 = arith.addi %add3A_1371, %iota3A : vector<16xi32>
      %gather3A_1373 = tpu.vector_load_idx %arg7[%add3A_1344, %add3A_1372] : memref<256x128xf32, #tpu.memory_space<vmem>>[vector<16xi32>, vector<16xi32>], vector<16xf32>,
      %add3A_1374 = arith.constant 48 : i32
      %add3A_1375 = vector.broadcast %add3A_1374 : i32 to vector<16xi32>
      %add3A_1376 = arith.addi %add3A_1375, %iota3A : vector<16xi32>
      tpu.vector_store_idx %arg8[%add3A_1344, %add3A_1376], %gather3A_1373 : memref<256x64xf32, #tpu.memory_space<vmem>>[vector<16xi32>, vector<16xi32>], vector<16xf32>,
      %scan3A_1377 = arith.constant 0 : i32
      scf.yield %scan3A_1377 : i32
    }
    %scan3A_297 = arith.constant 16 : i32
    %add3A_298 = arith.constant 0 : i32
    %add3A_299 = arith.addi %mul3A_2, %add3A_298 : i32
    "tpu.region"() ({
      %run_scoped3A = tpu.sem_alloc : memref<!tpu.dma_semaphore, #tpu.memory_space<semaphore_mem>>
      %dma_start3A_605 = arith.constant 0 : i32
      %dma_start3A_606 = tpu.memref_slice %arg4[%add3A_299, %dma_start3A_605] : memref<16384x64xf32, #tpu.memory_space<hbm>> -> memref<256x64xf32, #tpu.memory_space<hbm>>
      %dma_start3A_607 = arith.constant 0 : i32
      %dma_start3A_608 = tpu.memref_slice %arg4[%add3A_299, %dma_start3A_607] : memref<16384x64xf32, #tpu.memory_space<hbm>> -> memref<256x64xf32, #tpu.memory_space<hbm>>
      tpu.enqueue_dma source(%arg8 : memref<256x64xf32, #tpu.memory_space<vmem>>) target(%dma_start3A_608 : memref<256x64xf32, #tpu.memory_space<hbm>>) target_semaphore(%run_scoped3A : memref<!tpu.dma_semaphore, #tpu.memory_space<semaphore_mem>>)
      %dma_wait3A_609 = arith.constant 0 : i32
      %dma_wait3A_610 = tpu.memref_slice %arg4[%add3A_299, %dma_wait3A_609] : memref<16384x64xf32, #tpu.memory_space<hbm>> -> memref<256x64xf32, #tpu.memory_space<hbm>>
      %dma_wait3A_611 = arith.constant 0 : i32
      %dma_wait3A_612 = tpu.memref_slice %arg4[%add3A_299, %dma_wait3A_611] : memref<16384x64xf32, #tpu.memory_space<hbm>> -> memref<256x64xf32, #tpu.memory_space<hbm>>
      tpu.wait_dma2 semaphore(%run_scoped3A : memref<!tpu.dma_semaphore, #tpu.memory_space<semaphore_mem>>) src(%arg8 : memref<256x64xf32, #tpu.memory_space<vmem>>) dst(%dma_wait3A_612 : memref<256x64xf32, #tpu.memory_space<hbm>>)
      tpu.yield
    }) : () -> ()
    %get3A_300 = arith.constant 256 : index
    %get3A_301 = tpu.vector_load %arg5[%get3A_300] {strides = array<i32>} : memref<512xi32, #tpu.memory_space<vmem>>, vector<16xi32>,
    %shift_right_arithmetic3A_302 = arith.constant 12 : i32
    %shift_right_arithmetic3A_303 = vector.broadcast %shift_right_arithmetic3A_302 : i32 to vector<16xi32>
    %shift_right_arithmetic3A_304 = arith.shrsi %get3A_301, %shift_right_arithmetic3A_303 : vector<16xi32>
    %shift_left3A_305 = arith.constant 11 : i32
    %shift_left3A_306 = vector.broadcast %shift_left3A_305 : i32 to vector<16xi32>
    %shift_left3A_307 = arith.shli %shift_right_arithmetic3A_304, %shift_left3A_306 : vector<16xi32>
    %and3A_308 = arith.constant 2047 : i32
    %and3A_309 = vector.broadcast %and3A_308 : i32 to vector<16xi32>
    %and3A_310 = arith.andi %get3A_301, %and3A_309 : vector<16xi32>
    %add3A_311 = arith.addi %shift_left3A_307, %and3A_310 : vector<16xi32>
    %swap3A_312 = arith.constant 0 : i32
    %swap3A_313 = arith.index_cast %swap3A_312 : i32 to index
    %swap3A_314 = arith.constant 0 : index
    %swap3A_315 = tpu.vector_load %arg6[%swap3A_313, %swap3A_314] {strides = array<i32>} : memref<2x128xi32, #tpu.memory_space<vmem>>, vector<16xi32>,
    tpu.vector_store %arg6[%swap3A_313, %swap3A_314], %add3A_311 {strides = array<i32>} : memref<2x128xi32, #tpu.memory_space<vmem>>, vector<16xi32>,
    %get3A_316 = arith.constant 272 : index
    %get3A_317 = tpu.vector_load %arg5[%get3A_316] {strides = array<i32>} : memref<512xi32, #tpu.memory_space<vmem>>, vector<16xi32>,
    %shift_right_arithmetic3A_318 = arith.constant 12 : i32
    %shift_right_arithmetic3A_319 = vector.broadcast %shift_right_arithmetic3A_318 : i32 to vector<16xi32>
    %shift_right_arithmetic3A_320 = arith.shrsi %get3A_317, %shift_right_arithmetic3A_319 : vector<16xi32>
    %shift_left3A_321 = arith.constant 11 : i32
    %shift_left3A_322 = vector.broadcast %shift_left3A_321 : i32 to vector<16xi32>
    %shift_left3A_323 = arith.shli %shift_right_arithmetic3A_320, %shift_left3A_322 : vector<16xi32>
    %and3A_324 = arith.constant 2047 : i32
    %and3A_325 = vector.broadcast %and3A_324 : i32 to vector<16xi32>
    %and3A_326 = arith.andi %get3A_317, %and3A_325 : vector<16xi32>
    %add3A_327 = arith.addi %shift_left3A_323, %and3A_326 : vector<16xi32>
    %swap3A_328 = arith.constant 0 : i32
    %swap3A_329 = arith.index_cast %swap3A_328 : i32 to index
    %swap3A_330 = arith.constant 16 : index
    %swap3A_331 = tpu.vector_load %arg6[%swap3A_329, %swap3A_330] {strides = array<i32>} : memref<2x128xi32, #tpu.memory_space<vmem>>, vector<16xi32>,
    tpu.vector_store %arg6[%swap3A_329, %swap3A_330], %add3A_327 {strides = array<i32>} : memref<2x128xi32, #tpu.memory_space<vmem>>, vector<16xi32>,
    %get3A_332 = arith.constant 288 : index
    %get3A_333 = tpu.vector_load %arg5[%get3A_332] {strides = array<i32>} : memref<512xi32, #tpu.memory_space<vmem>>, vector<16xi32>,
    %shift_right_arithmetic3A_334 = arith.constant 12 : i32
    %shift_right_arithmetic3A_335 = vector.broadcast %shift_right_arithmetic3A_334 : i32 to vector<16xi32>
    %shift_right_arithmetic3A_336 = arith.shrsi %get3A_333, %shift_right_arithmetic3A_335 : vector<16xi32>
    %shift_left3A_337 = arith.constant 11 : i32
    %shift_left3A_338 = vector.broadcast %shift_left3A_337 : i32 to vector<16xi32>
    %shift_left3A_339 = arith.shli %shift_right_arithmetic3A_336, %shift_left3A_338 : vector<16xi32>
    %and3A_340 = arith.constant 2047 : i32
    %and3A_341 = vector.broadcast %and3A_340 : i32 to vector<16xi32>
    %and3A_342 = arith.andi %get3A_333, %and3A_341 : vector<16xi32>
    %add3A_343 = arith.addi %shift_left3A_339, %and3A_342 : vector<16xi32>
    %swap3A_344 = arith.constant 0 : i32
    %swap3A_345 = arith.index_cast %swap3A_344 : i32 to index
    %swap3A_346 = arith.constant 32 : index
    %swap3A_347 = tpu.vector_load %arg6[%swap3A_345, %swap3A_346] {strides = array<i32>} : memref<2x128xi32, #tpu.memory_space<vmem>>, vector<16xi32>,
    tpu.vector_store %arg6[%swap3A_345, %swap3A_346], %add3A_343 {strides = array<i32>} : memref<2x128xi32, #tpu.memory_space<vmem>>, vector<16xi32>,
    %get3A_348 = arith.constant 304 : index
    %get3A_349 = tpu.vector_load %arg5[%get3A_348] {strides = array<i32>} : memref<512xi32, #tpu.memory_space<vmem>>, vector<16xi32>,
    %shift_right_arithmetic3A_350 = arith.constant 12 : i32
    %shift_right_arithmetic3A_351 = vector.broadcast %shift_right_arithmetic3A_350 : i32 to vector<16xi32>
    %shift_right_arithmetic3A_352 = arith.shrsi %get3A_349, %shift_right_arithmetic3A_351 : vector<16xi32>
    %shift_left3A_353 = arith.constant 11 : i32
    %shift_left3A_354 = vector.broadcast %shift_left3A_353 : i32 to vector<16xi32>
    %shift_left3A_355 = arith.shli %shift_right_arithmetic3A_352, %shift_left3A_354 : vector<16xi32>
    %and3A_356 = arith.constant 2047 : i32
    %and3A_357 = vector.broadcast %and3A_356 : i32 to vector<16xi32>
    %and3A_358 = arith.andi %get3A_349, %and3A_357 : vector<16xi32>
    %add3A_359 = arith.addi %shift_left3A_355, %and3A_358 : vector<16xi32>
    %swap3A_360 = arith.constant 0 : i32
    %swap3A_361 = arith.index_cast %swap3A_360 : i32 to index
    %swap3A_362 = arith.constant 48 : index
    %swap3A_363 = tpu.vector_load %arg6[%swap3A_361, %swap3A_362] {strides = array<i32>} : memref<2x128xi32, #tpu.memory_space<vmem>>, vector<16xi32>,
    tpu.vector_store %arg6[%swap3A_361, %swap3A_362], %add3A_359 {strides = array<i32>} : memref<2x128xi32, #tpu.memory_space<vmem>>, vector<16xi32>,
    %get3A_364 = arith.constant 320 : index
    %get3A_365 = tpu.vector_load %arg5[%get3A_364] {strides = array<i32>} : memref<512xi32, #tpu.memory_space<vmem>>, vector<16xi32>,
    %shift_right_arithmetic3A_366 = arith.constant 12 : i32
    %shift_right_arithmetic3A_367 = vector.broadcast %shift_right_arithmetic3A_366 : i32 to vector<16xi32>
    %shift_right_arithmetic3A_368 = arith.shrsi %get3A_365, %shift_right_arithmetic3A_367 : vector<16xi32>
    %shift_left3A_369 = arith.constant 11 : i32
    %shift_left3A_370 = vector.broadcast %shift_left3A_369 : i32 to vector<16xi32>
    %shift_left3A_371 = arith.shli %shift_right_arithmetic3A_368, %shift_left3A_370 : vector<16xi32>
    %and3A_372 = arith.constant 2047 : i32
    %and3A_373 = vector.broadcast %and3A_372 : i32 to vector<16xi32>
    %and3A_374 = arith.andi %get3A_365, %and3A_373 : vector<16xi32>
    %add3A_375 = arith.addi %shift_left3A_371, %and3A_374 : vector<16xi32>
    %swap3A_376 = arith.constant 0 : i32
    %swap3A_377 = arith.index_cast %swap3A_376 : i32 to index
    %swap3A_378 = arith.constant 64 : index
    %swap3A_379 = tpu.vector_load %arg6[%swap3A_377, %swap3A_378] {strides = array<i32>} : memref<2x128xi32, #tpu.memory_space<vmem>>, vector<16xi32>,
    tpu.vector_store %arg6[%swap3A_377, %swap3A_378], %add3A_375 {strides = array<i32>} : memref<2x128xi32, #tpu.memory_space<vmem>>, vector<16xi32>,
    %get3A_380 = arith.constant 336 : index
    %get3A_381 = tpu.vector_load %arg5[%get3A_380] {strides = array<i32>} : memref<512xi32, #tpu.memory_space<vmem>>, vector<16xi32>,
    %shift_right_arithmetic3A_382 = arith.constant 12 : i32
    %shift_right_arithmetic3A_383 = vector.broadcast %shift_right_arithmetic3A_382 : i32 to vector<16xi32>
    %shift_right_arithmetic3A_384 = arith.shrsi %get3A_381, %shift_right_arithmetic3A_383 : vector<16xi32>
    %shift_left3A_385 = arith.constant 11 : i32
    %shift_left3A_386 = vector.broadcast %shift_left3A_385 : i32 to vector<16xi32>
    %shift_left3A_387 = arith.shli %shift_right_arithmetic3A_384, %shift_left3A_386 : vector<16xi32>
    %and3A_388 = arith.constant 2047 : i32
    %and3A_389 = vector.broadcast %and3A_388 : i32 to vector<16xi32>
    %and3A_390 = arith.andi %get3A_381, %and3A_389 : vector<16xi32>
    %add3A_391 = arith.addi %shift_left3A_387, %and3A_390 : vector<16xi32>
    %swap3A_392 = arith.constant 0 : i32
    %swap3A_393 = arith.index_cast %swap3A_392 : i32 to index
    %swap3A_394 = arith.constant 80 : index
    %swap3A_395 = tpu.vector_load %arg6[%swap3A_393, %swap3A_394] {strides = array<i32>} : memref<2x128xi32, #tpu.memory_space<vmem>>, vector<16xi32>,
    tpu.vector_store %arg6[%swap3A_393, %swap3A_394], %add3A_391 {strides = array<i32>} : memref<2x128xi32, #tpu.memory_space<vmem>>, vector<16xi32>,
    %get3A_396 = arith.constant 352 : index
    %get3A_397 = tpu.vector_load %arg5[%get3A_396] {strides = array<i32>} : memref<512xi32, #tpu.memory_space<vmem>>, vector<16xi32>,
    %shift_right_arithmetic3A_398 = arith.constant 12 : i32
    %shift_right_arithmetic3A_399 = vector.broadcast %shift_right_arithmetic3A_398 : i32 to vector<16xi32>
    %shift_right_arithmetic3A_400 = arith.shrsi %get3A_397, %shift_right_arithmetic3A_399 : vector<16xi32>
    %shift_left3A_401 = arith.constant 11 : i32
    %shift_left3A_402 = vector.broadcast %shift_left3A_401 : i32 to vector<16xi32>
    %shift_left3A_403 = arith.shli %shift_right_arithmetic3A_400, %shift_left3A_402 : vector<16xi32>
    %and3A_404 = arith.constant 2047 : i32
    %and3A_405 = vector.broadcast %and3A_404 : i32 to vector<16xi32>
    %and3A_406 = arith.andi %get3A_397, %and3A_405 : vector<16xi32>
    %add3A_407 = arith.addi %shift_left3A_403, %and3A_406 : vector<16xi32>
    %swap3A_408 = arith.constant 0 : i32
    %swap3A_409 = arith.index_cast %swap3A_408 : i32 to index
    %swap3A_410 = arith.constant 96 : index
    %swap3A_411 = tpu.vector_load %arg6[%swap3A_409, %swap3A_410] {strides = array<i32>} : memref<2x128xi32, #tpu.memory_space<vmem>>, vector<16xi32>,
    tpu.vector_store %arg6[%swap3A_409, %swap3A_410], %add3A_407 {strides = array<i32>} : memref<2x128xi32, #tpu.memory_space<vmem>>, vector<16xi32>,
    %get3A_412 = arith.constant 368 : index
    %get3A_413 = tpu.vector_load %arg5[%get3A_412] {strides = array<i32>} : memref<512xi32, #tpu.memory_space<vmem>>, vector<16xi32>,
    %shift_right_arithmetic3A_414 = arith.constant 12 : i32
    %shift_right_arithmetic3A_415 = vector.broadcast %shift_right_arithmetic3A_414 : i32 to vector<16xi32>
    %shift_right_arithmetic3A_416 = arith.shrsi %get3A_413, %shift_right_arithmetic3A_415 : vector<16xi32>
    %shift_left3A_417 = arith.constant 11 : i32
    %shift_left3A_418 = vector.broadcast %shift_left3A_417 : i32 to vector<16xi32>
    %shift_left3A_419 = arith.shli %shift_right_arithmetic3A_416, %shift_left3A_418 : vector<16xi32>
    %and3A_420 = arith.constant 2047 : i32
    %and3A_421 = vector.broadcast %and3A_420 : i32 to vector<16xi32>
    %and3A_422 = arith.andi %get3A_413, %and3A_421 : vector<16xi32>
    %add3A_423 = arith.addi %shift_left3A_419, %and3A_422 : vector<16xi32>
    %swap3A_424 = arith.constant 0 : i32
    %swap3A_425 = arith.index_cast %swap3A_424 : i32 to index
    %swap3A_426 = arith.constant 112 : index
    %swap3A_427 = tpu.vector_load %arg6[%swap3A_425, %swap3A_426] {strides = array<i32>} : memref<2x128xi32, #tpu.memory_space<vmem>>, vector<16xi32>,
    tpu.vector_store %arg6[%swap3A_425, %swap3A_426], %add3A_423 {strides = array<i32>} : memref<2x128xi32, #tpu.memory_space<vmem>>, vector<16xi32>,
    %get3A_428 = arith.constant 384 : index
    %get3A_429 = tpu.vector_load %arg5[%get3A_428] {strides = array<i32>} : memref<512xi32, #tpu.memory_space<vmem>>, vector<16xi32>,
    %shift_right_arithmetic3A_430 = arith.constant 12 : i32
    %shift_right_arithmetic3A_431 = vector.broadcast %shift_right_arithmetic3A_430 : i32 to vector<16xi32>
    %shift_right_arithmetic3A_432 = arith.shrsi %get3A_429, %shift_right_arithmetic3A_431 : vector<16xi32>
    %shift_left3A_433 = arith.constant 11 : i32
    %shift_left3A_434 = vector.broadcast %shift_left3A_433 : i32 to vector<16xi32>
    %shift_left3A_435 = arith.shli %shift_right_arithmetic3A_432, %shift_left3A_434 : vector<16xi32>
    %and3A_436 = arith.constant 2047 : i32
    %and3A_437 = vector.broadcast %and3A_436 : i32 to vector<16xi32>
    %and3A_438 = arith.andi %get3A_429, %and3A_437 : vector<16xi32>
    %add3A_439 = arith.addi %shift_left3A_435, %and3A_438 : vector<16xi32>
    %swap3A_440 = arith.constant 1 : i32
    %swap3A_441 = arith.index_cast %swap3A_440 : i32 to index
    %swap3A_442 = arith.constant 0 : index
    %swap3A_443 = tpu.vector_load %arg6[%swap3A_441, %swap3A_442] {strides = array<i32>} : memref<2x128xi32, #tpu.memory_space<vmem>>, vector<16xi32>,
    tpu.vector_store %arg6[%swap3A_441, %swap3A_442], %add3A_439 {strides = array<i32>} : memref<2x128xi32, #tpu.memory_space<vmem>>, vector<16xi32>,
    %get3A_444 = arith.constant 400 : index
    %get3A_445 = tpu.vector_load %arg5[%get3A_444] {strides = array<i32>} : memref<512xi32, #tpu.memory_space<vmem>>, vector<16xi32>,
    %shift_right_arithmetic3A_446 = arith.constant 12 : i32
    %shift_right_arithmetic3A_447 = vector.broadcast %shift_right_arithmetic3A_446 : i32 to vector<16xi32>
    %shift_right_arithmetic3A_448 = arith.shrsi %get3A_445, %shift_right_arithmetic3A_447 : vector<16xi32>
    %shift_left3A_449 = arith.constant 11 : i32
    %shift_left3A_450 = vector.broadcast %shift_left3A_449 : i32 to vector<16xi32>
    %shift_left3A_451 = arith.shli %shift_right_arithmetic3A_448, %shift_left3A_450 : vector<16xi32>
    %and3A_452 = arith.constant 2047 : i32
    %and3A_453 = vector.broadcast %and3A_452 : i32 to vector<16xi32>
    %and3A_454 = arith.andi %get3A_445, %and3A_453 : vector<16xi32>
    %add3A_455 = arith.addi %shift_left3A_451, %and3A_454 : vector<16xi32>
    %swap3A_456 = arith.constant 1 : i32
    %swap3A_457 = arith.index_cast %swap3A_456 : i32 to index
    %swap3A_458 = arith.constant 16 : index
    %swap3A_459 = tpu.vector_load %arg6[%swap3A_457, %swap3A_458] {strides = array<i32>} : memref<2x128xi32, #tpu.memory_space<vmem>>, vector<16xi32>,
    tpu.vector_store %arg6[%swap3A_457, %swap3A_458], %add3A_455 {strides = array<i32>} : memref<2x128xi32, #tpu.memory_space<vmem>>, vector<16xi32>,
    %get3A_460 = arith.constant 416 : index
    %get3A_461 = tpu.vector_load %arg5[%get3A_460] {strides = array<i32>} : memref<512xi32, #tpu.memory_space<vmem>>, vector<16xi32>,
    %shift_right_arithmetic3A_462 = arith.constant 12 : i32
    %shift_right_arithmetic3A_463 = vector.broadcast %shift_right_arithmetic3A_462 : i32 to vector<16xi32>
    %shift_right_arithmetic3A_464 = arith.shrsi %get3A_461, %shift_right_arithmetic3A_463 : vector<16xi32>
    %shift_left3A_465 = arith.constant 11 : i32
    %shift_left3A_466 = vector.broadcast %shift_left3A_465 : i32 to vector<16xi32>
    %shift_left3A_467 = arith.shli %shift_right_arithmetic3A_464, %shift_left3A_466 : vector<16xi32>
    %and3A_468 = arith.constant 2047 : i32
    %and3A_469 = vector.broadcast %and3A_468 : i32 to vector<16xi32>
    %and3A_470 = arith.andi %get3A_461, %and3A_469 : vector<16xi32>
    %add3A_471 = arith.addi %shift_left3A_467, %and3A_470 : vector<16xi32>
    %swap3A_472 = arith.constant 1 : i32
    %swap3A_473 = arith.index_cast %swap3A_472 : i32 to index
    %swap3A_474 = arith.constant 32 : index
    %swap3A_475 = tpu.vector_load %arg6[%swap3A_473, %swap3A_474] {strides = array<i32>} : memref<2x128xi32, #tpu.memory_space<vmem>>, vector<16xi32>,
    tpu.vector_store %arg6[%swap3A_473, %swap3A_474], %add3A_471 {strides = array<i32>} : memref<2x128xi32, #tpu.memory_space<vmem>>, vector<16xi32>,
    %get3A_476 = arith.constant 432 : index
    %get3A_477 = tpu.vector_load %arg5[%get3A_476] {strides = array<i32>} : memref<512xi32, #tpu.memory_space<vmem>>, vector<16xi32>,
    %shift_right_arithmetic3A_478 = arith.constant 12 : i32
    %shift_right_arithmetic3A_479 = vector.broadcast %shift_right_arithmetic3A_478 : i32 to vector<16xi32>
    %shift_right_arithmetic3A_480 = arith.shrsi %get3A_477, %shift_right_arithmetic3A_479 : vector<16xi32>
    %shift_left3A_481 = arith.constant 11 : i32
    %shift_left3A_482 = vector.broadcast %shift_left3A_481 : i32 to vector<16xi32>
    %shift_left3A_483 = arith.shli %shift_right_arithmetic3A_480, %shift_left3A_482 : vector<16xi32>
    %and3A_484 = arith.constant 2047 : i32
    %and3A_485 = vector.broadcast %and3A_484 : i32 to vector<16xi32>
    %and3A_486 = arith.andi %get3A_477, %and3A_485 : vector<16xi32>
    %add3A_487 = arith.addi %shift_left3A_483, %and3A_486 : vector<16xi32>
    %swap3A_488 = arith.constant 1 : i32
    %swap3A_489 = arith.index_cast %swap3A_488 : i32 to index
    %swap3A_490 = arith.constant 48 : index
    %swap3A_491 = tpu.vector_load %arg6[%swap3A_489, %swap3A_490] {strides = array<i32>} : memref<2x128xi32, #tpu.memory_space<vmem>>, vector<16xi32>,
    tpu.vector_store %arg6[%swap3A_489, %swap3A_490], %add3A_487 {strides = array<i32>} : memref<2x128xi32, #tpu.memory_space<vmem>>, vector<16xi32>,
    %get3A_492 = arith.constant 448 : index
    %get3A_493 = tpu.vector_load %arg5[%get3A_492] {strides = array<i32>} : memref<512xi32, #tpu.memory_space<vmem>>, vector<16xi32>,
    %shift_right_arithmetic3A_494 = arith.constant 12 : i32
    %shift_right_arithmetic3A_495 = vector.broadcast %shift_right_arithmetic3A_494 : i32 to vector<16xi32>
    %shift_right_arithmetic3A_496 = arith.shrsi %get3A_493, %shift_right_arithmetic3A_495 : vector<16xi32>
    %shift_left3A_497 = arith.constant 11 : i32
    %shift_left3A_498 = vector.broadcast %shift_left3A_497 : i32 to vector<16xi32>
    %shift_left3A_499 = arith.shli %shift_right_arithmetic3A_496, %shift_left3A_498 : vector<16xi32>
    %and3A_500 = arith.constant 2047 : i32
    %and3A_501 = vector.broadcast %and3A_500 : i32 to vector<16xi32>
    %and3A_502 = arith.andi %get3A_493, %and3A_501 : vector<16xi32>
    %add3A_503 = arith.addi %shift_left3A_499, %and3A_502 : vector<16xi32>
    %swap3A_504 = arith.constant 1 : i32
    %swap3A_505 = arith.index_cast %swap3A_504 : i32 to index
    %swap3A_506 = arith.constant 64 : index
    %swap3A_507 = tpu.vector_load %arg6[%swap3A_505, %swap3A_506] {strides = array<i32>} : memref<2x128xi32, #tpu.memory_space<vmem>>, vector<16xi32>,
    tpu.vector_store %arg6[%swap3A_505, %swap3A_506], %add3A_503 {strides = array<i32>} : memref<2x128xi32, #tpu.memory_space<vmem>>, vector<16xi32>,
    %get3A_508 = arith.constant 464 : index
    %get3A_509 = tpu.vector_load %arg5[%get3A_508] {strides = array<i32>} : memref<512xi32, #tpu.memory_space<vmem>>, vector<16xi32>,
    %shift_right_arithmetic3A_510 = arith.constant 12 : i32
    %shift_right_arithmetic3A_511 = vector.broadcast %shift_right_arithmetic3A_510 : i32 to vector<16xi32>
    %shift_right_arithmetic3A_512 = arith.shrsi %get3A_509, %shift_right_arithmetic3A_511 : vector<16xi32>
    %shift_left3A_513 = arith.constant 11 : i32
    %shift_left3A_514 = vector.broadcast %shift_left3A_513 : i32 to vector<16xi32>
    %shift_left3A_515 = arith.shli %shift_right_arithmetic3A_512, %shift_left3A_514 : vector<16xi32>
    %and3A_516 = arith.constant 2047 : i32
    %and3A_517 = vector.broadcast %and3A_516 : i32 to vector<16xi32>
    %and3A_518 = arith.andi %get3A_509, %and3A_517 : vector<16xi32>
    %add3A_519 = arith.addi %shift_left3A_515, %and3A_518 : vector<16xi32>
    %swap3A_520 = arith.constant 1 : i32
    %swap3A_521 = arith.index_cast %swap3A_520 : i32 to index
    %swap3A_522 = arith.constant 80 : index
    %swap3A_523 = tpu.vector_load %arg6[%swap3A_521, %swap3A_522] {strides = array<i32>} : memref<2x128xi32, #tpu.memory_space<vmem>>, vector<16xi32>,
    tpu.vector_store %arg6[%swap3A_521, %swap3A_522], %add3A_519 {strides = array<i32>} : memref<2x128xi32, #tpu.memory_space<vmem>>, vector<16xi32>,
    %get3A_524 = arith.constant 480 : index
    %get3A_525 = tpu.vector_load %arg5[%get3A_524] {strides = array<i32>} : memref<512xi32, #tpu.memory_space<vmem>>, vector<16xi32>,
    %shift_right_arithmetic3A_526 = arith.constant 12 : i32
    %shift_right_arithmetic3A_527 = vector.broadcast %shift_right_arithmetic3A_526 : i32 to vector<16xi32>
    %shift_right_arithmetic3A_528 = arith.shrsi %get3A_525, %shift_right_arithmetic3A_527 : vector<16xi32>
    %shift_left3A_529 = arith.constant 11 : i32
    %shift_left3A_530 = vector.broadcast %shift_left3A_529 : i32 to vector<16xi32>
    %shift_left3A_531 = arith.shli %shift_right_arithmetic3A_528, %shift_left3A_530 : vector<16xi32>
    %and3A_532 = arith.constant 2047 : i32
    %and3A_533 = vector.broadcast %and3A_532 : i32 to vector<16xi32>
    %and3A_534 = arith.andi %get3A_525, %and3A_533 : vector<16xi32>
    %add3A_535 = arith.addi %shift_left3A_531, %and3A_534 : vector<16xi32>
    %swap3A_536 = arith.constant 1 : i32
    %swap3A_537 = arith.index_cast %swap3A_536 : i32 to index
    %swap3A_538 = arith.constant 96 : index
    %swap3A_539 = tpu.vector_load %arg6[%swap3A_537, %swap3A_538] {strides = array<i32>} : memref<2x128xi32, #tpu.memory_space<vmem>>, vector<16xi32>,
    tpu.vector_store %arg6[%swap3A_537, %swap3A_538], %add3A_535 {strides = array<i32>} : memref<2x128xi32, #tpu.memory_space<vmem>>, vector<16xi32>,
    %get3A_540 = arith.constant 496 : index
    %get3A_541 = tpu.vector_load %arg5[%get3A_540] {strides = array<i32>} : memref<512xi32, #tpu.memory_space<vmem>>, vector<16xi32>,
    %shift_right_arithmetic3A_542 = arith.constant 12 : i32
    %shift_right_arithmetic3A_543 = vector.broadcast %shift_right_arithmetic3A_542 : i32 to vector<16xi32>
    %shift_right_arithmetic3A_544 = arith.shrsi %get3A_541, %shift_right_arithmetic3A_543 : vector<16xi32>
    %shift_left3A_545 = arith.constant 11 : i32
    %shift_left3A_546 = vector.broadcast %shift_left3A_545 : i32 to vector<16xi32>
    %shift_left3A_547 = arith.shli %shift_right_arithmetic3A_544, %shift_left3A_546 : vector<16xi32>
    %and3A_548 = arith.constant 2047 : i32
    %and3A_549 = vector.broadcast %and3A_548 : i32 to vector<16xi32>
    %and3A_550 = arith.andi %get3A_541, %and3A_549 : vector<16xi32>
    %add3A_551 = arith.addi %shift_left3A_547, %and3A_550 : vector<16xi32>
    %swap3A_552 = arith.constant 1 : i32
    %swap3A_553 = arith.index_cast %swap3A_552 : i32 to index
    %swap3A_554 = arith.constant 112 : index
    %swap3A_555 = tpu.vector_load %arg6[%swap3A_553, %swap3A_554] {strides = array<i32>} : memref<2x128xi32, #tpu.memory_space<vmem>>, vector<16xi32>,
    tpu.vector_store %arg6[%swap3A_553, %swap3A_554], %add3A_551 {strides = array<i32>} : memref<2x128xi32, #tpu.memory_space<vmem>>, vector<16xi32>,
    %dma_start3A_556 = arith.constant 0 : i32
    %dma_start3A_557 = arith.constant 0 : i32
    %dma_start3A_558 = arith.constant 0 : i32
    %dma_start3A_559 = tpu.memref_slice %arg7[%dma_start3A_557, %dma_start3A_558] : memref<256x128xf32, #tpu.memory_space<vmem>> -> memref<128x128xf32, #tpu.memory_space<vmem>>
    %dma_start3A_560 = arith.constant 0 : i32
    %dma_start3A_561 = tpu.memref_slice %arg6[%dma_start3A_556, %dma_start3A_560] : memref<2x128xi32, #tpu.memory_space<vmem>> -> memref<1x128xi32, #tpu.memory_space<vmem>>
    %dma_start3A_562 = tpu.memref_squeeze %dma_start3A_561 : memref<1x128xi32, #tpu.memory_space<vmem>> -> memref<128xi32, #tpu.memory_space<vmem>>
    %dma_start3A_563 = arith.constant 0 : i32
    %dma_start3A_564 = arith.constant 0 : i32
    %dma_start3A_565 = tpu.memref_slice %arg3[%dma_start3A_563, %dma_start3A_564] : memref<501760x128xf32, #tpu.memory_space<hbm>> -> memref<501760x128xf32, #tpu.memory_space<hbm>>
    tpu.enqueue_indirect_dma source(%dma_start3A_565 : memref<501760x128xf32, #tpu.memory_space<hbm>>) target(%dma_start3A_559 : memref<128x128xf32, #tpu.memory_space<vmem>>) offsets(%dma_start3A_562 : memref<128xi32, #tpu.memory_space<vmem>>) semaphore(%arg9 : memref<!tpu.dma_semaphore, #tpu.memory_space<semaphore_mem>>)
    %dma_start3A_566 = arith.constant 1 : i32
    %dma_start3A_567 = arith.constant 128 : i32
    %dma_start3A_568 = arith.constant 0 : i32
    %dma_start3A_569 = tpu.memref_slice %arg7[%dma_start3A_567, %dma_start3A_568] : memref<256x128xf32, #tpu.memory_space<vmem>> -> memref<128x128xf32, #tpu.memory_space<vmem>>
    %dma_start3A_570 = arith.constant 0 : i32
    %dma_start3A_571 = tpu.memref_slice %arg6[%dma_start3A_566, %dma_start3A_570] : memref<2x128xi32, #tpu.memory_space<vmem>> -> memref<1x128xi32, #tpu.memory_space<vmem>>
    %dma_start3A_572 = tpu.memref_squeeze %dma_start3A_571 : memref<1x128xi32, #tpu.memory_space<vmem>> -> memref<128xi32, #tpu.memory_space<vmem>>
    %dma_start3A_573 = arith.constant 0 : i32
    %dma_start3A_574 = arith.constant 0 : i32
    %dma_start3A_575 = tpu.memref_slice %arg3[%dma_start3A_573, %dma_start3A_574] : memref<501760x128xf32, #tpu.memory_space<hbm>> -> memref<501760x128xf32, #tpu.memory_space<hbm>>
    tpu.enqueue_indirect_dma source(%dma_start3A_575 : memref<501760x128xf32, #tpu.memory_space<hbm>>) target(%dma_start3A_569 : memref<128x128xf32, #tpu.memory_space<vmem>>) offsets(%dma_start3A_572 : memref<128xi32, #tpu.memory_space<vmem>>) semaphore(%arg9 : memref<!tpu.dma_semaphore, #tpu.memory_space<semaphore_mem>>)
    %dma_wait3A_576 = arith.constant 0 : i32
    %dma_wait3A_577 = arith.constant 0 : i32
    %dma_wait3A_578 = arith.constant 0 : i32
    %dma_wait3A_579 = tpu.memref_slice %arg7[%dma_wait3A_577, %dma_wait3A_578] : memref<256x128xf32, #tpu.memory_space<vmem>> -> memref<128x128xf32, #tpu.memory_space<vmem>>
    %dma_wait3A_580 = arith.constant 0 : i32
    %dma_wait3A_581 = tpu.memref_slice %arg6[%dma_wait3A_576, %dma_wait3A_580] : memref<2x128xi32, #tpu.memory_space<vmem>> -> memref<1x128xi32, #tpu.memory_space<vmem>>
    %dma_wait3A_582 = tpu.memref_squeeze %dma_wait3A_581 : memref<1x128xi32, #tpu.memory_space<vmem>> -> memref<128xi32, #tpu.memory_space<vmem>>
    %dma_wait3A_583 = arith.constant 0 : i32
    %dma_wait3A_584 = arith.constant 0 : i32
    %dma_wait3A_585 = tpu.memref_slice %arg3[%dma_wait3A_583, %dma_wait3A_584] : memref<501760x128xf32, #tpu.memory_space<hbm>> -> memref<501760x128xf32, #tpu.memory_space<hbm>>
    tpu.wait_indirect_dma semaphore(%arg9 : memref<!tpu.dma_semaphore, #tpu.memory_space<semaphore_mem>>) src(%dma_wait3A_585 : memref<501760x128xf32, #tpu.memory_space<hbm>>) dst(%dma_wait3A_579 : memref<128x128xf32, #tpu.memory_space<vmem>>)
    %dma_wait3A_586 = arith.constant 1 : i32
    %dma_wait3A_587 = arith.constant 128 : i32
    %dma_wait3A_588 = arith.constant 0 : i32
    %dma_wait3A_589 = tpu.memref_slice %arg7[%dma_wait3A_587, %dma_wait3A_588] : memref<256x128xf32, #tpu.memory_space<vmem>> -> memref<128x128xf32, #tpu.memory_space<vmem>>
    %dma_wait3A_590 = arith.constant 0 : i32
    %dma_wait3A_591 = tpu.memref_slice %arg6[%dma_wait3A_586, %dma_wait3A_590] : memref<2x128xi32, #tpu.memory_space<vmem>> -> memref<1x128xi32, #tpu.memory_space<vmem>>
    %dma_wait3A_592 = tpu.memref_squeeze %dma_wait3A_591 : memref<1x128xi32, #tpu.memory_space<vmem>> -> memref<128xi32, #tpu.memory_space<vmem>>
    %dma_wait3A_593 = arith.constant 0 : i32
    %dma_wait3A_594 = arith.constant 0 : i32
    %dma_wait3A_595 = tpu.memref_slice %arg3[%dma_wait3A_593, %dma_wait3A_594] : memref<501760x128xf32, #tpu.memory_space<hbm>> -> memref<501760x128xf32, #tpu.memory_space<hbm>>
    tpu.wait_indirect_dma semaphore(%arg9 : memref<!tpu.dma_semaphore, #tpu.memory_space<semaphore_mem>>) src(%dma_wait3A_595 : memref<501760x128xf32, #tpu.memory_space<hbm>>) dst(%dma_wait3A_589 : memref<128x128xf32, #tpu.memory_space<vmem>>)
    %scan3A_596 = arith.constant 0 : i32
    %scan3A_597 = arith.constant 0 : i32
    %scan3A_598 = arith.constant 16 : i32
    %scan3A_599 = arith.addi %scan3A_597, %scan3A_598 : i32
    %scan3A_600 = arith.constant 1 : i32
    %scan3A_601 = scf.for %scan3A_605 = %scan3A_597 to %scan3A_599 step %scan3A_600 iter_args(%scan3A_606 = %scan3A_596) -> (i32)  : i32 {
      %mul3A_607 = arith.constant 16 : i32
      %mul3A_608 = arith.muli %scan3A_605, %mul3A_607 : i32
      %add3A_609 = arith.constant 256 : i32
      %add3A_610 = arith.addi %add3A_609, %mul3A_608 : i32
      %get3A_611 = arith.index_cast %add3A_610 : i32 to index
      %get3A_612 = tpu.vector_load %arg5[%get3A_611] {strides = array<i32>} : memref<512xi32, #tpu.memory_space<vmem>>, vector<16xi32>,
      %mul3A_613 = arith.constant 16 : i32
      %mul3A_614 = arith.muli %scan3A_605, %mul3A_613 : i32
      %add3A_615 = arith.constant 0 : i32
      %add3A_616 = arith.addi %mul3A_614, %add3A_615 : i32
      %slice3A = vector.extract_strided_slice %get3A_612 {offsets = [0], sizes = [1], strides = [1]} : vector<16xi32> to vector<1xi32>
      %squeeze3A = vector.extract %slice3A[0] : i32 from vector<1xi32>
      %shift_right_arithmetic3A_617 = arith.constant 11 : i32
      %shift_right_arithmetic3A_618 = arith.shrsi %squeeze3A, %shift_right_arithmetic3A_617 : i32
      %and3A_619 = arith.constant 1 : i32
      %and3A_620 = arith.andi %shift_right_arithmetic3A_618, %and3A_619 : i32
      %mul3A_621 = arith.constant 64 : i32
      %mul3A_622 = arith.muli %and3A_620, %mul3A_621 : i32
      %broadcast_in_dim3A = arith.constant 0 : i32
      %broadcast_in_dim3A_623 = vector.broadcast %broadcast_in_dim3A : i32 to vector<16xi32>
      %add3A_624 = vector.broadcast %add3A_616 : i32 to vector<16xi32>
      %add3A_625 = arith.addi %broadcast_in_dim3A_623, %add3A_624 : vector<16xi32>
      %add3A_626 = arith.constant 0 : i32
      %add3A_627 = arith.addi %mul3A_622, %add3A_626 : i32
      %add3A_628 = vector.broadcast %add3A_627 : i32 to vector<16xi32>
      %add3A_629 = arith.addi %add3A_628, %iota3A : vector<16xi32>
      %gather3A = tpu.vector_load_idx %arg7[%add3A_625, %add3A_629] : memref<256x128xf32, #tpu.memory_space<vmem>>[vector<16xi32>, vector<16xi32>], vector<16xf32>,
      %add3A_630 = arith.constant 0 : i32
      %add3A_631 = vector.broadcast %add3A_630 : i32 to vector<16xi32>
      %add3A_632 = arith.addi %add3A_631, %iota3A : vector<16xi32>
      tpu.vector_store_idx %arg8[%add3A_625, %add3A_632], %gather3A : memref<256x64xf32, #tpu.memory_space<vmem>>[vector<16xi32>, vector<16xi32>], vector<16xf32>,
      %add3A_633 = arith.constant 16 : i32
      %add3A_634 = arith.addi %mul3A_622, %add3A_633 : i32
      %add3A_635 = vector.broadcast %add3A_634 : i32 to vector<16xi32>
      %add3A_636 = arith.addi %add3A_635, %iota3A : vector<16xi32>
      %gather3A_637 = tpu.vector_load_idx %arg7[%add3A_625, %add3A_636] : memref<256x128xf32, #tpu.memory_space<vmem>>[vector<16xi32>, vector<16xi32>], vector<16xf32>,
      %add3A_638 = arith.constant 16 : i32
      %add3A_639 = vector.broadcast %add3A_638 : i32 to vector<16xi32>
      %add3A_640 = arith.addi %add3A_639, %iota3A : vector<16xi32>
      tpu.vector_store_idx %arg8[%add3A_625, %add3A_640], %gather3A_637 : memref<256x64xf32, #tpu.memory_space<vmem>>[vector<16xi32>, vector<16xi32>], vector<16xf32>,
      %add3A_641 = arith.constant 32 : i32
      %add3A_642 = arith.addi %mul3A_622, %add3A_641 : i32
      %add3A_643 = vector.broadcast %add3A_642 : i32 to vector<16xi32>
      %add3A_644 = arith.addi %add3A_643, %iota3A : vector<16xi32>
      %gather3A_645 = tpu.vector_load_idx %arg7[%add3A_625, %add3A_644] : memref<256x128xf32, #tpu.memory_space<vmem>>[vector<16xi32>, vector<16xi32>], vector<16xf32>,
      %add3A_646 = arith.constant 32 : i32
      %add3A_647 = vector.broadcast %add3A_646 : i32 to vector<16xi32>
      %add3A_648 = arith.addi %add3A_647, %iota3A : vector<16xi32>
      tpu.vector_store_idx %arg8[%add3A_625, %add3A_648], %gather3A_645 : memref<256x64xf32, #tpu.memory_space<vmem>>[vector<16xi32>, vector<16xi32>], vector<16xf32>,
      %add3A_649 = arith.constant 48 : i32
      %add3A_650 = arith.addi %mul3A_622, %add3A_649 : i32
      %add3A_651 = vector.broadcast %add3A_650 : i32 to vector<16xi32>
      %add3A_652 = arith.addi %add3A_651, %iota3A : vector<16xi32>
      %gather3A_653 = tpu.vector_load_idx %arg7[%add3A_625, %add3A_652] : memref<256x128xf32, #tpu.memory_space<vmem>>[vector<16xi32>, vector<16xi32>], vector<16xf32>,
      %add3A_654 = arith.constant 48 : i32
      %add3A_655 = vector.broadcast %add3A_654 : i32 to vector<16xi32>
      %add3A_656 = arith.addi %add3A_655, %iota3A : vector<16xi32>
      tpu.vector_store_idx %arg8[%add3A_625, %add3A_656], %gather3A_653 : memref<256x64xf32, #tpu.memory_space<vmem>>[vector<16xi32>, vector<16xi32>], vector<16xf32>,
      %mul3A_657 = arith.constant 16 : i32
      %mul3A_658 = arith.muli %scan3A_605, %mul3A_657 : i32
      %add3A_659 = arith.constant 1 : i32
      %add3A_660 = arith.addi %mul3A_658, %add3A_659 : i32
      %slice3A_661 = vector.extract_strided_slice %get3A_612 {offsets = [1], sizes = [1], strides = [1]} : vector<16xi32> to vector<1xi32>
      %squeeze3A_662 = vector.extract %slice3A_661[0] : i32 from vector<1xi32>
      %shift_right_arithmetic3A_663 = arith.constant 11 : i32
      %shift_right_arithmetic3A_664 = arith.shrsi %squeeze3A_662, %shift_right_arithmetic3A_663 : i32
      %and3A_665 = arith.constant 1 : i32
      %and3A_666 = arith.andi %shift_right_arithmetic3A_664, %and3A_665 : i32
      %mul3A_667 = arith.constant 64 : i32
      %mul3A_668 = arith.muli %and3A_666, %mul3A_667 : i32
      %broadcast_in_dim3A_669 = arith.constant 0 : i32
      %broadcast_in_dim3A_670 = vector.broadcast %broadcast_in_dim3A_669 : i32 to vector<16xi32>
      %add3A_671 = vector.broadcast %add3A_660 : i32 to vector<16xi32>
      %add3A_672 = arith.addi %broadcast_in_dim3A_670, %add3A_671 : vector<16xi32>
      %add3A_673 = arith.constant 0 : i32
      %add3A_674 = arith.addi %mul3A_668, %add3A_673 : i32
      %add3A_675 = vector.broadcast %add3A_674 : i32 to vector<16xi32>
      %add3A_676 = arith.addi %add3A_675, %iota3A : vector<16xi32>
      %gather3A_677 = tpu.vector_load_idx %arg7[%add3A_672, %add3A_676] : memref<256x128xf32, #tpu.memory_space<vmem>>[vector<16xi32>, vector<16xi32>], vector<16xf32>,
      %add3A_678 = arith.constant 0 : i32
      %add3A_679 = vector.broadcast %add3A_678 : i32 to vector<16xi32>
      %add3A_680 = arith.addi %add3A_679, %iota3A : vector<16xi32>
      tpu.vector_store_idx %arg8[%add3A_672, %add3A_680], %gather3A_677 : memref<256x64xf32, #tpu.memory_space<vmem>>[vector<16xi32>, vector<16xi32>], vector<16xf32>,
      %add3A_681 = arith.constant 16 : i32
      %add3A_682 = arith.addi %mul3A_668, %add3A_681 : i32
      %add3A_683 = vector.broadcast %add3A_682 : i32 to vector<16xi32>
      %add3A_684 = arith.addi %add3A_683, %iota3A : vector<16xi32>
      %gather3A_685 = tpu.vector_load_idx %arg7[%add3A_672, %add3A_684] : memref<256x128xf32, #tpu.memory_space<vmem>>[vector<16xi32>, vector<16xi32>], vector<16xf32>,
      %add3A_686 = arith.constant 16 : i32
      %add3A_687 = vector.broadcast %add3A_686 : i32 to vector<16xi32>
      %add3A_688 = arith.addi %add3A_687, %iota3A : vector<16xi32>
      tpu.vector_store_idx %arg8[%add3A_672, %add3A_688], %gather3A_685 : memref<256x64xf32, #tpu.memory_space<vmem>>[vector<16xi32>, vector<16xi32>], vector<16xf32>,
      %add3A_689 = arith.constant 32 : i32
      %add3A_690 = arith.addi %mul3A_668, %add3A_689 : i32
      %add3A_691 = vector.broadcast %add3A_690 : i32 to vector<16xi32>
      %add3A_692 = arith.addi %add3A_691, %iota3A : vector<16xi32>
      %gather3A_693 = tpu.vector_load_idx %arg7[%add3A_672, %add3A_692] : memref<256x128xf32, #tpu.memory_space<vmem>>[vector<16xi32>, vector<16xi32>], vector<16xf32>,
      %add3A_694 = arith.constant 32 : i32
      %add3A_695 = vector.broadcast %add3A_694 : i32 to vector<16xi32>
      %add3A_696 = arith.addi %add3A_695, %iota3A : vector<16xi32>
      tpu.vector_store_idx %arg8[%add3A_672, %add3A_696], %gather3A_693 : memref<256x64xf32, #tpu.memory_space<vmem>>[vector<16xi32>, vector<16xi32>], vector<16xf32>,
      %add3A_697 = arith.constant 48 : i32
      %add3A_698 = arith.addi %mul3A_668, %add3A_697 : i32
      %add3A_699 = vector.broadcast %add3A_698 : i32 to vector<16xi32>
      %add3A_700 = arith.addi %add3A_699, %iota3A : vector<16xi32>
      %gather3A_701 = tpu.vector_load_idx %arg7[%add3A_672, %add3A_700] : memref<256x128xf32, #tpu.memory_space<vmem>>[vector<16xi32>, vector<16xi32>], vector<16xf32>,
      %add3A_702 = arith.constant 48 : i32
      %add3A_703 = vector.broadcast %add3A_702 : i32 to vector<16xi32>
      %add3A_704 = arith.addi %add3A_703, %iota3A : vector<16xi32>
      tpu.vector_store_idx %arg8[%add3A_672, %add3A_704], %gather3A_701 : memref<256x64xf32, #tpu.memory_space<vmem>>[vector<16xi32>, vector<16xi32>], vector<16xf32>,
      %mul3A_705 = arith.constant 16 : i32
      %mul3A_706 = arith.muli %scan3A_605, %mul3A_705 : i32
      %add3A_707 = arith.constant 2 : i32
      %add3A_708 = arith.addi %mul3A_706, %add3A_707 : i32
      %slice3A_709 = vector.extract_strided_slice %get3A_612 {offsets = [2], sizes = [1], strides = [1]} : vector<16xi32> to vector<1xi32>
      %squeeze3A_710 = vector.extract %slice3A_709[0] : i32 from vector<1xi32>
      %shift_right_arithmetic3A_711 = arith.constant 11 : i32
      %shift_right_arithmetic3A_712 = arith.shrsi %squeeze3A_710, %shift_right_arithmetic3A_711 : i32
      %and3A_713 = arith.constant 1 : i32
      %and3A_714 = arith.andi %shift_right_arithmetic3A_712, %and3A_713 : i32
      %mul3A_715 = arith.constant 64 : i32
      %mul3A_716 = arith.muli %and3A_714, %mul3A_715 : i32
      %broadcast_in_dim3A_717 = arith.constant 0 : i32
      %broadcast_in_dim3A_718 = vector.broadcast %broadcast_in_dim3A_717 : i32 to vector<16xi32>
      %add3A_719 = vector.broadcast %add3A_708 : i32 to vector<16xi32>
      %add3A_720 = arith.addi %broadcast_in_dim3A_718, %add3A_719 : vector<16xi32>
      %add3A_721 = arith.constant 0 : i32
      %add3A_722 = arith.addi %mul3A_716, %add3A_721 : i32
      %add3A_723 = vector.broadcast %add3A_722 : i32 to vector<16xi32>
      %add3A_724 = arith.addi %add3A_723, %iota3A : vector<16xi32>
      %gather3A_725 = tpu.vector_load_idx %arg7[%add3A_720, %add3A_724] : memref<256x128xf32, #tpu.memory_space<vmem>>[vector<16xi32>, vector<16xi32>], vector<16xf32>,
      %add3A_726 = arith.constant 0 : i32
      %add3A_727 = vector.broadcast %add3A_726 : i32 to vector<16xi32>
      %add3A_728 = arith.addi %add3A_727, %iota3A : vector<16xi32>
      tpu.vector_store_idx %arg8[%add3A_720, %add3A_728], %gather3A_725 : memref<256x64xf32, #tpu.memory_space<vmem>>[vector<16xi32>, vector<16xi32>], vector<16xf32>,
      %add3A_729 = arith.constant 16 : i32
      %add3A_730 = arith.addi %mul3A_716, %add3A_729 : i32
      %add3A_731 = vector.broadcast %add3A_730 : i32 to vector<16xi32>
      %add3A_732 = arith.addi %add3A_731, %iota3A : vector<16xi32>
      %gather3A_733 = tpu.vector_load_idx %arg7[%add3A_720, %add3A_732] : memref<256x128xf32, #tpu.memory_space<vmem>>[vector<16xi32>, vector<16xi32>], vector<16xf32>,
      %add3A_734 = arith.constant 16 : i32
      %add3A_735 = vector.broadcast %add3A_734 : i32 to vector<16xi32>
      %add3A_736 = arith.addi %add3A_735, %iota3A : vector<16xi32>
      tpu.vector_store_idx %arg8[%add3A_720, %add3A_736], %gather3A_733 : memref<256x64xf32, #tpu.memory_space<vmem>>[vector<16xi32>, vector<16xi32>], vector<16xf32>,
      %add3A_737 = arith.constant 32 : i32
      %add3A_738 = arith.addi %mul3A_716, %add3A_737 : i32
      %add3A_739 = vector.broadcast %add3A_738 : i32 to vector<16xi32>
      %add3A_740 = arith.addi %add3A_739, %iota3A : vector<16xi32>
      %gather3A_741 = tpu.vector_load_idx %arg7[%add3A_720, %add3A_740] : memref<256x128xf32, #tpu.memory_space<vmem>>[vector<16xi32>, vector<16xi32>], vector<16xf32>,
      %add3A_742 = arith.constant 32 : i32
      %add3A_743 = vector.broadcast %add3A_742 : i32 to vector<16xi32>
      %add3A_744 = arith.addi %add3A_743, %iota3A : vector<16xi32>
      tpu.vector_store_idx %arg8[%add3A_720, %add3A_744], %gather3A_741 : memref<256x64xf32, #tpu.memory_space<vmem>>[vector<16xi32>, vector<16xi32>], vector<16xf32>,
      %add3A_745 = arith.constant 48 : i32
      %add3A_746 = arith.addi %mul3A_716, %add3A_745 : i32
      %add3A_747 = vector.broadcast %add3A_746 : i32 to vector<16xi32>
      %add3A_748 = arith.addi %add3A_747, %iota3A : vector<16xi32>
      %gather3A_749 = tpu.vector_load_idx %arg7[%add3A_720, %add3A_748] : memref<256x128xf32, #tpu.memory_space<vmem>>[vector<16xi32>, vector<16xi32>], vector<16xf32>,
      %add3A_750 = arith.constant 48 : i32
      %add3A_751 = vector.broadcast %add3A_750 : i32 to vector<16xi32>
      %add3A_752 = arith.addi %add3A_751, %iota3A : vector<16xi32>
      tpu.vector_store_idx %arg8[%add3A_720, %add3A_752], %gather3A_749 : memref<256x64xf32, #tpu.memory_space<vmem>>[vector<16xi32>, vector<16xi32>], vector<16xf32>,
      %mul3A_753 = arith.constant 16 : i32
      %mul3A_754 = arith.muli %scan3A_605, %mul3A_753 : i32
      %add3A_755 = arith.constant 3 : i32
      %add3A_756 = arith.addi %mul3A_754, %add3A_755 : i32
      %slice3A_757 = vector.extract_strided_slice %get3A_612 {offsets = [3], sizes = [1], strides = [1]} : vector<16xi32> to vector<1xi32>
      %squeeze3A_758 = vector.extract %slice3A_757[0] : i32 from vector<1xi32>
      %shift_right_arithmetic3A_759 = arith.constant 11 : i32
      %shift_right_arithmetic3A_760 = arith.shrsi %squeeze3A_758, %shift_right_arithmetic3A_759 : i32
      %and3A_761 = arith.constant 1 : i32
      %and3A_762 = arith.andi %shift_right_arithmetic3A_760, %and3A_761 : i32
      %mul3A_763 = arith.constant 64 : i32
      %mul3A_764 = arith.muli %and3A_762, %mul3A_763 : i32
      %broadcast_in_dim3A_765 = arith.constant 0 : i32
      %broadcast_in_dim3A_766 = vector.broadcast %broadcast_in_dim3A_765 : i32 to vector<16xi32>
      %add3A_767 = vector.broadcast %add3A_756 : i32 to vector<16xi32>
      %add3A_768 = arith.addi %broadcast_in_dim3A_766, %add3A_767 : vector<16xi32>
      %add3A_769 = arith.constant 0 : i32
      %add3A_770 = arith.addi %mul3A_764, %add3A_769 : i32
      %add3A_771 = vector.broadcast %add3A_770 : i32 to vector<16xi32>
      %add3A_772 = arith.addi %add3A_771, %iota3A : vector<16xi32>
      %gather3A_773 = tpu.vector_load_idx %arg7[%add3A_768, %add3A_772] : memref<256x128xf32, #tpu.memory_space<vmem>>[vector<16xi32>, vector<16xi32>], vector<16xf32>,
      %add3A_774 = arith.constant 0 : i32
      %add3A_775 = vector.broadcast %add3A_774 : i32 to vector<16xi32>
      %add3A_776 = arith.addi %add3A_775, %iota3A : vector<16xi32>
      tpu.vector_store_idx %arg8[%add3A_768, %add3A_776], %gather3A_773 : memref<256x64xf32, #tpu.memory_space<vmem>>[vector<16xi32>, vector<16xi32>], vector<16xf32>,
      %add3A_777 = arith.constant 16 : i32
      %add3A_778 = arith.addi %mul3A_764, %add3A_777 : i32
      %add3A_779 = vector.broadcast %add3A_778 : i32 to vector<16xi32>
      %add3A_780 = arith.addi %add3A_779, %iota3A : vector<16xi32>
      %gather3A_781 = tpu.vector_load_idx %arg7[%add3A_768, %add3A_780] : memref<256x128xf32, #tpu.memory_space<vmem>>[vector<16xi32>, vector<16xi32>], vector<16xf32>,
      %add3A_782 = arith.constant 16 : i32
      %add3A_783 = vector.broadcast %add3A_782 : i32 to vector<16xi32>
      %add3A_784 = arith.addi %add3A_783, %iota3A : vector<16xi32>
      tpu.vector_store_idx %arg8[%add3A_768, %add3A_784], %gather3A_781 : memref<256x64xf32, #tpu.memory_space<vmem>>[vector<16xi32>, vector<16xi32>], vector<16xf32>,
      %add3A_785 = arith.constant 32 : i32
      %add3A_786 = arith.addi %mul3A_764, %add3A_785 : i32
      %add3A_787 = vector.broadcast %add3A_786 : i32 to vector<16xi32>
      %add3A_788 = arith.addi %add3A_787, %iota3A : vector<16xi32>
      %gather3A_789 = tpu.vector_load_idx %arg7[%add3A_768, %add3A_788] : memref<256x128xf32, #tpu.memory_space<vmem>>[vector<16xi32>, vector<16xi32>], vector<16xf32>,
      %add3A_790 = arith.constant 32 : i32
      %add3A_791 = vector.broadcast %add3A_790 : i32 to vector<16xi32>
      %add3A_792 = arith.addi %add3A_791, %iota3A : vector<16xi32>
      tpu.vector_store_idx %arg8[%add3A_768, %add3A_792], %gather3A_789 : memref<256x64xf32, #tpu.memory_space<vmem>>[vector<16xi32>, vector<16xi32>], vector<16xf32>,
      %add3A_793 = arith.constant 48 : i32
      %add3A_794 = arith.addi %mul3A_764, %add3A_793 : i32
      %add3A_795 = vector.broadcast %add3A_794 : i32 to vector<16xi32>
      %add3A_796 = arith.addi %add3A_795, %iota3A : vector<16xi32>
      %gather3A_797 = tpu.vector_load_idx %arg7[%add3A_768, %add3A_796] : memref<256x128xf32, #tpu.memory_space<vmem>>[vector<16xi32>, vector<16xi32>], vector<16xf32>,
      %add3A_798 = arith.constant 48 : i32
      %add3A_799 = vector.broadcast %add3A_798 : i32 to vector<16xi32>
      %add3A_800 = arith.addi %add3A_799, %iota3A : vector<16xi32>
      tpu.vector_store_idx %arg8[%add3A_768, %add3A_800], %gather3A_797 : memref<256x64xf32, #tpu.memory_space<vmem>>[vector<16xi32>, vector<16xi32>], vector<16xf32>,
      %mul3A_801 = arith.constant 16 : i32
      %mul3A_802 = arith.muli %scan3A_605, %mul3A_801 : i32
      %add3A_803 = arith.constant 4 : i32
      %add3A_804 = arith.addi %mul3A_802, %add3A_803 : i32
      %slice3A_805 = vector.extract_strided_slice %get3A_612 {offsets = [4], sizes = [1], strides = [1]} : vector<16xi32> to vector<1xi32>
      %squeeze3A_806 = vector.extract %slice3A_805[0] : i32 from vector<1xi32>
      %shift_right_arithmetic3A_807 = arith.constant 11 : i32
      %shift_right_arithmetic3A_808 = arith.shrsi %squeeze3A_806, %shift_right_arithmetic3A_807 : i32
      %and3A_809 = arith.constant 1 : i32
      %and3A_810 = arith.andi %shift_right_arithmetic3A_808, %and3A_809 : i32
      %mul3A_811 = arith.constant 64 : i32
      %mul3A_812 = arith.muli %and3A_810, %mul3A_811 : i32
      %broadcast_in_dim3A_813 = arith.constant 0 : i32
      %broadcast_in_dim3A_814 = vector.broadcast %broadcast_in_dim3A_813 : i32 to vector<16xi32>
      %add3A_815 = vector.broadcast %add3A_804 : i32 to vector<16xi32>
      %add3A_816 = arith.addi %broadcast_in_dim3A_814, %add3A_815 : vector<16xi32>
      %add3A_817 = arith.constant 0 : i32
      %add3A_818 = arith.addi %mul3A_812, %add3A_817 : i32
      %add3A_819 = vector.broadcast %add3A_818 : i32 to vector<16xi32>
      %add3A_820 = arith.addi %add3A_819, %iota3A : vector<16xi32>
      %gather3A_821 = tpu.vector_load_idx %arg7[%add3A_816, %add3A_820] : memref<256x128xf32, #tpu.memory_space<vmem>>[vector<16xi32>, vector<16xi32>], vector<16xf32>,
      %add3A_822 = arith.constant 0 : i32
      %add3A_823 = vector.broadcast %add3A_822 : i32 to vector<16xi32>
      %add3A_824 = arith.addi %add3A_823, %iota3A : vector<16xi32>
      tpu.vector_store_idx %arg8[%add3A_816, %add3A_824], %gather3A_821 : memref<256x64xf32, #tpu.memory_space<vmem>>[vector<16xi32>, vector<16xi32>], vector<16xf32>,
      %add3A_825 = arith.constant 16 : i32
      %add3A_826 = arith.addi %mul3A_812, %add3A_825 : i32
      %add3A_827 = vector.broadcast %add3A_826 : i32 to vector<16xi32>
      %add3A_828 = arith.addi %add3A_827, %iota3A : vector<16xi32>
      %gather3A_829 = tpu.vector_load_idx %arg7[%add3A_816, %add3A_828] : memref<256x128xf32, #tpu.memory_space<vmem>>[vector<16xi32>, vector<16xi32>], vector<16xf32>,
      %add3A_830 = arith.constant 16 : i32
      %add3A_831 = vector.broadcast %add3A_830 : i32 to vector<16xi32>
      %add3A_832 = arith.addi %add3A_831, %iota3A : vector<16xi32>
      tpu.vector_store_idx %arg8[%add3A_816, %add3A_832], %gather3A_829 : memref<256x64xf32, #tpu.memory_space<vmem>>[vector<16xi32>, vector<16xi32>], vector<16xf32>,
      %add3A_833 = arith.constant 32 : i32
      %add3A_834 = arith.addi %mul3A_812, %add3A_833 : i32
      %add3A_835 = vector.broadcast %add3A_834 : i32 to vector<16xi32>
      %add3A_836 = arith.addi %add3A_835, %iota3A : vector<16xi32>
      %gather3A_837 = tpu.vector_load_idx %arg7[%add3A_816, %add3A_836] : memref<256x128xf32, #tpu.memory_space<vmem>>[vector<16xi32>, vector<16xi32>], vector<16xf32>,
      %add3A_838 = arith.constant 32 : i32
      %add3A_839 = vector.broadcast %add3A_838 : i32 to vector<16xi32>
      %add3A_840 = arith.addi %add3A_839, %iota3A : vector<16xi32>
      tpu.vector_store_idx %arg8[%add3A_816, %add3A_840], %gather3A_837 : memref<256x64xf32, #tpu.memory_space<vmem>>[vector<16xi32>, vector<16xi32>], vector<16xf32>,
      %add3A_841 = arith.constant 48 : i32
      %add3A_842 = arith.addi %mul3A_812, %add3A_841 : i32
      %add3A_843 = vector.broadcast %add3A_842 : i32 to vector<16xi32>
      %add3A_844 = arith.addi %add3A_843, %iota3A : vector<16xi32>
      %gather3A_845 = tpu.vector_load_idx %arg7[%add3A_816, %add3A_844] : memref<256x128xf32, #tpu.memory_space<vmem>>[vector<16xi32>, vector<16xi32>], vector<16xf32>,
      %add3A_846 = arith.constant 48 : i32
      %add3A_847 = vector.broadcast %add3A_846 : i32 to vector<16xi32>
      %add3A_848 = arith.addi %add3A_847, %iota3A : vector<16xi32>
      tpu.vector_store_idx %arg8[%add3A_816, %add3A_848], %gather3A_845 : memref<256x64xf32, #tpu.memory_space<vmem>>[vector<16xi32>, vector<16xi32>], vector<16xf32>,
      %mul3A_849 = arith.constant 16 : i32
      %mul3A_850 = arith.muli %scan3A_605, %mul3A_849 : i32
      %add3A_851 = arith.constant 5 : i32
      %add3A_852 = arith.addi %mul3A_850, %add3A_851 : i32
      %slice3A_853 = vector.extract_strided_slice %get3A_612 {offsets = [5], sizes = [1], strides = [1]} : vector<16xi32> to vector<1xi32>
      %squeeze3A_854 = vector.extract %slice3A_853[0] : i32 from vector<1xi32>
      %shift_right_arithmetic3A_855 = arith.constant 11 : i32
      %shift_right_arithmetic3A_856 = arith.shrsi %squeeze3A_854, %shift_right_arithmetic3A_855 : i32
      %and3A_857 = arith.constant 1 : i32
      %and3A_858 = arith.andi %shift_right_arithmetic3A_856, %and3A_857 : i32
      %mul3A_859 = arith.constant 64 : i32
      %mul3A_860 = arith.muli %and3A_858, %mul3A_859 : i32
      %broadcast_in_dim3A_861 = arith.constant 0 : i32
      %broadcast_in_dim3A_862 = vector.broadcast %broadcast_in_dim3A_861 : i32 to vector<16xi32>
      %add3A_863 = vector.broadcast %add3A_852 : i32 to vector<16xi32>
      %add3A_864 = arith.addi %broadcast_in_dim3A_862, %add3A_863 : vector<16xi32>
      %add3A_865 = arith.constant 0 : i32
      %add3A_866 = arith.addi %mul3A_860, %add3A_865 : i32
      %add3A_867 = vector.broadcast %add3A_866 : i32 to vector<16xi32>
      %add3A_868 = arith.addi %add3A_867, %iota3A : vector<16xi32>
      %gather3A_869 = tpu.vector_load_idx %arg7[%add3A_864, %add3A_868] : memref<256x128xf32, #tpu.memory_space<vmem>>[vector<16xi32>, vector<16xi32>], vector<16xf32>,
      %add3A_870 = arith.constant 0 : i32
      %add3A_871 = vector.broadcast %add3A_870 : i32 to vector<16xi32>
      %add3A_872 = arith.addi %add3A_871, %iota3A : vector<16xi32>
      tpu.vector_store_idx %arg8[%add3A_864, %add3A_872], %gather3A_869 : memref<256x64xf32, #tpu.memory_space<vmem>>[vector<16xi32>, vector<16xi32>], vector<16xf32>,
      %add3A_873 = arith.constant 16 : i32
      %add3A_874 = arith.addi %mul3A_860, %add3A_873 : i32
      %add3A_875 = vector.broadcast %add3A_874 : i32 to vector<16xi32>
      %add3A_876 = arith.addi %add3A_875, %iota3A : vector<16xi32>
      %gather3A_877 = tpu.vector_load_idx %arg7[%add3A_864, %add3A_876] : memref<256x128xf32, #tpu.memory_space<vmem>>[vector<16xi32>, vector<16xi32>], vector<16xf32>,
      %add3A_878 = arith.constant 16 : i32
      %add3A_879 = vector.broadcast %add3A_878 : i32 to vector<16xi32>
      %add3A_880 = arith.addi %add3A_879, %iota3A : vector<16xi32>
      tpu.vector_store_idx %arg8[%add3A_864, %add3A_880], %gather3A_877 : memref<256x64xf32, #tpu.memory_space<vmem>>[vector<16xi32>, vector<16xi32>], vector<16xf32>,
      %add3A_881 = arith.constant 32 : i32
      %add3A_882 = arith.addi %mul3A_860, %add3A_881 : i32
      %add3A_883 = vector.broadcast %add3A_882 : i32 to vector<16xi32>
      %add3A_884 = arith.addi %add3A_883, %iota3A : vector<16xi32>
      %gather3A_885 = tpu.vector_load_idx %arg7[%add3A_864, %add3A_884] : memref<256x128xf32, #tpu.memory_space<vmem>>[vector<16xi32>, vector<16xi32>], vector<16xf32>,
      %add3A_886 = arith.constant 32 : i32
      %add3A_887 = vector.broadcast %add3A_886 : i32 to vector<16xi32>
      %add3A_888 = arith.addi %add3A_887, %iota3A : vector<16xi32>
      tpu.vector_store_idx %arg8[%add3A_864, %add3A_888], %gather3A_885 : memref<256x64xf32, #tpu.memory_space<vmem>>[vector<16xi32>, vector<16xi32>], vector<16xf32>,
      %add3A_889 = arith.constant 48 : i32
      %add3A_890 = arith.addi %mul3A_860, %add3A_889 : i32
      %add3A_891 = vector.broadcast %add3A_890 : i32 to vector<16xi32>
      %add3A_892 = arith.addi %add3A_891, %iota3A : vector<16xi32>
      %gather3A_893 = tpu.vector_load_idx %arg7[%add3A_864, %add3A_892] : memref<256x128xf32, #tpu.memory_space<vmem>>[vector<16xi32>, vector<16xi32>], vector<16xf32>,
      %add3A_894 = arith.constant 48 : i32
      %add3A_895 = vector.broadcast %add3A_894 : i32 to vector<16xi32>
      %add3A_896 = arith.addi %add3A_895, %iota3A : vector<16xi32>
      tpu.vector_store_idx %arg8[%add3A_864, %add3A_896], %gather3A_893 : memref<256x64xf32, #tpu.memory_space<vmem>>[vector<16xi32>, vector<16xi32>], vector<16xf32>,
      %mul3A_897 = arith.constant 16 : i32
      %mul3A_898 = arith.muli %scan3A_605, %mul3A_897 : i32
      %add3A_899 = arith.constant 6 : i32
      %add3A_900 = arith.addi %mul3A_898, %add3A_899 : i32
      %slice3A_901 = vector.extract_strided_slice %get3A_612 {offsets = [6], sizes = [1], strides = [1]} : vector<16xi32> to vector<1xi32>
      %squeeze3A_902 = vector.extract %slice3A_901[0] : i32 from vector<1xi32>
      %shift_right_arithmetic3A_903 = arith.constant 11 : i32
      %shift_right_arithmetic3A_904 = arith.shrsi %squeeze3A_902, %shift_right_arithmetic3A_903 : i32
      %and3A_905 = arith.constant 1 : i32
      %and3A_906 = arith.andi %shift_right_arithmetic3A_904, %and3A_905 : i32
      %mul3A_907 = arith.constant 64 : i32
      %mul3A_908 = arith.muli %and3A_906, %mul3A_907 : i32
      %broadcast_in_dim3A_909 = arith.constant 0 : i32
      %broadcast_in_dim3A_910 = vector.broadcast %broadcast_in_dim3A_909 : i32 to vector<16xi32>
      %add3A_911 = vector.broadcast %add3A_900 : i32 to vector<16xi32>
      %add3A_912 = arith.addi %broadcast_in_dim3A_910, %add3A_911 : vector<16xi32>
      %add3A_913 = arith.constant 0 : i32
      %add3A_914 = arith.addi %mul3A_908, %add3A_913 : i32
      %add3A_915 = vector.broadcast %add3A_914 : i32 to vector<16xi32>
      %add3A_916 = arith.addi %add3A_915, %iota3A : vector<16xi32>
      %gather3A_917 = tpu.vector_load_idx %arg7[%add3A_912, %add3A_916] : memref<256x128xf32, #tpu.memory_space<vmem>>[vector<16xi32>, vector<16xi32>], vector<16xf32>,
      %add3A_918 = arith.constant 0 : i32
      %add3A_919 = vector.broadcast %add3A_918 : i32 to vector<16xi32>
      %add3A_920 = arith.addi %add3A_919, %iota3A : vector<16xi32>
      tpu.vector_store_idx %arg8[%add3A_912, %add3A_920], %gather3A_917 : memref<256x64xf32, #tpu.memory_space<vmem>>[vector<16xi32>, vector<16xi32>], vector<16xf32>,
      %add3A_921 = arith.constant 16 : i32
      %add3A_922 = arith.addi %mul3A_908, %add3A_921 : i32
      %add3A_923 = vector.broadcast %add3A_922 : i32 to vector<16xi32>
      %add3A_924 = arith.addi %add3A_923, %iota3A : vector<16xi32>
      %gather3A_925 = tpu.vector_load_idx %arg7[%add3A_912, %add3A_924] : memref<256x128xf32, #tpu.memory_space<vmem>>[vector<16xi32>, vector<16xi32>], vector<16xf32>,
      %add3A_926 = arith.constant 16 : i32
      %add3A_927 = vector.broadcast %add3A_926 : i32 to vector<16xi32>
      %add3A_928 = arith.addi %add3A_927, %iota3A : vector<16xi32>
      tpu.vector_store_idx %arg8[%add3A_912, %add3A_928], %gather3A_925 : memref<256x64xf32, #tpu.memory_space<vmem>>[vector<16xi32>, vector<16xi32>], vector<16xf32>,
      %add3A_929 = arith.constant 32 : i32
      %add3A_930 = arith.addi %mul3A_908, %add3A_929 : i32
      %add3A_931 = vector.broadcast %add3A_930 : i32 to vector<16xi32>
      %add3A_932 = arith.addi %add3A_931, %iota3A : vector<16xi32>
      %gather3A_933 = tpu.vector_load_idx %arg7[%add3A_912, %add3A_932] : memref<256x128xf32, #tpu.memory_space<vmem>>[vector<16xi32>, vector<16xi32>], vector<16xf32>,
      %add3A_934 = arith.constant 32 : i32
      %add3A_935 = vector.broadcast %add3A_934 : i32 to vector<16xi32>
      %add3A_936 = arith.addi %add3A_935, %iota3A : vector<16xi32>
      tpu.vector_store_idx %arg8[%add3A_912, %add3A_936], %gather3A_933 : memref<256x64xf32, #tpu.memory_space<vmem>>[vector<16xi32>, vector<16xi32>], vector<16xf32>,
      %add3A_937 = arith.constant 48 : i32
      %add3A_938 = arith.addi %mul3A_908, %add3A_937 : i32
      %add3A_939 = vector.broadcast %add3A_938 : i32 to vector<16xi32>
      %add3A_940 = arith.addi %add3A_939, %iota3A : vector<16xi32>
      %gather3A_941 = tpu.vector_load_idx %arg7[%add3A_912, %add3A_940] : memref<256x128xf32, #tpu.memory_space<vmem>>[vector<16xi32>, vector<16xi32>], vector<16xf32>,
      %add3A_942 = arith.constant 48 : i32
      %add3A_943 = vector.broadcast %add3A_942 : i32 to vector<16xi32>
      %add3A_944 = arith.addi %add3A_943, %iota3A : vector<16xi32>
      tpu.vector_store_idx %arg8[%add3A_912, %add3A_944], %gather3A_941 : memref<256x64xf32, #tpu.memory_space<vmem>>[vector<16xi32>, vector<16xi32>], vector<16xf32>,
      %mul3A_945 = arith.constant 16 : i32
      %mul3A_946 = arith.muli %scan3A_605, %mul3A_945 : i32
      %add3A_947 = arith.constant 7 : i32
      %add3A_948 = arith.addi %mul3A_946, %add3A_947 : i32
      %slice3A_949 = vector.extract_strided_slice %get3A_612 {offsets = [7], sizes = [1], strides = [1]} : vector<16xi32> to vector<1xi32>
      %squeeze3A_950 = vector.extract %slice3A_949[0] : i32 from vector<1xi32>
      %shift_right_arithmetic3A_951 = arith.constant 11 : i32
      %shift_right_arithmetic3A_952 = arith.shrsi %squeeze3A_950, %shift_right_arithmetic3A_951 : i32
      %and3A_953 = arith.constant 1 : i32
      %and3A_954 = arith.andi %shift_right_arithmetic3A_952, %and3A_953 : i32
      %mul3A_955 = arith.constant 64 : i32
      %mul3A_956 = arith.muli %and3A_954, %mul3A_955 : i32
      %broadcast_in_dim3A_957 = arith.constant 0 : i32
      %broadcast_in_dim3A_958 = vector.broadcast %broadcast_in_dim3A_957 : i32 to vector<16xi32>
      %add3A_959 = vector.broadcast %add3A_948 : i32 to vector<16xi32>
      %add3A_960 = arith.addi %broadcast_in_dim3A_958, %add3A_959 : vector<16xi32>
      %add3A_961 = arith.constant 0 : i32
      %add3A_962 = arith.addi %mul3A_956, %add3A_961 : i32
      %add3A_963 = vector.broadcast %add3A_962 : i32 to vector<16xi32>
      %add3A_964 = arith.addi %add3A_963, %iota3A : vector<16xi32>
      %gather3A_965 = tpu.vector_load_idx %arg7[%add3A_960, %add3A_964] : memref<256x128xf32, #tpu.memory_space<vmem>>[vector<16xi32>, vector<16xi32>], vector<16xf32>,
      %add3A_966 = arith.constant 0 : i32
      %add3A_967 = vector.broadcast %add3A_966 : i32 to vector<16xi32>
      %add3A_968 = arith.addi %add3A_967, %iota3A : vector<16xi32>
      tpu.vector_store_idx %arg8[%add3A_960, %add3A_968], %gather3A_965 : memref<256x64xf32, #tpu.memory_space<vmem>>[vector<16xi32>, vector<16xi32>], vector<16xf32>,
      %add3A_969 = arith.constant 16 : i32
      %add3A_970 = arith.addi %mul3A_956, %add3A_969 : i32
      %add3A_971 = vector.broadcast %add3A_970 : i32 to vector<16xi32>
      %add3A_972 = arith.addi %add3A_971, %iota3A : vector<16xi32>
      %gather3A_973 = tpu.vector_load_idx %arg7[%add3A_960, %add3A_972] : memref<256x128xf32, #tpu.memory_space<vmem>>[vector<16xi32>, vector<16xi32>], vector<16xf32>,
      %add3A_974 = arith.constant 16 : i32
      %add3A_975 = vector.broadcast %add3A_974 : i32 to vector<16xi32>
      %add3A_976 = arith.addi %add3A_975, %iota3A : vector<16xi32>
      tpu.vector_store_idx %arg8[%add3A_960, %add3A_976], %gather3A_973 : memref<256x64xf32, #tpu.memory_space<vmem>>[vector<16xi32>, vector<16xi32>], vector<16xf32>,
      %add3A_977 = arith.constant 32 : i32
      %add3A_978 = arith.addi %mul3A_956, %add3A_977 : i32
      %add3A_979 = vector.broadcast %add3A_978 : i32 to vector<16xi32>
      %add3A_980 = arith.addi %add3A_979, %iota3A : vector<16xi32>
      %gather3A_981 = tpu.vector_load_idx %arg7[%add3A_960, %add3A_980] : memref<256x128xf32, #tpu.memory_space<vmem>>[vector<16xi32>, vector<16xi32>], vector<16xf32>,
      %add3A_982 = arith.constant 32 : i32
      %add3A_983 = vector.broadcast %add3A_982 : i32 to vector<16xi32>
      %add3A_984 = arith.addi %add3A_983, %iota3A : vector<16xi32>
      tpu.vector_store_idx %arg8[%add3A_960, %add3A_984], %gather3A_981 : memref<256x64xf32, #tpu.memory_space<vmem>>[vector<16xi32>, vector<16xi32>], vector<16xf32>,
      %add3A_985 = arith.constant 48 : i32
      %add3A_986 = arith.addi %mul3A_956, %add3A_985 : i32
      %add3A_987 = vector.broadcast %add3A_986 : i32 to vector<16xi32>
      %add3A_988 = arith.addi %add3A_987, %iota3A : vector<16xi32>
      %gather3A_989 = tpu.vector_load_idx %arg7[%add3A_960, %add3A_988] : memref<256x128xf32, #tpu.memory_space<vmem>>[vector<16xi32>, vector<16xi32>], vector<16xf32>,
      %add3A_990 = arith.constant 48 : i32
      %add3A_991 = vector.broadcast %add3A_990 : i32 to vector<16xi32>
      %add3A_992 = arith.addi %add3A_991, %iota3A : vector<16xi32>
      tpu.vector_store_idx %arg8[%add3A_960, %add3A_992], %gather3A_989 : memref<256x64xf32, #tpu.memory_space<vmem>>[vector<16xi32>, vector<16xi32>], vector<16xf32>,
      %mul3A_993 = arith.constant 16 : i32
      %mul3A_994 = arith.muli %scan3A_605, %mul3A_993 : i32
      %add3A_995 = arith.constant 8 : i32
      %add3A_996 = arith.addi %mul3A_994, %add3A_995 : i32
      %slice3A_997 = vector.extract_strided_slice %get3A_612 {offsets = [8], sizes = [1], strides = [1]} : vector<16xi32> to vector<1xi32>
      %squeeze3A_998 = vector.extract %slice3A_997[0] : i32 from vector<1xi32>
      %shift_right_arithmetic3A_999 = arith.constant 11 : i32
      %shift_right_arithmetic3A_1000 = arith.shrsi %squeeze3A_998, %shift_right_arithmetic3A_999 : i32
      %and3A_1001 = arith.constant 1 : i32
      %and3A_1002 = arith.andi %shift_right_arithmetic3A_1000, %and3A_1001 : i32
      %mul3A_1003 = arith.constant 64 : i32
      %mul3A_1004 = arith.muli %and3A_1002, %mul3A_1003 : i32
      %broadcast_in_dim3A_1005 = arith.constant 0 : i32
      %broadcast_in_dim3A_1006 = vector.broadcast %broadcast_in_dim3A_1005 : i32 to vector<16xi32>
      %add3A_1007 = vector.broadcast %add3A_996 : i32 to vector<16xi32>
      %add3A_1008 = arith.addi %broadcast_in_dim3A_1006, %add3A_1007 : vector<16xi32>
      %add3A_1009 = arith.constant 0 : i32
      %add3A_1010 = arith.addi %mul3A_1004, %add3A_1009 : i32
      %add3A_1011 = vector.broadcast %add3A_1010 : i32 to vector<16xi32>
      %add3A_1012 = arith.addi %add3A_1011, %iota3A : vector<16xi32>
      %gather3A_1013 = tpu.vector_load_idx %arg7[%add3A_1008, %add3A_1012] : memref<256x128xf32, #tpu.memory_space<vmem>>[vector<16xi32>, vector<16xi32>], vector<16xf32>,
      %add3A_1014 = arith.constant 0 : i32
      %add3A_1015 = vector.broadcast %add3A_1014 : i32 to vector<16xi32>
      %add3A_1016 = arith.addi %add3A_1015, %iota3A : vector<16xi32>
      tpu.vector_store_idx %arg8[%add3A_1008, %add3A_1016], %gather3A_1013 : memref<256x64xf32, #tpu.memory_space<vmem>>[vector<16xi32>, vector<16xi32>], vector<16xf32>,
      %add3A_1017 = arith.constant 16 : i32
      %add3A_1018 = arith.addi %mul3A_1004, %add3A_1017 : i32
      %add3A_1019 = vector.broadcast %add3A_1018 : i32 to vector<16xi32>
      %add3A_1020 = arith.addi %add3A_1019, %iota3A : vector<16xi32>
      %gather3A_1021 = tpu.vector_load_idx %arg7[%add3A_1008, %add3A_1020] : memref<256x128xf32, #tpu.memory_space<vmem>>[vector<16xi32>, vector<16xi32>], vector<16xf32>,
      %add3A_1022 = arith.constant 16 : i32
      %add3A_1023 = vector.broadcast %add3A_1022 : i32 to vector<16xi32>
      %add3A_1024 = arith.addi %add3A_1023, %iota3A : vector<16xi32>
      tpu.vector_store_idx %arg8[%add3A_1008, %add3A_1024], %gather3A_1021 : memref<256x64xf32, #tpu.memory_space<vmem>>[vector<16xi32>, vector<16xi32>], vector<16xf32>,
      %add3A_1025 = arith.constant 32 : i32
      %add3A_1026 = arith.addi %mul3A_1004, %add3A_1025 : i32
      %add3A_1027 = vector.broadcast %add3A_1026 : i32 to vector<16xi32>
      %add3A_1028 = arith.addi %add3A_1027, %iota3A : vector<16xi32>
      %gather3A_1029 = tpu.vector_load_idx %arg7[%add3A_1008, %add3A_1028] : memref<256x128xf32, #tpu.memory_space<vmem>>[vector<16xi32>, vector<16xi32>], vector<16xf32>,
      %add3A_1030 = arith.constant 32 : i32
      %add3A_1031 = vector.broadcast %add3A_1030 : i32 to vector<16xi32>
      %add3A_1032 = arith.addi %add3A_1031, %iota3A : vector<16xi32>
      tpu.vector_store_idx %arg8[%add3A_1008, %add3A_1032], %gather3A_1029 : memref<256x64xf32, #tpu.memory_space<vmem>>[vector<16xi32>, vector<16xi32>], vector<16xf32>,
      %add3A_1033 = arith.constant 48 : i32
      %add3A_1034 = arith.addi %mul3A_1004, %add3A_1033 : i32
      %add3A_1035 = vector.broadcast %add3A_1034 : i32 to vector<16xi32>
      %add3A_1036 = arith.addi %add3A_1035, %iota3A : vector<16xi32>
      %gather3A_1037 = tpu.vector_load_idx %arg7[%add3A_1008, %add3A_1036] : memref<256x128xf32, #tpu.memory_space<vmem>>[vector<16xi32>, vector<16xi32>], vector<16xf32>,
      %add3A_1038 = arith.constant 48 : i32
      %add3A_1039 = vector.broadcast %add3A_1038 : i32 to vector<16xi32>
      %add3A_1040 = arith.addi %add3A_1039, %iota3A : vector<16xi32>
      tpu.vector_store_idx %arg8[%add3A_1008, %add3A_1040], %gather3A_1037 : memref<256x64xf32, #tpu.memory_space<vmem>>[vector<16xi32>, vector<16xi32>], vector<16xf32>,
      %mul3A_1041 = arith.constant 16 : i32
      %mul3A_1042 = arith.muli %scan3A_605, %mul3A_1041 : i32
      %add3A_1043 = arith.constant 9 : i32
      %add3A_1044 = arith.addi %mul3A_1042, %add3A_1043 : i32
      %slice3A_1045 = vector.extract_strided_slice %get3A_612 {offsets = [9], sizes = [1], strides = [1]} : vector<16xi32> to vector<1xi32>
      %squeeze3A_1046 = vector.extract %slice3A_1045[0] : i32 from vector<1xi32>
      %shift_right_arithmetic3A_1047 = arith.constant 11 : i32
      %shift_right_arithmetic3A_1048 = arith.shrsi %squeeze3A_1046, %shift_right_arithmetic3A_1047 : i32
      %and3A_1049 = arith.constant 1 : i32
      %and3A_1050 = arith.andi %shift_right_arithmetic3A_1048, %and3A_1049 : i32
      %mul3A_1051 = arith.constant 64 : i32
      %mul3A_1052 = arith.muli %and3A_1050, %mul3A_1051 : i32
      %broadcast_in_dim3A_1053 = arith.constant 0 : i32
      %broadcast_in_dim3A_1054 = vector.broadcast %broadcast_in_dim3A_1053 : i32 to vector<16xi32>
      %add3A_1055 = vector.broadcast %add3A_1044 : i32 to vector<16xi32>
      %add3A_1056 = arith.addi %broadcast_in_dim3A_1054, %add3A_1055 : vector<16xi32>
      %add3A_1057 = arith.constant 0 : i32
      %add3A_1058 = arith.addi %mul3A_1052, %add3A_1057 : i32
      %add3A_1059 = vector.broadcast %add3A_1058 : i32 to vector<16xi32>
      %add3A_1060 = arith.addi %add3A_1059, %iota3A : vector<16xi32>
      %gather3A_1061 = tpu.vector_load_idx %arg7[%add3A_1056, %add3A_1060] : memref<256x128xf32, #tpu.memory_space<vmem>>[vector<16xi32>, vector<16xi32>], vector<16xf32>,
      %add3A_1062 = arith.constant 0 : i32
      %add3A_1063 = vector.broadcast %add3A_1062 : i32 to vector<16xi32>
      %add3A_1064 = arith.addi %add3A_1063, %iota3A : vector<16xi32>
      tpu.vector_store_idx %arg8[%add3A_1056, %add3A_1064], %gather3A_1061 : memref<256x64xf32, #tpu.memory_space<vmem>>[vector<16xi32>, vector<16xi32>], vector<16xf32>,
      %add3A_1065 = arith.constant 16 : i32
      %add3A_1066 = arith.addi %mul3A_1052, %add3A_1065 : i32
      %add3A_1067 = vector.broadcast %add3A_1066 : i32 to vector<16xi32>
      %add3A_1068 = arith.addi %add3A_1067, %iota3A : vector<16xi32>
      %gather3A_1069 = tpu.vector_load_idx %arg7[%add3A_1056, %add3A_1068] : memref<256x128xf32, #tpu.memory_space<vmem>>[vector<16xi32>, vector<16xi32>], vector<16xf32>,
      %add3A_1070 = arith.constant 16 : i32
      %add3A_1071 = vector.broadcast %add3A_1070 : i32 to vector<16xi32>
      %add3A_1072 = arith.addi %add3A_1071, %iota3A : vector<16xi32>
      tpu.vector_store_idx %arg8[%add3A_1056, %add3A_1072], %gather3A_1069 : memref<256x64xf32, #tpu.memory_space<vmem>>[vector<16xi32>, vector<16xi32>], vector<16xf32>,
      %add3A_1073 = arith.constant 32 : i32
      %add3A_1074 = arith.addi %mul3A_1052, %add3A_1073 : i32
      %add3A_1075 = vector.broadcast %add3A_1074 : i32 to vector<16xi32>
      %add3A_1076 = arith.addi %add3A_1075, %iota3A : vector<16xi32>
      %gather3A_1077 = tpu.vector_load_idx %arg7[%add3A_1056, %add3A_1076] : memref<256x128xf32, #tpu.memory_space<vmem>>[vector<16xi32>, vector<16xi32>], vector<16xf32>,
      %add3A_1078 = arith.constant 32 : i32
      %add3A_1079 = vector.broadcast %add3A_1078 : i32 to vector<16xi32>
      %add3A_1080 = arith.addi %add3A_1079, %iota3A : vector<16xi32>
      tpu.vector_store_idx %arg8[%add3A_1056, %add3A_1080], %gather3A_1077 : memref<256x64xf32, #tpu.memory_space<vmem>>[vector<16xi32>, vector<16xi32>], vector<16xf32>,
      %add3A_1081 = arith.constant 48 : i32
      %add3A_1082 = arith.addi %mul3A_1052, %add3A_1081 : i32
      %add3A_1083 = vector.broadcast %add3A_1082 : i32 to vector<16xi32>
      %add3A_1084 = arith.addi %add3A_1083, %iota3A : vector<16xi32>
      %gather3A_1085 = tpu.vector_load_idx %arg7[%add3A_1056, %add3A_1084] : memref<256x128xf32, #tpu.memory_space<vmem>>[vector<16xi32>, vector<16xi32>], vector<16xf32>,
      %add3A_1086 = arith.constant 48 : i32
      %add3A_1087 = vector.broadcast %add3A_1086 : i32 to vector<16xi32>
      %add3A_1088 = arith.addi %add3A_1087, %iota3A : vector<16xi32>
      tpu.vector_store_idx %arg8[%add3A_1056, %add3A_1088], %gather3A_1085 : memref<256x64xf32, #tpu.memory_space<vmem>>[vector<16xi32>, vector<16xi32>], vector<16xf32>,
      %mul3A_1089 = arith.constant 16 : i32
      %mul3A_1090 = arith.muli %scan3A_605, %mul3A_1089 : i32
      %add3A_1091 = arith.constant 10 : i32
      %add3A_1092 = arith.addi %mul3A_1090, %add3A_1091 : i32
      %slice3A_1093 = vector.extract_strided_slice %get3A_612 {offsets = [10], sizes = [1], strides = [1]} : vector<16xi32> to vector<1xi32>
      %squeeze3A_1094 = vector.extract %slice3A_1093[0] : i32 from vector<1xi32>
      %shift_right_arithmetic3A_1095 = arith.constant 11 : i32
      %shift_right_arithmetic3A_1096 = arith.shrsi %squeeze3A_1094, %shift_right_arithmetic3A_1095 : i32
      %and3A_1097 = arith.constant 1 : i32
      %and3A_1098 = arith.andi %shift_right_arithmetic3A_1096, %and3A_1097 : i32
      %mul3A_1099 = arith.constant 64 : i32
      %mul3A_1100 = arith.muli %and3A_1098, %mul3A_1099 : i32
      %broadcast_in_dim3A_1101 = arith.constant 0 : i32
      %broadcast_in_dim3A_1102 = vector.broadcast %broadcast_in_dim3A_1101 : i32 to vector<16xi32>
      %add3A_1103 = vector.broadcast %add3A_1092 : i32 to vector<16xi32>
      %add3A_1104 = arith.addi %broadcast_in_dim3A_1102, %add3A_1103 : vector<16xi32>
      %add3A_1105 = arith.constant 0 : i32
      %add3A_1106 = arith.addi %mul3A_1100, %add3A_1105 : i32
      %add3A_1107 = vector.broadcast %add3A_1106 : i32 to vector<16xi32>
      %add3A_1108 = arith.addi %add3A_1107, %iota3A : vector<16xi32>
      %gather3A_1109 = tpu.vector_load_idx %arg7[%add3A_1104, %add3A_1108] : memref<256x128xf32, #tpu.memory_space<vmem>>[vector<16xi32>, vector<16xi32>], vector<16xf32>,
      %add3A_1110 = arith.constant 0 : i32
      %add3A_1111 = vector.broadcast %add3A_1110 : i32 to vector<16xi32>
      %add3A_1112 = arith.addi %add3A_1111, %iota3A : vector<16xi32>
      tpu.vector_store_idx %arg8[%add3A_1104, %add3A_1112], %gather3A_1109 : memref<256x64xf32, #tpu.memory_space<vmem>>[vector<16xi32>, vector<16xi32>], vector<16xf32>,
      %add3A_1113 = arith.constant 16 : i32
      %add3A_1114 = arith.addi %mul3A_1100, %add3A_1113 : i32
      %add3A_1115 = vector.broadcast %add3A_1114 : i32 to vector<16xi32>
      %add3A_1116 = arith.addi %add3A_1115, %iota3A : vector<16xi32>
      %gather3A_1117 = tpu.vector_load_idx %arg7[%add3A_1104, %add3A_1116] : memref<256x128xf32, #tpu.memory_space<vmem>>[vector<16xi32>, vector<16xi32>], vector<16xf32>,
      %add3A_1118 = arith.constant 16 : i32
      %add3A_1119 = vector.broadcast %add3A_1118 : i32 to vector<16xi32>
      %add3A_1120 = arith.addi %add3A_1119, %iota3A : vector<16xi32>
      tpu.vector_store_idx %arg8[%add3A_1104, %add3A_1120], %gather3A_1117 : memref<256x64xf32, #tpu.memory_space<vmem>>[vector<16xi32>, vector<16xi32>], vector<16xf32>,
      %add3A_1121 = arith.constant 32 : i32
      %add3A_1122 = arith.addi %mul3A_1100, %add3A_1121 : i32
      %add3A_1123 = vector.broadcast %add3A_1122 : i32 to vector<16xi32>
      %add3A_1124 = arith.addi %add3A_1123, %iota3A : vector<16xi32>
      %gather3A_1125 = tpu.vector_load_idx %arg7[%add3A_1104, %add3A_1124] : memref<256x128xf32, #tpu.memory_space<vmem>>[vector<16xi32>, vector<16xi32>], vector<16xf32>,
      %add3A_1126 = arith.constant 32 : i32
      %add3A_1127 = vector.broadcast %add3A_1126 : i32 to vector<16xi32>
      %add3A_1128 = arith.addi %add3A_1127, %iota3A : vector<16xi32>
      tpu.vector_store_idx %arg8[%add3A_1104, %add3A_1128], %gather3A_1125 : memref<256x64xf32, #tpu.memory_space<vmem>>[vector<16xi32>, vector<16xi32>], vector<16xf32>,
      %add3A_1129 = arith.constant 48 : i32
      %add3A_1130 = arith.addi %mul3A_1100, %add3A_1129 : i32
      %add3A_1131 = vector.broadcast %add3A_1130 : i32 to vector<16xi32>
      %add3A_1132 = arith.addi %add3A_1131, %iota3A : vector<16xi32>
      %gather3A_1133 = tpu.vector_load_idx %arg7[%add3A_1104, %add3A_1132] : memref<256x128xf32, #tpu.memory_space<vmem>>[vector<16xi32>, vector<16xi32>], vector<16xf32>,
      %add3A_1134 = arith.constant 48 : i32
      %add3A_1135 = vector.broadcast %add3A_1134 : i32 to vector<16xi32>
      %add3A_1136 = arith.addi %add3A_1135, %iota3A : vector<16xi32>
      tpu.vector_store_idx %arg8[%add3A_1104, %add3A_1136], %gather3A_1133 : memref<256x64xf32, #tpu.memory_space<vmem>>[vector<16xi32>, vector<16xi32>], vector<16xf32>,
      %mul3A_1137 = arith.constant 16 : i32
      %mul3A_1138 = arith.muli %scan3A_605, %mul3A_1137 : i32
      %add3A_1139 = arith.constant 11 : i32
      %add3A_1140 = arith.addi %mul3A_1138, %add3A_1139 : i32
      %slice3A_1141 = vector.extract_strided_slice %get3A_612 {offsets = [11], sizes = [1], strides = [1]} : vector<16xi32> to vector<1xi32>
      %squeeze3A_1142 = vector.extract %slice3A_1141[0] : i32 from vector<1xi32>
      %shift_right_arithmetic3A_1143 = arith.constant 11 : i32
      %shift_right_arithmetic3A_1144 = arith.shrsi %squeeze3A_1142, %shift_right_arithmetic3A_1143 : i32
      %and3A_1145 = arith.constant 1 : i32
      %and3A_1146 = arith.andi %shift_right_arithmetic3A_1144, %and3A_1145 : i32
      %mul3A_1147 = arith.constant 64 : i32
      %mul3A_1148 = arith.muli %and3A_1146, %mul3A_1147 : i32
      %broadcast_in_dim3A_1149 = arith.constant 0 : i32
      %broadcast_in_dim3A_1150 = vector.broadcast %broadcast_in_dim3A_1149 : i32 to vector<16xi32>
      %add3A_1151 = vector.broadcast %add3A_1140 : i32 to vector<16xi32>
      %add3A_1152 = arith.addi %broadcast_in_dim3A_1150, %add3A_1151 : vector<16xi32>
      %add3A_1153 = arith.constant 0 : i32
      %add3A_1154 = arith.addi %mul3A_1148, %add3A_1153 : i32
      %add3A_1155 = vector.broadcast %add3A_1154 : i32 to vector<16xi32>
      %add3A_1156 = arith.addi %add3A_1155, %iota3A : vector<16xi32>
      %gather3A_1157 = tpu.vector_load_idx %arg7[%add3A_1152, %add3A_1156] : memref<256x128xf32, #tpu.memory_space<vmem>>[vector<16xi32>, vector<16xi32>], vector<16xf32>,
      %add3A_1158 = arith.constant 0 : i32
      %add3A_1159 = vector.broadcast %add3A_1158 : i32 to vector<16xi32>
      %add3A_1160 = arith.addi %add3A_1159, %iota3A : vector<16xi32>
      tpu.vector_store_idx %arg8[%add3A_1152, %add3A_1160], %gather3A_1157 : memref<256x64xf32, #tpu.memory_space<vmem>>[vector<16xi32>, vector<16xi32>], vector<16xf32>,
      %add3A_1161 = arith.constant 16 : i32
      %add3A_1162 = arith.addi %mul3A_1148, %add3A_1161 : i32
      %add3A_1163 = vector.broadcast %add3A_1162 : i32 to vector<16xi32>
      %add3A_1164 = arith.addi %add3A_1163, %iota3A : vector<16xi32>
      %gather3A_1165 = tpu.vector_load_idx %arg7[%add3A_1152, %add3A_1164] : memref<256x128xf32, #tpu.memory_space<vmem>>[vector<16xi32>, vector<16xi32>], vector<16xf32>,
      %add3A_1166 = arith.constant 16 : i32
      %add3A_1167 = vector.broadcast %add3A_1166 : i32 to vector<16xi32>
      %add3A_1168 = arith.addi %add3A_1167, %iota3A : vector<16xi32>
      tpu.vector_store_idx %arg8[%add3A_1152, %add3A_1168], %gather3A_1165 : memref<256x64xf32, #tpu.memory_space<vmem>>[vector<16xi32>, vector<16xi32>], vector<16xf32>,
      %add3A_1169 = arith.constant 32 : i32
      %add3A_1170 = arith.addi %mul3A_1148, %add3A_1169 : i32
      %add3A_1171 = vector.broadcast %add3A_1170 : i32 to vector<16xi32>
      %add3A_1172 = arith.addi %add3A_1171, %iota3A : vector<16xi32>
      %gather3A_1173 = tpu.vector_load_idx %arg7[%add3A_1152, %add3A_1172] : memref<256x128xf32, #tpu.memory_space<vmem>>[vector<16xi32>, vector<16xi32>], vector<16xf32>,
      %add3A_1174 = arith.constant 32 : i32
      %add3A_1175 = vector.broadcast %add3A_1174 : i32 to vector<16xi32>
      %add3A_1176 = arith.addi %add3A_1175, %iota3A : vector<16xi32>
      tpu.vector_store_idx %arg8[%add3A_1152, %add3A_1176], %gather3A_1173 : memref<256x64xf32, #tpu.memory_space<vmem>>[vector<16xi32>, vector<16xi32>], vector<16xf32>,
      %add3A_1177 = arith.constant 48 : i32
      %add3A_1178 = arith.addi %mul3A_1148, %add3A_1177 : i32
      %add3A_1179 = vector.broadcast %add3A_1178 : i32 to vector<16xi32>
      %add3A_1180 = arith.addi %add3A_1179, %iota3A : vector<16xi32>
      %gather3A_1181 = tpu.vector_load_idx %arg7[%add3A_1152, %add3A_1180] : memref<256x128xf32, #tpu.memory_space<vmem>>[vector<16xi32>, vector<16xi32>], vector<16xf32>,
      %add3A_1182 = arith.constant 48 : i32
      %add3A_1183 = vector.broadcast %add3A_1182 : i32 to vector<16xi32>
      %add3A_1184 = arith.addi %add3A_1183, %iota3A : vector<16xi32>
      tpu.vector_store_idx %arg8[%add3A_1152, %add3A_1184], %gather3A_1181 : memref<256x64xf32, #tpu.memory_space<vmem>>[vector<16xi32>, vector<16xi32>], vector<16xf32>,
      %mul3A_1185 = arith.constant 16 : i32
      %mul3A_1186 = arith.muli %scan3A_605, %mul3A_1185 : i32
      %add3A_1187 = arith.constant 12 : i32
      %add3A_1188 = arith.addi %mul3A_1186, %add3A_1187 : i32
      %slice3A_1189 = vector.extract_strided_slice %get3A_612 {offsets = [12], sizes = [1], strides = [1]} : vector<16xi32> to vector<1xi32>
      %squeeze3A_1190 = vector.extract %slice3A_1189[0] : i32 from vector<1xi32>
      %shift_right_arithmetic3A_1191 = arith.constant 11 : i32
      %shift_right_arithmetic3A_1192 = arith.shrsi %squeeze3A_1190, %shift_right_arithmetic3A_1191 : i32
      %and3A_1193 = arith.constant 1 : i32
      %and3A_1194 = arith.andi %shift_right_arithmetic3A_1192, %and3A_1193 : i32
      %mul3A_1195 = arith.constant 64 : i32
      %mul3A_1196 = arith.muli %and3A_1194, %mul3A_1195 : i32
      %broadcast_in_dim3A_1197 = arith.constant 0 : i32
      %broadcast_in_dim3A_1198 = vector.broadcast %broadcast_in_dim3A_1197 : i32 to vector<16xi32>
      %add3A_1199 = vector.broadcast %add3A_1188 : i32 to vector<16xi32>
      %add3A_1200 = arith.addi %broadcast_in_dim3A_1198, %add3A_1199 : vector<16xi32>
      %add3A_1201 = arith.constant 0 : i32
      %add3A_1202 = arith.addi %mul3A_1196, %add3A_1201 : i32
      %add3A_1203 = vector.broadcast %add3A_1202 : i32 to vector<16xi32>
      %add3A_1204 = arith.addi %add3A_1203, %iota3A : vector<16xi32>
      %gather3A_1205 = tpu.vector_load_idx %arg7[%add3A_1200, %add3A_1204] : memref<256x128xf32, #tpu.memory_space<vmem>>[vector<16xi32>, vector<16xi32>], vector<16xf32>,
      %add3A_1206 = arith.constant 0 : i32
      %add3A_1207 = vector.broadcast %add3A_1206 : i32 to vector<16xi32>
      %add3A_1208 = arith.addi %add3A_1207, %iota3A : vector<16xi32>
      tpu.vector_store_idx %arg8[%add3A_1200, %add3A_1208], %gather3A_1205 : memref<256x64xf32, #tpu.memory_space<vmem>>[vector<16xi32>, vector<16xi32>], vector<16xf32>,
      %add3A_1209 = arith.constant 16 : i32
      %add3A_1210 = arith.addi %mul3A_1196, %add3A_1209 : i32
      %add3A_1211 = vector.broadcast %add3A_1210 : i32 to vector<16xi32>
      %add3A_1212 = arith.addi %add3A_1211, %iota3A : vector<16xi32>
      %gather3A_1213 = tpu.vector_load_idx %arg7[%add3A_1200, %add3A_1212] : memref<256x128xf32, #tpu.memory_space<vmem>>[vector<16xi32>, vector<16xi32>], vector<16xf32>,
      %add3A_1214 = arith.constant 16 : i32
      %add3A_1215 = vector.broadcast %add3A_1214 : i32 to vector<16xi32>
      %add3A_1216 = arith.addi %add3A_1215, %iota3A : vector<16xi32>
      tpu.vector_store_idx %arg8[%add3A_1200, %add3A_1216], %gather3A_1213 : memref<256x64xf32, #tpu.memory_space<vmem>>[vector<16xi32>, vector<16xi32>], vector<16xf32>,
      %add3A_1217 = arith.constant 32 : i32
      %add3A_1218 = arith.addi %mul3A_1196, %add3A_1217 : i32
      %add3A_1219 = vector.broadcast %add3A_1218 : i32 to vector<16xi32>
      %add3A_1220 = arith.addi %add3A_1219, %iota3A : vector<16xi32>
      %gather3A_1221 = tpu.vector_load_idx %arg7[%add3A_1200, %add3A_1220] : memref<256x128xf32, #tpu.memory_space<vmem>>[vector<16xi32>, vector<16xi32>], vector<16xf32>,
      %add3A_1222 = arith.constant 32 : i32
      %add3A_1223 = vector.broadcast %add3A_1222 : i32 to vector<16xi32>
      %add3A_1224 = arith.addi %add3A_1223, %iota3A : vector<16xi32>
      tpu.vector_store_idx %arg8[%add3A_1200, %add3A_1224], %gather3A_1221 : memref<256x64xf32, #tpu.memory_space<vmem>>[vector<16xi32>, vector<16xi32>], vector<16xf32>,
      %add3A_1225 = arith.constant 48 : i32
      %add3A_1226 = arith.addi %mul3A_1196, %add3A_1225 : i32
      %add3A_1227 = vector.broadcast %add3A_1226 : i32 to vector<16xi32>
      %add3A_1228 = arith.addi %add3A_1227, %iota3A : vector<16xi32>
      %gather3A_1229 = tpu.vector_load_idx %arg7[%add3A_1200, %add3A_1228] : memref<256x128xf32, #tpu.memory_space<vmem>>[vector<16xi32>, vector<16xi32>], vector<16xf32>,
      %add3A_1230 = arith.constant 48 : i32
      %add3A_1231 = vector.broadcast %add3A_1230 : i32 to vector<16xi32>
      %add3A_1232 = arith.addi %add3A_1231, %iota3A : vector<16xi32>
      tpu.vector_store_idx %arg8[%add3A_1200, %add3A_1232], %gather3A_1229 : memref<256x64xf32, #tpu.memory_space<vmem>>[vector<16xi32>, vector<16xi32>], vector<16xf32>,
      %mul3A_1233 = arith.constant 16 : i32
      %mul3A_1234 = arith.muli %scan3A_605, %mul3A_1233 : i32
      %add3A_1235 = arith.constant 13 : i32
      %add3A_1236 = arith.addi %mul3A_1234, %add3A_1235 : i32
      %slice3A_1237 = vector.extract_strided_slice %get3A_612 {offsets = [13], sizes = [1], strides = [1]} : vector<16xi32> to vector<1xi32>
      %squeeze3A_1238 = vector.extract %slice3A_1237[0] : i32 from vector<1xi32>
      %shift_right_arithmetic3A_1239 = arith.constant 11 : i32
      %shift_right_arithmetic3A_1240 = arith.shrsi %squeeze3A_1238, %shift_right_arithmetic3A_1239 : i32
      %and3A_1241 = arith.constant 1 : i32
      %and3A_1242 = arith.andi %shift_right_arithmetic3A_1240, %and3A_1241 : i32
      %mul3A_1243 = arith.constant 64 : i32
      %mul3A_1244 = arith.muli %and3A_1242, %mul3A_1243 : i32
      %broadcast_in_dim3A_1245 = arith.constant 0 : i32
      %broadcast_in_dim3A_1246 = vector.broadcast %broadcast_in_dim3A_1245 : i32 to vector<16xi32>
      %add3A_1247 = vector.broadcast %add3A_1236 : i32 to vector<16xi32>
      %add3A_1248 = arith.addi %broadcast_in_dim3A_1246, %add3A_1247 : vector<16xi32>
      %add3A_1249 = arith.constant 0 : i32
      %add3A_1250 = arith.addi %mul3A_1244, %add3A_1249 : i32
      %add3A_1251 = vector.broadcast %add3A_1250 : i32 to vector<16xi32>
      %add3A_1252 = arith.addi %add3A_1251, %iota3A : vector<16xi32>
      %gather3A_1253 = tpu.vector_load_idx %arg7[%add3A_1248, %add3A_1252] : memref<256x128xf32, #tpu.memory_space<vmem>>[vector<16xi32>, vector<16xi32>], vector<16xf32>,
      %add3A_1254 = arith.constant 0 : i32
      %add3A_1255 = vector.broadcast %add3A_1254 : i32 to vector<16xi32>
      %add3A_1256 = arith.addi %add3A_1255, %iota3A : vector<16xi32>
      tpu.vector_store_idx %arg8[%add3A_1248, %add3A_1256], %gather3A_1253 : memref<256x64xf32, #tpu.memory_space<vmem>>[vector<16xi32>, vector<16xi32>], vector<16xf32>,
      %add3A_1257 = arith.constant 16 : i32
      %add3A_1258 = arith.addi %mul3A_1244, %add3A_1257 : i32
      %add3A_1259 = vector.broadcast %add3A_1258 : i32 to vector<16xi32>
      %add3A_1260 = arith.addi %add3A_1259, %iota3A : vector<16xi32>
      %gather3A_1261 = tpu.vector_load_idx %arg7[%add3A_1248, %add3A_1260] : memref<256x128xf32, #tpu.memory_space<vmem>>[vector<16xi32>, vector<16xi32>], vector<16xf32>,
      %add3A_1262 = arith.constant 16 : i32
      %add3A_1263 = vector.broadcast %add3A_1262 : i32 to vector<16xi32>
      %add3A_1264 = arith.addi %add3A_1263, %iota3A : vector<16xi32>
      tpu.vector_store_idx %arg8[%add3A_1248, %add3A_1264], %gather3A_1261 : memref<256x64xf32, #tpu.memory_space<vmem>>[vector<16xi32>, vector<16xi32>], vector<16xf32>,
      %add3A_1265 = arith.constant 32 : i32
      %add3A_1266 = arith.addi %mul3A_1244, %add3A_1265 : i32
      %add3A_1267 = vector.broadcast %add3A_1266 : i32 to vector<16xi32>
      %add3A_1268 = arith.addi %add3A_1267, %iota3A : vector<16xi32>
      %gather3A_1269 = tpu.vector_load_idx %arg7[%add3A_1248, %add3A_1268] : memref<256x128xf32, #tpu.memory_space<vmem>>[vector<16xi32>, vector<16xi32>], vector<16xf32>,
      %add3A_1270 = arith.constant 32 : i32
      %add3A_1271 = vector.broadcast %add3A_1270 : i32 to vector<16xi32>
      %add3A_1272 = arith.addi %add3A_1271, %iota3A : vector<16xi32>
      tpu.vector_store_idx %arg8[%add3A_1248, %add3A_1272], %gather3A_1269 : memref<256x64xf32, #tpu.memory_space<vmem>>[vector<16xi32>, vector<16xi32>], vector<16xf32>,
      %add3A_1273 = arith.constant 48 : i32
      %add3A_1274 = arith.addi %mul3A_1244, %add3A_1273 : i32
      %add3A_1275 = vector.broadcast %add3A_1274 : i32 to vector<16xi32>
      %add3A_1276 = arith.addi %add3A_1275, %iota3A : vector<16xi32>
      %gather3A_1277 = tpu.vector_load_idx %arg7[%add3A_1248, %add3A_1276] : memref<256x128xf32, #tpu.memory_space<vmem>>[vector<16xi32>, vector<16xi32>], vector<16xf32>,
      %add3A_1278 = arith.constant 48 : i32
      %add3A_1279 = vector.broadcast %add3A_1278 : i32 to vector<16xi32>
      %add3A_1280 = arith.addi %add3A_1279, %iota3A : vector<16xi32>
      tpu.vector_store_idx %arg8[%add3A_1248, %add3A_1280], %gather3A_1277 : memref<256x64xf32, #tpu.memory_space<vmem>>[vector<16xi32>, vector<16xi32>], vector<16xf32>,
      %mul3A_1281 = arith.constant 16 : i32
      %mul3A_1282 = arith.muli %scan3A_605, %mul3A_1281 : i32
      %add3A_1283 = arith.constant 14 : i32
      %add3A_1284 = arith.addi %mul3A_1282, %add3A_1283 : i32
      %slice3A_1285 = vector.extract_strided_slice %get3A_612 {offsets = [14], sizes = [1], strides = [1]} : vector<16xi32> to vector<1xi32>
      %squeeze3A_1286 = vector.extract %slice3A_1285[0] : i32 from vector<1xi32>
      %shift_right_arithmetic3A_1287 = arith.constant 11 : i32
      %shift_right_arithmetic3A_1288 = arith.shrsi %squeeze3A_1286, %shift_right_arithmetic3A_1287 : i32
      %and3A_1289 = arith.constant 1 : i32
      %and3A_1290 = arith.andi %shift_right_arithmetic3A_1288, %and3A_1289 : i32
      %mul3A_1291 = arith.constant 64 : i32
      %mul3A_1292 = arith.muli %and3A_1290, %mul3A_1291 : i32
      %broadcast_in_dim3A_1293 = arith.constant 0 : i32
      %broadcast_in_dim3A_1294 = vector.broadcast %broadcast_in_dim3A_1293 : i32 to vector<16xi32>
      %add3A_1295 = vector.broadcast %add3A_1284 : i32 to vector<16xi32>
      %add3A_1296 = arith.addi %broadcast_in_dim3A_1294, %add3A_1295 : vector<16xi32>
      %add3A_1297 = arith.constant 0 : i32
      %add3A_1298 = arith.addi %mul3A_1292, %add3A_1297 : i32
      %add3A_1299 = vector.broadcast %add3A_1298 : i32 to vector<16xi32>
      %add3A_1300 = arith.addi %add3A_1299, %iota3A : vector<16xi32>
      %gather3A_1301 = tpu.vector_load_idx %arg7[%add3A_1296, %add3A_1300] : memref<256x128xf32, #tpu.memory_space<vmem>>[vector<16xi32>, vector<16xi32>], vector<16xf32>,
      %add3A_1302 = arith.constant 0 : i32
      %add3A_1303 = vector.broadcast %add3A_1302 : i32 to vector<16xi32>
      %add3A_1304 = arith.addi %add3A_1303, %iota3A : vector<16xi32>
      tpu.vector_store_idx %arg8[%add3A_1296, %add3A_1304], %gather3A_1301 : memref<256x64xf32, #tpu.memory_space<vmem>>[vector<16xi32>, vector<16xi32>], vector<16xf32>,
      %add3A_1305 = arith.constant 16 : i32
      %add3A_1306 = arith.addi %mul3A_1292, %add3A_1305 : i32
      %add3A_1307 = vector.broadcast %add3A_1306 : i32 to vector<16xi32>
      %add3A_1308 = arith.addi %add3A_1307, %iota3A : vector<16xi32>
      %gather3A_1309 = tpu.vector_load_idx %arg7[%add3A_1296, %add3A_1308] : memref<256x128xf32, #tpu.memory_space<vmem>>[vector<16xi32>, vector<16xi32>], vector<16xf32>,
      %add3A_1310 = arith.constant 16 : i32
      %add3A_1311 = vector.broadcast %add3A_1310 : i32 to vector<16xi32>
      %add3A_1312 = arith.addi %add3A_1311, %iota3A : vector<16xi32>
      tpu.vector_store_idx %arg8[%add3A_1296, %add3A_1312], %gather3A_1309 : memref<256x64xf32, #tpu.memory_space<vmem>>[vector<16xi32>, vector<16xi32>], vector<16xf32>,
      %add3A_1313 = arith.constant 32 : i32
      %add3A_1314 = arith.addi %mul3A_1292, %add3A_1313 : i32
      %add3A_1315 = vector.broadcast %add3A_1314 : i32 to vector<16xi32>
      %add3A_1316 = arith.addi %add3A_1315, %iota3A : vector<16xi32>
      %gather3A_1317 = tpu.vector_load_idx %arg7[%add3A_1296, %add3A_1316] : memref<256x128xf32, #tpu.memory_space<vmem>>[vector<16xi32>, vector<16xi32>], vector<16xf32>,
      %add3A_1318 = arith.constant 32 : i32
      %add3A_1319 = vector.broadcast %add3A_1318 : i32 to vector<16xi32>
      %add3A_1320 = arith.addi %add3A_1319, %iota3A : vector<16xi32>
      tpu.vector_store_idx %arg8[%add3A_1296, %add3A_1320], %gather3A_1317 : memref<256x64xf32, #tpu.memory_space<vmem>>[vector<16xi32>, vector<16xi32>], vector<16xf32>,
      %add3A_1321 = arith.constant 48 : i32
      %add3A_1322 = arith.addi %mul3A_1292, %add3A_1321 : i32
      %add3A_1323 = vector.broadcast %add3A_1322 : i32 to vector<16xi32>
      %add3A_1324 = arith.addi %add3A_1323, %iota3A : vector<16xi32>
      %gather3A_1325 = tpu.vector_load_idx %arg7[%add3A_1296, %add3A_1324] : memref<256x128xf32, #tpu.memory_space<vmem>>[vector<16xi32>, vector<16xi32>], vector<16xf32>,
      %add3A_1326 = arith.constant 48 : i32
      %add3A_1327 = vector.broadcast %add3A_1326 : i32 to vector<16xi32>
      %add3A_1328 = arith.addi %add3A_1327, %iota3A : vector<16xi32>
      tpu.vector_store_idx %arg8[%add3A_1296, %add3A_1328], %gather3A_1325 : memref<256x64xf32, #tpu.memory_space<vmem>>[vector<16xi32>, vector<16xi32>], vector<16xf32>,
      %mul3A_1329 = arith.constant 16 : i32
      %mul3A_1330 = arith.muli %scan3A_605, %mul3A_1329 : i32
      %add3A_1331 = arith.constant 15 : i32
      %add3A_1332 = arith.addi %mul3A_1330, %add3A_1331 : i32
      %slice3A_1333 = vector.extract_strided_slice %get3A_612 {offsets = [15], sizes = [1], strides = [1]} : vector<16xi32> to vector<1xi32>
      %squeeze3A_1334 = vector.extract %slice3A_1333[0] : i32 from vector<1xi32>
      %shift_right_arithmetic3A_1335 = arith.constant 11 : i32
      %shift_right_arithmetic3A_1336 = arith.shrsi %squeeze3A_1334, %shift_right_arithmetic3A_1335 : i32
      %and3A_1337 = arith.constant 1 : i32
      %and3A_1338 = arith.andi %shift_right_arithmetic3A_1336, %and3A_1337 : i32
      %mul3A_1339 = arith.constant 64 : i32
      %mul3A_1340 = arith.muli %and3A_1338, %mul3A_1339 : i32
      %broadcast_in_dim3A_1341 = arith.constant 0 : i32
      %broadcast_in_dim3A_1342 = vector.broadcast %broadcast_in_dim3A_1341 : i32 to vector<16xi32>
      %add3A_1343 = vector.broadcast %add3A_1332 : i32 to vector<16xi32>
      %add3A_1344 = arith.addi %broadcast_in_dim3A_1342, %add3A_1343 : vector<16xi32>
      %add3A_1345 = arith.constant 0 : i32
      %add3A_1346 = arith.addi %mul3A_1340, %add3A_1345 : i32
      %add3A_1347 = vector.broadcast %add3A_1346 : i32 to vector<16xi32>
      %add3A_1348 = arith.addi %add3A_1347, %iota3A : vector<16xi32>
      %gather3A_1349 = tpu.vector_load_idx %arg7[%add3A_1344, %add3A_1348] : memref<256x128xf32, #tpu.memory_space<vmem>>[vector<16xi32>, vector<16xi32>], vector<16xf32>,
      %add3A_1350 = arith.constant 0 : i32
      %add3A_1351 = vector.broadcast %add3A_1350 : i32 to vector<16xi32>
      %add3A_1352 = arith.addi %add3A_1351, %iota3A : vector<16xi32>
      tpu.vector_store_idx %arg8[%add3A_1344, %add3A_1352], %gather3A_1349 : memref<256x64xf32, #tpu.memory_space<vmem>>[vector<16xi32>, vector<16xi32>], vector<16xf32>,
      %add3A_1353 = arith.constant 16 : i32
      %add3A_1354 = arith.addi %mul3A_1340, %add3A_1353 : i32
      %add3A_1355 = vector.broadcast %add3A_1354 : i32 to vector<16xi32>
      %add3A_1356 = arith.addi %add3A_1355, %iota3A : vector<16xi32>
      %gather3A_1357 = tpu.vector_load_idx %arg7[%add3A_1344, %add3A_1356] : memref<256x128xf32, #tpu.memory_space<vmem>>[vector<16xi32>, vector<16xi32>], vector<16xf32>,
      %add3A_1358 = arith.constant 16 : i32
      %add3A_1359 = vector.broadcast %add3A_1358 : i32 to vector<16xi32>
      %add3A_1360 = arith.addi %add3A_1359, %iota3A : vector<16xi32>
      tpu.vector_store_idx %arg8[%add3A_1344, %add3A_1360], %gather3A_1357 : memref<256x64xf32, #tpu.memory_space<vmem>>[vector<16xi32>, vector<16xi32>], vector<16xf32>,
      %add3A_1361 = arith.constant 32 : i32
      %add3A_1362 = arith.addi %mul3A_1340, %add3A_1361 : i32
      %add3A_1363 = vector.broadcast %add3A_1362 : i32 to vector<16xi32>
      %add3A_1364 = arith.addi %add3A_1363, %iota3A : vector<16xi32>
      %gather3A_1365 = tpu.vector_load_idx %arg7[%add3A_1344, %add3A_1364] : memref<256x128xf32, #tpu.memory_space<vmem>>[vector<16xi32>, vector<16xi32>], vector<16xf32>,
      %add3A_1366 = arith.constant 32 : i32
      %add3A_1367 = vector.broadcast %add3A_1366 : i32 to vector<16xi32>
      %add3A_1368 = arith.addi %add3A_1367, %iota3A : vector<16xi32>
      tpu.vector_store_idx %arg8[%add3A_1344, %add3A_1368], %gather3A_1365 : memref<256x64xf32, #tpu.memory_space<vmem>>[vector<16xi32>, vector<16xi32>], vector<16xf32>,
      %add3A_1369 = arith.constant 48 : i32
      %add3A_1370 = arith.addi %mul3A_1340, %add3A_1369 : i32
      %add3A_1371 = vector.broadcast %add3A_1370 : i32 to vector<16xi32>
      %add3A_1372 = arith.addi %add3A_1371, %iota3A : vector<16xi32>
      %gather3A_1373 = tpu.vector_load_idx %arg7[%add3A_1344, %add3A_1372] : memref<256x128xf32, #tpu.memory_space<vmem>>[vector<16xi32>, vector<16xi32>], vector<16xf32>,
      %add3A_1374 = arith.constant 48 : i32
      %add3A_1375 = vector.broadcast %add3A_1374 : i32 to vector<16xi32>
      %add3A_1376 = arith.addi %add3A_1375, %iota3A : vector<16xi32>
      tpu.vector_store_idx %arg8[%add3A_1344, %add3A_1376], %gather3A_1373 : memref<256x64xf32, #tpu.memory_space<vmem>>[vector<16xi32>, vector<16xi32>], vector<16xf32>,
      %scan3A_1377 = arith.constant 0 : i32
      scf.yield %scan3A_1377 : i32
    }
    %scan3A_602 = arith.constant 16 : i32
    %add3A_603 = arith.constant 256 : i32
    %add3A_604 = arith.addi %mul3A_2, %add3A_603 : i32
    "tpu.region"() ({
      %run_scoped3A = tpu.sem_alloc : memref<!tpu.dma_semaphore, #tpu.memory_space<semaphore_mem>>
      %dma_start3A_605 = arith.constant 0 : i32
      %dma_start3A_606 = tpu.memref_slice %arg4[%add3A_604, %dma_start3A_605] : memref<16384x64xf32, #tpu.memory_space<hbm>> -> memref<256x64xf32, #tpu.memory_space<hbm>>
      %dma_start3A_607 = arith.constant 0 : i32
      %dma_start3A_608 = tpu.memref_slice %arg4[%add3A_604, %dma_start3A_607] : memref<16384x64xf32, #tpu.memory_space<hbm>> -> memref<256x64xf32, #tpu.memory_space<hbm>>
      tpu.enqueue_dma source(%arg8 : memref<256x64xf32, #tpu.memory_space<vmem>>) target(%dma_start3A_608 : memref<256x64xf32, #tpu.memory_space<hbm>>) target_semaphore(%run_scoped3A : memref<!tpu.dma_semaphore, #tpu.memory_space<semaphore_mem>>)
      %dma_wait3A_609 = arith.constant 0 : i32
      %dma_wait3A_610 = tpu.memref_slice %arg4[%add3A_604, %dma_wait3A_609] : memref<16384x64xf32, #tpu.memory_space<hbm>> -> memref<256x64xf32, #tpu.memory_space<hbm>>
      %dma_wait3A_611 = arith.constant 0 : i32
      %dma_wait3A_612 = tpu.memref_slice %arg4[%add3A_604, %dma_wait3A_611] : memref<16384x64xf32, #tpu.memory_space<hbm>> -> memref<256x64xf32, #tpu.memory_space<hbm>>
      tpu.wait_dma2 semaphore(%run_scoped3A : memref<!tpu.dma_semaphore, #tpu.memory_space<semaphore_mem>>) src(%arg8 : memref<256x64xf32, #tpu.memory_space<vmem>>) dst(%dma_wait3A_612 : memref<256x64xf32, #tpu.memory_space<hbm>>)
      tpu.yield
    }) : () -> ()
    return
  }
}

module attributes {stable_mosaic.version = 14 : i64} {
  func.func @body(%arg0: i32, %arg1: memref<64x2048xf32, #tpu.memory_space<vmem>>, %arg2: memref<64x2048xf32, #tpu.memory_space<vmem>>, %arg3: memref<2048x128xf32, #tpu.memory_space<vmem>>) attributes {dimension_semantics = [#tpu.dimension_semantics<arbitrary>], iteration_bounds = array<i64: 245>, scalar_prefetch = 0 : i64, scratch_operands = 0 : i64, tpu.core_type = #tpu.core_type<tc>, window_params = [{transform_indices = @transform_0, window_bounds = array<i64: 64, 2048>}, {transform_indices = @transform_1, window_bounds = array<i64: 64, 2048>}, {transform_indices = @transform_2, window_bounds = array<i64: 2048, 128>}]} {
    %get3A = arith.constant 0 : index
    %get3A_0 = arith.constant 0 : index
    %get3A_1 = vector.load %arg1[%get3A, %get3A_0] : memref<64x2048xf32, #tpu.memory_space<vmem>>, vector<64x2048xf32>
    %transpose3A = tpu.transpose %get3A_1, [1, 0] : vector<64x2048xf32> -> vector<2048x64xf32>
    %swap3A = arith.constant 0 : index
    %swap3A_2 = arith.constant 0 : index
    %swap3A_3 = vector.load %arg3[%swap3A, %swap3A_2] : memref<2048x128xf32, #tpu.memory_space<vmem>>, vector<2048x64xf32>
    tpu.vector_store %arg3[%swap3A, %swap3A_2], %transpose3A {strides = array<i32>} : memref<2048x128xf32, #tpu.memory_space<vmem>>, vector<2048x64xf32>,
    %get3A_4 = arith.constant 0 : index
    %get3A_5 = arith.constant 0 : index
    %get3A_6 = vector.load %arg2[%get3A_4, %get3A_5] : memref<64x2048xf32, #tpu.memory_space<vmem>>, vector<64x2048xf32>
    %transpose3A_7 = tpu.transpose %get3A_6, [1, 0] : vector<64x2048xf32> -> vector<2048x64xf32>
    %swap3A_8 = arith.constant 0 : index
    %swap3A_9 = arith.constant 64 : index
    %swap3A_10 = vector.load %arg3[%swap3A_8, %swap3A_9] : memref<2048x128xf32, #tpu.memory_space<vmem>>, vector<2048x64xf32>
    tpu.vector_store %arg3[%swap3A_8, %swap3A_9], %transpose3A_7 {strides = array<i32>} : memref<2048x128xf32, #tpu.memory_space<vmem>>, vector<2048x64xf32>,
    return
  }
  func.func @transform_0(%arg0: i32) -> (i32, i32) {
    %mul3A = arith.constant 2 : i32
    %mul3A_0 = arith.muli %mul3A, %arg0 : i32
    %c0_i32 = arith.constant 0 : i32
    %c0_i32_1 = arith.constant 0 : i32
    return %c0_i32, %mul3A_0 : i32, i32
  }
  func.func @transform_1(%arg0: i32) -> (i32, i32) {
    %mul3A = arith.constant 2 : i32
    %mul3A_0 = arith.muli %mul3A, %arg0 : i32
    %add3A = arith.constant 1 : i32
    %add3A_1 = arith.addi %mul3A_0, %add3A : i32
    %min3A = arith.constant 487 : i32
    %min3A_2 = arith.minsi %add3A_1, %min3A : i32
    %c0_i32 = arith.constant 0 : i32
    %c0_i32_3 = arith.constant 0 : i32
    return %c0_i32, %min3A_2 : i32, i32
  }
  func.func @transform_2(%arg0: i32) -> (i32, i32) {
    %c0_i32 = arith.constant 0 : i32
    %c0_i32_0 = arith.constant 0 : i32
    return %arg0, %c0_i32 : i32, i32
  }
}

module attributes {stable_mosaic.version = 14 : i64} {
  func.func @body(%arg0: i32, %arg1: memref<2048x64xf32, #tpu.memory_space<vmem>>, %arg2: memref<2048x8xf32, #tpu.memory_space<vmem>>, %arg3: memref<64x8xf32, #tpu.memory_space<vmem>>, %arg4: memref<2048x64xf32, #tpu.memory_space<vmem>>) attributes {dimension_semantics = [#tpu.dimension_semantics<arbitrary>], iteration_bounds = array<i64: 8>, scalar_prefetch = 0 : i64, scratch_operands = 0 : i64, tpu.core_type = #tpu.core_type<tc>, window_params = [{transform_indices = @transform_0, window_bounds = array<i64: 2048, 64>}, {transform_indices = @transform_1, window_bounds = array<i64: 2048, 8>}, {pipeline_mode = #tpu.pipeline_mode<synchronous>, transform_indices = @transform_2, window_bounds = array<i64: 64, 8>}, {transform_indices = @transform_3, window_bounds = array<i64: 2048, 64>}]} {
    %get3A = arith.constant 0 : index
    %get3A_0 = arith.constant 0 : index
    %get3A_1 = vector.load %arg2[%get3A, %get3A_0] : memref<2048x8xf32, #tpu.memory_space<vmem>>, vector<2048x8xf32>
    %get3A_2 = arith.constant 0 : index
    %get3A_3 = arith.constant 0 : index
    %get3A_4 = vector.load %arg3[%get3A_2, %get3A_3] : memref<64x8xf32, #tpu.memory_space<vmem>>, vector<64x8xf32>
    %dot_general3A = arith.constant dense<0.000000e+00> : vector<2048x64xf32>
    %dot_general3A_5 = tpu.matmul %get3A_1, %get3A_4, %dot_general3A {dimension_numbers = #tpu.dot_dimension_numbers<[1], [1], [0], [0], [0, 0, 1, 0], [], []>, transpose_lhs_hint = false} : vector<2048x8xf32>, vector<64x8xf32>, vector<2048x64xf32> -> vector<2048x64xf32>
    %get3A_6 = arith.constant 0 : index
    %get3A_7 = arith.constant 0 : index
    %get3A_8 = vector.load %arg1[%get3A_6, %get3A_7] : memref<2048x64xf32, #tpu.memory_space<vmem>>, vector<2048x64xf32>
    %add3A = arith.addf %get3A_8, %dot_general3A_5 : vector<2048x64xf32>
    %swap3A = arith.constant 0 : index
    %swap3A_9 = arith.constant 0 : index
    %swap3A_10 = vector.load %arg4[%swap3A, %swap3A_9] : memref<2048x64xf32, #tpu.memory_space<vmem>>, vector<2048x64xf32>
    tpu.vector_store %arg4[%swap3A, %swap3A_9], %add3A {strides = array<i32>} : memref<2048x64xf32, #tpu.memory_space<vmem>>, vector<2048x64xf32>,
    return
  }
  func.func @transform_0(%arg0: i32) -> (i32, i32) {
    %c0_i32 = arith.constant 0 : i32
    %c0_i32_0 = arith.constant 0 : i32
    return %arg0, %c0_i32 : i32, i32
  }
  func.func @transform_1(%arg0: i32) -> (i32, i32) {
    %c0_i32 = arith.constant 0 : i32
    %c0_i32_0 = arith.constant 0 : i32
    return %arg0, %c0_i32 : i32, i32
  }
  func.func @transform_2(%arg0: i32) -> (i32, i32) {
    %c0_i32 = arith.constant 0 : i32
    %c0_i32_0 = arith.constant 0 : i32
    %c0_i32_1 = arith.constant 0 : i32
    return %c0_i32, %c0_i32_0 : i32, i32
  }
  func.func @transform_3(%arg0: i32) -> (i32, i32) {
    %c0_i32 = arith.constant 0 : i32
    %c0_i32_0 = arith.constant 0 : i32
    return %arg0, %c0_i32 : i32, i32
  }
}

</mosaic_0001>

<sc_bundles>
// kernel: kernel.6.cloned.1.call-start
scs
__scs_entry_jumppad:
0x0: {  	(pc) =	sbr.rel $0x88, $3  }
0x1: {  	(tag) =	ssettag $0x0;
	lr =	simm.s32 $0x1  }
0x2: {  	[smem:$0x3F9D] =	sst lr;
	_ =	strace $0xD0000000  }
0x3: {  	_ = 	snop  }
0x4: {  	_ = 	snop  }
0x5: {  	_ = 	snop  }
0x6: {  	_ = 	snop  }
0x7: {  	_ = 	snop  }
__scs_overlays_trampoline_lowered:
0x8: {  	[smem:$0x3FAC] =	sst s0  }
0x9: {  	[smem:$0x3FAD] =	sst s1  }
0xa: {  	[smem:$0x3FAE] =	sst s2  }
0xb: {  	[smem:$0x3FAF] =	sst s3  }
0xc: {  	[smem:$0x3FB0] =	sst s4  }
0xd: {  	[smem:$0x3FB1] =	sst s5  }
0xe: {  	[smem:$0x3FB2] =	sst s6  }
0xf: {  	[smem:$0x3FB3] =	sst s7  }
0x10: {  	[smem:$0x3FB4] =	sst s8  }
0x11: {  	[smem:$0x3FB5] =	sst s9;
	s0 =	simm.s32 @!p0 $0x0  }
0x12: {  	s1 =	sld [smem:$0x3F9B];
	s0 =	simm.s32 @p0 $0x1  }
0x13: {  	[smem:$0x3FB6] =	sst s0;
	s0 =	simm.s32 @!p1 $0x0  }
0x14: {  	s2 =	sld [smem:$0x3F9A];
	s0 =	simm.s32 @p1 $0x1  }
0x15: {  	[smem:$0x3FB7] =	sst s0;
	s0 =	simm.s32 @!p2 $0x0  }
0x16: {  	s3 =	sld [smem:$0x3FDB];
	s0 =	simm.s32 @p2 $0x1  }
0x17: {  	s4 =	simm.s32 $0x1BF5;
	[smem:$0x3FB9] =	sst s0  }
0x18: {  	s0 =	sld [smem:$0x3F9C];
	_ =	swait.ge [sflag:s4], $0x0  }
0x19: {  	s7 =	sld [smem:$0x3F9D]  }
0x1a: {  	s8 =	sadd.s32 $0xFFFFE003, lr  }
0x1b: {  	s9 =	sadd.s32 $0xFFFFFEF7, lr;
	s5 =	simm.s32 $0xFFFFFFFF;
	p2 =	slt.u32 s8, $0xFFFFF086  }
0x1c: {  	p1 =	slt.u32 s9, $0xF7A;
	s5 =	simm.s32 @!p2 $0x0  }
0x1d: {  	s5 =	simm.s32 @p1 $0x1;
	p0 =	seq.s32 s7, s2  }
0x1e: {  	s7 =	smul.u32 @!p0 $0xF7A, s2;
	p2 =	seq.s32 @!p0 s5, $0x0  }
0x1f: {  	s9 =	smul.u32 $0xF7A, s1;
	s8 =	simm.s32 @!p0 $0x1BF5;
	p2 =	por !p2, p0  }
0x20: {  	[sflag:s8] =	ssyncset.s32 @!p0 $0xFFFFF086;
	s6 =	sadd.s32 @!p0 s3, s7;
	s7 =	simm.s32 @!p0 $0x108  }
0x21: {  	s3 =	sadd.s32 s3, s9;
	s6 =	sadd.s32 @!p0 $0x88, s6;
	s7 =	simm.s32 @p2 $0x1082  }
0x22: {  	[simem:s7], [sflag:s8] =	dma.local @!p0 [hbm:s6], $0xF7A  }
0x23: {  	s9 =	sor.u32 $0xD0000000, s2;
	s6 =	simm.s32 $0x108;
	_ =	swait.ge @!p0 [sflag:s8], $0x0  }
0x24: {  	s3 =	sadd.s32 $0x88, s3;
	s6 =	simm.s32 @!p1 $0x1082;
	[sflag:s4] =	ssyncset.s32 $0xFFFFF086  }
0x25: {  	[simem:s6], [sflag:s4] =	dma.local [hbm:s3], $0xF7A  }
0x26: {  	[smem:$0x3F9D] =	sst s1;
	(tag) =	ssettag s2;
	_ =	strace s9  }
0x27: {  	s1 =	sld [smem:$0x3FAD]  }
0x28: {  	s2 =	sld [smem:$0x3FAE]  }
0x29: {  	s4 =	sld [smem:$0x3FB0]  }
0x2a: {  	p0 =	seq.s32 s5, $0x0;
	s5 =	sld [smem:$0x3FB1]  }
0x2b: {  	s6 =	sld [smem:$0x3FB2]  }
0x2c: {  	s7 =	sld [smem:$0x3FB3]  }
0x2d: {  	s3 =	simm.s32 $0x108;
	s8 =	sld [smem:$0x3FB4]  }
0x2e: {  	s3 =	simm.s32 @!p0 $0x1082;
	s9 =	sld [smem:$0x3FB5]  }
0x2f: {  	lr =	sadd.s32 s0, s3;
	s0 =	sld [smem:$0x3FAC]  }
0x30: {  	s3 =	sld [smem:$0x3FAF]  }
0x31: {  	[smem:$0x3FB8] =	sst s10  }
0x32: {  	s10 =	sld [smem:$0x3FB6];
	_ =	sdelay $0x3  }
0x33: {  	p0 =	seq.s32 s10, $0x1;
	s10 =	sld [smem:$0x3FB8];
	_ =	sdelay $0x3  }
0x34: {  	[smem:$0x3FB8] =	sst s10  }
0x35: {  	s10 =	sld [smem:$0x3FB7];
	_ =	sdelay $0x3  }
0x36: {  	p1 =	seq.s32 s10, $0x1;
	s10 =	sld [smem:$0x3FB8];
	_ =	sdelay $0x3  }
0x37: {  	[smem:$0x3FB8] =	sst s10  }
0x38: {  	s10 =	sld [smem:$0x3FB9]  }
0x39: {  	_ = 	snop;
	(pc) =	sbr.ind lr, $3  }
0x3a: {  	_ = 	snop  }
0x3b: {  	_ = 	snop  }
0x3c: {  	p2 =	seq.s32 s10, $0x1;
	s10 =	sld [smem:$0x3FB8]  }
0x3d: {  	_ =	shalt  }
0x3e: {  	_ =	shalt  }
0x3f: {  	_ =	shalt  }
0x40: {  	_ =	shalt  }
0x41: {  	_ =	shalt  }
0x42: {  	_ =	shalt  }
0x43: {  	_ =	shalt  }
0x44: {  	_ =	shalt  }
0x45: {  	_ =	shalt  }
0x46: {  	_ =	shalt  }
0x47: {  	_ =	shalt  }
0x48: {  	_ =	shalt  }
0x49: {  	_ =	shalt  }
0x4a: {  	_ =	shalt  }
0x4b: {  	_ =	shalt  }
0x4c: {  	_ =	shalt  }
0x4d: {  	_ =	shalt  }
0x4e: {  	_ =	shalt  }
0x4f: {  	_ =	shalt  }
0x50: {  	_ =	shalt  }
0x51: {  	_ =	shalt  }
0x52: {  	_ =	shalt  }
0x53: {  	_ =	shalt  }
0x54: {  	_ =	shalt  }
0x55: {  	_ =	shalt  }
0x56: {  	_ =	shalt  }
0x57: {  	_ =	shalt  }
0x58: {  	_ =	shalt  }
0x59: {  	_ =	shalt  }
0x5a: {  	_ =	shalt  }
0x5b: {  	_ =	shalt  }
0x5c: {  	_ =	shalt  }
0x5d: {  	_ =	shalt  }
0x5e: {  	_ =	shalt  }
0x5f: {  	_ =	shalt  }
0x60: {  	_ =	shalt  }
0x61: {  	_ =	shalt  }
0x62: {  	_ =	shalt  }
0x63: {  	_ =	shalt  }
0x64: {  	_ =	shalt  }
0x65: {  	_ =	shalt  }
0x66: {  	_ =	shalt  }
0x67: {  	_ =	shalt  }
0x68: {  	_ =	shalt  }
0x69: {  	_ =	shalt  }
0x6a: {  	_ =	shalt  }
0x6b: {  	_ =	shalt  }
0x6c: {  	_ =	shalt  }
0x6d: {  	_ =	shalt  }
0x6e: {  	_ =	shalt  }
0x6f: {  	_ =	shalt  }
0x70: {  	_ =	shalt  }
0x71: {  	_ =	shalt  }
0x72: {  	_ =	shalt  }
0x73: {  	_ =	shalt  }
0x74: {  	_ =	shalt  }
0x75: {  	_ =	shalt  }
0x76: {  	_ =	shalt  }
0x77: {  	_ =	shalt  }
0x78: {  	_ =	shalt  }
0x79: {  	_ =	shalt  }
0x7a: {  	_ =	shalt  }
0x7b: {  	_ =	shalt  }
0x7c: {  	_ =	shalt  }
0x7d: {  	_ =	shalt  }
0x7e: {  	_ =	shalt  }
0x7f: {  	_ =	shalt  }
0x80: {  	_ =	shalt  }
0x81: {  	_ =	shalt  }
0x82: {  	_ =	shalt  }
0x83: {  	_ =	shalt  }
0x84: {  	_ =	shalt  }
0x85: {  	_ =	shalt  }
0x86: {  	_ =	shalt  }
0x87: {  	_ =	shalt  }
.Lfunc_end0:
.L_simem_size_0:
called_computation_lowered:
.L_overlay_start_0:
0x88: {  	s2 =	sld [smem:$0x3FD9]  }
0x89: {  	s3 =	sld [smem:$0x3FFE];
	_ =	sdelay $0x1  }
0x8a: {  	s1 =	srdreg.scid  }
0x8b: {  	s0 =	sand.u32 $0x1, s1  }
0x8c: {  	s18 =	sshll.u32 s0, $0xA;
	s2 =	sadd.s32 s3, s2  }
0x8d: {  	s2 =	sadd.s32 s2, s18  }
0x8e: {  	[smem:$0x3FC4] =	sst s2  }
0x8f: {  	_ = 	snop  }
0x90: {  	s2 =	sld [smem:$0x3FC9]  }
0x91: {  	s19 =	sld [smem:$0x3FC7]  }
0x92: {  	s4 =	sld [smem:$0x3FD0];
	(tm) =	ssettm $0x1  }
0x93: {  	s5 =	sld [smem:$0x3FFB];
	_ =	sdelay $0x3  }
0x94: {  	_ =	strace s5  }
0x95: {  	s5 =	sld [smem:$0x3FFC];
	_ =	sdelay $0x3  }
0x96: {  	_ =	strace s5  }
0x97: {  	s5 =	sld [smem:$0x3FFD];
	_ =	sdelay $0x3  }
0x98: {  	_ =	strace s5  }
0x99: {  	_ =	strace $0x8FFFFFFF  }
0x9a: {  	s20 =	sld [smem:$0x3FDB];
	_ =	sdelay $0x1  }
0x9b: {  	s6 =	simm.s32 $_scs_section_size  }
0x9c: {  	s7 =	simm.s32 $_size__tile_overlayer_lowered;
	s8 =	simm.s32 $_tile_overlayer_lowered  }
0x9d: {  	s23 =	simm.s32 $0x1BFF;
	s22 =	sshll.u32 s8, $0x1;
	s5 =	sadd.s32 s6, s20  }
0x9e: {  	s9 =	simm.s32 $0x0;
	s21 =	sshll.u32 s7, $0x1;
	s7 =	sadd.s32 s22, s5  }
0x9f: {  	[timem:s9], [sflag:s23] =	dma.local [hbm:s7], s21  }
0xa0: {  	_ =	swait.ge [sflag:s23], s21  }
0xa1: {  	s6 =	ssub.s32 $0x0, s21;
	[sflag:s23] =	ssyncset.done $0x0  }
0xa2: {  	[sflag:s23] =	ssyncadd.s32 s6;
	_ =	sdelay $0x1  }
0xa3: {  	s24 =	simm.s32 $0x1B8B  }
0xa4: {  	_ =	swait.ge [sflag:s24], $0x1  }
0xa5: {  	[sflag:s24] =	ssyncset.done $0x0  }
0xa6: {  	s25 =	simm.s32 $0x1B8E;
	[sflag:s24] =	ssyncadd.s32 $0xFFFFFFFF  }
0xa7: {  	s26 =	simm.s32 $execute0_lowered;
	[smem:$0x3FD2] =	sst s25  }
0xa8: {  	s6 =	sshll.u32 s26, $0x1;
	_ =	strace $0x80000046;
	[dreg:$0x1] =	wrdreg $0xFFFFFFFF  }
0xa9: {  	s28 =	simm.s32 $_size_execute0_lowered;
	s5 =	sadd.s32 s5, s6;
	[dreg:$0x0] =	wrdreg $0x0  }
0xaa: {  	s6 =	sshll.u32 s28, $0x1;
	[dreg:$0x2] =	wrdreg s5  }
0xab: {  	[dreg:$0x3] =	wrdreg s6  }
0xac: {  	[dreg:$0x4] =	wrdreg $0xC0  }
0xad: {  	_ =	task [dreg:s9], $0x5FFFF  }
0xae: {  	[dreg:$0x1] =	wrdreg $0xFFFFFFFF  }
0xaf: {  	[dreg:$0x0] =	wrdreg $0x60  }
0xb0: {  	[dreg:$0x2] =	wrdreg s2  }
0xb1: {  	[dreg:$0x3] =	wrdreg s19  }
0xb2: {  	[dreg:$0x4] =	wrdreg s4  }
0xb3: {  	[dreg:$0x5] =	wrdreg $0x9  }
0xb4: {  	_ =	task.clear_ibuf [dreg:s9], $0x6FFFF;
	_ =	strace $0x90000046  }
0xb5: {  	s29 =	simm.s32 $0x9;
	_ =	strace $0x80000048  }
0xb6: {  	_ =	swait.ge [sflag:s29], $0x1  }
0xb7: {  	[sflag:s29] =	ssyncadd.s32 $0xFFFFFFFF  }
0xb8: {  	_ =	strace $0x90000048  }
0xb9: {  	_ =	sfence  }
0xba: {  	s30 =	sld [smem:$0x0];
	_ =	sdelay $0x2  }
0xbb: {  	s31 =	sshll.u32 s1, $0xD;
	s1 =	sshrl.u32 s1, $0x2  }
0xbc: {  	s3 =	sand.u32 $0x4000, s31;
	s1 =	sadd.s32 s1, s30  }
0xbd: {  	s0 =	sor.u32 s3, s0;
	s1 =	sshll.u32 s1, $0x11  }
0xbe: {  	s0 =	sor.u32 s1, s0  }
0xbf: {  	s0 =	sadd.s32 $0x8F2B, s0  }
0xc0: {  	[sflag:s0] =	ssyncadd.remote.s32 $0x1  }
0xc1: {  	_ =	sfence.sel $0xFFFF  }
0xc2: {  	[dreg:$0x0] =	wrdreg $0xFFFFFFFF;
	(pc) =	sbr.abs _section_cstart, $3  }
0xc3: {  	[dreg:$0x1] =	wrdreg $0xFFFFFFFF  }
0xc4: {  	_ =	task.clear_ibuf [dreg:s9], $0x2FFFF;
	_ =	strace $0x9FFFFFFF  }
0xc5: {  	(tm) =	ssettm $0x7FFFFFFF  }
tec
execute0_lowered:
.L_overlay_start_1:
0x0: {  	(tag) =	ssettag $0x1  }
0x1: {  	s4 =	rddreg [dreg:$0x0]  }
0x2: {  	s1 =	rddreg [dreg:$0x1]  }
0x3: {  	s5 =	rddreg [dreg:$0x2];
	s2 =	simm.s32 $0x0  }
0x4: {  	s3 =	simm.s32 $0x600;
	[smem:$0x7FF] =	sst s2  }
0x5: {  	s17 =	simm.s32 $0xA00;
	_ =	strace $0x80000047;
	[dreg:$0x4] =	wrdreg s3  }
0x6: {  	s7 =	simm.s32 $0xE00;
	[dreg:$0x5] =	wrdreg s17  }
0x7: {  	s18 =	simm.s32 $0x1200;
	[dreg:$0x6] =	wrdreg s7  }
0x8: {  	s19 =	simm.s32 $0x1600;
	[dreg:$0x7] =	wrdreg s18  }
0x9: {  	s20 =	simm.s32 $0x1A00;
	[dreg:$0x8] =	wrdreg s19  }
0xa: {  	s21 =	simm.s32 $0x1E00;
	[dreg:$0x9] =	wrdreg s20  }
0xb: {  	s22 =	simm.s32 $0x2200;
	[dreg:$0xa] =	wrdreg s21  }
0xc: {  	s6 =	srdreg.scid;
	s24 =	simm.s32 $0x2600;
	[dreg:$0xb] =	wrdreg s22  }
0xd: {  	s25 =	simm.s32 $0x2A00;
	s26 =	simm.s32 $0x2E00;
	[dreg:$0xc] =	wrdreg s24  }
0xe: {  	v0 =	vlaneseq.u32;
	s28 =	simm.s32 $0x3200;
	s29 =	simm.s32 $0x3600;
	[dreg:$0xd] =	wrdreg s25  }
0xf: {  	s30 =	simm.s32 $0x3A00;
	s31 =	simm.s32 $0x3E00;
	v1 =	vmul.u32 $0x80, v0;
	v4 =	vor.u32 $0x10, v0;
	[dreg:$0xe] =	wrdreg s26  }
0x10: {  	s10 =	simm.s32 $0x4200;
	s11 =	simm.s32 $0x0;
	v7 =	vor.u32 $0x20, v0;
	v10 =	vor.u32 $0x30, v0;
	v13 =	vor.u32 $0x40, v0;
	[dreg:$0xf] =	wrdreg s28  }
0x11: {  	s6 =	sand.u32 $0x1, s6;
	v16 =	vor.u32 $0x50, v0;
	v19 =	vor.u32 $0x60, v0;
	v22 =	vor.u32 $0x70, v0;
	s3 =	stileid.u32;
	[dreg:$0x10] =	wrdreg s29  }
0x12: {  	s8 =	ssub.s32 $0x2, s6;
	[dreg:$0x11] =	wrdreg s30;
	s23 =	sshll.u32 s3, $0x1;
	v2 =	vadd.s32 $0x400, v1;
	v3 =	vor.u32 $0x800, v1;
	v5 =	vadd.s32 $0xC00, v1  }
0x13: {  	s7 =	simm.s32 $0x2;
	s9 =	sshrl.u32 s8, $0x1;
	v6 =	vor.u32 $0x1000, v1;
	v8 =	vadd.s32 $0x1400, v1;
	v9 =	vor.u32 $0x1800, v1;
	s6 =	sor.u32 s6, s23  }
0x14: {  	v11 =	vadd.s32 $0x1C00, v1;
	v12 =	vor.u32 $0x2000, v1;
	v14 =	vadd.s32 $0x2400, v1;
	s8 =	ssub.s32 s8, s9;
	s9 =	sshll.u32 s6, $0x6;
	s6 =	sshll.u32 s6, $0x9  }
0x15: {  	[dreg:$0x12] =	wrdreg s31;
	v15 =	vor.u32 $0x2800, v1;
	v17 =	vadd.s32 $0x2C00, v1;
	v18 =	vor.u32 $0x3000, v1;
	s4 =	sadd.s32 s4, s9;
	s5 =	sadd.s32 s5, s6  }
0x16: {  	v20 =	vadd.s32 $0x3400, v1;
	v21 =	vor.u32 $0x3800, v1;
	v23 =	vadd.s32 $0x3C00, v1;
	s6 =	smax.u32 s8, $0x1;
	s8 =	simm.s32 $0x200;
	s9 =	simm.s32 $0x1  }
.LBB2_1:
0x17: {  	[tilespmem:s2], [sflag:$0x2] =	stream.linear.gather [hbm4b:s4+s2], $0x200, $0x38;
	[tilespmem:$0x5200] =	vst v63  }
0x18: {  	_ =	swait.ge [sflag:s7], $0x200  }
0x19: {  	[sflag:s7] =	ssyncset.done $0x0  }
0x1a: {  	[sflag:s7] =	ssyncadd.s32 $0xFFFFFE00  }
0x1b: {  	v24 =	vld [tilespmem:s2+$0x0];
	_ =	sdelay $0x4  }
0x1c: {  	(v2sf) =	vpush v24, $0x0  }
0x1d: {  	(v2sf) =	vpush v24, $0x1  }
0x1e: {  	(v2sf) =	vpush v24, $0x2;
	_ =	sdelay $0x1  }
0x1f: {  	s13 =	rddreg [dreg:$0x10];
	(v2sf) =	vpush v24, $0x3  }
0x20: {  	s14 =	rddreg [dreg:$0xf]  }
0x21: {  	s15 =	rddreg [dreg:$0xe];
	(v2sf) =	vpush v24, $0x4  }
0x22: {  	s16 =	rddreg [dreg:$0xd]  }
0x23: {  	s17 =	rddreg [dreg:$0xc];
	(v2sf) =	vpush v24, $0x5  }
0x24: {  	s18 =	rddreg [dreg:$0xb]  }
0x25: {  	s19 =	rddreg [dreg:$0xa];
	(v2sf) =	vpush v24, $0x6  }
0x26: {  	s20 =	rddreg [dreg:$0x9]  }
0x27: {  	s21 =	rddreg [dreg:$0x8];
	(v2sf) =	vpush v24, $0x7  }
0x28: {  	s22 =	rddreg [dreg:$0x7]  }
0x29: {  	s23 =	rddreg [dreg:$0x6];
	(v2sf) =	vpush v24, $0x8  }
0x2a: {  	s24 =	rddreg [dreg:$0x5];
	s25 =	spop (v2sf)  }
0x2b: {  	s26 =	rddreg [dreg:$0x4];
	(v2sf) =	vpush v24, $0x9;
	s25 =	sand.u32 $0xFFFFF80, s25;
	s28 =	spop (v2sf)  }
0x2c: {  	s25 =	sadd.s32 s1, s25;
	s28 =	sand.u32 $0xFFFFF80, s28;
	s29 =	spop (v2sf)  }
0x2d: {  	(v2sf) =	vpush v24, $0xA;
	[tilespmem:s8], [sflag:$0x1] =	stream.linear.gather [hbm4b:s25+s2], $0x400, $0x38;
	[tilespmem:$0x5200] =	vst v63  }
0x2e: {  	s31 =	sadd.s32 s1, s28;
	s0 =	sand.u32 $0xFFFFF80, s29;
	s30 =	spop (v2sf)  }
0x2f: {  	(v2sf) =	vpush v24, $0xB;
	[tilespmem:s26], [sflag:$0x1] =	stream.linear.gather [hbm4b:s31+s2], $0x400, $0x38;
	[tilespmem:$0x5200] =	vst v63  }
0x30: {  	s29 =	spop (v2sf);
	s31 =	sadd.s32 s1, s0;
	s0 =	sand.u32 $0xFFFFF80, s30  }
0x31: {  	(v2sf) =	vpush v24, $0xC;
	[tilespmem:s24], [sflag:$0x1] =	stream.linear.gather [hbm4b:s31+s2], $0x400, $0x38;
	[tilespmem:$0x5200] =	vst v63  }
0x32: {  	s30 =	sadd.s32 s1, s0;
	s0 =	spop (v2sf);
	s31 =	sand.u32 $0xFFFFF80, s29  }
0x33: {  	(v2sf) =	vpush v24, $0xD;
	[tilespmem:s23], [sflag:$0x1] =	stream.linear.gather [hbm4b:s30+s2], $0x400, $0x38;
	[tilespmem:$0x5200] =	vst v63  }
0x34: {  	s28 =	sand.u32 $0xFFFFF80, s0;
	s29 =	spop (v2sf);
	s25 =	sadd.s32 s1, s31  }
0x35: {  	(v2sf) =	vpush v24, $0xE;
	[tilespmem:s22], [sflag:$0x1] =	stream.linear.gather [hbm4b:s25+s2], $0x400, $0x38;
	[tilespmem:$0x5200] =	vst v63  }
0x36: {  	s31 =	sand.u32 $0xFFFFF80, s29;
	s0 =	spop (v2sf);
	s30 =	sadd.s32 s1, s28  }
0x37: {  	(v2sf) =	vpush v24, $0xF;
	[tilespmem:s21], [sflag:$0x1] =	stream.linear.gather [hbm4b:s30+s2], $0x400, $0x38;
	[tilespmem:$0x5200] =	vst v63  }
0x38: {  	s23 =	sadd.s32 s1, s31;
	s24 =	sand.u32 $0xFFFFF80, s0;
	s25 =	spop (v2sf)  }
0x39: {  	[tilespmem:s20], [sflag:$0x1] =	stream.linear.gather [hbm4b:s23+s2], $0x400, $0x38;
	[tilespmem:$0x5200] =	vst v63  }
0x3a: {  	s26 =	sadd.s32 s1, s24;
	s28 =	sand.u32 $0xFFFFF80, s25;
	s29 =	spop (v2sf)  }
0x3b: {  	[tilespmem:s19], [sflag:$0x1] =	stream.linear.gather [hbm4b:s26+s2], $0x400, $0x38;
	[tilespmem:$0x5200] =	vst v63  }
0x3c: {  	s30 =	sadd.s32 s1, s28;
	s31 =	sand.u32 $0xFFFFF80, s29;
	s0 =	spop (v2sf)  }
0x3d: {  	[tilespmem:s18], [sflag:$0x1] =	stream.linear.gather [hbm4b:s30+s2], $0x400, $0x38;
	[tilespmem:$0x5200] =	vst v63  }
0x3e: {  	s20 =	sadd.s32 s1, s31;
	s21 =	sand.u32 $0xFFFFF80, s0;
	s22 =	spop (v2sf)  }
0x3f: {  	[tilespmem:s17], [sflag:$0x1] =	stream.linear.gather [hbm4b:s20+s2], $0x400, $0x38;
	[tilespmem:$0x5200] =	vst v63  }
0x40: {  	s23 =	sadd.s32 s1, s21;
	s24 =	sand.u32 $0xFFFFF80, s22;
	s25 =	spop (v2sf)  }
0x41: {  	[tilespmem:s16], [sflag:$0x1] =	stream.linear.gather [hbm4b:s23+s2], $0x400, $0x38;
	[tilespmem:$0x5200] =	vst v63  }
0x42: {  	s26 =	sadd.s32 s1, s24;
	s28 =	sand.u32 $0xFFFFF80, s25;
	s29 =	spop (v2sf)  }
0x43: {  	[tilespmem:s15], [sflag:$0x1] =	stream.linear.gather [hbm4b:s26+s2], $0x400, $0x38;
	[tilespmem:$0x5200] =	vst v63  }
0x44: {  	s30 =	sadd.s32 s1, s28;
	s31 =	sand.u32 $0xFFFFF80, s29;
	s0 =	spop (v2sf)  }
0x45: {  	[tilespmem:s14], [sflag:$0x1] =	stream.linear.gather [hbm4b:s30+s2], $0x400, $0x38;
	[tilespmem:$0x5200] =	vst v63  }
0x46: {  	s17 =	spop (v2sf);
	s16 =	sand.u32 $0xFFFFF80, s0;
	s15 =	sadd.s32 s1, s31  }
0x47: {  	[tilespmem:s13], [sflag:$0x1] =	stream.linear.gather [hbm4b:s15+s2], $0x400, $0x38;
	[tilespmem:$0x5200] =	vst v63  }
0x48: {  	s12 =	rddreg [dreg:$0x11];
	s19 =	sand.u32 $0xFFFFF80, s17;
	s18 =	sadd.s32 s1, s16  }
0x49: {  	[tilespmem:s12], [sflag:$0x1] =	stream.linear.gather [hbm4b:s18+s2], $0x400, $0x38;
	[tilespmem:$0x5200] =	vst v63  }
0x4a: {  	s20 =	rddreg [dreg:$0x12];
	s21 =	sadd.s32 s1, s19  }
0x4b: {  	[tilespmem:s20], [sflag:$0x1] =	stream.linear.gather [hbm4b:s21+s2], $0x400, $0x38;
	[tilespmem:$0x5200] =	vst v63  }
0x4c: {  	_ =	swait.ge [sflag:s9], $0x400  }
0x4d: {  	[sflag:s9] =	ssyncset.done $0x0  }
0x4e: {  	[sflag:s9] =	ssyncadd.s32 $0xFFFFFC00  }
0x4f: {  	_ =	swait.ge [sflag:s9], $0x400  }
0x50: {  	[sflag:s9] =	ssyncset.done $0x0  }
0x51: {  	[sflag:s9] =	ssyncadd.s32 $0xFFFFFC00  }
0x52: {  	_ =	swait.ge [sflag:s9], $0x400  }
0x53: {  	[sflag:s9] =	ssyncset.done $0x0  }
0x54: {  	[sflag:s9] =	ssyncadd.s32 $0xFFFFFC00  }
0x55: {  	_ =	swait.ge [sflag:s9], $0x400  }
0x56: {  	[sflag:s9] =	ssyncset.done $0x0  }
0x57: {  	[sflag:s9] =	ssyncadd.s32 $0xFFFFFC00  }
0x58: {  	_ =	swait.ge [sflag:s9], $0x400  }
0x59: {  	[sflag:s9] =	ssyncset.done $0x0  }
0x5a: {  	[sflag:s9] =	ssyncadd.s32 $0xFFFFFC00  }
0x5b: {  	_ =	swait.ge [sflag:s9], $0x400  }
0x5c: {  	[sflag:s9] =	ssyncset.done $0x0  }
0x5d: {  	[sflag:s9] =	ssyncadd.s32 $0xFFFFFC00  }
0x5e: {  	_ =	swait.ge [sflag:s9], $0x400  }
0x5f: {  	[sflag:s9] =	ssyncset.done $0x0  }
0x60: {  	[sflag:s9] =	ssyncadd.s32 $0xFFFFFC00  }
0x61: {  	_ =	swait.ge [sflag:s9], $0x400  }
0x62: {  	[sflag:s9] =	ssyncset.done $0x0  }
0x63: {  	[sflag:s9] =	ssyncadd.s32 $0xFFFFFC00  }
0x64: {  	_ =	swait.ge [sflag:s9], $0x400  }
0x65: {  	[sflag:s9] =	ssyncset.done $0x0  }
0x66: {  	[sflag:s9] =	ssyncadd.s32 $0xFFFFFC00  }
0x67: {  	_ =	swait.ge [sflag:s9], $0x400  }
0x68: {  	[sflag:s9] =	ssyncset.done $0x0  }
0x69: {  	[sflag:s9] =	ssyncadd.s32 $0xFFFFFC00  }
0x6a: {  	_ =	swait.ge [sflag:s9], $0x400  }
0x6b: {  	[sflag:s9] =	ssyncset.done $0x0  }
0x6c: {  	[sflag:s9] =	ssyncadd.s32 $0xFFFFFC00  }
0x6d: {  	_ =	swait.ge [sflag:s9], $0x400  }
0x6e: {  	[sflag:s9] =	ssyncset.done $0x0  }
0x6f: {  	[sflag:s9] =	ssyncadd.s32 $0xFFFFFC00  }
0x70: {  	_ =	swait.ge [sflag:s9], $0x400  }
0x71: {  	[sflag:s9] =	ssyncset.done $0x0  }
0x72: {  	[sflag:s9] =	ssyncadd.s32 $0xFFFFFC00  }
0x73: {  	_ =	swait.ge [sflag:s9], $0x400  }
0x74: {  	v24 =	vand.u32 $0x7F, v24;
	[sflag:s9] =	ssyncset.done $0x0  }
0x75: {  	v25 =	vbroadcast v24, $0x0;
	[sflag:s9] =	ssyncadd.s32 $0xFFFFFC00  }
0x76: {  	s22 =	simm.s32 $0x0;
	_ =	swait.ge [sflag:s9], $0x400  }
0x77: {  	v25 =	vor.u32 v1, v25;
	v26 =	vmov s22;
	[sflag:s9] =	ssyncset.done $0x0  }
0x78: {  	v26 =	vshrl.u32 v26, $0x7;
	[sflag:s9] =	ssyncadd.s32 $0xFFFFFC00  }
0x79: {  	v26 =	vshll.u32 v26, $0x7;
	_ =	swait.ge [sflag:s9], $0x400  }
0x7a: {  	v26 =	vbroadcast v26, $0x0;
	[sflag:s9] =	ssyncset.done $0x0  }
0x7b: {  	v27 =	vbroadcast v24, $0x1;
	[sflag:s9] =	ssyncadd.s32 $0xFFFFFC00  }
0x7c: {  	v28 =	vor.u32 v0, v26;
	v25 =	vld.idx.msk [tilespmem:v25+s8+$0x0], $0xff  }
0x7d: {  	v27 =	vor.u32 v2, v27;
	_ =	sdelay $0x3  }
0x7e: {  	v29 =	vbroadcast v24, $0x2;
	s23 =	simm.s32 $0x8;
	[tilespmem:v28+s10+$0x0] =	vst.idx.msk $0xff, v25  }
0x7f: {  	v25 =	vld.idx.msk [tilespmem:v27+s8+$0x0], $0xff;
	v27 =	vadd.s32 s23, v0  }
0x80: {  	v39 =	vor.u32 v3, v29;
	_ =	sdelay $0x3  }
0x81: {  	v40 =	vbroadcast v24, $0x3;
	[tilespmem:v27+s10+$0x0] =	vst.idx.msk $0xff, v25  }
0x82: {  	v27 =	vor.u32 v4, v26;
	v25 =	vld.idx.msk [tilespmem:v39+s8+$0x0], $0xff  }
0x83: {  	v41 =	vor.u32 v5, v40;
	_ =	sdelay $0x3  }
0x84: {  	v42 =	vbroadcast v24, $0x4;
	s24 =	simm.s32 $0x18;
	[tilespmem:v27+s10+$0x0] =	vst.idx.msk $0xff, v25  }
0x85: {  	v27 =	vadd.s32 s24, v0;
	v25 =	vld.idx.msk [tilespmem:v41+s8+$0x0], $0xff  }
0x86: {  	v43 =	vor.u32 v6, v42;
	_ =	sdelay $0x3  }
0x87: {  	v44 =	vbroadcast v24, $0x5;
	[tilespmem:v27+s10+$0x0] =	vst.idx.msk $0xff, v25  }
0x88: {  	v27 =	vor.u32 v7, v26;
	v25 =	vld.idx.msk [tilespmem:v43+s8+$0x0], $0xff  }
0x89: {  	v45 =	vor.u32 v8, v44;
	_ =	sdelay $0x3  }
0x8a: {  	v46 =	vbroadcast v24, $0x6;
	s25 =	simm.s32 $0x28;
	[tilespmem:v27+s10+$0x0] =	vst.idx.msk $0xff, v25  }
0x8b: {  	v27 =	vadd.s32 s25, v0;
	v25 =	vld.idx.msk [tilespmem:v45+s8+$0x0], $0xff  }
0x8c: {  	v47 =	vor.u32 v9, v46;
	_ =	sdelay $0x3  }
0x8d: {  	v48 =	vbroadcast v24, $0x7;
	[tilespmem:v27+s10+$0x0] =	vst.idx.msk $0xff, v25  }
0x8e: {  	v27 =	vor.u32 v10, v26;
	v25 =	vld.idx.msk [tilespmem:v47+s8+$0x0], $0xff  }
0x8f: {  	v49 =	vor.u32 v11, v48;
	_ =	sdelay $0x3  }
0x90: {  	v50 =	vbroadcast v24, $0x8;
	s26 =	simm.s32 $0x38;
	[tilespmem:v27+s10+$0x0] =	vst.idx.msk $0xff, v25  }
0x91: {  	v27 =	vadd.s32 s26, v0;
	v25 =	vld.idx.msk [tilespmem:v49+s8+$0x0], $0xff  }
0x92: {  	v51 =	vor.u32 v12, v50;
	_ =	sdelay $0x3  }
0x93: {  	v52 =	vbroadcast v24, $0x9;
	[tilespmem:v27+s10+$0x0] =	vst.idx.msk $0xff, v25  }
0x94: {  	v27 =	vor.u32 v13, v26;
	v25 =	vld.idx.msk [tilespmem:v51+s8+$0x0], $0xff  }
0x95: {  	v53 =	vor.u32 v14, v52;
	_ =	sdelay $0x3  }
0x96: {  	v54 =	vbroadcast v24, $0xA;
	s28 =	simm.s32 $0x48;
	[tilespmem:v27+s10+$0x0] =	vst.idx.msk $0xff, v25  }
0x97: {  	v27 =	vadd.s32 s28, v0;
	v25 =	vld.idx.msk [tilespmem:v53+s8+$0x0], $0xff  }
0x98: {  	v55 =	vor.u32 v15, v54;
	_ =	sdelay $0x3  }
0x99: {  	v56 =	vbroadcast v24, $0xB;
	[tilespmem:v27+s10+$0x0] =	vst.idx.msk $0xff, v25  }
0x9a: {  	v27 =	vor.u32 v16, v26;
	v25 =	vld.idx.msk [tilespmem:v55+s8+$0x0], $0xff  }
0x9b: {  	v57 =	vor.u32 v17, v56;
	_ =	sdelay $0x3  }
0x9c: {  	v58 =	vbroadcast v24, $0xC;
	s29 =	simm.s32 $0x58;
	[tilespmem:v27+s10+$0x0] =	vst.idx.msk $0xff, v25  }
0x9d: {  	v27 =	vadd.s32 s29, v0;
	v25 =	vld.idx.msk [tilespmem:v57+s8+$0x0], $0xff  }
0x9e: {  	v59 =	vor.u32 v18, v58;
	_ =	sdelay $0x3  }
0x9f: {  	v60 =	vbroadcast v24, $0xD;
	[tilespmem:v27+s10+$0x0] =	vst.idx.msk $0xff, v25  }
0xa0: {  	v27 =	vor.u32 v19, v26;
	v25 =	vld.idx.msk [tilespmem:v59+s8+$0x0], $0xff  }
0xa1: {  	v61 =	vor.u32 v20, v60;
	_ =	sdelay $0x3  }
0xa2: {  	v62 =	vbroadcast v24, $0xE;
	s30 =	simm.s32 $0x68;
	[tilespmem:v27+s10+$0x0] =	vst.idx.msk $0xff, v25  }
0xa3: {  	v27 =	vadd.s32 s30, v0;
	v25 =	vld.idx.msk [tilespmem:v61+s8+$0x0], $0xff  }
0xa4: {  	v63 =	vor.u32 v21, v62;
	_ =	sdelay $0x3  }
0xa5: {  	v24 =	vbroadcast v24, $0xF;
	[tilespmem:v27+s10+$0x0] =	vst.idx.msk $0xff, v25  }
0xa6: {  	v26 =	vor.u32 v22, v26;
	v25 =	vld.idx.msk [tilespmem:v63+s8+$0x0], $0xff  }
0xa7: {  	v24 =	vor.u32 v23, v24;
	_ =	sdelay $0x3  }
0xa8: {  	s31 =	simm.s32 $0x78;
	[tilespmem:v26+s10+$0x0] =	vst.idx.msk $0xff, v25  }
0xa9: {  	s13 =	simm.s32 $0x0;
	s12 =	simm.s32 $0xF8;
	v25 =	vadd.s32 s31, v0;
	v24 =	vld.idx.msk [tilespmem:v24+s8+$0x0], $0xff  }
.LBB2_2:
0xaa: {  	_ =	sdelay $0x3  }
0xab: {  	s13 =	sadd.s32 $0x10, s13;
	[tilespmem:v25+s10+$0x0] =	vst.idx.msk $0xff, v24  }
0xac: {  	v40 =	vld [tilespmem:s13+$0x0];
	_ =	sdelay $0x4  }
0xad: {  	(v2sf) =	vpush v40, $0x0  }
0xae: {  	(v2sf) =	vpush v40, $0x1  }
0xaf: {  	(v2sf) =	vpush v40, $0x2;
	_ =	sdelay $0x1  }
0xb0: {  	s16 =	rddreg [dreg:$0x10];
	(v2sf) =	vpush v40, $0x3  }
0xb1: {  	s17 =	rddreg [dreg:$0xf]  }
0xb2: {  	s18 =	rddreg [dreg:$0xe];
	(v2sf) =	vpush v40, $0x4  }
0xb3: {  	s19 =	rddreg [dreg:$0xd]  }
0xb4: {  	s20 =	rddreg [dreg:$0xc];
	(v2sf) =	vpush v40, $0x5  }
0xb5: {  	s21 =	rddreg [dreg:$0xb]  }
0xb6: {  	s22 =	rddreg [dreg:$0xa];
	(v2sf) =	vpush v40, $0x6  }
0xb7: {  	s23 =	rddreg [dreg:$0x9]  }
0xb8: {  	s24 =	rddreg [dreg:$0x8];
	(v2sf) =	vpush v40, $0x7  }
0xb9: {  	s25 =	rddreg [dreg:$0x7]  }
0xba: {  	s26 =	rddreg [dreg:$0x6];
	(v2sf) =	vpush v40, $0x8  }
0xbb: {  	s28 =	rddreg [dreg:$0x5];
	s29 =	spop (v2sf)  }
0xbc: {  	s30 =	rddreg [dreg:$0x4];
	s29 =	sand.u32 $0xFFFFF80, s29;
	s31 =	spop (v2sf);
	(v2sf) =	vpush v40, $0x9  }
0xbd: {  	s29 =	sadd.s32 s1, s29;
	s31 =	sand.u32 $0xFFFFF80, s31;
	s0 =	spop (v2sf)  }
0xbe: {  	(v2sf) =	vpush v40, $0xA;
	[tilespmem:s8], [sflag:$0x1] =	stream.linear.gather [hbm4b:s29+s2], $0x400, $0x38;
	[tilespmem:$0x5200] =	vst v63  }
0xbf: {  	s29 =	sadd.s32 s1, s31;
	s0 =	sand.u32 $0xFFFFF80, s0;
	s31 =	spop (v2sf)  }
0xc0: {  	(v2sf) =	vpush v40, $0xB;
	[tilespmem:s30], [sflag:$0x1] =	stream.linear.gather [hbm4b:s29+s2], $0x400, $0x38;
	[tilespmem:$0x5200] =	vst v63  }
0xc1: {  	s0 =	sadd.s32 s1, s0;
	s29 =	sand.u32 $0xFFFFF80, s31;
	s31 =	spop (v2sf)  }
0xc2: {  	(v2sf) =	vpush v40, $0xC;
	[tilespmem:s28], [sflag:$0x1] =	stream.linear.gather [hbm4b:s0+s2], $0x400, $0x38;
	[tilespmem:$0x5200] =	vst v63  }
0xc3: {  	s30 =	sand.u32 $0xFFFFF80, s31;
	s31 =	spop (v2sf);
	s0 =	sadd.s32 s1, s29  }
0xc4: {  	(v2sf) =	vpush v40, $0xD;
	[tilespmem:s26], [sflag:$0x1] =	stream.linear.gather [hbm4b:s0+s2], $0x400, $0x38;
	[tilespmem:$0x5200] =	vst v63  }
0xc5: {  	s26 =	sadd.s32 s1, s30;
	s30 =	sand.u32 $0xFFFFF80, s31;
	s31 =	spop (v2sf)  }
0xc6: {  	(v2sf) =	vpush v40, $0xE;
	[tilespmem:s25], [sflag:$0x1] =	stream.linear.gather [hbm4b:s26+s2], $0x400, $0x38;
	[tilespmem:$0x5200] =	vst v63  }
0xc7: {  	s29 =	sadd.s32 s1, s30;
	s30 =	sand.u32 $0xFFFFF80, s31;
	s31 =	spop (v2sf)  }
0xc8: {  	(v2sf) =	vpush v40, $0xF;
	[tilespmem:s24], [sflag:$0x1] =	stream.linear.gather [hbm4b:s29+s2], $0x400, $0x38;
	[tilespmem:$0x5200] =	vst v63  }
0xc9: {  	s25 =	sadd.s32 s1, s30;
	s26 =	sand.u32 $0xFFFFF80, s31;
	s28 =	spop (v2sf)  }
0xca: {  	[tilespmem:s23], [sflag:$0x1] =	stream.linear.gather [hbm4b:s25+s2], $0x400, $0x38;
	[tilespmem:$0x5200] =	vst v63  }
0xcb: {  	s30 =	sand.u32 $0xFFFFF80, s28;
	s29 =	sadd.s32 s1, s26;
	s31 =	spop (v2sf)  }
0xcc: {  	[tilespmem:s22], [sflag:$0x1] =	stream.linear.gather [hbm4b:s29+s2], $0x400, $0x38;
	[tilespmem:$0x5200] =	vst v63  }
0xcd: {  	s22 =	sadd.s32 s1, s30;
	s23 =	sand.u32 $0xFFFFF80, s31;
	s24 =	spop (v2sf)  }
0xce: {  	[tilespmem:s21], [sflag:$0x1] =	stream.linear.gather [hbm4b:s22+s2], $0x400, $0x38;
	[tilespmem:$0x5200] =	vst v63  }
0xcf: {  	s25 =	sadd.s32 s1, s23;
	s26 =	sand.u32 $0xFFFFF80, s24;
	s28 =	spop (v2sf)  }
0xd0: {  	[tilespmem:s20], [sflag:$0x1] =	stream.linear.gather [hbm4b:s25+s2], $0x400, $0x38;
	[tilespmem:$0x5200] =	vst v63  }
0xd1: {  	s29 =	sadd.s32 s1, s26;
	s30 =	sand.u32 $0xFFFFF80, s28;
	s31 =	spop (v2sf)  }
0xd2: {  	[tilespmem:s19], [sflag:$0x1] =	stream.linear.gather [hbm4b:s29+s2], $0x400, $0x38;
	[tilespmem:$0x5200] =	vst v63  }
0xd3: {  	s22 =	sadd.s32 s1, s30;
	s23 =	sand.u32 $0xFFFFF80, s31;
	s24 =	spop (v2sf)  }
0xd4: {  	[tilespmem:s18], [sflag:$0x1] =	stream.linear.gather [hbm4b:s22+s2], $0x400, $0x38;
	[tilespmem:$0x5200] =	vst v63  }
0xd5: {  	s25 =	sadd.s32 s1, s23;
	s26 =	sand.u32 $0xFFFFF80, s24;
	s28 =	spop (v2sf)  }
0xd6: {  	[tilespmem:s17], [sflag:$0x1] =	stream.linear.gather [hbm4b:s25+s2], $0x400, $0x38;
	[tilespmem:$0x5200] =	vst v63  }
0xd7: {  	s29 =	sadd.s32 s1, s26;
	s30 =	sand.u32 $0xFFFFF80, s28;
	s31 =	spop (v2sf)  }
0xd8: {  	[tilespmem:s16], [sflag:$0x1] =	stream.linear.gather [hbm4b:s29+s2], $0x400, $0x38;
	[tilespmem:$0x5200] =	vst v63  }
0xd9: {  	s15 =	rddreg [dreg:$0x11];
	s19 =	sadd.s32 s1, s30;
	s20 =	sand.u32 $0xFFFFF80, s31  }
0xda: {  	[tilespmem:s15], [sflag:$0x1] =	stream.linear.gather [hbm4b:s19+s2], $0x400, $0x38;
	[tilespmem:$0x5200] =	vst v63  }
0xdb: {  	s21 =	rddreg [dreg:$0x12];
	s22 =	sadd.s32 s1, s20  }
0xdc: {  	[tilespmem:s21], [sflag:$0x1] =	stream.linear.gather [hbm4b:s22+s2], $0x400, $0x38;
	[tilespmem:$0x5200] =	vst v63  }
0xdd: {  	_ =	swait.ge [sflag:s9], $0x400  }
0xde: {  	[sflag:s9] =	ssyncset.done $0x0  }
0xdf: {  	[sflag:s9] =	ssyncadd.s32 $0xFFFFFC00  }
0xe0: {  	_ =	swait.ge [sflag:s9], $0x400  }
0xe1: {  	[sflag:s9] =	ssyncset.done $0x0  }
0xe2: {  	[sflag:s9] =	ssyncadd.s32 $0xFFFFFC00  }
0xe3: {  	_ =	swait.ge [sflag:s9], $0x400  }
0xe4: {  	[sflag:s9] =	ssyncset.done $0x0  }
0xe5: {  	[sflag:s9] =	ssyncadd.s32 $0xFFFFFC00  }
0xe6: {  	_ =	swait.ge [sflag:s9], $0x400  }
0xe7: {  	[sflag:s9] =	ssyncset.done $0x0  }
0xe8: {  	[sflag:s9] =	ssyncadd.s32 $0xFFFFFC00  }
0xe9: {  	_ =	swait.ge [sflag:s9], $0x400  }
0xea: {  	[sflag:s9] =	ssyncset.done $0x0  }
0xeb: {  	[sflag:s9] =	ssyncadd.s32 $0xFFFFFC00  }
0xec: {  	_ =	swait.ge [sflag:s9], $0x400  }
0xed: {  	[sflag:s9] =	ssyncset.done $0x0  }
0xee: {  	[sflag:s9] =	ssyncadd.s32 $0xFFFFFC00  }
0xef: {  	_ =	swait.ge [sflag:s9], $0x400  }
0xf0: {  	[sflag:s9] =	ssyncset.done $0x0  }
0xf1: {  	[sflag:s9] =	ssyncadd.s32 $0xFFFFFC00  }
0xf2: {  	_ =	swait.ge [sflag:s9], $0x400  }
0xf3: {  	[sflag:s9] =	ssyncset.done $0x0  }
0xf4: {  	[sflag:s9] =	ssyncadd.s32 $0xFFFFFC00  }
0xf5: {  	_ =	swait.ge [sflag:s9], $0x400  }
0xf6: {  	[sflag:s9] =	ssyncset.done $0x0  }
0xf7: {  	[sflag:s9] =	ssyncadd.s32 $0xFFFFFC00  }
0xf8: {  	_ =	swait.ge [sflag:s9], $0x400  }
0xf9: {  	[sflag:s9] =	ssyncset.done $0x0  }
0xfa: {  	[sflag:s9] =	ssyncadd.s32 $0xFFFFFC00  }
0xfb: {  	_ =	swait.ge [sflag:s9], $0x400  }
0xfc: {  	[sflag:s9] =	ssyncset.done $0x0  }
0xfd: {  	[sflag:s9] =	ssyncadd.s32 $0xFFFFFC00  }
0xfe: {  	_ =	swait.ge [sflag:s9], $0x400  }
0xff: {  	[sflag:s9] =	ssyncset.done $0x0  }
0x100: {  	[sflag:s9] =	ssyncadd.s32 $0xFFFFFC00  }
0x101: {  	_ =	swait.ge [sflag:s9], $0x400  }
0x102: {  	[sflag:s9] =	ssyncset.done $0x0  }
0x103: {  	[sflag:s9] =	ssyncadd.s32 $0xFFFFFC00  }
0x104: {  	_ =	swait.ge [sflag:s9], $0x400  }
0x105: {  	v24 =	vand.u32 $0x7F, v40;
	[sflag:s9] =	ssyncset.done $0x0  }
0x106: {  	s14 =	smov.u32 s12;
	v39 =	vbroadcast v24, $0x0;
	[sflag:s9] =	ssyncadd.s32 $0xFFFFFC00  }
0x107: {  	s23 =	sadd.s32 $0xFFFFFF88, s14;
	_ =	swait.ge [sflag:s9], $0x400  }
0x108: {  	v50 =	vor.u32 v1, v39;
	v51 =	vmov s23;
	[sflag:s9] =	ssyncset.done $0x0  }
0x109: {  	v39 =	vshrl.u32 v51, $0x7;
	[sflag:s9] =	ssyncadd.s32 $0xFFFFFC00  }
0x10a: {  	v39 =	vshll.u32 v39, $0x7;
	_ =	swait.ge [sflag:s9], $0x400  }
0x10b: {  	v39 =	vbroadcast v39, $0x0;
	[sflag:s9] =	ssyncset.done $0x0  }
0x10c: {  	v38 =	vbroadcast v24, $0x1;
	[sflag:s9] =	ssyncadd.s32 $0xFFFFFC00  }
0x10d: {  	v41 =	vor.u32 v0, v39;
	v40 =	vld.idx.msk [tilespmem:v50+s8+$0x0], $0xff  }
0x10e: {  	v38 =	vor.u32 v2, v38;
	_ =	sdelay $0x3  }
0x10f: {  	v37 =	vbroadcast v24, $0x2;
	s24 =	sadd.s32 $0xFFFFFF90, s14;
	[tilespmem:v41+s10+$0x0] =	vst.idx.msk $0xff, v40  }
0x110: {  	v52 =	vadd.s32 s24, v0;
	v38 =	vld.idx.msk [tilespmem:v38+s8+$0x0], $0xff  }
0x111: {  	v37 =	vor.u32 v3, v37;
	_ =	sdelay $0x3  }
0x112: {  	v36 =	vbroadcast v24, $0x3;
	[tilespmem:v52+s10+$0x0] =	vst.idx.msk $0xff, v38  }
0x113: {  	v53 =	vor.u32 v4, v39;
	v37 =	vld.idx.msk [tilespmem:v37+s8+$0x0], $0xff  }
0x114: {  	v36 =	vor.u32 v5, v36;
	_ =	sdelay $0x3  }
0x115: {  	v35 =	vbroadcast v24, $0x4;
	s25 =	sadd.s32 $0xFFFFFFA0, s14;
	[tilespmem:v53+s10+$0x0] =	vst.idx.msk $0xff, v37  }
0x116: {  	v54 =	vadd.s32 s25, v0;
	v36 =	vld.idx.msk [tilespmem:v36+s8+$0x0], $0xff  }
0x117: {  	v35 =	vor.u32 v6, v35;
	_ =	sdelay $0x3  }
0x118: {  	v34 =	vbroadcast v24, $0x5;
	[tilespmem:v54+s10+$0x0] =	vst.idx.msk $0xff, v36  }
0x119: {  	v55 =	vor.u32 v7, v39;
	v35 =	vld.idx.msk [tilespmem:v35+s8+$0x0], $0xff  }
0x11a: {  	v34 =	vor.u32 v8, v34;
	_ =	sdelay $0x3  }
0x11b: {  	v33 =	vbroadcast v24, $0x6;
	s26 =	sadd.s32 $0xFFFFFFB0, s14;
	[tilespmem:v55+s10+$0x0] =	vst.idx.msk $0xff, v35  }
0x11c: {  	v56 =	vadd.s32 s26, v0;
	v34 =	vld.idx.msk [tilespmem:v34+s8+$0x0], $0xff  }
0x11d: {  	v33 =	vor.u32 v9, v33;
	_ =	sdelay $0x3  }
0x11e: {  	v32 =	vbroadcast v24, $0x7;
	[tilespmem:v56+s10+$0x0] =	vst.idx.msk $0xff, v34  }
0x11f: {  	v57 =	vor.u32 v10, v39;
	v33 =	vld.idx.msk [tilespmem:v33+s8+$0x0], $0xff  }
0x120: {  	v32 =	vor.u32 v11, v32;
	_ =	sdelay $0x3  }
0x121: {  	v31 =	vbroadcast v24, $0x8;
	s28 =	sadd.s32 $0xFFFFFFC0, s14;
	[tilespmem:v57+s10+$0x0] =	vst.idx.msk $0xff, v33  }
0x122: {  	v58 =	vadd.s32 s28, v0;
	v32 =	vld.idx.msk [tilespmem:v32+s8+$0x0], $0xff  }
0x123: {  	v31 =	vor.u32 v12, v31;
	_ =	sdelay $0x3  }
0x124: {  	v30 =	vbroadcast v24, $0x9;
	[tilespmem:v58+s10+$0x0] =	vst.idx.msk $0xff, v32  }
0x125: {  	v59 =	vor.u32 v13, v39;
	v31 =	vld.idx.msk [tilespmem:v31+s8+$0x0], $0xff  }
0x126: {  	v30 =	vor.u32 v14, v30;
	_ =	sdelay $0x3  }
0x127: {  	v29 =	vbroadcast v24, $0xA;
	s29 =	sadd.s32 $0xFFFFFFD0, s14;
	[tilespmem:v59+s10+$0x0] =	vst.idx.msk $0xff, v31  }
0x128: {  	v60 =	vadd.s32 s29, v0;
	v30 =	vld.idx.msk [tilespmem:v30+s8+$0x0], $0xff  }
0x129: {  	v29 =	vor.u32 v15, v29;
	_ =	sdelay $0x3  }
0x12a: {  	v28 =	vbroadcast v24, $0xB;
	[tilespmem:v60+s10+$0x0] =	vst.idx.msk $0xff, v30  }
0x12b: {  	v61 =	vor.u32 v16, v39;
	v29 =	vld.idx.msk [tilespmem:v29+s8+$0x0], $0xff  }
0x12c: {  	v28 =	vor.u32 v17, v28;
	_ =	sdelay $0x3  }
0x12d: {  	v27 =	vbroadcast v24, $0xC;
	s30 =	sadd.s32 $0xFFFFFFE0, s14;
	[tilespmem:v61+s10+$0x0] =	vst.idx.msk $0xff, v29  }
0x12e: {  	v62 =	vadd.s32 s30, v0;
	v28 =	vld.idx.msk [tilespmem:v28+s8+$0x0], $0xff  }
0x12f: {  	v27 =	vor.u32 v18, v27;
	_ =	sdelay $0x3  }
0x130: {  	v26 =	vbroadcast v24, $0xD;
	[tilespmem:v62+s10+$0x0] =	vst.idx.msk $0xff, v28  }
0x131: {  	v63 =	vor.u32 v19, v39;
	v27 =	vld.idx.msk [tilespmem:v27+s8+$0x0], $0xff  }
0x132: {  	v26 =	vor.u32 v20, v26;
	_ =	sdelay $0x3  }
0x133: {  	v25 =	vbroadcast v24, $0xE;
	s31 =	sadd.s32 $0xFFFFFFF0, s14;
	[tilespmem:v63+s10+$0x0] =	vst.idx.msk $0xff, v27  }
0x134: {  	v27 =	vadd.s32 s31, v0;
	v26 =	vld.idx.msk [tilespmem:v26+s8+$0x0], $0xff  }
0x135: {  	v25 =	vor.u32 v21, v25;
	_ =	sdelay $0x3  }
0x136: {  	v24 =	vbroadcast v24, $0xF;
	[tilespmem:v27+s10+$0x0] =	vst.idx.msk $0xff, v26  }
0x137: {  	v26 =	vor.u32 v22, v39;
	v25 =	vld.idx.msk [tilespmem:v25+s8+$0x0], $0xff  }
0x138: {  	p0 =	sne.s32 s12, $0xFF8;
	v24 =	vor.u32 v23, v24  }
.Ltmp0:
0x139: {  	_ = 	snop;
	(pc) =	sbr.rel @p0 .LBB2_2-.Ltmp0, $3  }
0x13a: {  	_ =	sdelay $0x1  }
0x13b: {  	[tilespmem:v26+s10+$0x0] =	vst.idx.msk $0xff, v25  }
0x13c: {  	s12 =	sadd.s32 $0x80, s12;
	v25 =	vadd.s32 s14, v0;
	v24 =	vld.idx.msk [tilespmem:v24+s8+$0x0], $0xff  }
0x13d: {  	_ =	sdelay $0x1  }
0x13e: {  	s11 =	sadd.s32 $0x1, s11  }
0x13f: {  	p0 =	sne.s32 s11, s6  }
.Ltmp1:
0x140: {  	[tilespmem:v25+s10+$0x0] =	vst.idx.msk $0xff, v24;
	(pc) =	sbr.rel @p0 .LBB2_1-.Ltmp1, $4  }
0x141: {  	[hbm4b:s5+s2] =	stream.linear.scatter [tilespmem:s10], [sflag:$0x2], $0x1000, $0x38;
	[tilespmem:$0x5200] =	vst v63  }
0x142: {  	_ =	swait.ge [sflag:s7], $0x1000  }
0x143: {  	[sflag:s7] =	ssyncset.done $0x0  }
0x144: {  	[sflag:s7] =	ssyncadd.s32 $0xFFFFF000  }
0x145: {  	_ =	sfence.sel $0x180000  }
0x146: {  	[bflag:$0x0] =	sbarrier.arrive $0xFFFF  }
0x147: {  	_ =	strace $0x90000047  }
0x148: {  	[bflag:$0x2] =	sbarrier.arrive $0xFFFF  }
0x149: {  	p0 =	sne.s32 s3, $0x0;
	s0 =	rddreg [dreg:$0x3]  }
0x14a: {  	s0 =	sadd.s32 @!p0 $0x100000, s0  }
0x14b: {  	[sflag:s0] =	ssyncadd.tile.s32 @!p0 $0x1;
	_ =	shalt  }
.Lfunc_end2:
_tile_overlayer_lowered:
.L_overlay_start_2:
0x14c: {  	(tag) =	ssettag $0x2  }
0x14d: {  	s0 =	rddreg [dreg:$0x0];
	s2 =	stileid.u32  }
0x14e: {  	s1 =	rddreg [dreg:$0x1];
	p0 =	sne.s32 s2, $0x0  }
0x14f: {  	s3 =	rddreg [dreg:$0x2];
	[bflag:$0x3] =	sbarrier.arrive $0xFFFF;
	s2 =	simm.s32 @!p0 $0x1C02  }
0x150: {  	[timem:s3], [sflag:s2] =	dma.local @!p0 [hbm:s0], s1  }
0x151: {  	s0 =	simm.s32 @!p0 $0x2  }
0x152: {  	_ =	swait.ge @!p0 [sflag:s0], s1  }
0x153: {  	s1 =	ssub.s32 @!p0 $0x0, s1;
	[sflag:s0] =	ssyncset.done @!p0 $0x0  }
0x154: {  	[sflag:s0] =	ssyncadd.s32 @!p0 s1  }
0x155: {  	[bflag:$0x3] =	sbarrier.arrive $0xFFFF  }
0x156: {  	_ =	shalt  }

// kernel: kernel.9.cloned.1.call-start
scs
__scs_entry_jumppad:
0x0: {  	(pc) =	sbr.rel $0x88, $3  }
0x1: {  	(tag) =	ssettag $0x0;
	lr =	simm.s32 $0x1  }
0x2: {  	[smem:$0x3F9D] =	sst lr;
	_ =	strace $0xD0000000  }
0x3: {  	_ = 	snop  }
0x4: {  	_ = 	snop  }
0x5: {  	_ = 	snop  }
0x6: {  	_ = 	snop  }
0x7: {  	_ = 	snop  }
__scs_overlays_trampoline_lowered:
0x8: {  	[smem:$0x3FAC] =	sst s0  }
0x9: {  	[smem:$0x3FAD] =	sst s1  }
0xa: {  	[smem:$0x3FAE] =	sst s2  }
0xb: {  	[smem:$0x3FAF] =	sst s3  }
0xc: {  	[smem:$0x3FB0] =	sst s4  }
0xd: {  	[smem:$0x3FB1] =	sst s5  }
0xe: {  	[smem:$0x3FB2] =	sst s6  }
0xf: {  	[smem:$0x3FB3] =	sst s7  }
0x10: {  	[smem:$0x3FB4] =	sst s8  }
0x11: {  	[smem:$0x3FB5] =	sst s9;
	s0 =	simm.s32 @!p0 $0x0  }
0x12: {  	s1 =	sld [smem:$0x3F9B];
	s0 =	simm.s32 @p0 $0x1  }
0x13: {  	[smem:$0x3FB6] =	sst s0;
	s0 =	simm.s32 @!p1 $0x0  }
0x14: {  	s2 =	sld [smem:$0x3F9A];
	s0 =	simm.s32 @p1 $0x1  }
0x15: {  	[smem:$0x3FB7] =	sst s0;
	s0 =	simm.s32 @!p2 $0x0  }
0x16: {  	s3 =	sld [smem:$0x3FDB];
	s0 =	simm.s32 @p2 $0x1  }
0x17: {  	s4 =	simm.s32 $0x1BF5;
	[smem:$0x3FB9] =	sst s0  }
0x18: {  	s0 =	sld [smem:$0x3F9C];
	_ =	swait.ge [sflag:s4], $0x0  }
0x19: {  	s7 =	sld [smem:$0x3F9D]  }
0x1a: {  	s8 =	sadd.s32 $0xFFFFE003, lr  }
0x1b: {  	s9 =	sadd.s32 $0xFFFFFEF7, lr;
	s5 =	simm.s32 $0xFFFFFFFF;
	p2 =	slt.u32 s8, $0xFFFFF086  }
0x1c: {  	p1 =	slt.u32 s9, $0xF7A;
	s5 =	simm.s32 @!p2 $0x0  }
0x1d: {  	s5 =	simm.s32 @p1 $0x1;
	p0 =	seq.s32 s7, s2  }
0x1e: {  	s7 =	smul.u32 @!p0 $0xF7A, s2;
	p2 =	seq.s32 @!p0 s5, $0x0  }
0x1f: {  	s9 =	smul.u32 $0xF7A, s1;
	s8 =	simm.s32 @!p0 $0x1BF5;
	p2 =	por !p2, p0  }
0x20: {  	[sflag:s8] =	ssyncset.s32 @!p0 $0xFFFFF086;
	s6 =	sadd.s32 @!p0 s3, s7;
	s7 =	simm.s32 @!p0 $0x108  }
0x21: {  	s3 =	sadd.s32 s3, s9;
	s6 =	sadd.s32 @!p0 $0x88, s6;
	s7 =	simm.s32 @p2 $0x1082  }
0x22: {  	[simem:s7], [sflag:s8] =	dma.local @!p0 [hbm:s6], $0xF7A  }
0x23: {  	s9 =	sor.u32 $0xD0000000, s2;
	s6 =	simm.s32 $0x108;
	_ =	swait.ge @!p0 [sflag:s8], $0x0  }
0x24: {  	s3 =	sadd.s32 $0x88, s3;
	s6 =	simm.s32 @!p1 $0x1082;
	[sflag:s4] =	ssyncset.s32 $0xFFFFF086  }
0x25: {  	[simem:s6], [sflag:s4] =	dma.local [hbm:s3], $0xF7A  }
0x26: {  	[smem:$0x3F9D] =	sst s1;
	(tag) =	ssettag s2;
	_ =	strace s9  }
0x27: {  	s1 =	sld [smem:$0x3FAD]  }
0x28: {  	s2 =	sld [smem:$0x3FAE]  }
0x29: {  	s4 =	sld [smem:$0x3FB0]  }
0x2a: {  	p0 =	seq.s32 s5, $0x0;
	s5 =	sld [smem:$0x3FB1]  }
0x2b: {  	s6 =	sld [smem:$0x3FB2]  }
0x2c: {  	s7 =	sld [smem:$0x3FB3]  }
0x2d: {  	s3 =	simm.s32 $0x108;
	s8 =	sld [smem:$0x3FB4]  }
0x2e: {  	s3 =	simm.s32 @!p0 $0x1082;
	s9 =	sld [smem:$0x3FB5]  }
0x2f: {  	lr =	sadd.s32 s0, s3;
	s0 =	sld [smem:$0x3FAC]  }
0x30: {  	s3 =	sld [smem:$0x3FAF]  }
0x31: {  	[smem:$0x3FB8] =	sst s10  }
0x32: {  	s10 =	sld [smem:$0x3FB6];
	_ =	sdelay $0x3  }
0x33: {  	p0 =	seq.s32 s10, $0x1;
	s10 =	sld [smem:$0x3FB8];
	_ =	sdelay $0x3  }
0x34: {  	[smem:$0x3FB8] =	sst s10  }
0x35: {  	s10 =	sld [smem:$0x3FB7];
	_ =	sdelay $0x3  }
0x36: {  	p1 =	seq.s32 s10, $0x1;
	s10 =	sld [smem:$0x3FB8];
	_ =	sdelay $0x3  }
0x37: {  	[smem:$0x3FB8] =	sst s10  }
0x38: {  	s10 =	sld [smem:$0x3FB9]  }
0x39: {  	_ = 	snop;
	(pc) =	sbr.ind lr, $3  }
0x3a: {  	_ = 	snop  }
0x3b: {  	_ = 	snop  }
0x3c: {  	p2 =	seq.s32 s10, $0x1;
	s10 =	sld [smem:$0x3FB8]  }
0x3d: {  	_ =	shalt  }
0x3e: {  	_ =	shalt  }
0x3f: {  	_ =	shalt  }
0x40: {  	_ =	shalt  }
0x41: {  	_ =	shalt  }
0x42: {  	_ =	shalt  }
0x43: {  	_ =	shalt  }
0x44: {  	_ =	shalt  }
0x45: {  	_ =	shalt  }
0x46: {  	_ =	shalt  }
0x47: {  	_ =	shalt  }
0x48: {  	_ =	shalt  }
0x49: {  	_ =	shalt  }
0x4a: {  	_ =	shalt  }
0x4b: {  	_ =	shalt  }
0x4c: {  	_ =	shalt  }
0x4d: {  	_ =	shalt  }
0x4e: {  	_ =	shalt  }
0x4f: {  	_ =	shalt  }
0x50: {  	_ =	shalt  }
0x51: {  	_ =	shalt  }
0x52: {  	_ =	shalt  }
0x53: {  	_ =	shalt  }
0x54: {  	_ =	shalt  }
0x55: {  	_ =	shalt  }
0x56: {  	_ =	shalt  }
0x57: {  	_ =	shalt  }
0x58: {  	_ =	shalt  }
0x59: {  	_ =	shalt  }
0x5a: {  	_ =	shalt  }
0x5b: {  	_ =	shalt  }
0x5c: {  	_ =	shalt  }
0x5d: {  	_ =	shalt  }
0x5e: {  	_ =	shalt  }
0x5f: {  	_ =	shalt  }
0x60: {  	_ =	shalt  }
0x61: {  	_ =	shalt  }
0x62: {  	_ =	shalt  }
0x63: {  	_ =	shalt  }
0x64: {  	_ =	shalt  }
0x65: {  	_ =	shalt  }
0x66: {  	_ =	shalt  }
0x67: {  	_ =	shalt  }
0x68: {  	_ =	shalt  }
0x69: {  	_ =	shalt  }
0x6a: {  	_ =	shalt  }
0x6b: {  	_ =	shalt  }
0x6c: {  	_ =	shalt  }
0x6d: {  	_ =	shalt  }
0x6e: {  	_ =	shalt  }
0x6f: {  	_ =	shalt  }
0x70: {  	_ =	shalt  }
0x71: {  	_ =	shalt  }
0x72: {  	_ =	shalt  }
0x73: {  	_ =	shalt  }
0x74: {  	_ =	shalt  }
0x75: {  	_ =	shalt  }
0x76: {  	_ =	shalt  }
0x77: {  	_ =	shalt  }
0x78: {  	_ =	shalt  }
0x79: {  	_ =	shalt  }
0x7a: {  	_ =	shalt  }
0x7b: {  	_ =	shalt  }
0x7c: {  	_ =	shalt  }
0x7d: {  	_ =	shalt  }
0x7e: {  	_ =	shalt  }
0x7f: {  	_ =	shalt  }
0x80: {  	_ =	shalt  }
0x81: {  	_ =	shalt  }
0x82: {  	_ =	shalt  }
0x83: {  	_ =	shalt  }
0x84: {  	_ =	shalt  }
0x85: {  	_ =	shalt  }
0x86: {  	_ =	shalt  }
0x87: {  	_ =	shalt  }
.Lfunc_end0:
.L_simem_size_0:
called_computation.1_lowered:
.L_overlay_start_0:
0x88: {  	s2 =	sld [smem:$0x3FD9]  }
0x89: {  	s3 =	sld [smem:$0x3FFE];
	_ =	sdelay $0x1  }
0x8a: {  	s1 =	srdreg.scid  }
0x8b: {  	s0 =	sand.u32 $0x1, s1  }
0x8c: {  	s17 =	sshll.u32 s0, $0xA;
	s2 =	sadd.s32 s3, s2  }
0x8d: {  	s2 =	sadd.s32 s2, s17  }
0x8e: {  	[smem:$0x3FC4] =	sst s2  }
0x8f: {  	_ = 	snop  }
0x90: {  	s18 =	sld [smem:$0x3FC9];
	(tm) =	ssettm $0x1  }
0x91: {  	s19 =	sld [smem:$0x3FFB];
	_ =	sdelay $0x3  }
0x92: {  	_ =	strace s19  }
0x93: {  	s2 =	sld [smem:$0x3FFC];
	_ =	sdelay $0x3  }
0x94: {  	_ =	strace s2  }
0x95: {  	s2 =	sld [smem:$0x3FFD];
	_ =	sdelay $0x3  }
0x96: {  	_ =	strace s2  }
0x97: {  	_ =	strace $0x8FFFFFFF  }
0x98: {  	s20 =	sld [smem:$0x3FDB];
	_ =	sdelay $0x1  }
0x99: {  	s4 =	simm.s32 $_scs_section_size  }
0x9a: {  	s5 =	simm.s32 $_size__tile_overlayer_lowered;
	s6 =	simm.s32 $_tile_overlayer_lowered  }
0x9b: {  	s7 =	simm.s32 $0x1BFF;
	s21 =	sshll.u32 s6, $0x1;
	s4 =	sadd.s32 s4, s20  }
0x9c: {  	s22 =	simm.s32 $0x0;
	s5 =	sshll.u32 s5, $0x1;
	s6 =	sadd.s32 s21, s4  }
0x9d: {  	[timem:s22], [sflag:s7] =	dma.local [hbm:s6], s5  }
0x9e: {  	_ =	swait.ge [sflag:s7], s5  }
0x9f: {  	s5 =	ssub.s32 $0x0, s5;
	[sflag:s7] =	ssyncset.done $0x0  }
0xa0: {  	[sflag:s7] =	ssyncadd.s32 s5;
	_ =	sdelay $0x1  }
0xa1: {  	s23 =	simm.s32 $0x1B8B  }
0xa2: {  	_ =	swait.ge [sflag:s23], $0x1  }
0xa3: {  	[sflag:s23] =	ssyncset.done $0x0  }
0xa4: {  	[sflag:s23] =	ssyncadd.s32 $0xFFFFFFFF  }
0xa5: {  	s5 =	sld [smem:$0x0]  }
0xa6: {  	s6 =	sand.u32 $0xFFFFFFFE, s1  }
0xa7: {  	p0 =	sne.s32 s1, s6  }
0xa8: {  	s6 =	sshll.u32 @p0 s6, $0xE  }
0xa9: {  	s6 =	sadd.s32 @p0 $0x11B8D, s6;
	s7 =	sshll.u32 @p0 s5, $0x11  }
0xaa: {  	s6 =	sor.u32 @p0 s7, s6  }
0xab: {  	[sflag:s6] =	ssyncadd.remote.s32 @p0 $0x1;
	_ =	sdelay $0x1  }
0xac: {  	s6 =	simm.s32 @p0 $0x1B8D  }
0xad: {  	_ =	swait.eq @p0 [sflag:s6], $0x1  }
0xae: {  	[sflag:s6] =	ssyncadd.s32 @p0 $0xFFFFFFFF  }
0xaf: {  	s7 =	sshll.u32 @!p0 s1, $0xE  }
0xb0: {  	s7 =	sor.u32 @!p0 $0x4000, s7;
	s6 =	simm.s32 @!p0 $0x1B8D  }
0xb1: {  	s5 =	sshll.u32 @!p0 s5, $0x11;
	s7 =	sadd.s32 @!p0 $0x11B8D, s7;
	_ =	swait.eq @!p0 [sflag:s6], $0x1  }
0xb2: {  	s5 =	sor.u32 @!p0 s5, s7;
	[sflag:s6] =	ssyncadd.s32 @!p0 $0xFFFFFFFF  }
0xb3: {  	s25 =	simm.s32 $0x1B8E;
	s24 =	sld [smem:$0x3FFE];
	[sflag:s5] =	ssyncadd.remote.s32 @!p0 $0x1  }
0xb4: {  	s26 =	simm.s32 $execute0_lowered;
	[smem:$0x3FD2] =	sst s25  }
0xb5: {  	s6 =	sshll.u32 s26, $0x1;
	_ =	strace $0x80000049;
	[dreg:$0x1] =	wrdreg $0xFFFFFFFF  }
0xb6: {  	s28 =	simm.s32 $_size_execute0_lowered;
	s4 =	sadd.s32 s4, s6;
	[dreg:$0x0] =	wrdreg $0x0  }
0xb7: {  	s6 =	sshll.u32 s28, $0x1;
	[dreg:$0x2] =	wrdreg s4  }
0xb8: {  	[dreg:$0x3] =	wrdreg s6  }
0xb9: {  	[dreg:$0x4] =	wrdreg $0xC0  }
0xba: {  	_ =	task [dreg:s22], $0x5FFFF  }
0xbb: {  	[dreg:$0x1] =	wrdreg $0xFFFFFFFF  }
0xbc: {  	[dreg:$0x0] =	wrdreg $0x60  }
0xbd: {  	[dreg:$0x2] =	wrdreg s18  }
0xbe: {  	[dreg:$0x3] =	wrdreg s24  }
0xbf: {  	[dreg:$0x4] =	wrdreg $0xA  }
0xc0: {  	_ =	task.clear_ibuf [dreg:s22], $0x5FFFF;
	_ =	strace $0x90000049  }
0xc1: {  	s29 =	simm.s32 $0xA;
	_ =	strace $0x8000004B  }
0xc2: {  	_ =	swait.ge [sflag:s29], $0x1  }
0xc3: {  	[sflag:s29] =	ssyncadd.s32 $0xFFFFFFFF  }
0xc4: {  	_ =	strace $0x9000004B  }
0xc5: {  	_ =	sfence  }
0xc6: {  	s30 =	sld [smem:$0x0];
	_ =	sdelay $0x2  }
0xc7: {  	s31 =	sshll.u32 s1, $0xD;
	s1 =	sshrl.u32 s1, $0x2  }
0xc8: {  	s4 =	sand.u32 $0x4000, s31;
	s1 =	sadd.s32 s1, s30  }
0xc9: {  	s0 =	sor.u32 s4, s0;
	s1 =	sshll.u32 s1, $0x11  }
0xca: {  	s0 =	sor.u32 s1, s0  }
0xcb: {  	s0 =	sadd.s32 $0x8F2B, s0  }
0xcc: {  	[sflag:s0] =	ssyncadd.remote.s32 $0x1  }
0xcd: {  	_ =	sfence.sel $0xFFFF  }
0xce: {  	[dreg:$0x0] =	wrdreg $0xFFFFFFFF;
	(pc) =	sbr.abs _section_cstart, $3  }
0xcf: {  	[dreg:$0x1] =	wrdreg $0xFFFFFFFF  }
0xd0: {  	_ =	task.clear_ibuf [dreg:s22], $0x2FFFF;
	_ =	strace $0x9FFFFFFF  }
0xd1: {  	(tm) =	ssettm $0x7FFFFFFF  }
tec
execute0_lowered:
.L_overlay_start_1:
0x0: {  	(tag) =	ssettag $0x1  }
0x1: {  	s4 =	rddreg [dreg:$0x0]  }
0x2: {  	s5 =	rddreg [dreg:$0x1]  }
0x3: {  	s0 =	rddreg [dreg:$0x2];
	s2 =	simm.s32 $0x0;
	s3 =	srdreg.scid  }
0x4: {  	s1 =	stileid.u32;
	s10 =	simm.s32 $0x200;
	s11 =	simm.s32 $0x300  }
0x5: {  	s12 =	simm.s32 $0x280;
	s13 =	simm.s32 $0x4300;
	s14 =	simm.s32 $0x1  }
0x6: {  	s15 =	simm.s32 $0x8300;
	s16 =	simm.s32 $0x0;
	s6 =	sand.u32 $0x1, s3  }
0x7: {  	[smem:$0x7FF] =	sst s2;
	s7 =	sshll.u32 s1, $0xA;
	s8 =	sshll.u32 s6, $0x9  }
0x8: {  	s3 =	sadd.s32 $0xC00, s5;
	s6 =	ssub.s32 $0x2, s6;
	s7 =	sor.u32 s8, s7  }
0x9: {  	_ =	strace $0x8000004A;
	s9 =	sshrl.u32 s6, $0x1;
	s8 =	sshll.u32 s7, $0x4  }
0xa: {  	v0 =	vlaneseq.u32;
	s7 =	sshrl.u32 s7, $0x3;
	s9 =	ssub.s32 s6, s9;
	s8 =	sadd.s32 s8, s5  }
0xb: {  	v1 =	vor.u32 $0x10, v0;
	s4 =	sadd.s32 s4, s7;
	s7 =	smax.u32 s9, $0x1;
	s9 =	simm.s32 $0x80  }
0xc: {  	v2 =	vor.u32 $0x20, v0;
	v3 =	vor.u32 $0x30, v0;
	s5 =	sadd.s32 $0x7A8C00, s8;
	s6 =	sadd.s32 $0x7A9C00, s8;
	s8 =	simm.s32 $0x2  }
.LBB2_1:
0xd: {  	[tilespmem:s2], [sflag:$0x2] =	stream.linear.gather [hbm4b:s4+s2], $0x200, $0x38;
	[tilespmem:$0x10300] =	vst v63  }
0xe: {  	_ =	swait.ge [sflag:s8], $0x200  }
0xf: {  	[sflag:s8] =	ssyncset.done $0x0  }
0x10: {  	[sflag:s8] =	ssyncadd.s32 $0xFFFFFE00  }
0x11: {  	v4 =	vld [tilespmem:$0x0]  }
0x12: {  	v5 =	vld [tilespmem:$0x10]  }
0x13: {  	v6 =	vld [tilespmem:$0x20]  }
0x14: {  	v7 =	vld [tilespmem:$0x30]  }
0x15: {  	v9 =	vld [tilespmem:$0x40]  }
0x16: {  	v11 =	vld [tilespmem:$0x50]  }
0x17: {  	v30 =	vld [tilespmem:$0x60]  }
0x18: {  	v13 =	vld [tilespmem:$0x70]  }
0x19: {  	v14 =	vld [tilespmem:$0x80];
	v8 =	vshra.s32 v4, $0x1;
	v10 =	vshra.s32 v5, $0x1;
	v4 =	vand.u32 $0x7FF, v4  }
0x1a: {  	v5 =	vand.u32 $0x7FF, v5;
	v29 =	vshra.s32 v6, $0x1;
	v6 =	vand.u32 $0x7FF, v6  }
0x1b: {  	v35 =	vld [tilespmem:$0x90];
	v12 =	vshra.s32 v7, $0x1;
	v32 =	vshra.s32 v9, $0x1;
	v7 =	vand.u32 $0x7FF, v7  }
0x1c: {  	v15 =	vld [tilespmem:$0xA0];
	v9 =	vand.u32 $0x7FF, v9;
	v34 =	vshra.s32 v11, $0x1;
	v36 =	vand.u32 $0x7FF, v11  }
0x1d: {  	v37 =	vshra.s32 v30, $0x1;
	v38 =	vshra.s32 v13, $0x1;
	v39 =	vand.u32 $0x7FF, v30  }
0x1e: {  	v41 =	vld [tilespmem:$0xB0];
	v40 =	vand.u32 $0x7FF, v13;
	v43 =	vshra.s32 v14, $0x1;
	v8 =	vand.u32 $0xFFFFF800, v8  }
0x1f: {  	v45 =	vand.u32 $0x7FF, v14;
	v10 =	vand.u32 $0xFFFFF800, v10;
	v4 =	vor.u32 v4, v8  }
0x20: {  	v44 =	vld [tilespmem:$0xC0];
	v46 =	vshra.s32 v35, $0x1;
	v31 =	vand.u32 $0xFFFFF800, v12;
	v5 =	vor.u32 v5, v10;
	[tilespmem:$0x200] =	vst v4  }
0x21: {  	v47 =	vld [tilespmem:$0xD0];
	v49 =	vshra.s32 v15, $0x1;
	v12 =	vand.u32 $0xFFFFF800, v32;
	v7 =	vor.u32 v7, v31;
	[tilespmem:$0x210] =	vst v5  }
0x22: {  	v50 =	vand.u32 $0x7FF, v15;
	v8 =	vand.u32 $0xFFFFF800, v29;
	v33 =	vor.u32 v9, v12;
	[tilespmem:$0x230] =	vst v7  }
0x23: {  	v53 =	vshra.s32 v41, $0x1;
	v9 =	vand.u32 $0xFFFFF800, v38;
	v6 =	vor.u32 v6, v8;
	[tilespmem:$0x240] =	vst v33  }
0x24: {  	v55 =	vand.u32 $0x7FF, v41;
	v4 =	vand.u32 $0xFFFFF800, v34;
	v42 =	vor.u32 v40, v9;
	[tilespmem:$0x220] =	vst v6  }
0x25: {  	v51 =	vld [tilespmem:$0xE0];
	v56 =	vshra.s32 v44, $0x1;
	v5 =	vand.u32 $0xFFFFF800, v37;
	v4 =	vor.u32 v36, v4;
	[tilespmem:$0x270] =	vst v42  }
0x26: {  	v57 =	vshra.s32 v47, $0x1;
	v8 =	vand.u32 $0xFFFFF800, v49;
	v5 =	vor.u32 v39, v5;
	[tilespmem:$0x250] =	vst v4  }
0x27: {  	v54 =	vld [tilespmem:$0xF0];
	v58 =	vand.u32 $0x7FF, v44;
	v7 =	vand.u32 $0xFFFFF800, v43;
	v52 =	vor.u32 v50, v8;
	[tilespmem:$0x260] =	vst v5  }
0x28: {  	v48 =	vand.u32 $0xFFFFF800, v46;
	v4 =	vor.u32 v45, v7;
	v5 =	vand.u32 $0x7FF, v35;
	[tilespmem:$0x2A0] =	vst v52  }
0x29: {  	v59 =	vand.u32 $0x7FF, v47;
	v5 =	vor.u32 v5, v48;
	[tilespmem:$0x280] =	vst v4;
	v4 =	vand.u32 $0xFFFFF800, v53  }
0x2a: {  	v60 =	vshra.s32 v51, $0x1;
	[tilespmem:$0x290] =	vst v5;
	v4 =	vor.u32 v55, v4;
	v5 =	vand.u32 $0xFFFFF800, v56  }
0x2b: {  	v61 =	vand.u32 $0x7FF, v51;
	v7 =	vand.u32 $0xFFFFF800, v57;
	[tilespmem:$0x2B0] =	vst v4;
	v4 =	vor.u32 v58, v5  }
0x2c: {  	v62 =	vshra.s32 v54, $0x1;
	v5 =	vor.u32 v59, v7;
	[tilespmem:$0x2C0] =	vst v4;
	v4 =	vand.u32 $0xFFFFF800, v60  }
0x2d: {  	v63 =	vand.u32 $0x7FF, v54;
	[tilespmem:$0x2D0] =	vst v5;
	v5 =	vand.u32 $0xFFFFF800, v62;
	v4 =	vor.u32 v61, v4  }
0x2e: {  	[tilespmem:$0x2E0] =	vst v4;
	v4 =	vor.u32 v63, v5  }
0x2f: {  	[tilespmem:$0x2F0] =	vst v4  }
0x30: {  	[tilespmem:s11], [sflag:$0x1] =	stream.indirect.gather [hbm4b:s3+s9], $0x80, s10, s9, $0xb8;
	[tilespmem:$0x10300] =	vst v63  }
0x31: {  	_ = 	snop  }
0x32: {  	[tilespmem:s13], [sflag:$0x1] =	stream.indirect.gather [hbm4b:s3+s9], $0x80, s12, s9, $0xb8;
	[tilespmem:$0x10300] =	vst v63  }
0x33: {  	_ =	swait.ge [sflag:s14], $0x4000  }
0x34: {  	[sflag:s14] =	ssyncset.done $0x0  }
0x35: {  	[sflag:s14] =	ssyncadd.s32 $0xFFFFC000  }
0x36: {  	_ =	swait.ge [sflag:s14], $0x4000  }
0x37: {  	[sflag:s14] =	ssyncset.done $0x0  }
0x38: {  	s17 =	simm.s32 $0xF;
	s18 =	simm.s32 $0x0;
	[sflag:s14] =	ssyncadd.s32 $0xFFFFC000  }
.LBB2_2:
0x39: {  	v4 =	vld [tilespmem:s18+$0x0];
	_ =	sdelay $0x4  }
0x3a: {  	v4 =	vshrl.u32 v4, $0x5  }
0x3b: {  	(v2sf) =	vpush v4, $0x0;
	_ =	sdelay $0xe  }
0x3c: {  	s19 =	sshll.u32 s17, $0x7;
	s20 =	spop (v2sf)  }
0x3d: {  	s21 =	sadd.s32 $0xFFFFF880, s19;
	s20 =	sand.u32 $0x40, s20  }
0x3e: {  	s20 =	sor.u32 s21, s20  }
0x3f: {  	v5 =	vor.u32 s20, v0;
	_ =	sdelay $0x4  }
0x40: {  	v6 =	vor.u32 s21, v0;
	s22 =	sor.u32 $0x10, s20;
	v5 =	vld.idx.msk [tilespmem:v5+s11+$0x0], $0xffff  }
0x41: {  	(v2sf) =	vpush v4, $0x1;
	v7 =	vor.u32 s22, v0;
	_ =	sdelay $0x3  }
0x42: {  	[tilespmem:v6+s15+$0x0] =	vst.idx.msk $0xffff, v5  }
0x43: {  	v57 =	vor.u32 s21, v1;
	s28 =	sor.u32 $0x20, s20;
	v5 =	vld.idx.msk [tilespmem:v7+s11+$0x0], $0xffff  }
0x44: {  	v58 =	vor.u32 s28, v0;
	_ =	sdelay $0x3  }
0x45: {  	[tilespmem:v57+s15+$0x0] =	vst.idx.msk $0xffff, v5  }
0x46: {  	v59 =	vor.u32 s21, v2;
	s20 =	sor.u32 $0x30, s20;
	v5 =	vld.idx.msk [tilespmem:v58+s11+$0x0], $0xffff  }
0x47: {  	v60 =	vor.u32 s20, v0;
	_ =	sdelay $0x2  }
0x48: {  	s29 =	spop (v2sf)  }
0x49: {  	s30 =	sadd.s32 $0xFFFFF900, s19;
	s20 =	sand.u32 $0x40, s29;
	[tilespmem:v59+s15+$0x0] =	vst.idx.msk $0xffff, v5  }
0x4a: {  	v61 =	vor.u32 s21, v3;
	s20 =	sor.u32 s30, s20;
	v5 =	vld.idx.msk [tilespmem:v60+s11+$0x0], $0xffff  }
0x4b: {  	v62 =	vor.u32 s20, v0;
	_ =	sdelay $0x3  }
0x4c: {  	[tilespmem:v61+s15+$0x0] =	vst.idx.msk $0xffff, v5  }
0x4d: {  	v63 =	vor.u32 s30, v0;
	s31 =	sor.u32 $0x10, s20;
	v5 =	vld.idx.msk [tilespmem:v62+s11+$0x0], $0xffff  }
0x4e: {  	(v2sf) =	vpush v4, $0x2;
	v9 =	vor.u32 s31, v0;
	_ =	sdelay $0x3  }
0x4f: {  	[tilespmem:v63+s15+$0x0] =	vst.idx.msk $0xffff, v5  }
0x50: {  	v10 =	vor.u32 s30, v1;
	s23 =	sor.u32 $0x20, s20;
	v5 =	vld.idx.msk [tilespmem:v9+s11+$0x0], $0xffff  }
0x51: {  	v11 =	vor.u32 s23, v0;
	_ =	sdelay $0x3  }
0x52: {  	[tilespmem:v10+s15+$0x0] =	vst.idx.msk $0xffff, v5  }
0x53: {  	v12 =	vor.u32 s30, v2;
	s20 =	sor.u32 $0x30, s20;
	v5 =	vld.idx.msk [tilespmem:v11+s11+$0x0], $0xffff  }
0x54: {  	v13 =	vor.u32 s20, v0;
	_ =	sdelay $0x2  }
0x55: {  	s24 =	spop (v2sf)  }
0x56: {  	s25 =	sadd.s32 $0xFFFFF980, s19;
	s20 =	sand.u32 $0x40, s24;
	[tilespmem:v12+s15+$0x0] =	vst.idx.msk $0xffff, v5  }
0x57: {  	v14 =	vor.u32 s30, v3;
	s20 =	sor.u32 s25, s20;
	v5 =	vld.idx.msk [tilespmem:v13+s11+$0x0], $0xffff  }
0x58: {  	v15 =	vor.u32 s20, v0;
	_ =	sdelay $0x3  }
0x59: {  	[tilespmem:v14+s15+$0x0] =	vst.idx.msk $0xffff, v5  }
0x5a: {  	v16 =	vor.u32 s25, v0;
	s26 =	sor.u32 $0x10, s20;
	v5 =	vld.idx.msk [tilespmem:v15+s11+$0x0], $0xffff  }
0x5b: {  	(v2sf) =	vpush v4, $0x3;
	v17 =	vor.u32 s26, v0;
	_ =	sdelay $0x3  }
0x5c: {  	[tilespmem:v16+s15+$0x0] =	vst.idx.msk $0xffff, v5  }
0x5d: {  	v18 =	vor.u32 s25, v1;
	s28 =	sor.u32 $0x20, s20;
	v5 =	vld.idx.msk [tilespmem:v17+s11+$0x0], $0xffff  }
0x5e: {  	v19 =	vor.u32 s28, v0;
	_ =	sdelay $0x3  }
0x5f: {  	[tilespmem:v18+s15+$0x0] =	vst.idx.msk $0xffff, v5  }
0x60: {  	v20 =	vor.u32 s25, v2;
	s20 =	sor.u32 $0x30, s20;
	v5 =	vld.idx.msk [tilespmem:v19+s11+$0x0], $0xffff  }
0x61: {  	v21 =	vor.u32 s20, v0;
	_ =	sdelay $0x2  }
0x62: {  	s29 =	spop (v2sf)  }
0x63: {  	s30 =	sadd.s32 $0xFFFFFA00, s19;
	s20 =	sand.u32 $0x40, s29;
	[tilespmem:v20+s15+$0x0] =	vst.idx.msk $0xffff, v5  }
0x64: {  	v22 =	vor.u32 s25, v3;
	s20 =	sor.u32 s30, s20;
	v5 =	vld.idx.msk [tilespmem:v21+s11+$0x0], $0xffff  }
0x65: {  	v23 =	vor.u32 s20, v0;
	_ =	sdelay $0x3  }
0x66: {  	[tilespmem:v22+s15+$0x0] =	vst.idx.msk $0xffff, v5  }
0x67: {  	v24 =	vor.u32 s30, v0;
	s31 =	sor.u32 $0x10, s20;
	v5 =	vld.idx.msk [tilespmem:v23+s11+$0x0], $0xffff  }
0x68: {  	(v2sf) =	vpush v4, $0x4;
	v25 =	vor.u32 s31, v0;
	_ =	sdelay $0x3  }
0x69: {  	[tilespmem:v24+s15+$0x0] =	vst.idx.msk $0xffff, v5  }
0x6a: {  	v26 =	vor.u32 s30, v1;
	s23 =	sor.u32 $0x20, s20;
	v5 =	vld.idx.msk [tilespmem:v25+s11+$0x0], $0xffff  }
0x6b: {  	v27 =	vor.u32 s23, v0;
	_ =	sdelay $0x3  }
0x6c: {  	[tilespmem:v26+s15+$0x0] =	vst.idx.msk $0xffff, v5  }
0x6d: {  	v28 =	vor.u32 s30, v2;
	s20 =	sor.u32 $0x30, s20;
	v5 =	vld.idx.msk [tilespmem:v27+s11+$0x0], $0xffff  }
0x6e: {  	v29 =	vor.u32 s20, v0;
	_ =	sdelay $0x2  }
0x6f: {  	s24 =	spop (v2sf)  }
0x70: {  	s25 =	sadd.s32 $0xFFFFFA80, s19;
	s20 =	sand.u32 $0x40, s24;
	[tilespmem:v28+s15+$0x0] =	vst.idx.msk $0xffff, v5  }
0x71: {  	v30 =	vor.u32 s30, v3;
	s20 =	sor.u32 s25, s20;
	v5 =	vld.idx.msk [tilespmem:v29+s11+$0x0], $0xffff  }
0x72: {  	v31 =	vor.u32 s20, v0;
	_ =	sdelay $0x3  }
0x73: {  	[tilespmem:v30+s15+$0x0] =	vst.idx.msk $0xffff, v5  }
0x74: {  	v32 =	vor.u32 s25, v0;
	s26 =	sor.u32 $0x10, s20;
	v5 =	vld.idx.msk [tilespmem:v31+s11+$0x0], $0xffff  }
0x75: {  	(v2sf) =	vpush v4, $0x5;
	v33 =	vor.u32 s26, v0;
	_ =	sdelay $0x3  }
0x76: {  	[tilespmem:v32+s15+$0x0] =	vst.idx.msk $0xffff, v5  }
0x77: {  	v34 =	vor.u32 s25, v1;
	s28 =	sor.u32 $0x20, s20;
	v5 =	vld.idx.msk [tilespmem:v33+s11+$0x0], $0xffff  }
0x78: {  	v35 =	vor.u32 s28, v0;
	_ =	sdelay $0x3  }
0x79: {  	[tilespmem:v34+s15+$0x0] =	vst.idx.msk $0xffff, v5  }
0x7a: {  	v36 =	vor.u32 s25, v2;
	s20 =	sor.u32 $0x30, s20;
	v5 =	vld.idx.msk [tilespmem:v35+s11+$0x0], $0xffff  }
0x7b: {  	v37 =	vor.u32 s20, v0;
	_ =	sdelay $0x2  }
0x7c: {  	s29 =	spop (v2sf)  }
0x7d: {  	s30 =	sadd.s32 $0xFFFFFB00, s19;
	s20 =	sand.u32 $0x40, s29;
	[tilespmem:v36+s15+$0x0] =	vst.idx.msk $0xffff, v5  }
0x7e: {  	v38 =	vor.u32 s25, v3;
	s20 =	sor.u32 s30, s20;
	v5 =	vld.idx.msk [tilespmem:v37+s11+$0x0], $0xffff  }
0x7f: {  	v39 =	vor.u32 s20, v0;
	_ =	sdelay $0x3  }
0x80: {  	[tilespmem:v38+s15+$0x0] =	vst.idx.msk $0xffff, v5  }
0x81: {  	v40 =	vor.u32 s30, v0;
	s31 =	sor.u32 $0x10, s20;
	v5 =	vld.idx.msk [tilespmem:v39+s11+$0x0], $0xffff  }
0x82: {  	(v2sf) =	vpush v4, $0x6;
	v41 =	vor.u32 s31, v0;
	_ =	sdelay $0x3  }
0x83: {  	[tilespmem:v40+s15+$0x0] =	vst.idx.msk $0xffff, v5  }
0x84: {  	v42 =	vor.u32 s30, v1;
	s23 =	sor.u32 $0x20, s20;
	v5 =	vld.idx.msk [tilespmem:v41+s11+$0x0], $0xffff  }
0x85: {  	v43 =	vor.u32 s23, v0;
	_ =	sdelay $0x3  }
0x86: {  	[tilespmem:v42+s15+$0x0] =	vst.idx.msk $0xffff, v5  }
0x87: {  	v44 =	vor.u32 s30, v2;
	s20 =	sor.u32 $0x30, s20;
	v5 =	vld.idx.msk [tilespmem:v43+s11+$0x0], $0xffff  }
0x88: {  	v45 =	vor.u32 s20, v0;
	_ =	sdelay $0x2  }
0x89: {  	s24 =	spop (v2sf)  }
0x8a: {  	s25 =	sadd.s32 $0xFFFFFB80, s19;
	s20 =	sand.u32 $0x40, s24;
	[tilespmem:v44+s15+$0x0] =	vst.idx.msk $0xffff, v5  }
0x8b: {  	v46 =	vor.u32 s30, v3;
	s20 =	sor.u32 s25, s20;
	v5 =	vld.idx.msk [tilespmem:v45+s11+$0x0], $0xffff  }
0x8c: {  	v47 =	vor.u32 s20, v0;
	_ =	sdelay $0x3  }
0x8d: {  	[tilespmem:v46+s15+$0x0] =	vst.idx.msk $0xffff, v5  }
0x8e: {  	v48 =	vor.u32 s25, v0;
	s26 =	sor.u32 $0x10, s20;
	v5 =	vld.idx.msk [tilespmem:v47+s11+$0x0], $0xffff  }
0x8f: {  	(v2sf) =	vpush v4, $0x7;
	v49 =	vor.u32 s26, v0;
	_ =	sdelay $0x3  }
0x90: {  	[tilespmem:v48+s15+$0x0] =	vst.idx.msk $0xffff, v5  }
0x91: {  	v50 =	vor.u32 s25, v1;
	s28 =	sor.u32 $0x20, s20;
	v5 =	vld.idx.msk [tilespmem:v49+s11+$0x0], $0xffff  }
0x92: {  	v51 =	vor.u32 s28, v0;
	_ =	sdelay $0x3  }
0x93: {  	[tilespmem:v50+s15+$0x0] =	vst.idx.msk $0xffff, v5  }
0x94: {  	v52 =	vor.u32 s25, v2;
	s20 =	sor.u32 $0x30, s20;
	v5 =	vld.idx.msk [tilespmem:v51+s11+$0x0], $0xffff  }
0x95: {  	v53 =	vor.u32 s20, v0;
	_ =	sdelay $0x2  }
0x96: {  	s29 =	spop (v2sf)  }
0x97: {  	s30 =	sadd.s32 $0xFFFFFC00, s19;
	s20 =	sand.u32 $0x40, s29;
	[tilespmem:v52+s15+$0x0] =	vst.idx.msk $0xffff, v5  }
0x98: {  	v54 =	vor.u32 s25, v3;
	s20 =	sor.u32 s30, s20;
	v5 =	vld.idx.msk [tilespmem:v53+s11+$0x0], $0xffff  }
0x99: {  	v55 =	vor.u32 s20, v0;
	_ =	sdelay $0x3  }
0x9a: {  	[tilespmem:v54+s15+$0x0] =	vst.idx.msk $0xffff, v5  }
0x9b: {  	v56 =	vor.u32 s30, v0;
	s31 =	sor.u32 $0x10, s20;
	v5 =	vld.idx.msk [tilespmem:v55+s11+$0x0], $0xffff  }
0x9c: {  	(v2sf) =	vpush v4, $0x8;
	v57 =	vor.u32 s31, v0;
	_ =	sdelay $0x3  }
0x9d: {  	[tilespmem:v56+s15+$0x0] =	vst.idx.msk $0xffff, v5  }
0x9e: {  	v58 =	vor.u32 s30, v1;
	s23 =	sor.u32 $0x20, s20;
	v5 =	vld.idx.msk [tilespmem:v57+s11+$0x0], $0xffff  }
0x9f: {  	v59 =	vor.u32 s23, v0;
	_ =	sdelay $0x3  }
0xa0: {  	[tilespmem:v58+s15+$0x0] =	vst.idx.msk $0xffff, v5  }
0xa1: {  	v60 =	vor.u32 s30, v2;
	s20 =	sor.u32 $0x30, s20;
	v5 =	vld.idx.msk [tilespmem:v59+s11+$0x0], $0xffff  }
0xa2: {  	v61 =	vor.u32 s20, v0;
	_ =	sdelay $0x2  }
0xa3: {  	s24 =	spop (v2sf)  }
0xa4: {  	s25 =	sadd.s32 $0xFFFFFC80, s19;
	s20 =	sand.u32 $0x40, s24;
	[tilespmem:v60+s15+$0x0] =	vst.idx.msk $0xffff, v5  }
0xa5: {  	v62 =	vor.u32 s30, v3;
	s20 =	sor.u32 s25, s20;
	v5 =	vld.idx.msk [tilespmem:v61+s11+$0x0], $0xffff  }
0xa6: {  	v63 =	vor.u32 s20, v0;
	_ =	sdelay $0x3  }
0xa7: {  	[tilespmem:v62+s15+$0x0] =	vst.idx.msk $0xffff, v5  }
0xa8: {  	v9 =	vor.u32 s25, v0;
	s26 =	sor.u32 $0x10, s20;
	v5 =	vld.idx.msk [tilespmem:v63+s11+$0x0], $0xffff  }
0xa9: {  	(v2sf) =	vpush v4, $0x9;
	v10 =	vor.u32 s26, v0;
	_ =	sdelay $0x3  }
0xaa: {  	[tilespmem:v9+s15+$0x0] =	vst.idx.msk $0xffff, v5  }
0xab: {  	v11 =	vor.u32 s25, v1;
	s28 =	sor.u32 $0x20, s20;
	v5 =	vld.idx.msk [tilespmem:v10+s11+$0x0], $0xffff  }
0xac: {  	v12 =	vor.u32 s28, v0;
	_ =	sdelay $0x3  }
0xad: {  	[tilespmem:v11+s15+$0x0] =	vst.idx.msk $0xffff, v5  }
0xae: {  	v13 =	vor.u32 s25, v2;
	s20 =	sor.u32 $0x30, s20;
	v5 =	vld.idx.msk [tilespmem:v12+s11+$0x0], $0xffff  }
0xaf: {  	v14 =	vor.u32 s20, v0;
	_ =	sdelay $0x2  }
0xb0: {  	s29 =	spop (v2sf)  }
0xb1: {  	s30 =	sadd.s32 $0xFFFFFD00, s19;
	s20 =	sand.u32 $0x40, s29;
	[tilespmem:v13+s15+$0x0] =	vst.idx.msk $0xffff, v5  }
0xb2: {  	v15 =	vor.u32 s25, v3;
	s20 =	sor.u32 s30, s20;
	v5 =	vld.idx.msk [tilespmem:v14+s11+$0x0], $0xffff  }
0xb3: {  	v16 =	vor.u32 s20, v0;
	_ =	sdelay $0x3  }
0xb4: {  	[tilespmem:v15+s15+$0x0] =	vst.idx.msk $0xffff, v5  }
0xb5: {  	v17 =	vor.u32 s30, v0;
	s31 =	sor.u32 $0x10, s20;
	v5 =	vld.idx.msk [tilespmem:v16+s11+$0x0], $0xffff  }
0xb6: {  	(v2sf) =	vpush v4, $0xA;
	v18 =	vor.u32 s31, v0;
	_ =	sdelay $0x3  }
0xb7: {  	[tilespmem:v17+s15+$0x0] =	vst.idx.msk $0xffff, v5  }
0xb8: {  	v19 =	vor.u32 s30, v1;
	s23 =	sor.u32 $0x20, s20;
	v5 =	vld.idx.msk [tilespmem:v18+s11+$0x0], $0xffff  }
0xb9: {  	v20 =	vor.u32 s23, v0;
	_ =	sdelay $0x3  }
0xba: {  	[tilespmem:v19+s15+$0x0] =	vst.idx.msk $0xffff, v5  }
0xbb: {  	v21 =	vor.u32 s30, v2;
	s20 =	sor.u32 $0x30, s20;
	v5 =	vld.idx.msk [tilespmem:v20+s11+$0x0], $0xffff  }
0xbc: {  	v22 =	vor.u32 s20, v0;
	_ =	sdelay $0x2  }
0xbd: {  	s24 =	spop (v2sf)  }
0xbe: {  	s25 =	sadd.s32 $0xFFFFFD80, s19;
	s20 =	sand.u32 $0x40, s24;
	[tilespmem:v21+s15+$0x0] =	vst.idx.msk $0xffff, v5  }
0xbf: {  	v23 =	vor.u32 s30, v3;
	s20 =	sor.u32 s25, s20;
	v5 =	vld.idx.msk [tilespmem:v22+s11+$0x0], $0xffff  }
0xc0: {  	v24 =	vor.u32 s20, v0;
	_ =	sdelay $0x3  }
0xc1: {  	[tilespmem:v23+s15+$0x0] =	vst.idx.msk $0xffff, v5  }
0xc2: {  	v25 =	vor.u32 s25, v0;
	s26 =	sor.u32 $0x10, s20;
	v5 =	vld.idx.msk [tilespmem:v24+s11+$0x0], $0xffff  }
0xc3: {  	(v2sf) =	vpush v4, $0xB;
	v26 =	vor.u32 s26, v0;
	_ =	sdelay $0x3  }
0xc4: {  	[tilespmem:v25+s15+$0x0] =	vst.idx.msk $0xffff, v5  }
0xc5: {  	v27 =	vor.u32 s25, v1;
	s28 =	sor.u32 $0x20, s20;
	v5 =	vld.idx.msk [tilespmem:v26+s11+$0x0], $0xffff  }
0xc6: {  	v28 =	vor.u32 s28, v0;
	_ =	sdelay $0x3  }
0xc7: {  	[tilespmem:v27+s15+$0x0] =	vst.idx.msk $0xffff, v5  }
0xc8: {  	v29 =	vor.u32 s25, v2;
	s20 =	sor.u32 $0x30, s20;
	v5 =	vld.idx.msk [tilespmem:v28+s11+$0x0], $0xffff  }
0xc9: {  	v30 =	vor.u32 s20, v0;
	_ =	sdelay $0x2  }
0xca: {  	s29 =	spop (v2sf)  }
0xcb: {  	s30 =	sadd.s32 $0xFFFFFE00, s19;
	s20 =	sand.u32 $0x40, s29;
	[tilespmem:v29+s15+$0x0] =	vst.idx.msk $0xffff, v5  }
0xcc: {  	v31 =	vor.u32 s25, v3;
	s20 =	sor.u32 s30, s20;
	v5 =	vld.idx.msk [tilespmem:v30+s11+$0x0], $0xffff  }
0xcd: {  	v32 =	vor.u32 s20, v0;
	_ =	sdelay $0x3  }
0xce: {  	[tilespmem:v31+s15+$0x0] =	vst.idx.msk $0xffff, v5  }
0xcf: {  	v33 =	vor.u32 s30, v0;
	s31 =	sor.u32 $0x10, s20;
	v5 =	vld.idx.msk [tilespmem:v32+s11+$0x0], $0xffff  }
0xd0: {  	(v2sf) =	vpush v4, $0xC;
	v34 =	vor.u32 s31, v0;
	_ =	sdelay $0x3  }
0xd1: {  	[tilespmem:v33+s15+$0x0] =	vst.idx.msk $0xffff, v5  }
0xd2: {  	v35 =	vor.u32 s30, v1;
	s23 =	sor.u32 $0x20, s20;
	v5 =	vld.idx.msk [tilespmem:v34+s11+$0x0], $0xffff  }
0xd3: {  	v36 =	vor.u32 s23, v0;
	_ =	sdelay $0x3  }
0xd4: {  	[tilespmem:v35+s15+$0x0] =	vst.idx.msk $0xffff, v5  }
0xd5: {  	v37 =	vor.u32 s30, v2;
	s20 =	sor.u32 $0x30, s20;
	v5 =	vld.idx.msk [tilespmem:v36+s11+$0x0], $0xffff  }
0xd6: {  	v38 =	vor.u32 s20, v0;
	_ =	sdelay $0x2  }
0xd7: {  	s24 =	spop (v2sf)  }
0xd8: {  	s25 =	sadd.s32 $0xFFFFFE80, s19;
	s20 =	sand.u32 $0x40, s24;
	[tilespmem:v37+s15+$0x0] =	vst.idx.msk $0xffff, v5  }
0xd9: {  	v39 =	vor.u32 s30, v3;
	s20 =	sor.u32 s25, s20;
	v5 =	vld.idx.msk [tilespmem:v38+s11+$0x0], $0xffff  }
0xda: {  	v40 =	vor.u32 s20, v0;
	_ =	sdelay $0x3  }
0xdb: {  	[tilespmem:v39+s15+$0x0] =	vst.idx.msk $0xffff, v5  }
0xdc: {  	v41 =	vor.u32 s25, v0;
	s26 =	sor.u32 $0x10, s20;
	v5 =	vld.idx.msk [tilespmem:v40+s11+$0x0], $0xffff  }
0xdd: {  	(v2sf) =	vpush v4, $0xD;
	v42 =	vor.u32 s26, v0;
	_ =	sdelay $0x3  }
0xde: {  	[tilespmem:v41+s15+$0x0] =	vst.idx.msk $0xffff, v5  }
0xdf: {  	v43 =	vor.u32 s25, v1;
	s28 =	sor.u32 $0x20, s20;
	v5 =	vld.idx.msk [tilespmem:v42+s11+$0x0], $0xffff  }
0xe0: {  	v44 =	vor.u32 s28, v0;
	_ =	sdelay $0x3  }
0xe1: {  	[tilespmem:v43+s15+$0x0] =	vst.idx.msk $0xffff, v5  }
0xe2: {  	v45 =	vor.u32 s25, v2;
	s20 =	sor.u32 $0x30, s20;
	v5 =	vld.idx.msk [tilespmem:v44+s11+$0x0], $0xffff  }
0xe3: {  	v46 =	vor.u32 s20, v0;
	_ =	sdelay $0x2  }
0xe4: {  	s29 =	spop (v2sf)  }
0xe5: {  	s30 =	sadd.s32 $0xFFFFFF00, s19;
	s20 =	sand.u32 $0x40, s29;
	[tilespmem:v45+s15+$0x0] =	vst.idx.msk $0xffff, v5  }
0xe6: {  	v47 =	vor.u32 s25, v3;
	s20 =	sor.u32 s30, s20;
	v5 =	vld.idx.msk [tilespmem:v46+s11+$0x0], $0xffff  }
0xe7: {  	v48 =	vor.u32 s20, v0;
	_ =	sdelay $0x3  }
0xe8: {  	[tilespmem:v47+s15+$0x0] =	vst.idx.msk $0xffff, v5  }
0xe9: {  	v49 =	vor.u32 s30, v0;
	s31 =	sor.u32 $0x10, s20;
	v5 =	vld.idx.msk [tilespmem:v48+s11+$0x0], $0xffff  }
0xea: {  	(v2sf) =	vpush v4, $0xE;
	v50 =	vor.u32 s31, v0;
	_ =	sdelay $0x3  }
0xeb: {  	[tilespmem:v49+s15+$0x0] =	vst.idx.msk $0xffff, v5  }
0xec: {  	v51 =	vor.u32 s30, v1;
	s23 =	sor.u32 $0x20, s20;
	v5 =	vld.idx.msk [tilespmem:v50+s11+$0x0], $0xffff  }
0xed: {  	v52 =	vor.u32 s23, v0;
	_ =	sdelay $0x3  }
0xee: {  	[tilespmem:v51+s15+$0x0] =	vst.idx.msk $0xffff, v5  }
0xef: {  	v53 =	vor.u32 s30, v2;
	s20 =	sor.u32 $0x30, s20;
	v5 =	vld.idx.msk [tilespmem:v52+s11+$0x0], $0xffff  }
0xf0: {  	v54 =	vor.u32 s20, v0;
	_ =	sdelay $0x2  }
0xf1: {  	s24 =	spop (v2sf)  }
0xf2: {  	s25 =	sadd.s32 $0xFFFFFF80, s19;
	s20 =	sand.u32 $0x40, s24;
	[tilespmem:v53+s15+$0x0] =	vst.idx.msk $0xffff, v5  }
0xf3: {  	v55 =	vor.u32 s30, v3;
	s20 =	sor.u32 s25, s20;
	v5 =	vld.idx.msk [tilespmem:v54+s11+$0x0], $0xffff  }
0xf4: {  	v56 =	vor.u32 s20, v0;
	_ =	sdelay $0x3  }
0xf5: {  	[tilespmem:v55+s15+$0x0] =	vst.idx.msk $0xffff, v5  }
0xf6: {  	v57 =	vor.u32 s25, v0;
	s26 =	sor.u32 $0x10, s20;
	v5 =	vld.idx.msk [tilespmem:v56+s11+$0x0], $0xffff  }
0xf7: {  	(v2sf) =	vpush v4, $0xF;
	v4 =	vor.u32 s26, v0;
	_ =	sdelay $0x3  }
0xf8: {  	[tilespmem:v57+s15+$0x0] =	vst.idx.msk $0xffff, v5  }
0xf9: {  	s28 =	sor.u32 $0x20, s20;
	v5 =	vor.u32 s25, v1;
	v4 =	vld.idx.msk [tilespmem:v4+s11+$0x0], $0xffff  }
0xfa: {  	v58 =	vor.u32 s28, v0;
	_ =	sdelay $0x3  }
0xfb: {  	[tilespmem:v5+s15+$0x0] =	vst.idx.msk $0xffff, v4  }
0xfc: {  	s20 =	sor.u32 $0x30, s20;
	v5 =	vor.u32 s25, v2;
	v4 =	vld.idx.msk [tilespmem:v58+s11+$0x0], $0xffff  }
0xfd: {  	v59 =	vor.u32 s20, v0;
	_ =	sdelay $0x2  }
0xfe: {  	s29 =	spop (v2sf)  }
0xff: {  	s20 =	sand.u32 $0x40, s29;
	[tilespmem:v5+s15+$0x0] =	vst.idx.msk $0xffff, v4  }
0x100: {  	s20 =	sor.u32 s19, s20;
	v5 =	vor.u32 s25, v3;
	v4 =	vld.idx.msk [tilespmem:v59+s11+$0x0], $0xffff  }
0x101: {  	v60 =	vor.u32 s20, v0;
	_ =	sdelay $0x3  }
0x102: {  	[tilespmem:v5+s15+$0x0] =	vst.idx.msk $0xffff, v4  }
0x103: {  	s30 =	sor.u32 $0x10, s20;
	v5 =	vor.u32 s19, v0;
	v4 =	vld.idx.msk [tilespmem:v60+s11+$0x0], $0xffff  }
0x104: {  	v61 =	vor.u32 s30, v0;
	_ =	sdelay $0x3  }
0x105: {  	[tilespmem:v5+s15+$0x0] =	vst.idx.msk $0xffff, v4  }
0x106: {  	s31 =	sor.u32 $0x20, s20;
	v5 =	vor.u32 s19, v1;
	v4 =	vld.idx.msk [tilespmem:v61+s11+$0x0], $0xffff  }
0x107: {  	v62 =	vor.u32 s31, v0;
	_ =	sdelay $0x3  }
0x108: {  	[tilespmem:v5+s15+$0x0] =	vst.idx.msk $0xffff, v4  }
0x109: {  	s20 =	sor.u32 $0x30, s20;
	v5 =	vor.u32 s19, v2;
	v4 =	vld.idx.msk [tilespmem:v62+s11+$0x0], $0xffff  }
0x10a: {  	v63 =	vor.u32 s20, v0;
	_ =	sdelay $0x3  }
0x10b: {  	[tilespmem:v5+s15+$0x0] =	vst.idx.msk $0xffff, v4  }
0x10c: {  	p0 =	sne.s32 s17, $0xFF;
	v5 =	vor.u32 s19, v3;
	v4 =	vld.idx.msk [tilespmem:v63+s11+$0x0], $0xffff  }
.Ltmp0:
0x10d: {  	_ = 	snop;
	(pc) =	sbr.rel @p0 .LBB2_2-.Ltmp0, $2  }
0x10e: {  	_ =	sdelay $0x2  }
0x10f: {  	s18 =	sadd.s32 $0x10, s18;
	s17 =	sadd.s32 $0x10, s17;
	[tilespmem:v5+s15+$0x0] =	vst.idx.msk $0xffff, v4  }
0x110: {  	[hbm4b:s5+s2] =	stream.linear.scatter [tilespmem:s15], [sflag:$0x2], $0x8000, $0x38;
	[tilespmem:$0x10300] =	vst v63  }
0x111: {  	_ =	swait.ge [sflag:s8], $0x8000  }
0x112: {  	[sflag:s8] =	ssyncset.done $0x0  }
0x113: {  	[sflag:s8] =	ssyncadd.s32 $0xFFFF8000  }
0x114: {  	v4 =	vld [tilespmem:$0x100]  }
0x115: {  	v5 =	vld [tilespmem:$0x110]  }
0x116: {  	v6 =	vld [tilespmem:$0x120]  }
0x117: {  	v7 =	vld [tilespmem:$0x130]  }
0x118: {  	v9 =	vld [tilespmem:$0x140]  }
0x119: {  	v11 =	vld [tilespmem:$0x150]  }
0x11a: {  	v30 =	vld [tilespmem:$0x160]  }
0x11b: {  	v13 =	vld [tilespmem:$0x170]  }
0x11c: {  	v14 =	vld [tilespmem:$0x180];
	v8 =	vshra.s32 v4, $0x1;
	v10 =	vshra.s32 v5, $0x1;
	v4 =	vand.u32 $0x7FF, v4  }
0x11d: {  	v5 =	vand.u32 $0x7FF, v5;
	v29 =	vshra.s32 v6, $0x1;
	v6 =	vand.u32 $0x7FF, v6  }
0x11e: {  	v35 =	vld [tilespmem:$0x190];
	v12 =	vshra.s32 v7, $0x1;
	v32 =	vshra.s32 v9, $0x1;
	v7 =	vand.u32 $0x7FF, v7  }
0x11f: {  	v15 =	vld [tilespmem:$0x1A0];
	v9 =	vand.u32 $0x7FF, v9;
	v34 =	vshra.s32 v11, $0x1;
	v36 =	vand.u32 $0x7FF, v11  }
0x120: {  	v37 =	vshra.s32 v30, $0x1;
	v38 =	vshra.s32 v13, $0x1;
	v39 =	vand.u32 $0x7FF, v30  }
0x121: {  	v41 =	vld [tilespmem:$0x1B0];
	v40 =	vand.u32 $0x7FF, v13;
	v43 =	vshra.s32 v14, $0x1;
	v8 =	vand.u32 $0xFFFFF800, v8  }
0x122: {  	v45 =	vand.u32 $0x7FF, v14;
	v10 =	vand.u32 $0xFFFFF800, v10;
	v4 =	vor.u32 v4, v8  }
0x123: {  	v44 =	vld [tilespmem:$0x1C0];
	v46 =	vshra.s32 v35, $0x1;
	v31 =	vand.u32 $0xFFFFF800, v12;
	v5 =	vor.u32 v5, v10;
	[tilespmem:$0x200] =	vst v4  }
0x124: {  	v47 =	vld [tilespmem:$0x1D0];
	v49 =	vshra.s32 v15, $0x1;
	v12 =	vand.u32 $0xFFFFF800, v32;
	v7 =	vor.u32 v7, v31;
	[tilespmem:$0x210] =	vst v5  }
0x125: {  	v50 =	vand.u32 $0x7FF, v15;
	v8 =	vand.u32 $0xFFFFF800, v29;
	v33 =	vor.u32 v9, v12;
	[tilespmem:$0x230] =	vst v7  }
0x126: {  	v53 =	vshra.s32 v41, $0x1;
	v9 =	vand.u32 $0xFFFFF800, v38;
	v6 =	vor.u32 v6, v8;
	[tilespmem:$0x240] =	vst v33  }
0x127: {  	v55 =	vand.u32 $0x7FF, v41;
	v4 =	vand.u32 $0xFFFFF800, v34;
	v42 =	vor.u32 v40, v9;
	[tilespmem:$0x220] =	vst v6  }
0x128: {  	v51 =	vld [tilespmem:$0x1E0];
	v56 =	vshra.s32 v44, $0x1;
	v5 =	vand.u32 $0xFFFFF800, v37;
	v4 =	vor.u32 v36, v4;
	[tilespmem:$0x270] =	vst v42  }
0x129: {  	v57 =	vshra.s32 v47, $0x1;
	v8 =	vand.u32 $0xFFFFF800, v49;
	v5 =	vor.u32 v39, v5;
	[tilespmem:$0x250] =	vst v4  }
0x12a: {  	v54 =	vld [tilespmem:$0x1F0];
	v58 =	vand.u32 $0x7FF, v44;
	v7 =	vand.u32 $0xFFFFF800, v43;
	v52 =	vor.u32 v50, v8;
	[tilespmem:$0x260] =	vst v5  }
0x12b: {  	v48 =	vand.u32 $0xFFFFF800, v46;
	v4 =	vor.u32 v45, v7;
	v5 =	vand.u32 $0x7FF, v35;
	[tilespmem:$0x2A0] =	vst v52  }
0x12c: {  	v59 =	vand.u32 $0x7FF, v47;
	v5 =	vor.u32 v5, v48;
	[tilespmem:$0x280] =	vst v4;
	v4 =	vand.u32 $0xFFFFF800, v53  }
0x12d: {  	v60 =	vshra.s32 v51, $0x1;
	[tilespmem:$0x290] =	vst v5;
	v4 =	vor.u32 v55, v4;
	v5 =	vand.u32 $0xFFFFF800, v56  }
0x12e: {  	v61 =	vand.u32 $0x7FF, v51;
	v7 =	vand.u32 $0xFFFFF800, v57;
	[tilespmem:$0x2B0] =	vst v4;
	v4 =	vor.u32 v58, v5  }
0x12f: {  	v62 =	vshra.s32 v54, $0x1;
	v5 =	vor.u32 v59, v7;
	[tilespmem:$0x2C0] =	vst v4;
	v4 =	vand.u32 $0xFFFFF800, v60  }
0x130: {  	v63 =	vand.u32 $0x7FF, v54;
	[tilespmem:$0x2D0] =	vst v5;
	v5 =	vand.u32 $0xFFFFF800, v62;
	v4 =	vor.u32 v61, v4  }
0x131: {  	[tilespmem:$0x2E0] =	vst v4;
	v4 =	vor.u32 v63, v5  }
0x132: {  	[tilespmem:$0x2F0] =	vst v4  }
0x133: {  	[tilespmem:s11], [sflag:$0x1] =	stream.indirect.gather [hbm4b:s3+s9], $0x80, s10, s9, $0xb8;
	[tilespmem:$0x10300] =	vst v63  }
0x134: {  	_ = 	snop  }
0x135: {  	[tilespmem:s13], [sflag:$0x1] =	stream.indirect.gather [hbm4b:s3+s9], $0x80, s12, s9, $0xb8;
	[tilespmem:$0x10300] =	vst v63  }
0x136: {  	_ =	swait.ge [sflag:s14], $0x4000  }
0x137: {  	[sflag:s14] =	ssyncset.done $0x0  }
0x138: {  	[sflag:s14] =	ssyncadd.s32 $0xFFFFC000  }
0x139: {  	_ =	swait.ge [sflag:s14], $0x4000  }
0x13a: {  	[sflag:s14] =	ssyncset.done $0x0  }
0x13b: {  	s17 =	simm.s32 $0xF;
	[sflag:s14] =	ssyncadd.s32 $0xFFFFC000  }
.LBB2_4:
0x13c: {  	s18 =	sadd.s32 $0xFFFFFFF1, s17  }
0x13d: {  	s19 =	sand.u32 $0xF0, s18  }
0x13e: {  	v4 =	vld [tilespmem:s19+$0x100];
	_ =	sdelay $0x4  }
0x13f: {  	v4 =	vshrl.u32 v4, $0x5  }
0x140: {  	(v2sf) =	vpush v4, $0x0;
	_ =	sdelay $0xe  }
0x141: {  	s28 =	spop (v2sf)  }
0x142: {  	s20 =	sshll.u32 s18, $0x7;
	s19 =	sand.u32 $0x40, s28  }
0x143: {  	s18 =	sor.u32 s20, s19  }
0x144: {  	v5 =	vor.u32 s18, v0;
	_ =	sdelay $0x4  }
0x145: {  	v6 =	vor.u32 s20, v0;
	s19 =	sor.u32 $0x10, s18;
	v5 =	vld.idx.msk [tilespmem:v5+s11+$0x0], $0xffff  }
0x146: {  	(v2sf) =	vpush v4, $0x1;
	v7 =	vor.u32 s19, v0;
	_ =	sdelay $0x3  }
0x147: {  	[tilespmem:v6+s15+$0x0] =	vst.idx.msk $0xffff, v5  }
0x148: {  	v57 =	vor.u32 s20, v1;
	s29 =	sor.u32 $0x20, s18;
	v5 =	vld.idx.msk [tilespmem:v7+s11+$0x0], $0xffff  }
0x149: {  	v58 =	vor.u32 s29, v0;
	_ =	sdelay $0x3  }
0x14a: {  	[tilespmem:v57+s15+$0x0] =	vst.idx.msk $0xffff, v5  }
0x14b: {  	v59 =	vor.u32 s20, v2;
	s18 =	sor.u32 $0x30, s18;
	v5 =	vld.idx.msk [tilespmem:v58+s11+$0x0], $0xffff  }
0x14c: {  	v60 =	vor.u32 s18, v0;
	_ =	sdelay $0x2  }
0x14d: {  	s18 =	sshll.u32 s17, $0x7;
	s30 =	spop (v2sf)  }
0x14e: {  	s21 =	sadd.s32 $0xFFFFF900, s18;
	s19 =	sand.u32 $0x40, s30;
	[tilespmem:v59+s15+$0x0] =	vst.idx.msk $0xffff, v5  }
0x14f: {  	v61 =	vor.u32 s20, v3;
	s19 =	sor.u32 s21, s19;
	v5 =	vld.idx.msk [tilespmem:v60+s11+$0x0], $0xffff  }
0x150: {  	v62 =	vor.u32 s19, v0;
	_ =	sdelay $0x3  }
0x151: {  	[tilespmem:v61+s15+$0x0] =	vst.idx.msk $0xffff, v5  }
0x152: {  	v63 =	vor.u32 s21, v0;
	s31 =	sor.u32 $0x10, s19;
	v5 =	vld.idx.msk [tilespmem:v62+s11+$0x0], $0xffff  }
0x153: {  	(v2sf) =	vpush v4, $0x2;
	v9 =	vor.u32 s31, v0;
	_ =	sdelay $0x3  }
0x154: {  	[tilespmem:v63+s15+$0x0] =	vst.idx.msk $0xffff, v5  }
0x155: {  	v10 =	vor.u32 s21, v1;
	s22 =	sor.u32 $0x20, s19;
	v5 =	vld.idx.msk [tilespmem:v9+s11+$0x0], $0xffff  }
0x156: {  	v11 =	vor.u32 s22, v0;
	_ =	sdelay $0x3  }
0x157: {  	[tilespmem:v10+s15+$0x0] =	vst.idx.msk $0xffff, v5  }
0x158: {  	v12 =	vor.u32 s21, v2;
	s19 =	sor.u32 $0x30, s19;
	v5 =	vld.idx.msk [tilespmem:v11+s11+$0x0], $0xffff  }
0x159: {  	v13 =	vor.u32 s19, v0;
	_ =	sdelay $0x2  }
0x15a: {  	s23 =	spop (v2sf)  }
0x15b: {  	s24 =	sadd.s32 $0xFFFFF980, s18;
	s19 =	sand.u32 $0x40, s23;
	[tilespmem:v12+s15+$0x0] =	vst.idx.msk $0xffff, v5  }
0x15c: {  	v14 =	vor.u32 s21, v3;
	s19 =	sor.u32 s24, s19;
	v5 =	vld.idx.msk [tilespmem:v13+s11+$0x0], $0xffff  }
0x15d: {  	v15 =	vor.u32 s19, v0;
	_ =	sdelay $0x3  }
0x15e: {  	[tilespmem:v14+s15+$0x0] =	vst.idx.msk $0xffff, v5  }
0x15f: {  	v16 =	vor.u32 s24, v0;
	s25 =	sor.u32 $0x10, s19;
	v5 =	vld.idx.msk [tilespmem:v15+s11+$0x0], $0xffff  }
0x160: {  	(v2sf) =	vpush v4, $0x3;
	v17 =	vor.u32 s25, v0;
	_ =	sdelay $0x3  }
0x161: {  	[tilespmem:v16+s15+$0x0] =	vst.idx.msk $0xffff, v5  }
0x162: {  	v18 =	vor.u32 s24, v1;
	s26 =	sor.u32 $0x20, s19;
	v5 =	vld.idx.msk [tilespmem:v17+s11+$0x0], $0xffff  }
0x163: {  	v19 =	vor.u32 s26, v0;
	_ =	sdelay $0x3  }
0x164: {  	[tilespmem:v18+s15+$0x0] =	vst.idx.msk $0xffff, v5  }
0x165: {  	v20 =	vor.u32 s24, v2;
	s19 =	sor.u32 $0x30, s19;
	v5 =	vld.idx.msk [tilespmem:v19+s11+$0x0], $0xffff  }
0x166: {  	v21 =	vor.u32 s19, v0;
	_ =	sdelay $0x2  }
0x167: {  	s28 =	spop (v2sf)  }
0x168: {  	s29 =	sadd.s32 $0xFFFFFA00, s18;
	s19 =	sand.u32 $0x40, s28;
	[tilespmem:v20+s15+$0x0] =	vst.idx.msk $0xffff, v5  }
0x169: {  	v22 =	vor.u32 s24, v3;
	s19 =	sor.u32 s29, s19;
	v5 =	vld.idx.msk [tilespmem:v21+s11+$0x0], $0xffff  }
0x16a: {  	v23 =	vor.u32 s19, v0;
	_ =	sdelay $0x3  }
0x16b: {  	[tilespmem:v22+s15+$0x0] =	vst.idx.msk $0xffff, v5  }
0x16c: {  	v24 =	vor.u32 s29, v0;
	s30 =	sor.u32 $0x10, s19;
	v5 =	vld.idx.msk [tilespmem:v23+s11+$0x0], $0xffff  }
0x16d: {  	(v2sf) =	vpush v4, $0x4;
	v25 =	vor.u32 s30, v0;
	_ =	sdelay $0x3  }
0x16e: {  	[tilespmem:v24+s15+$0x0] =	vst.idx.msk $0xffff, v5  }
0x16f: {  	v26 =	vor.u32 s29, v1;
	s31 =	sor.u32 $0x20, s19;
	v5 =	vld.idx.msk [tilespmem:v25+s11+$0x0], $0xffff  }
0x170: {  	v27 =	vor.u32 s31, v0;
	_ =	sdelay $0x3  }
0x171: {  	[tilespmem:v26+s15+$0x0] =	vst.idx.msk $0xffff, v5  }
0x172: {  	v28 =	vor.u32 s29, v2;
	s19 =	sor.u32 $0x30, s19;
	v5 =	vld.idx.msk [tilespmem:v27+s11+$0x0], $0xffff  }
0x173: {  	v29 =	vor.u32 s19, v0;
	_ =	sdelay $0x2  }
0x174: {  	s20 =	spop (v2sf)  }
0x175: {  	s22 =	sadd.s32 $0xFFFFFA80, s18;
	s19 =	sand.u32 $0x40, s20;
	[tilespmem:v28+s15+$0x0] =	vst.idx.msk $0xffff, v5  }
0x176: {  	v30 =	vor.u32 s29, v3;
	s19 =	sor.u32 s22, s19;
	v5 =	vld.idx.msk [tilespmem:v29+s11+$0x0], $0xffff  }
0x177: {  	v31 =	vor.u32 s19, v0;
	_ =	sdelay $0x3  }
0x178: {  	[tilespmem:v30+s15+$0x0] =	vst.idx.msk $0xffff, v5  }
0x179: {  	v32 =	vor.u32 s22, v0;
	s23 =	sor.u32 $0x10, s19;
	v5 =	vld.idx.msk [tilespmem:v31+s11+$0x0], $0xffff  }
0x17a: {  	(v2sf) =	vpush v4, $0x5;
	v33 =	vor.u32 s23, v0;
	_ =	sdelay $0x3  }
0x17b: {  	[tilespmem:v32+s15+$0x0] =	vst.idx.msk $0xffff, v5  }
0x17c: {  	v34 =	vor.u32 s22, v1;
	s24 =	sor.u32 $0x20, s19;
	v5 =	vld.idx.msk [tilespmem:v33+s11+$0x0], $0xffff  }
0x17d: {  	v35 =	vor.u32 s24, v0;
	_ =	sdelay $0x3  }
0x17e: {  	[tilespmem:v34+s15+$0x0] =	vst.idx.msk $0xffff, v5  }
0x17f: {  	v36 =	vor.u32 s22, v2;
	s19 =	sor.u32 $0x30, s19;
	v5 =	vld.idx.msk [tilespmem:v35+s11+$0x0], $0xffff  }
0x180: {  	v37 =	vor.u32 s19, v0;
	_ =	sdelay $0x2  }
0x181: {  	s25 =	spop (v2sf)  }
0x182: {  	s26 =	sadd.s32 $0xFFFFFB00, s18;
	s19 =	sand.u32 $0x40, s25;
	[tilespmem:v36+s15+$0x0] =	vst.idx.msk $0xffff, v5  }
0x183: {  	v38 =	vor.u32 s22, v3;
	s19 =	sor.u32 s26, s19;
	v5 =	vld.idx.msk [tilespmem:v37+s11+$0x0], $0xffff  }
0x184: {  	v39 =	vor.u32 s19, v0;
	_ =	sdelay $0x3  }
0x185: {  	[tilespmem:v38+s15+$0x0] =	vst.idx.msk $0xffff, v5  }
0x186: {  	v40 =	vor.u32 s26, v0;
	s28 =	sor.u32 $0x10, s19;
	v5 =	vld.idx.msk [tilespmem:v39+s11+$0x0], $0xffff  }
0x187: {  	(v2sf) =	vpush v4, $0x6;
	v41 =	vor.u32 s28, v0;
	_ =	sdelay $0x3  }
0x188: {  	[tilespmem:v40+s15+$0x0] =	vst.idx.msk $0xffff, v5  }
0x189: {  	v42 =	vor.u32 s26, v1;
	s29 =	sor.u32 $0x20, s19;
	v5 =	vld.idx.msk [tilespmem:v41+s11+$0x0], $0xffff  }
0x18a: {  	v43 =	vor.u32 s29, v0;
	_ =	sdelay $0x3  }
0x18b: {  	[tilespmem:v42+s15+$0x0] =	vst.idx.msk $0xffff, v5  }
0x18c: {  	v44 =	vor.u32 s26, v2;
	s19 =	sor.u32 $0x30, s19;
	v5 =	vld.idx.msk [tilespmem:v43+s11+$0x0], $0xffff  }
0x18d: {  	v45 =	vor.u32 s19, v0;
	_ =	sdelay $0x2  }
0x18e: {  	s30 =	spop (v2sf)  }
0x18f: {  	s31 =	sadd.s32 $0xFFFFFB80, s18;
	s19 =	sand.u32 $0x40, s30;
	[tilespmem:v44+s15+$0x0] =	vst.idx.msk $0xffff, v5  }
0x190: {  	v46 =	vor.u32 s26, v3;
	s19 =	sor.u32 s31, s19;
	v5 =	vld.idx.msk [tilespmem:v45+s11+$0x0], $0xffff  }
0x191: {  	v47 =	vor.u32 s19, v0;
	_ =	sdelay $0x3  }
0x192: {  	[tilespmem:v46+s15+$0x0] =	vst.idx.msk $0xffff, v5  }
0x193: {  	v48 =	vor.u32 s31, v0;
	s22 =	sor.u32 $0x10, s19;
	v5 =	vld.idx.msk [tilespmem:v47+s11+$0x0], $0xffff  }
0x194: {  	(v2sf) =	vpush v4, $0x7;
	v49 =	vor.u32 s22, v0;
	_ =	sdelay $0x3  }
0x195: {  	[tilespmem:v48+s15+$0x0] =	vst.idx.msk $0xffff, v5  }
0x196: {  	v50 =	vor.u32 s31, v1;
	s23 =	sor.u32 $0x20, s19;
	v5 =	vld.idx.msk [tilespmem:v49+s11+$0x0], $0xffff  }
0x197: {  	v51 =	vor.u32 s23, v0;
	_ =	sdelay $0x3  }
0x198: {  	[tilespmem:v50+s15+$0x0] =	vst.idx.msk $0xffff, v5  }
0x199: {  	v52 =	vor.u32 s31, v2;
	s19 =	sor.u32 $0x30, s19;
	v5 =	vld.idx.msk [tilespmem:v51+s11+$0x0], $0xffff  }
0x19a: {  	v53 =	vor.u32 s19, v0;
	_ =	sdelay $0x2  }
0x19b: {  	s24 =	spop (v2sf)  }
0x19c: {  	s25 =	sadd.s32 $0xFFFFFC00, s18;
	s19 =	sand.u32 $0x40, s24;
	[tilespmem:v52+s15+$0x0] =	vst.idx.msk $0xffff, v5  }
0x19d: {  	v54 =	vor.u32 s31, v3;
	s19 =	sor.u32 s25, s19;
	v5 =	vld.idx.msk [tilespmem:v53+s11+$0x0], $0xffff  }
0x19e: {  	v55 =	vor.u32 s19, v0;
	_ =	sdelay $0x3  }
0x19f: {  	[tilespmem:v54+s15+$0x0] =	vst.idx.msk $0xffff, v5  }
0x1a0: {  	v56 =	vor.u32 s25, v0;
	s26 =	sor.u32 $0x10, s19;
	v5 =	vld.idx.msk [tilespmem:v55+s11+$0x0], $0xffff  }
0x1a1: {  	(v2sf) =	vpush v4, $0x8;
	v57 =	vor.u32 s26, v0;
	_ =	sdelay $0x3  }
0x1a2: {  	[tilespmem:v56+s15+$0x0] =	vst.idx.msk $0xffff, v5  }
0x1a3: {  	v58 =	vor.u32 s25, v1;
	s28 =	sor.u32 $0x20, s19;
	v5 =	vld.idx.msk [tilespmem:v57+s11+$0x0], $0xffff  }
0x1a4: {  	v59 =	vor.u32 s28, v0;
	_ =	sdelay $0x3  }
0x1a5: {  	[tilespmem:v58+s15+$0x0] =	vst.idx.msk $0xffff, v5  }
0x1a6: {  	v60 =	vor.u32 s25, v2;
	s19 =	sor.u32 $0x30, s19;
	v5 =	vld.idx.msk [tilespmem:v59+s11+$0x0], $0xffff  }
0x1a7: {  	v61 =	vor.u32 s19, v0;
	_ =	sdelay $0x2  }
0x1a8: {  	s29 =	spop (v2sf)  }
0x1a9: {  	s30 =	sadd.s32 $0xFFFFFC80, s18;
	s19 =	sand.u32 $0x40, s29;
	[tilespmem:v60+s15+$0x0] =	vst.idx.msk $0xffff, v5  }
0x1aa: {  	v62 =	vor.u32 s25, v3;
	s19 =	sor.u32 s30, s19;
	v5 =	vld.idx.msk [tilespmem:v61+s11+$0x0], $0xffff  }
0x1ab: {  	v63 =	vor.u32 s19, v0;
	_ =	sdelay $0x3  }
0x1ac: {  	[tilespmem:v62+s15+$0x0] =	vst.idx.msk $0xffff, v5  }
0x1ad: {  	v9 =	vor.u32 s30, v0;
	s31 =	sor.u32 $0x10, s19;
	v5 =	vld.idx.msk [tilespmem:v63+s11+$0x0], $0xffff  }
0x1ae: {  	(v2sf) =	vpush v4, $0x9;
	v10 =	vor.u32 s31, v0;
	_ =	sdelay $0x3  }
0x1af: {  	[tilespmem:v9+s15+$0x0] =	vst.idx.msk $0xffff, v5  }
0x1b0: {  	v11 =	vor.u32 s30, v1;
	s22 =	sor.u32 $0x20, s19;
	v5 =	vld.idx.msk [tilespmem:v10+s11+$0x0], $0xffff  }
0x1b1: {  	v12 =	vor.u32 s22, v0;
	_ =	sdelay $0x3  }
0x1b2: {  	[tilespmem:v11+s15+$0x0] =	vst.idx.msk $0xffff, v5  }
0x1b3: {  	v13 =	vor.u32 s30, v2;
	s19 =	sor.u32 $0x30, s19;
	v5 =	vld.idx.msk [tilespmem:v12+s11+$0x0], $0xffff  }
0x1b4: {  	v14 =	vor.u32 s19, v0;
	_ =	sdelay $0x2  }
0x1b5: {  	s23 =	spop (v2sf)  }
0x1b6: {  	s24 =	sadd.s32 $0xFFFFFD00, s18;
	s19 =	sand.u32 $0x40, s23;
	[tilespmem:v13+s15+$0x0] =	vst.idx.msk $0xffff, v5  }
0x1b7: {  	v15 =	vor.u32 s30, v3;
	s19 =	sor.u32 s24, s19;
	v5 =	vld.idx.msk [tilespmem:v14+s11+$0x0], $0xffff  }
0x1b8: {  	v16 =	vor.u32 s19, v0;
	_ =	sdelay $0x3  }
0x1b9: {  	[tilespmem:v15+s15+$0x0] =	vst.idx.msk $0xffff, v5  }
0x1ba: {  	v17 =	vor.u32 s24, v0;
	s25 =	sor.u32 $0x10, s19;
	v5 =	vld.idx.msk [tilespmem:v16+s11+$0x0], $0xffff  }
0x1bb: {  	(v2sf) =	vpush v4, $0xA;
	v18 =	vor.u32 s25, v0;
	_ =	sdelay $0x3  }
0x1bc: {  	[tilespmem:v17+s15+$0x0] =	vst.idx.msk $0xffff, v5  }
0x1bd: {  	v19 =	vor.u32 s24, v1;
	s26 =	sor.u32 $0x20, s19;
	v5 =	vld.idx.msk [tilespmem:v18+s11+$0x0], $0xffff  }
0x1be: {  	v20 =	vor.u32 s26, v0;
	_ =	sdelay $0x3  }
0x1bf: {  	[tilespmem:v19+s15+$0x0] =	vst.idx.msk $0xffff, v5  }
0x1c0: {  	v21 =	vor.u32 s24, v2;
	s19 =	sor.u32 $0x30, s19;
	v5 =	vld.idx.msk [tilespmem:v20+s11+$0x0], $0xffff  }
0x1c1: {  	v22 =	vor.u32 s19, v0;
	_ =	sdelay $0x2  }
0x1c2: {  	s28 =	spop (v2sf)  }
0x1c3: {  	s29 =	sadd.s32 $0xFFFFFD80, s18;
	s19 =	sand.u32 $0x40, s28;
	[tilespmem:v21+s15+$0x0] =	vst.idx.msk $0xffff, v5  }
0x1c4: {  	v23 =	vor.u32 s24, v3;
	s19 =	sor.u32 s29, s19;
	v5 =	vld.idx.msk [tilespmem:v22+s11+$0x0], $0xffff  }
0x1c5: {  	v24 =	vor.u32 s19, v0;
	_ =	sdelay $0x3  }
0x1c6: {  	[tilespmem:v23+s15+$0x0] =	vst.idx.msk $0xffff, v5  }
0x1c7: {  	v25 =	vor.u32 s29, v0;
	s30 =	sor.u32 $0x10, s19;
	v5 =	vld.idx.msk [tilespmem:v24+s11+$0x0], $0xffff  }
0x1c8: {  	(v2sf) =	vpush v4, $0xB;
	v26 =	vor.u32 s30, v0;
	_ =	sdelay $0x3  }
0x1c9: {  	[tilespmem:v25+s15+$0x0] =	vst.idx.msk $0xffff, v5  }
0x1ca: {  	v27 =	vor.u32 s29, v1;
	s31 =	sor.u32 $0x20, s19;
	v5 =	vld.idx.msk [tilespmem:v26+s11+$0x0], $0xffff  }
0x1cb: {  	v28 =	vor.u32 s31, v0;
	_ =	sdelay $0x3  }
0x1cc: {  	[tilespmem:v27+s15+$0x0] =	vst.idx.msk $0xffff, v5  }
0x1cd: {  	v29 =	vor.u32 s29, v2;
	s19 =	sor.u32 $0x30, s19;
	v5 =	vld.idx.msk [tilespmem:v28+s11+$0x0], $0xffff  }
0x1ce: {  	v30 =	vor.u32 s19, v0;
	_ =	sdelay $0x2  }
0x1cf: {  	s21 =	spop (v2sf)  }
0x1d0: {  	s22 =	sadd.s32 $0xFFFFFE00, s18;
	s19 =	sand.u32 $0x40, s21;
	[tilespmem:v29+s15+$0x0] =	vst.idx.msk $0xffff, v5  }
0x1d1: {  	v31 =	vor.u32 s29, v3;
	s19 =	sor.u32 s22, s19;
	v5 =	vld.idx.msk [tilespmem:v30+s11+$0x0], $0xffff  }
0x1d2: {  	v32 =	vor.u32 s19, v0;
	_ =	sdelay $0x3  }
0x1d3: {  	[tilespmem:v31+s15+$0x0] =	vst.idx.msk $0xffff, v5  }
0x1d4: {  	v33 =	vor.u32 s22, v0;
	s23 =	sor.u32 $0x10, s19;
	v5 =	vld.idx.msk [tilespmem:v32+s11+$0x0], $0xffff  }
0x1d5: {  	(v2sf) =	vpush v4, $0xC;
	v34 =	vor.u32 s23, v0;
	_ =	sdelay $0x3  }
0x1d6: {  	[tilespmem:v33+s15+$0x0] =	vst.idx.msk $0xffff, v5  }
0x1d7: {  	v35 =	vor.u32 s22, v1;
	s24 =	sor.u32 $0x20, s19;
	v5 =	vld.idx.msk [tilespmem:v34+s11+$0x0], $0xffff  }
0x1d8: {  	v36 =	vor.u32 s24, v0;
	_ =	sdelay $0x3  }
0x1d9: {  	[tilespmem:v35+s15+$0x0] =	vst.idx.msk $0xffff, v5  }
0x1da: {  	v37 =	vor.u32 s22, v2;
	s19 =	sor.u32 $0x30, s19;
	v5 =	vld.idx.msk [tilespmem:v36+s11+$0x0], $0xffff  }
0x1db: {  	v38 =	vor.u32 s19, v0;
	_ =	sdelay $0x2  }
0x1dc: {  	s25 =	spop (v2sf)  }
0x1dd: {  	s26 =	sadd.s32 $0xFFFFFE80, s18;
	s19 =	sand.u32 $0x40, s25;
	[tilespmem:v37+s15+$0x0] =	vst.idx.msk $0xffff, v5  }
0x1de: {  	v39 =	vor.u32 s22, v3;
	s19 =	sor.u32 s26, s19;
	v5 =	vld.idx.msk [tilespmem:v38+s11+$0x0], $0xffff  }
0x1df: {  	v40 =	vor.u32 s19, v0;
	_ =	sdelay $0x3  }
0x1e0: {  	[tilespmem:v39+s15+$0x0] =	vst.idx.msk $0xffff, v5  }
0x1e1: {  	v41 =	vor.u32 s26, v0;
	s28 =	sor.u32 $0x10, s19;
	v5 =	vld.idx.msk [tilespmem:v40+s11+$0x0], $0xffff  }
0x1e2: {  	(v2sf) =	vpush v4, $0xD;
	v42 =	vor.u32 s28, v0;
	_ =	sdelay $0x3  }
0x1e3: {  	[tilespmem:v41+s15+$0x0] =	vst.idx.msk $0xffff, v5  }
0x1e4: {  	v43 =	vor.u32 s26, v1;
	s29 =	sor.u32 $0x20, s19;
	v5 =	vld.idx.msk [tilespmem:v42+s11+$0x0], $0xffff  }
0x1e5: {  	v44 =	vor.u32 s29, v0;
	_ =	sdelay $0x3  }
0x1e6: {  	[tilespmem:v43+s15+$0x0] =	vst.idx.msk $0xffff, v5  }
0x1e7: {  	v45 =	vor.u32 s26, v2;
	s19 =	sor.u32 $0x30, s19;
	v5 =	vld.idx.msk [tilespmem:v44+s11+$0x0], $0xffff  }
0x1e8: {  	v46 =	vor.u32 s19, v0;
	_ =	sdelay $0x2  }
0x1e9: {  	s30 =	spop (v2sf)  }
0x1ea: {  	s31 =	sadd.s32 $0xFFFFFF00, s18;
	s19 =	sand.u32 $0x40, s30;
	[tilespmem:v45+s15+$0x0] =	vst.idx.msk $0xffff, v5  }
0x1eb: {  	v47 =	vor.u32 s26, v3;
	s19 =	sor.u32 s31, s19;
	v5 =	vld.idx.msk [tilespmem:v46+s11+$0x0], $0xffff  }
0x1ec: {  	v48 =	vor.u32 s19, v0;
	_ =	sdelay $0x3  }
0x1ed: {  	[tilespmem:v47+s15+$0x0] =	vst.idx.msk $0xffff, v5  }
0x1ee: {  	v49 =	vor.u32 s31, v0;
	s22 =	sor.u32 $0x10, s19;
	v5 =	vld.idx.msk [tilespmem:v48+s11+$0x0], $0xffff  }
0x1ef: {  	(v2sf) =	vpush v4, $0xE;
	v50 =	vor.u32 s22, v0;
	_ =	sdelay $0x3  }
0x1f0: {  	[tilespmem:v49+s15+$0x0] =	vst.idx.msk $0xffff, v5  }
0x1f1: {  	v51 =	vor.u32 s31, v1;
	s23 =	sor.u32 $0x20, s19;
	v5 =	vld.idx.msk [tilespmem:v50+s11+$0x0], $0xffff  }
0x1f2: {  	v52 =	vor.u32 s23, v0;
	_ =	sdelay $0x3  }
0x1f3: {  	[tilespmem:v51+s15+$0x0] =	vst.idx.msk $0xffff, v5  }
0x1f4: {  	v53 =	vor.u32 s31, v2;
	s19 =	sor.u32 $0x30, s19;
	v5 =	vld.idx.msk [tilespmem:v52+s11+$0x0], $0xffff  }
0x1f5: {  	v54 =	vor.u32 s19, v0;
	_ =	sdelay $0x2  }
0x1f6: {  	s24 =	spop (v2sf)  }
0x1f7: {  	s25 =	sadd.s32 $0xFFFFFF80, s18;
	s19 =	sand.u32 $0x40, s24;
	[tilespmem:v53+s15+$0x0] =	vst.idx.msk $0xffff, v5  }
0x1f8: {  	v55 =	vor.u32 s31, v3;
	s19 =	sor.u32 s25, s19;
	v5 =	vld.idx.msk [tilespmem:v54+s11+$0x0], $0xffff  }
0x1f9: {  	v56 =	vor.u32 s19, v0;
	_ =	sdelay $0x3  }
0x1fa: {  	[tilespmem:v55+s15+$0x0] =	vst.idx.msk $0xffff, v5  }
0x1fb: {  	v57 =	vor.u32 s25, v0;
	s26 =	sor.u32 $0x10, s19;
	v5 =	vld.idx.msk [tilespmem:v56+s11+$0x0], $0xffff  }
0x1fc: {  	(v2sf) =	vpush v4, $0xF;
	v4 =	vor.u32 s26, v0;
	_ =	sdelay $0x3  }
0x1fd: {  	[tilespmem:v57+s15+$0x0] =	vst.idx.msk $0xffff, v5  }
0x1fe: {  	s28 =	sor.u32 $0x20, s19;
	v5 =	vor.u32 s25, v1;
	v4 =	vld.idx.msk [tilespmem:v4+s11+$0x0], $0xffff  }
0x1ff: {  	v58 =	vor.u32 s28, v0;
	_ =	sdelay $0x3  }
0x200: {  	[tilespmem:v5+s15+$0x0] =	vst.idx.msk $0xffff, v4  }
0x201: {  	s19 =	sor.u32 $0x30, s19;
	v5 =	vor.u32 s25, v2;
	v4 =	vld.idx.msk [tilespmem:v58+s11+$0x0], $0xffff  }
0x202: {  	v59 =	vor.u32 s19, v0;
	_ =	sdelay $0x2  }
0x203: {  	s29 =	spop (v2sf)  }
0x204: {  	s19 =	sand.u32 $0x40, s29;
	[tilespmem:v5+s15+$0x0] =	vst.idx.msk $0xffff, v4  }
0x205: {  	s19 =	sor.u32 s18, s19;
	v5 =	vor.u32 s25, v3;
	v4 =	vld.idx.msk [tilespmem:v59+s11+$0x0], $0xffff  }
0x206: {  	v60 =	vor.u32 s19, v0;
	_ =	sdelay $0x3  }
0x207: {  	[tilespmem:v5+s15+$0x0] =	vst.idx.msk $0xffff, v4  }
0x208: {  	s30 =	sor.u32 $0x10, s19;
	v5 =	vor.u32 s18, v0;
	v4 =	vld.idx.msk [tilespmem:v60+s11+$0x0], $0xffff  }
0x209: {  	v61 =	vor.u32 s30, v0;
	_ =	sdelay $0x3  }
0x20a: {  	[tilespmem:v5+s15+$0x0] =	vst.idx.msk $0xffff, v4  }
0x20b: {  	s31 =	sor.u32 $0x20, s19;
	v5 =	vor.u32 s18, v1;
	v4 =	vld.idx.msk [tilespmem:v61+s11+$0x0], $0xffff  }
0x20c: {  	v62 =	vor.u32 s31, v0;
	_ =	sdelay $0x3  }
0x20d: {  	[tilespmem:v5+s15+$0x0] =	vst.idx.msk $0xffff, v4  }
0x20e: {  	s19 =	sor.u32 $0x30, s19;
	v5 =	vor.u32 s18, v2;
	v4 =	vld.idx.msk [tilespmem:v62+s11+$0x0], $0xffff  }
0x20f: {  	v63 =	vor.u32 s19, v0;
	_ =	sdelay $0x3  }
0x210: {  	[tilespmem:v5+s15+$0x0] =	vst.idx.msk $0xffff, v4  }
0x211: {  	p0 =	sne.s32 s17, $0xFF;
	v5 =	vor.u32 s18, v3;
	v4 =	vld.idx.msk [tilespmem:v63+s11+$0x0], $0xffff  }
.Ltmp1:
0x212: {  	_ = 	snop;
	(pc) =	sbr.rel @p0 .LBB2_4-.Ltmp1, $2  }
0x213: {  	_ =	sdelay $0x2  }
0x214: {  	s17 =	sadd.s32 $0x10, s17;
	[tilespmem:v5+s15+$0x0] =	vst.idx.msk $0xffff, v4  }
0x215: {  	s16 =	sadd.s32 $0x1, s16  }
0x216: {  	p0 =	sne.s32 s16, s7  }
.Ltmp2:
0x217: {  	_ = 	snop;
	(pc) =	sbr.rel @p0 .LBB2_1-.Ltmp2, $4  }
0x218: {  	[hbm4b:s6+s2] =	stream.linear.scatter [tilespmem:s15], [sflag:$0x2], $0x8000, $0x38;
	[tilespmem:$0x10300] =	vst v63  }
0x219: {  	_ =	swait.ge [sflag:s8], $0x8000  }
0x21a: {  	[sflag:s8] =	ssyncset.done $0x0  }
0x21b: {  	[sflag:s8] =	ssyncadd.s32 $0xFFFF8000  }
0x21c: {  	_ =	sfence.sel $0x180000  }
0x21d: {  	[bflag:$0x0] =	sbarrier.arrive $0xFFFF  }
0x21e: {  	p0 =	sne.s32 s1, $0x0;
	_ =	strace $0x9000004A  }
0x21f: {  	s0 =	sadd.s32 @!p0 $0x100000, s0;
	[bflag:$0x2] =	sbarrier.arrive $0xFFFF  }
0x220: {  	[sflag:s0] =	ssyncadd.tile.s32 @!p0 $0x1;
	_ =	shalt  }
.Lfunc_end2:
_tile_overlayer_lowered:
.L_overlay_start_2:
0x221: {  	(tag) =	ssettag $0x2  }
0x222: {  	s0 =	rddreg [dreg:$0x0];
	s2 =	stileid.u32  }
0x223: {  	s1 =	rddreg [dreg:$0x1];
	p0 =	sne.s32 s2, $0x0  }
0x224: {  	s3 =	rddreg [dreg:$0x2];
	[bflag:$0x3] =	sbarrier.arrive $0xFFFF;
	s2 =	simm.s32 @!p0 $0x1C02  }
0x225: {  	[timem:s3], [sflag:s2] =	dma.local @!p0 [hbm:s0], s1  }
0x226: {  	s0 =	simm.s32 @!p0 $0x2  }
0x227: {  	_ =	swait.ge @!p0 [sflag:s0], s1  }
0x228: {  	s1 =	ssub.s32 @!p0 $0x0, s1;
	[sflag:s0] =	ssyncset.done @!p0 $0x0  }
0x229: {  	[sflag:s0] =	ssyncadd.s32 @!p0 s1  }
0x22a: {  	[bflag:$0x3] =	sbarrier.arrive $0xFFFF  }
0x22b: {  	_ =	shalt  }

</sc_bundles>
